<compile_context>
chip_gen: v7x
topology: tpu7x:2x2x1
jax: 0.10.2.dev20260603
libtpu: 0.0.44.dev20260713+nightly
codegen_flags: <defaults>
</compile_context>

<pallas_src>
import functools

import jax
import jax.numpy as jnp
from jax import lax
from jax.experimental import pallas as pl
from jax.experimental.pallas import tpu as pltpu
from jax.experimental.pallas import tpu_sc as plsc

NUM_FEAT = 26
VOCAB = 100000
EMBED_DIM = 32
BATCH = 16384

NUM_CORES = 2
NUM_SUBCORES = 16
NUM_WORKERS = NUM_CORES * NUM_SUBCORES
BPW = BATCH // NUM_WORKERS

NBUF = 4


def _emb_body(feats, *refs):
    tables = refs[:NUM_FEAT]
    out = refs[NUM_FEAT]
    idx_v = refs[NUM_FEAT + 1]
    rows_v = refs[NUM_FEAT + 2]
    isem = refs[NUM_FEAT + 3]
    gsems = refs[NUM_FEAT + 4:NUM_FEAT + 4 + NBUF]
    wsems = refs[NUM_FEAT + 4 + NBUF:]

    wid = lax.axis_index("s") * NUM_CORES + lax.axis_index("c")
    base = wid * BPW

    idx_descs = [
        pltpu.async_copy(feats.at[i, pl.ds(base, BPW)], idx_v.at[i], isem)
        for i in range(NUM_FEAT)
    ]
    for d in idx_descs:
        d.wait()

    def gather(i):
        b = i % NBUF
        return pltpu.async_copy(tables[i].at[idx_v.at[i]], rows_v.at[b],
                                gsems[b])

    def writeback(i):
        b = i % NBUF
        return pltpu.async_copy(rows_v.at[b], out.at[pl.ds(base, BPW), i],
                                wsems[b])

    g_descs = [None] * NUM_FEAT
    w_descs = [None] * NUM_FEAT
    for i in range(min(NBUF, NUM_FEAT)):
        g_descs[i] = gather(i)
    for i in range(NUM_FEAT):
        g_descs[i].wait()
        w_descs[i] = writeback(i)
        if i + NBUF < NUM_FEAT:
            w_descs[i].wait()
            g_descs[i + NBUF] = gather(i + NBUF)
    for i in range(max(0, NUM_FEAT - NBUF), NUM_FEAT):
        w_descs[i].wait()


@functools.partial(jax.jit, static_argnums=())
def kernel(*args):
    feats = jnp.stack(args[:NUM_FEAT])

    mesh = plsc.VectorSubcoreMesh(
        core_axis_name="c", subcore_axis_name="s",
        num_cores=NUM_CORES, num_subcores=NUM_SUBCORES,
    )
    out3 = pl.kernel(
        _emb_body,
        out_type=jax.ShapeDtypeStruct((BATCH, NUM_FEAT, EMBED_DIM),
                                      jnp.float32),
        mesh=mesh,
        scratch_types=(
            [pltpu.VMEM((NUM_FEAT, BPW), jnp.int32),
             pltpu.VMEM((NBUF, BPW, EMBED_DIM), jnp.float32),
             pltpu.SemaphoreType.DMA]
            + [pltpu.SemaphoreType.DMA] * NBUF
            + [pltpu.SemaphoreType.DMA] * NBUF
        ),
        compiler_params=pltpu.CompilerParams(use_tc_tiling_on_sc=False),
    )(feats, *args[NUM_FEAT:])
    return out3.reshape(BATCH, NUM_FEAT * EMBED_DIM)

# --- scband reference (transcript-rebuilt; emitter-appended) ---
"""Pipeline reference for scband-embedding-layer-22874995819091 (READ-ONLY COPY).

The authoritative reference and input builder live on the scoring server;
editing this copy changes nothing except your own understanding.
"""

import jax, jax.numpy as jnp
import numpy as np

NUM_FEAT = 26
VOCAB = 100000
EMBED_DIM = 32
BATCH = 16384


def setup_inputs(seed: int = 0) -> dict:
    key = jax.random.key(seed)
    inputs = {}
    for i in range(NUM_FEAT):
        k_idx = jax.random.fold_in(key, i)
        inputs[f"feat_{i}"] = jax.random.randint(k_idx, (BATCH,), 0, VOCAB, dtype=jnp.int32)
    for i in range(NUM_FEAT):
        k_tab = jax.random.fold_in(key, 1000 + i)
        # Keras Embedding default init is uniform(-0.05, 0.05)
        inputs[f"table_{i}"] = jax.random.uniform(k_tab, (VOCAB, EMBED_DIM), dtype=jnp.float32, minval=-0.05, maxval=0.05)
    return inputs


def reference(
    feat_0, feat_1, feat_2, feat_3, feat_4, feat_5, feat_6, feat_7,
    feat_8, feat_9, feat_10, feat_11, feat_12, feat_13, feat_14, feat_15,
    feat_16, feat_17, feat_18, feat_19, feat_20, feat_21, feat_22, feat_23,
    feat_24, feat_25,
    table_0, table_1, table_2, table_3, table_4, table_5, table_6, table_7,
    table_8, table_9, table_10, table_11, table_12, table_13, table_14, table_15,
    table_16, table_17, table_18, table_19, table_20, table_21, table_22, table_23,
    table_24, table_25,
) -> jnp.ndarray:
    feats = [
        feat_0, feat_1, feat_2, feat_3, feat_4, feat_5, feat_6, feat_7,
        feat_8, feat_9, feat_10, feat_11, feat_12, feat_13, feat_14, feat_15,
        feat_16, feat_17, feat_18, feat_19, feat_20, feat_21, feat_22, feat_23,
        feat_24, feat_25,
    ]
    tables = [
        table_0, table_1, table_2, table_3, table_4, table_5, table_6, table_7,
        table_8, table_9, table_10, table_11, table_12, table_13, table_14, table_15,
        table_16, table_17, table_18, table_19, table_20, table_21, table_22, table_23,
        table_24, table_25,
    ]
    embed_ls = []
    for i in range(NUM_FEAT):
        idx = feats[i]
        table = tables[i]
        embed_ls.append(jnp.take(table, idx, axis=0))
    return jnp.concatenate(embed_ls, axis=-1)

if __name__ == "__main__":
    import jax
    _d = setup_inputs()
    print(jax.jit(kernel)(*tuple(_d.values())))

</pallas_src>

<mosaic_0001>
#map = affine_map<(d0, d1) -> (0, 0)>
#map1 = affine_map<(d0, d1) -> (0, 0, 0)>
module attributes {stable_mosaic.version = 14 : i64} {
  func.func @_emb_body(%arg0: i32, %arg1: i32, %arg2: memref<26x16384xi32, #tpu.memory_space<hbm>>, %arg3: memref<100000x32xf32, #tpu.memory_space<hbm>>, %arg4: memref<100000x32xf32, #tpu.memory_space<hbm>>, %arg5: memref<100000x32xf32, #tpu.memory_space<hbm>>, %arg6: memref<100000x32xf32, #tpu.memory_space<hbm>>, %arg7: memref<100000x32xf32, #tpu.memory_space<hbm>>, %arg8: memref<100000x32xf32, #tpu.memory_space<hbm>>, %arg9: memref<100000x32xf32, #tpu.memory_space<hbm>>, %arg10: memref<100000x32xf32, #tpu.memory_space<hbm>>, %arg11: memref<100000x32xf32, #tpu.memory_space<hbm>>, %arg12: memref<100000x32xf32, #tpu.memory_space<hbm>>, %arg13: memref<100000x32xf32, #tpu.memory_space<hbm>>, %arg14: memref<100000x32xf32, #tpu.memory_space<hbm>>, %arg15: memref<100000x32xf32, #tpu.memory_space<hbm>>, %arg16: memref<100000x32xf32, #tpu.memory_space<hbm>>, %arg17: memref<100000x32xf32, #tpu.memory_space<hbm>>, %arg18: memref<100000x32xf32, #tpu.memory_space<hbm>>, %arg19: memref<100000x32xf32, #tpu.memory_space<hbm>>, %arg20: memref<100000x32xf32, #tpu.memory_space<hbm>>, %arg21: memref<100000x32xf32, #tpu.memory_space<hbm>>, %arg22: memref<100000x32xf32, #tpu.memory_space<hbm>>, %arg23: memref<100000x32xf32, #tpu.memory_space<hbm>>, %arg24: memref<100000x32xf32, #tpu.memory_space<hbm>>, %arg25: memref<100000x32xf32, #tpu.memory_space<hbm>>, %arg26: memref<100000x32xf32, #tpu.memory_space<hbm>>, %arg27: memref<100000x32xf32, #tpu.memory_space<hbm>>, %arg28: memref<100000x32xf32, #tpu.memory_space<hbm>>, %arg29: memref<16384x26x32xf32, #tpu.memory_space<hbm>>, %arg30: memref<26x512xi32, #tpu.memory_space<vmem>>, %arg31: memref<4x512x32xf32, #tpu.memory_space<vmem>>, %arg32: memref<!tpu.dma_semaphore, #tpu.memory_space<semaphore_mem>>, %arg33: memref<!tpu.dma_semaphore, #tpu.memory_space<semaphore_mem>>, %arg34: memref<!tpu.dma_semaphore, #tpu.memory_space<semaphore_mem>>, %arg35: memref<!tpu.dma_semaphore, #tpu.memory_space<semaphore_mem>>, %arg36: memref<!tpu.dma_semaphore, #tpu.memory_space<semaphore_mem>>, %arg37: memref<!tpu.dma_semaphore, #tpu.memory_space<semaphore_mem>>, %arg38: memref<!tpu.dma_semaphore, #tpu.memory_space<semaphore_mem>>, %arg39: memref<!tpu.dma_semaphore, #tpu.memory_space<semaphore_mem>>, %arg40: memref<!tpu.dma_semaphore, #tpu.memory_space<semaphore_mem>>) attributes {dimension_semantics = [#tpu.dimension_semantics<core_parallel>, #tpu.dimension_semantics<subcore_parallel>], iteration_bounds = array<i64: 2, 16>, scalar_prefetch = 0 : i64, scratch_operands = 11 : i64, tpu.core_type = #tpu.core_type<sc_vector_subcore>, window_params = [{transform_indices = #map}, {transform_indices = #map}, {transform_indices = #map}, {transform_indices = #map}, {transform_indices = #map}, {transform_indices = #map}, {transform_indices = #map}, {transform_indices = #map}, {transform_indices = #map}, {transform_indices = #map}, {transform_indices = #map}, {transform_indices = #map}, {transform_indices = #map}, {transform_indices = #map}, {transform_indices = #map}, {transform_indices = #map}, {transform_indices = #map}, {transform_indices = #map}, {transform_indices = #map}, {transform_indices = #map}, {transform_indices = #map}, {transform_indices = #map}, {transform_indices = #map}, {transform_indices = #map}, {transform_indices = #map}, {transform_indices = #map}, {transform_indices = #map}, {transform_indices = #map1}]} {
    %mul3A = arith.constant 2 : i32
    %mul3A_0 = arith.muli %arg1, %mul3A : i32
    %add3A = arith.addi %mul3A_0, %arg0 : i32
    %mul3A_1 = arith.constant 512 : i32
    %mul3A_2 = arith.muli %add3A, %mul3A_1 : i32
    %dma_start3A = arith.constant 0 : i32
    %dma_start3A_3 = arith.constant 0 : i32
    %dma_start3A_4 = arith.constant 0 : i32
    %dma_start3A_5 = tpu.memref_slice %arg30[%dma_start3A_3, %dma_start3A_4] : memref<26x512xi32, #tpu.memory_space<vmem>> -> memref<1x512xi32, #tpu.memory_space<vmem>>
    %dma_start3A_6 = tpu.memref_squeeze %dma_start3A_5 : memref<1x512xi32, #tpu.memory_space<vmem>> -> memref<512xi32, #tpu.memory_space<vmem>>
    %dma_start3A_7 = tpu.memref_slice %arg2[%dma_start3A, %mul3A_2] : memref<26x16384xi32, #tpu.memory_space<hbm>> -> memref<1x512xi32, #tpu.memory_space<hbm>>
    %dma_start3A_8 = tpu.memref_squeeze %dma_start3A_7 : memref<1x512xi32, #tpu.memory_space<hbm>> -> memref<512xi32, #tpu.memory_space<hbm>>
    %dma_start3A_9 = arith.constant 0 : i32
    %dma_start3A_10 = tpu.memref_slice %arg30[%dma_start3A_3, %dma_start3A_9] : memref<26x512xi32, #tpu.memory_space<vmem>> -> memref<1x512xi32, #tpu.memory_space<vmem>>
    %dma_start3A_11 = tpu.memref_squeeze %dma_start3A_10 : memref<1x512xi32, #tpu.memory_space<vmem>> -> memref<512xi32, #tpu.memory_space<vmem>>
    %dma_start3A_12 = tpu.memref_slice %arg2[%dma_start3A, %mul3A_2] : memref<26x16384xi32, #tpu.memory_space<hbm>> -> memref<1x512xi32, #tpu.memory_space<hbm>>
    %dma_start3A_13 = tpu.memref_squeeze %dma_start3A_12 : memref<1x512xi32, #tpu.memory_space<hbm>> -> memref<512xi32, #tpu.memory_space<hbm>>
    tpu.enqueue_dma source(%dma_start3A_13 : memref<512xi32, #tpu.memory_space<hbm>>) target(%dma_start3A_11 : memref<512xi32, #tpu.memory_space<vmem>>) target_semaphore(%arg32 : memref<!tpu.dma_semaphore, #tpu.memory_space<semaphore_mem>>)
    %dma_start3A_14 = arith.constant 1 : i32
    %dma_start3A_15 = arith.constant 1 : i32
    %dma_start3A_16 = arith.constant 0 : i32
    %dma_start3A_17 = tpu.memref_slice %arg30[%dma_start3A_15, %dma_start3A_16] : memref<26x512xi32, #tpu.memory_space<vmem>> -> memref<1x512xi32, #tpu.memory_space<vmem>>
    %dma_start3A_18 = tpu.memref_squeeze %dma_start3A_17 : memref<1x512xi32, #tpu.memory_space<vmem>> -> memref<512xi32, #tpu.memory_space<vmem>>
    %dma_start3A_19 = tpu.memref_slice %arg2[%dma_start3A_14, %mul3A_2] : memref<26x16384xi32, #tpu.memory_space<hbm>> -> memref<1x512xi32, #tpu.memory_space<hbm>>
    %dma_start3A_20 = tpu.memref_squeeze %dma_start3A_19 : memref<1x512xi32, #tpu.memory_space<hbm>> -> memref<512xi32, #tpu.memory_space<hbm>>
    %dma_start3A_21 = arith.constant 0 : i32
    %dma_start3A_22 = tpu.memref_slice %arg30[%dma_start3A_15, %dma_start3A_21] : memref<26x512xi32, #tpu.memory_space<vmem>> -> memref<1x512xi32, #tpu.memory_space<vmem>>
    %dma_start3A_23 = tpu.memref_squeeze %dma_start3A_22 : memref<1x512xi32, #tpu.memory_space<vmem>> -> memref<512xi32, #tpu.memory_space<vmem>>
    %dma_start3A_24 = tpu.memref_slice %arg2[%dma_start3A_14, %mul3A_2] : memref<26x16384xi32, #tpu.memory_space<hbm>> -> memref<1x512xi32, #tpu.memory_space<hbm>>
    %dma_start3A_25 = tpu.memref_squeeze %dma_start3A_24 : memref<1x512xi32, #tpu.memory_space<hbm>> -> memref<512xi32, #tpu.memory_space<hbm>>
    tpu.enqueue_dma source(%dma_start3A_25 : memref<512xi32, #tpu.memory_space<hbm>>) target(%dma_start3A_23 : memref<512xi32, #tpu.memory_space<vmem>>) target_semaphore(%arg32 : memref<!tpu.dma_semaphore, #tpu.memory_space<semaphore_mem>>)
    %dma_start3A_26 = arith.constant 2 : i32
    %dma_start3A_27 = arith.constant 2 : i32
    %dma_start3A_28 = arith.constant 0 : i32
    %dma_start3A_29 = tpu.memref_slice %arg30[%dma_start3A_27, %dma_start3A_28] : memref<26x512xi32, #tpu.memory_space<vmem>> -> memref<1x512xi32, #tpu.memory_space<vmem>>
    %dma_start3A_30 = tpu.memref_squeeze %dma_start3A_29 : memref<1x512xi32, #tpu.memory_space<vmem>> -> memref<512xi32, #tpu.memory_space<vmem>>
    %dma_start3A_31 = tpu.memref_slice %arg2[%dma_start3A_26, %mul3A_2] : memref<26x16384xi32, #tpu.memory_space<hbm>> -> memref<1x512xi32, #tpu.memory_space<hbm>>
    %dma_start3A_32 = tpu.memref_squeeze %dma_start3A_31 : memref<1x512xi32, #tpu.memory_space<hbm>> -> memref<512xi32, #tpu.memory_space<hbm>>
    %dma_start3A_33 = arith.constant 0 : i32
    %dma_start3A_34 = tpu.memref_slice %arg30[%dma_start3A_27, %dma_start3A_33] : memref<26x512xi32, #tpu.memory_space<vmem>> -> memref<1x512xi32, #tpu.memory_space<vmem>>
    %dma_start3A_35 = tpu.memref_squeeze %dma_start3A_34 : memref<1x512xi32, #tpu.memory_space<vmem>> -> memref<512xi32, #tpu.memory_space<vmem>>
    %dma_start3A_36 = tpu.memref_slice %arg2[%dma_start3A_26, %mul3A_2] : memref<26x16384xi32, #tpu.memory_space<hbm>> -> memref<1x512xi32, #tpu.memory_space<hbm>>
    %dma_start3A_37 = tpu.memref_squeeze %dma_start3A_36 : memref<1x512xi32, #tpu.memory_space<hbm>> -> memref<512xi32, #tpu.memory_space<hbm>>
    tpu.enqueue_dma source(%dma_start3A_37 : memref<512xi32, #tpu.memory_space<hbm>>) target(%dma_start3A_35 : memref<512xi32, #tpu.memory_space<vmem>>) target_semaphore(%arg32 : memref<!tpu.dma_semaphore, #tpu.memory_space<semaphore_mem>>)
    %dma_start3A_38 = arith.constant 3 : i32
    %dma_start3A_39 = arith.constant 3 : i32
    %dma_start3A_40 = arith.constant 0 : i32
    %dma_start3A_41 = tpu.memref_slice %arg30[%dma_start3A_39, %dma_start3A_40] : memref<26x512xi32, #tpu.memory_space<vmem>> -> memref<1x512xi32, #tpu.memory_space<vmem>>
    %dma_start3A_42 = tpu.memref_squeeze %dma_start3A_41 : memref<1x512xi32, #tpu.memory_space<vmem>> -> memref<512xi32, #tpu.memory_space<vmem>>
    %dma_start3A_43 = tpu.memref_slice %arg2[%dma_start3A_38, %mul3A_2] : memref<26x16384xi32, #tpu.memory_space<hbm>> -> memref<1x512xi32, #tpu.memory_space<hbm>>
    %dma_start3A_44 = tpu.memref_squeeze %dma_start3A_43 : memref<1x512xi32, #tpu.memory_space<hbm>> -> memref<512xi32, #tpu.memory_space<hbm>>
    %dma_start3A_45 = arith.constant 0 : i32
    %dma_start3A_46 = tpu.memref_slice %arg30[%dma_start3A_39, %dma_start3A_45] : memref<26x512xi32, #tpu.memory_space<vmem>> -> memref<1x512xi32, #tpu.memory_space<vmem>>
    %dma_start3A_47 = tpu.memref_squeeze %dma_start3A_46 : memref<1x512xi32, #tpu.memory_space<vmem>> -> memref<512xi32, #tpu.memory_space<vmem>>
    %dma_start3A_48 = tpu.memref_slice %arg2[%dma_start3A_38, %mul3A_2] : memref<26x16384xi32, #tpu.memory_space<hbm>> -> memref<1x512xi32, #tpu.memory_space<hbm>>
    %dma_start3A_49 = tpu.memref_squeeze %dma_start3A_48 : memref<1x512xi32, #tpu.memory_space<hbm>> -> memref<512xi32, #tpu.memory_space<hbm>>
    tpu.enqueue_dma source(%dma_start3A_49 : memref<512xi32, #tpu.memory_space<hbm>>) target(%dma_start3A_47 : memref<512xi32, #tpu.memory_space<vmem>>) target_semaphore(%arg32 : memref<!tpu.dma_semaphore, #tpu.memory_space<semaphore_mem>>)
    %dma_start3A_50 = arith.constant 4 : i32
    %dma_start3A_51 = arith.constant 4 : i32
    %dma_start3A_52 = arith.constant 0 : i32
    %dma_start3A_53 = tpu.memref_slice %arg30[%dma_start3A_51, %dma_start3A_52] : memref<26x512xi32, #tpu.memory_space<vmem>> -> memref<1x512xi32, #tpu.memory_space<vmem>>
    %dma_start3A_54 = tpu.memref_squeeze %dma_start3A_53 : memref<1x512xi32, #tpu.memory_space<vmem>> -> memref<512xi32, #tpu.memory_space<vmem>>
    %dma_start3A_55 = tpu.memref_slice %arg2[%dma_start3A_50, %mul3A_2] : memref<26x16384xi32, #tpu.memory_space<hbm>> -> memref<1x512xi32, #tpu.memory_space<hbm>>
    %dma_start3A_56 = tpu.memref_squeeze %dma_start3A_55 : memref<1x512xi32, #tpu.memory_space<hbm>> -> memref<512xi32, #tpu.memory_space<hbm>>
    %dma_start3A_57 = arith.constant 0 : i32
    %dma_start3A_58 = tpu.memref_slice %arg30[%dma_start3A_51, %dma_start3A_57] : memref<26x512xi32, #tpu.memory_space<vmem>> -> memref<1x512xi32, #tpu.memory_space<vmem>>
    %dma_start3A_59 = tpu.memref_squeeze %dma_start3A_58 : memref<1x512xi32, #tpu.memory_space<vmem>> -> memref<512xi32, #tpu.memory_space<vmem>>
    %dma_start3A_60 = tpu.memref_slice %arg2[%dma_start3A_50, %mul3A_2] : memref<26x16384xi32, #tpu.memory_space<hbm>> -> memref<1x512xi32, #tpu.memory_space<hbm>>
    %dma_start3A_61 = tpu.memref_squeeze %dma_start3A_60 : memref<1x512xi32, #tpu.memory_space<hbm>> -> memref<512xi32, #tpu.memory_space<hbm>>
    tpu.enqueue_dma source(%dma_start3A_61 : memref<512xi32, #tpu.memory_space<hbm>>) target(%dma_start3A_59 : memref<512xi32, #tpu.memory_space<vmem>>) target_semaphore(%arg32 : memref<!tpu.dma_semaphore, #tpu.memory_space<semaphore_mem>>)
    %dma_start3A_62 = arith.constant 5 : i32
    %dma_start3A_63 = arith.constant 5 : i32
    %dma_start3A_64 = arith.constant 0 : i32
    %dma_start3A_65 = tpu.memref_slice %arg30[%dma_start3A_63, %dma_start3A_64] : memref<26x512xi32, #tpu.memory_space<vmem>> -> memref<1x512xi32, #tpu.memory_space<vmem>>
    %dma_start3A_66 = tpu.memref_squeeze %dma_start3A_65 : memref<1x512xi32, #tpu.memory_space<vmem>> -> memref<512xi32, #tpu.memory_space<vmem>>
    %dma_start3A_67 = tpu.memref_slice %arg2[%dma_start3A_62, %mul3A_2] : memref<26x16384xi32, #tpu.memory_space<hbm>> -> memref<1x512xi32, #tpu.memory_space<hbm>>
    %dma_start3A_68 = tpu.memref_squeeze %dma_start3A_67 : memref<1x512xi32, #tpu.memory_space<hbm>> -> memref<512xi32, #tpu.memory_space<hbm>>
    %dma_start3A_69 = arith.constant 0 : i32
    %dma_start3A_70 = tpu.memref_slice %arg30[%dma_start3A_63, %dma_start3A_69] : memref<26x512xi32, #tpu.memory_space<vmem>> -> memref<1x512xi32, #tpu.memory_space<vmem>>
    %dma_start3A_71 = tpu.memref_squeeze %dma_start3A_70 : memref<1x512xi32, #tpu.memory_space<vmem>> -> memref<512xi32, #tpu.memory_space<vmem>>
    %dma_start3A_72 = tpu.memref_slice %arg2[%dma_start3A_62, %mul3A_2] : memref<26x16384xi32, #tpu.memory_space<hbm>> -> memref<1x512xi32, #tpu.memory_space<hbm>>
    %dma_start3A_73 = tpu.memref_squeeze %dma_start3A_72 : memref<1x512xi32, #tpu.memory_space<hbm>> -> memref<512xi32, #tpu.memory_space<hbm>>
    tpu.enqueue_dma source(%dma_start3A_73 : memref<512xi32, #tpu.memory_space<hbm>>) target(%dma_start3A_71 : memref<512xi32, #tpu.memory_space<vmem>>) target_semaphore(%arg32 : memref<!tpu.dma_semaphore, #tpu.memory_space<semaphore_mem>>)
    %dma_start3A_74 = arith.constant 6 : i32
    %dma_start3A_75 = arith.constant 6 : i32
    %dma_start3A_76 = arith.constant 0 : i32
    %dma_start3A_77 = tpu.memref_slice %arg30[%dma_start3A_75, %dma_start3A_76] : memref<26x512xi32, #tpu.memory_space<vmem>> -> memref<1x512xi32, #tpu.memory_space<vmem>>
    %dma_start3A_78 = tpu.memref_squeeze %dma_start3A_77 : memref<1x512xi32, #tpu.memory_space<vmem>> -> memref<512xi32, #tpu.memory_space<vmem>>
    %dma_start3A_79 = tpu.memref_slice %arg2[%dma_start3A_74, %mul3A_2] : memref<26x16384xi32, #tpu.memory_space<hbm>> -> memref<1x512xi32, #tpu.memory_space<hbm>>
    %dma_start3A_80 = tpu.memref_squeeze %dma_start3A_79 : memref<1x512xi32, #tpu.memory_space<hbm>> -> memref<512xi32, #tpu.memory_space<hbm>>
    %dma_start3A_81 = arith.constant 0 : i32
    %dma_start3A_82 = tpu.memref_slice %arg30[%dma_start3A_75, %dma_start3A_81] : memref<26x512xi32, #tpu.memory_space<vmem>> -> memref<1x512xi32, #tpu.memory_space<vmem>>
    %dma_start3A_83 = tpu.memref_squeeze %dma_start3A_82 : memref<1x512xi32, #tpu.memory_space<vmem>> -> memref<512xi32, #tpu.memory_space<vmem>>
    %dma_start3A_84 = tpu.memref_slice %arg2[%dma_start3A_74, %mul3A_2] : memref<26x16384xi32, #tpu.memory_space<hbm>> -> memref<1x512xi32, #tpu.memory_space<hbm>>
    %dma_start3A_85 = tpu.memref_squeeze %dma_start3A_84 : memref<1x512xi32, #tpu.memory_space<hbm>> -> memref<512xi32, #tpu.memory_space<hbm>>
    tpu.enqueue_dma source(%dma_start3A_85 : memref<512xi32, #tpu.memory_space<hbm>>) target(%dma_start3A_83 : memref<512xi32, #tpu.memory_space<vmem>>) target_semaphore(%arg32 : memref<!tpu.dma_semaphore, #tpu.memory_space<semaphore_mem>>)
    %dma_start3A_86 = arith.constant 7 : i32
    %dma_start3A_87 = arith.constant 7 : i32
    %dma_start3A_88 = arith.constant 0 : i32
    %dma_start3A_89 = tpu.memref_slice %arg30[%dma_start3A_87, %dma_start3A_88] : memref<26x512xi32, #tpu.memory_space<vmem>> -> memref<1x512xi32, #tpu.memory_space<vmem>>
    %dma_start3A_90 = tpu.memref_squeeze %dma_start3A_89 : memref<1x512xi32, #tpu.memory_space<vmem>> -> memref<512xi32, #tpu.memory_space<vmem>>
    %dma_start3A_91 = tpu.memref_slice %arg2[%dma_start3A_86, %mul3A_2] : memref<26x16384xi32, #tpu.memory_space<hbm>> -> memref<1x512xi32, #tpu.memory_space<hbm>>
    %dma_start3A_92 = tpu.memref_squeeze %dma_start3A_91 : memref<1x512xi32, #tpu.memory_space<hbm>> -> memref<512xi32, #tpu.memory_space<hbm>>
    %dma_start3A_93 = arith.constant 0 : i32
    %dma_start3A_94 = tpu.memref_slice %arg30[%dma_start3A_87, %dma_start3A_93] : memref<26x512xi32, #tpu.memory_space<vmem>> -> memref<1x512xi32, #tpu.memory_space<vmem>>
    %dma_start3A_95 = tpu.memref_squeeze %dma_start3A_94 : memref<1x512xi32, #tpu.memory_space<vmem>> -> memref<512xi32, #tpu.memory_space<vmem>>
    %dma_start3A_96 = tpu.memref_slice %arg2[%dma_start3A_86, %mul3A_2] : memref<26x16384xi32, #tpu.memory_space<hbm>> -> memref<1x512xi32, #tpu.memory_space<hbm>>
    %dma_start3A_97 = tpu.memref_squeeze %dma_start3A_96 : memref<1x512xi32, #tpu.memory_space<hbm>> -> memref<512xi32, #tpu.memory_space<hbm>>
    tpu.enqueue_dma source(%dma_start3A_97 : memref<512xi32, #tpu.memory_space<hbm>>) target(%dma_start3A_95 : memref<512xi32, #tpu.memory_space<vmem>>) target_semaphore(%arg32 : memref<!tpu.dma_semaphore, #tpu.memory_space<semaphore_mem>>)
    %dma_start3A_98 = arith.constant 8 : i32
    %dma_start3A_99 = arith.constant 8 : i32
    %dma_start3A_100 = arith.constant 0 : i32
    %dma_start3A_101 = tpu.memref_slice %arg30[%dma_start3A_99, %dma_start3A_100] : memref<26x512xi32, #tpu.memory_space<vmem>> -> memref<1x512xi32, #tpu.memory_space<vmem>>
    %dma_start3A_102 = tpu.memref_squeeze %dma_start3A_101 : memref<1x512xi32, #tpu.memory_space<vmem>> -> memref<512xi32, #tpu.memory_space<vmem>>
    %dma_start3A_103 = tpu.memref_slice %arg2[%dma_start3A_98, %mul3A_2] : memref<26x16384xi32, #tpu.memory_space<hbm>> -> memref<1x512xi32, #tpu.memory_space<hbm>>
    %dma_start3A_104 = tpu.memref_squeeze %dma_start3A_103 : memref<1x512xi32, #tpu.memory_space<hbm>> -> memref<512xi32, #tpu.memory_space<hbm>>
    %dma_start3A_105 = arith.constant 0 : i32
    %dma_start3A_106 = tpu.memref_slice %arg30[%dma_start3A_99, %dma_start3A_105] : memref<26x512xi32, #tpu.memory_space<vmem>> -> memref<1x512xi32, #tpu.memory_space<vmem>>
    %dma_start3A_107 = tpu.memref_squeeze %dma_start3A_106 : memref<1x512xi32, #tpu.memory_space<vmem>> -> memref<512xi32, #tpu.memory_space<vmem>>
    %dma_start3A_108 = tpu.memref_slice %arg2[%dma_start3A_98, %mul3A_2] : memref<26x16384xi32, #tpu.memory_space<hbm>> -> memref<1x512xi32, #tpu.memory_space<hbm>>
    %dma_start3A_109 = tpu.memref_squeeze %dma_start3A_108 : memref<1x512xi32, #tpu.memory_space<hbm>> -> memref<512xi32, #tpu.memory_space<hbm>>
    tpu.enqueue_dma source(%dma_start3A_109 : memref<512xi32, #tpu.memory_space<hbm>>) target(%dma_start3A_107 : memref<512xi32, #tpu.memory_space<vmem>>) target_semaphore(%arg32 : memref<!tpu.dma_semaphore, #tpu.memory_space<semaphore_mem>>)
    %dma_start3A_110 = arith.constant 9 : i32
    %dma_start3A_111 = arith.constant 9 : i32
    %dma_start3A_112 = arith.constant 0 : i32
    %dma_start3A_113 = tpu.memref_slice %arg30[%dma_start3A_111, %dma_start3A_112] : memref<26x512xi32, #tpu.memory_space<vmem>> -> memref<1x512xi32, #tpu.memory_space<vmem>>
    %dma_start3A_114 = tpu.memref_squeeze %dma_start3A_113 : memref<1x512xi32, #tpu.memory_space<vmem>> -> memref<512xi32, #tpu.memory_space<vmem>>
    %dma_start3A_115 = tpu.memref_slice %arg2[%dma_start3A_110, %mul3A_2] : memref<26x16384xi32, #tpu.memory_space<hbm>> -> memref<1x512xi32, #tpu.memory_space<hbm>>
    %dma_start3A_116 = tpu.memref_squeeze %dma_start3A_115 : memref<1x512xi32, #tpu.memory_space<hbm>> -> memref<512xi32, #tpu.memory_space<hbm>>
    %dma_start3A_117 = arith.constant 0 : i32
    %dma_start3A_118 = tpu.memref_slice %arg30[%dma_start3A_111, %dma_start3A_117] : memref<26x512xi32, #tpu.memory_space<vmem>> -> memref<1x512xi32, #tpu.memory_space<vmem>>
    %dma_start3A_119 = tpu.memref_squeeze %dma_start3A_118 : memref<1x512xi32, #tpu.memory_space<vmem>> -> memref<512xi32, #tpu.memory_space<vmem>>
    %dma_start3A_120 = tpu.memref_slice %arg2[%dma_start3A_110, %mul3A_2] : memref<26x16384xi32, #tpu.memory_space<hbm>> -> memref<1x512xi32, #tpu.memory_space<hbm>>
    %dma_start3A_121 = tpu.memref_squeeze %dma_start3A_120 : memref<1x512xi32, #tpu.memory_space<hbm>> -> memref<512xi32, #tpu.memory_space<hbm>>
    tpu.enqueue_dma source(%dma_start3A_121 : memref<512xi32, #tpu.memory_space<hbm>>) target(%dma_start3A_119 : memref<512xi32, #tpu.memory_space<vmem>>) target_semaphore(%arg32 : memref<!tpu.dma_semaphore, #tpu.memory_space<semaphore_mem>>)
    %dma_start3A_122 = arith.constant 10 : i32
    %dma_start3A_123 = arith.constant 10 : i32
    %dma_start3A_124 = arith.constant 0 : i32
    %dma_start3A_125 = tpu.memref_slice %arg30[%dma_start3A_123, %dma_start3A_124] : memref<26x512xi32, #tpu.memory_space<vmem>> -> memref<1x512xi32, #tpu.memory_space<vmem>>
    %dma_start3A_126 = tpu.memref_squeeze %dma_start3A_125 : memref<1x512xi32, #tpu.memory_space<vmem>> -> memref<512xi32, #tpu.memory_space<vmem>>
    %dma_start3A_127 = tpu.memref_slice %arg2[%dma_start3A_122, %mul3A_2] : memref<26x16384xi32, #tpu.memory_space<hbm>> -> memref<1x512xi32, #tpu.memory_space<hbm>>
    %dma_start3A_128 = tpu.memref_squeeze %dma_start3A_127 : memref<1x512xi32, #tpu.memory_space<hbm>> -> memref<512xi32, #tpu.memory_space<hbm>>
    %dma_start3A_129 = arith.constant 0 : i32
    %dma_start3A_130 = tpu.memref_slice %arg30[%dma_start3A_123, %dma_start3A_129] : memref<26x512xi32, #tpu.memory_space<vmem>> -> memref<1x512xi32, #tpu.memory_space<vmem>>
    %dma_start3A_131 = tpu.memref_squeeze %dma_start3A_130 : memref<1x512xi32, #tpu.memory_space<vmem>> -> memref<512xi32, #tpu.memory_space<vmem>>
    %dma_start3A_132 = tpu.memref_slice %arg2[%dma_start3A_122, %mul3A_2] : memref<26x16384xi32, #tpu.memory_space<hbm>> -> memref<1x512xi32, #tpu.memory_space<hbm>>
    %dma_start3A_133 = tpu.memref_squeeze %dma_start3A_132 : memref<1x512xi32, #tpu.memory_space<hbm>> -> memref<512xi32, #tpu.memory_space<hbm>>
    tpu.enqueue_dma source(%dma_start3A_133 : memref<512xi32, #tpu.memory_space<hbm>>) target(%dma_start3A_131 : memref<512xi32, #tpu.memory_space<vmem>>) target_semaphore(%arg32 : memref<!tpu.dma_semaphore, #tpu.memory_space<semaphore_mem>>)
    %dma_start3A_134 = arith.constant 11 : i32
    %dma_start3A_135 = arith.constant 11 : i32
    %dma_start3A_136 = arith.constant 0 : i32
    %dma_start3A_137 = tpu.memref_slice %arg30[%dma_start3A_135, %dma_start3A_136] : memref<26x512xi32, #tpu.memory_space<vmem>> -> memref<1x512xi32, #tpu.memory_space<vmem>>
    %dma_start3A_138 = tpu.memref_squeeze %dma_start3A_137 : memref<1x512xi32, #tpu.memory_space<vmem>> -> memref<512xi32, #tpu.memory_space<vmem>>
    %dma_start3A_139 = tpu.memref_slice %arg2[%dma_start3A_134, %mul3A_2] : memref<26x16384xi32, #tpu.memory_space<hbm>> -> memref<1x512xi32, #tpu.memory_space<hbm>>
    %dma_start3A_140 = tpu.memref_squeeze %dma_start3A_139 : memref<1x512xi32, #tpu.memory_space<hbm>> -> memref<512xi32, #tpu.memory_space<hbm>>
    %dma_start3A_141 = arith.constant 0 : i32
    %dma_start3A_142 = tpu.memref_slice %arg30[%dma_start3A_135, %dma_start3A_141] : memref<26x512xi32, #tpu.memory_space<vmem>> -> memref<1x512xi32, #tpu.memory_space<vmem>>
    %dma_start3A_143 = tpu.memref_squeeze %dma_start3A_142 : memref<1x512xi32, #tpu.memory_space<vmem>> -> memref<512xi32, #tpu.memory_space<vmem>>
    %dma_start3A_144 = tpu.memref_slice %arg2[%dma_start3A_134, %mul3A_2] : memref<26x16384xi32, #tpu.memory_space<hbm>> -> memref<1x512xi32, #tpu.memory_space<hbm>>
    %dma_start3A_145 = tpu.memref_squeeze %dma_start3A_144 : memref<1x512xi32, #tpu.memory_space<hbm>> -> memref<512xi32, #tpu.memory_space<hbm>>
    tpu.enqueue_dma source(%dma_start3A_145 : memref<512xi32, #tpu.memory_space<hbm>>) target(%dma_start3A_143 : memref<512xi32, #tpu.memory_space<vmem>>) target_semaphore(%arg32 : memref<!tpu.dma_semaphore, #tpu.memory_space<semaphore_mem>>)
    %dma_start3A_146 = arith.constant 12 : i32
    %dma_start3A_147 = arith.constant 12 : i32
    %dma_start3A_148 = arith.constant 0 : i32
    %dma_start3A_149 = tpu.memref_slice %arg30[%dma_start3A_147, %dma_start3A_148] : memref<26x512xi32, #tpu.memory_space<vmem>> -> memref<1x512xi32, #tpu.memory_space<vmem>>
    %dma_start3A_150 = tpu.memref_squeeze %dma_start3A_149 : memref<1x512xi32, #tpu.memory_space<vmem>> -> memref<512xi32, #tpu.memory_space<vmem>>
    %dma_start3A_151 = tpu.memref_slice %arg2[%dma_start3A_146, %mul3A_2] : memref<26x16384xi32, #tpu.memory_space<hbm>> -> memref<1x512xi32, #tpu.memory_space<hbm>>
    %dma_start3A_152 = tpu.memref_squeeze %dma_start3A_151 : memref<1x512xi32, #tpu.memory_space<hbm>> -> memref<512xi32, #tpu.memory_space<hbm>>
    %dma_start3A_153 = arith.constant 0 : i32
    %dma_start3A_154 = tpu.memref_slice %arg30[%dma_start3A_147, %dma_start3A_153] : memref<26x512xi32, #tpu.memory_space<vmem>> -> memref<1x512xi32, #tpu.memory_space<vmem>>
    %dma_start3A_155 = tpu.memref_squeeze %dma_start3A_154 : memref<1x512xi32, #tpu.memory_space<vmem>> -> memref<512xi32, #tpu.memory_space<vmem>>
    %dma_start3A_156 = tpu.memref_slice %arg2[%dma_start3A_146, %mul3A_2] : memref<26x16384xi32, #tpu.memory_space<hbm>> -> memref<1x512xi32, #tpu.memory_space<hbm>>
    %dma_start3A_157 = tpu.memref_squeeze %dma_start3A_156 : memref<1x512xi32, #tpu.memory_space<hbm>> -> memref<512xi32, #tpu.memory_space<hbm>>
    tpu.enqueue_dma source(%dma_start3A_157 : memref<512xi32, #tpu.memory_space<hbm>>) target(%dma_start3A_155 : memref<512xi32, #tpu.memory_space<vmem>>) target_semaphore(%arg32 : memref<!tpu.dma_semaphore, #tpu.memory_space<semaphore_mem>>)
    %dma_start3A_158 = arith.constant 13 : i32
    %dma_start3A_159 = arith.constant 13 : i32
    %dma_start3A_160 = arith.constant 0 : i32
    %dma_start3A_161 = tpu.memref_slice %arg30[%dma_start3A_159, %dma_start3A_160] : memref<26x512xi32, #tpu.memory_space<vmem>> -> memref<1x512xi32, #tpu.memory_space<vmem>>
    %dma_start3A_162 = tpu.memref_squeeze %dma_start3A_161 : memref<1x512xi32, #tpu.memory_space<vmem>> -> memref<512xi32, #tpu.memory_space<vmem>>
    %dma_start3A_163 = tpu.memref_slice %arg2[%dma_start3A_158, %mul3A_2] : memref<26x16384xi32, #tpu.memory_space<hbm>> -> memref<1x512xi32, #tpu.memory_space<hbm>>
    %dma_start3A_164 = tpu.memref_squeeze %dma_start3A_163 : memref<1x512xi32, #tpu.memory_space<hbm>> -> memref<512xi32, #tpu.memory_space<hbm>>
    %dma_start3A_165 = arith.constant 0 : i32
    %dma_start3A_166 = tpu.memref_slice %arg30[%dma_start3A_159, %dma_start3A_165] : memref<26x512xi32, #tpu.memory_space<vmem>> -> memref<1x512xi32, #tpu.memory_space<vmem>>
    %dma_start3A_167 = tpu.memref_squeeze %dma_start3A_166 : memref<1x512xi32, #tpu.memory_space<vmem>> -> memref<512xi32, #tpu.memory_space<vmem>>
    %dma_start3A_168 = tpu.memref_slice %arg2[%dma_start3A_158, %mul3A_2] : memref<26x16384xi32, #tpu.memory_space<hbm>> -> memref<1x512xi32, #tpu.memory_space<hbm>>
    %dma_start3A_169 = tpu.memref_squeeze %dma_start3A_168 : memref<1x512xi32, #tpu.memory_space<hbm>> -> memref<512xi32, #tpu.memory_space<hbm>>
    tpu.enqueue_dma source(%dma_start3A_169 : memref<512xi32, #tpu.memory_space<hbm>>) target(%dma_start3A_167 : memref<512xi32, #tpu.memory_space<vmem>>) target_semaphore(%arg32 : memref<!tpu.dma_semaphore, #tpu.memory_space<semaphore_mem>>)
    %dma_start3A_170 = arith.constant 14 : i32
    %dma_start3A_171 = arith.constant 14 : i32
    %dma_start3A_172 = arith.constant 0 : i32
    %dma_start3A_173 = tpu.memref_slice %arg30[%dma_start3A_171, %dma_start3A_172] : memref<26x512xi32, #tpu.memory_space<vmem>> -> memref<1x512xi32, #tpu.memory_space<vmem>>
    %dma_start3A_174 = tpu.memref_squeeze %dma_start3A_173 : memref<1x512xi32, #tpu.memory_space<vmem>> -> memref<512xi32, #tpu.memory_space<vmem>>
    %dma_start3A_175 = tpu.memref_slice %arg2[%dma_start3A_170, %mul3A_2] : memref<26x16384xi32, #tpu.memory_space<hbm>> -> memref<1x512xi32, #tpu.memory_space<hbm>>
    %dma_start3A_176 = tpu.memref_squeeze %dma_start3A_175 : memref<1x512xi32, #tpu.memory_space<hbm>> -> memref<512xi32, #tpu.memory_space<hbm>>
    %dma_start3A_177 = arith.constant 0 : i32
    %dma_start3A_178 = tpu.memref_slice %arg30[%dma_start3A_171, %dma_start3A_177] : memref<26x512xi32, #tpu.memory_space<vmem>> -> memref<1x512xi32, #tpu.memory_space<vmem>>
    %dma_start3A_179 = tpu.memref_squeeze %dma_start3A_178 : memref<1x512xi32, #tpu.memory_space<vmem>> -> memref<512xi32, #tpu.memory_space<vmem>>
    %dma_start3A_180 = tpu.memref_slice %arg2[%dma_start3A_170, %mul3A_2] : memref<26x16384xi32, #tpu.memory_space<hbm>> -> memref<1x512xi32, #tpu.memory_space<hbm>>
    %dma_start3A_181 = tpu.memref_squeeze %dma_start3A_180 : memref<1x512xi32, #tpu.memory_space<hbm>> -> memref<512xi32, #tpu.memory_space<hbm>>
    tpu.enqueue_dma source(%dma_start3A_181 : memref<512xi32, #tpu.memory_space<hbm>>) target(%dma_start3A_179 : memref<512xi32, #tpu.memory_space<vmem>>) target_semaphore(%arg32 : memref<!tpu.dma_semaphore, #tpu.memory_space<semaphore_mem>>)
    %dma_start3A_182 = arith.constant 15 : i32
    %dma_start3A_183 = arith.constant 15 : i32
    %dma_start3A_184 = arith.constant 0 : i32
    %dma_start3A_185 = tpu.memref_slice %arg30[%dma_start3A_183, %dma_start3A_184] : memref<26x512xi32, #tpu.memory_space<vmem>> -> memref<1x512xi32, #tpu.memory_space<vmem>>
    %dma_start3A_186 = tpu.memref_squeeze %dma_start3A_185 : memref<1x512xi32, #tpu.memory_space<vmem>> -> memref<512xi32, #tpu.memory_space<vmem>>
    %dma_start3A_187 = tpu.memref_slice %arg2[%dma_start3A_182, %mul3A_2] : memref<26x16384xi32, #tpu.memory_space<hbm>> -> memref<1x512xi32, #tpu.memory_space<hbm>>
    %dma_start3A_188 = tpu.memref_squeeze %dma_start3A_187 : memref<1x512xi32, #tpu.memory_space<hbm>> -> memref<512xi32, #tpu.memory_space<hbm>>
    %dma_start3A_189 = arith.constant 0 : i32
    %dma_start3A_190 = tpu.memref_slice %arg30[%dma_start3A_183, %dma_start3A_189] : memref<26x512xi32, #tpu.memory_space<vmem>> -> memref<1x512xi32, #tpu.memory_space<vmem>>
    %dma_start3A_191 = tpu.memref_squeeze %dma_start3A_190 : memref<1x512xi32, #tpu.memory_space<vmem>> -> memref<512xi32, #tpu.memory_space<vmem>>
    %dma_start3A_192 = tpu.memref_slice %arg2[%dma_start3A_182, %mul3A_2] : memref<26x16384xi32, #tpu.memory_space<hbm>> -> memref<1x512xi32, #tpu.memory_space<hbm>>
    %dma_start3A_193 = tpu.memref_squeeze %dma_start3A_192 : memref<1x512xi32, #tpu.memory_space<hbm>> -> memref<512xi32, #tpu.memory_space<hbm>>
    tpu.enqueue_dma source(%dma_start3A_193 : memref<512xi32, #tpu.memory_space<hbm>>) target(%dma_start3A_191 : memref<512xi32, #tpu.memory_space<vmem>>) target_semaphore(%arg32 : memref<!tpu.dma_semaphore, #tpu.memory_space<semaphore_mem>>)
    %dma_start3A_194 = arith.constant 16 : i32
    %dma_start3A_195 = arith.constant 16 : i32
    %dma_start3A_196 = arith.constant 0 : i32
    %dma_start3A_197 = tpu.memref_slice %arg30[%dma_start3A_195, %dma_start3A_196] : memref<26x512xi32, #tpu.memory_space<vmem>> -> memref<1x512xi32, #tpu.memory_space<vmem>>
    %dma_start3A_198 = tpu.memref_squeeze %dma_start3A_197 : memref<1x512xi32, #tpu.memory_space<vmem>> -> memref<512xi32, #tpu.memory_space<vmem>>
    %dma_start3A_199 = tpu.memref_slice %arg2[%dma_start3A_194, %mul3A_2] : memref<26x16384xi32, #tpu.memory_space<hbm>> -> memref<1x512xi32, #tpu.memory_space<hbm>>
    %dma_start3A_200 = tpu.memref_squeeze %dma_start3A_199 : memref<1x512xi32, #tpu.memory_space<hbm>> -> memref<512xi32, #tpu.memory_space<hbm>>
    %dma_start3A_201 = arith.constant 0 : i32
    %dma_start3A_202 = tpu.memref_slice %arg30[%dma_start3A_195, %dma_start3A_201] : memref<26x512xi32, #tpu.memory_space<vmem>> -> memref<1x512xi32, #tpu.memory_space<vmem>>
    %dma_start3A_203 = tpu.memref_squeeze %dma_start3A_202 : memref<1x512xi32, #tpu.memory_space<vmem>> -> memref<512xi32, #tpu.memory_space<vmem>>
    %dma_start3A_204 = tpu.memref_slice %arg2[%dma_start3A_194, %mul3A_2] : memref<26x16384xi32, #tpu.memory_space<hbm>> -> memref<1x512xi32, #tpu.memory_space<hbm>>
    %dma_start3A_205 = tpu.memref_squeeze %dma_start3A_204 : memref<1x512xi32, #tpu.memory_space<hbm>> -> memref<512xi32, #tpu.memory_space<hbm>>
    tpu.enqueue_dma source(%dma_start3A_205 : memref<512xi32, #tpu.memory_space<hbm>>) target(%dma_start3A_203 : memref<512xi32, #tpu.memory_space<vmem>>) target_semaphore(%arg32 : memref<!tpu.dma_semaphore, #tpu.memory_space<semaphore_mem>>)
    %dma_start3A_206 = arith.constant 17 : i32
    %dma_start3A_207 = arith.constant 17 : i32
    %dma_start3A_208 = arith.constant 0 : i32
    %dma_start3A_209 = tpu.memref_slice %arg30[%dma_start3A_207, %dma_start3A_208] : memref<26x512xi32, #tpu.memory_space<vmem>> -> memref<1x512xi32, #tpu.memory_space<vmem>>
    %dma_start3A_210 = tpu.memref_squeeze %dma_start3A_209 : memref<1x512xi32, #tpu.memory_space<vmem>> -> memref<512xi32, #tpu.memory_space<vmem>>
    %dma_start3A_211 = tpu.memref_slice %arg2[%dma_start3A_206, %mul3A_2] : memref<26x16384xi32, #tpu.memory_space<hbm>> -> memref<1x512xi32, #tpu.memory_space<hbm>>
    %dma_start3A_212 = tpu.memref_squeeze %dma_start3A_211 : memref<1x512xi32, #tpu.memory_space<hbm>> -> memref<512xi32, #tpu.memory_space<hbm>>
    %dma_start3A_213 = arith.constant 0 : i32
    %dma_start3A_214 = tpu.memref_slice %arg30[%dma_start3A_207, %dma_start3A_213] : memref<26x512xi32, #tpu.memory_space<vmem>> -> memref<1x512xi32, #tpu.memory_space<vmem>>
    %dma_start3A_215 = tpu.memref_squeeze %dma_start3A_214 : memref<1x512xi32, #tpu.memory_space<vmem>> -> memref<512xi32, #tpu.memory_space<vmem>>
    %dma_start3A_216 = tpu.memref_slice %arg2[%dma_start3A_206, %mul3A_2] : memref<26x16384xi32, #tpu.memory_space<hbm>> -> memref<1x512xi32, #tpu.memory_space<hbm>>
    %dma_start3A_217 = tpu.memref_squeeze %dma_start3A_216 : memref<1x512xi32, #tpu.memory_space<hbm>> -> memref<512xi32, #tpu.memory_space<hbm>>
    tpu.enqueue_dma source(%dma_start3A_217 : memref<512xi32, #tpu.memory_space<hbm>>) target(%dma_start3A_215 : memref<512xi32, #tpu.memory_space<vmem>>) target_semaphore(%arg32 : memref<!tpu.dma_semaphore, #tpu.memory_space<semaphore_mem>>)
    %dma_start3A_218 = arith.constant 18 : i32
    %dma_start3A_219 = arith.constant 18 : i32
    %dma_start3A_220 = arith.constant 0 : i32
    %dma_start3A_221 = tpu.memref_slice %arg30[%dma_start3A_219, %dma_start3A_220] : memref<26x512xi32, #tpu.memory_space<vmem>> -> memref<1x512xi32, #tpu.memory_space<vmem>>
    %dma_start3A_222 = tpu.memref_squeeze %dma_start3A_221 : memref<1x512xi32, #tpu.memory_space<vmem>> -> memref<512xi32, #tpu.memory_space<vmem>>
    %dma_start3A_223 = tpu.memref_slice %arg2[%dma_start3A_218, %mul3A_2] : memref<26x16384xi32, #tpu.memory_space<hbm>> -> memref<1x512xi32, #tpu.memory_space<hbm>>
    %dma_start3A_224 = tpu.memref_squeeze %dma_start3A_223 : memref<1x512xi32, #tpu.memory_space<hbm>> -> memref<512xi32, #tpu.memory_space<hbm>>
    %dma_start3A_225 = arith.constant 0 : i32
    %dma_start3A_226 = tpu.memref_slice %arg30[%dma_start3A_219, %dma_start3A_225] : memref<26x512xi32, #tpu.memory_space<vmem>> -> memref<1x512xi32, #tpu.memory_space<vmem>>
    %dma_start3A_227 = tpu.memref_squeeze %dma_start3A_226 : memref<1x512xi32, #tpu.memory_space<vmem>> -> memref<512xi32, #tpu.memory_space<vmem>>
    %dma_start3A_228 = tpu.memref_slice %arg2[%dma_start3A_218, %mul3A_2] : memref<26x16384xi32, #tpu.memory_space<hbm>> -> memref<1x512xi32, #tpu.memory_space<hbm>>
    %dma_start3A_229 = tpu.memref_squeeze %dma_start3A_228 : memref<1x512xi32, #tpu.memory_space<hbm>> -> memref<512xi32, #tpu.memory_space<hbm>>
    tpu.enqueue_dma source(%dma_start3A_229 : memref<512xi32, #tpu.memory_space<hbm>>) target(%dma_start3A_227 : memref<512xi32, #tpu.memory_space<vmem>>) target_semaphore(%arg32 : memref<!tpu.dma_semaphore, #tpu.memory_space<semaphore_mem>>)
    %dma_start3A_230 = arith.constant 19 : i32
    %dma_start3A_231 = arith.constant 19 : i32
    %dma_start3A_232 = arith.constant 0 : i32
    %dma_start3A_233 = tpu.memref_slice %arg30[%dma_start3A_231, %dma_start3A_232] : memref<26x512xi32, #tpu.memory_space<vmem>> -> memref<1x512xi32, #tpu.memory_space<vmem>>
    %dma_start3A_234 = tpu.memref_squeeze %dma_start3A_233 : memref<1x512xi32, #tpu.memory_space<vmem>> -> memref<512xi32, #tpu.memory_space<vmem>>
    %dma_start3A_235 = tpu.memref_slice %arg2[%dma_start3A_230, %mul3A_2] : memref<26x16384xi32, #tpu.memory_space<hbm>> -> memref<1x512xi32, #tpu.memory_space<hbm>>
    %dma_start3A_236 = tpu.memref_squeeze %dma_start3A_235 : memref<1x512xi32, #tpu.memory_space<hbm>> -> memref<512xi32, #tpu.memory_space<hbm>>
    %dma_start3A_237 = arith.constant 0 : i32
    %dma_start3A_238 = tpu.memref_slice %arg30[%dma_start3A_231, %dma_start3A_237] : memref<26x512xi32, #tpu.memory_space<vmem>> -> memref<1x512xi32, #tpu.memory_space<vmem>>
    %dma_start3A_239 = tpu.memref_squeeze %dma_start3A_238 : memref<1x512xi32, #tpu.memory_space<vmem>> -> memref<512xi32, #tpu.memory_space<vmem>>
    %dma_start3A_240 = tpu.memref_slice %arg2[%dma_start3A_230, %mul3A_2] : memref<26x16384xi32, #tpu.memory_space<hbm>> -> memref<1x512xi32, #tpu.memory_space<hbm>>
    %dma_start3A_241 = tpu.memref_squeeze %dma_start3A_240 : memref<1x512xi32, #tpu.memory_space<hbm>> -> memref<512xi32, #tpu.memory_space<hbm>>
    tpu.enqueue_dma source(%dma_start3A_241 : memref<512xi32, #tpu.memory_space<hbm>>) target(%dma_start3A_239 : memref<512xi32, #tpu.memory_space<vmem>>) target_semaphore(%arg32 : memref<!tpu.dma_semaphore, #tpu.memory_space<semaphore_mem>>)
    %dma_start3A_242 = arith.constant 20 : i32
    %dma_start3A_243 = arith.constant 20 : i32
    %dma_start3A_244 = arith.constant 0 : i32
    %dma_start3A_245 = tpu.memref_slice %arg30[%dma_start3A_243, %dma_start3A_244] : memref<26x512xi32, #tpu.memory_space<vmem>> -> memref<1x512xi32, #tpu.memory_space<vmem>>
    %dma_start3A_246 = tpu.memref_squeeze %dma_start3A_245 : memref<1x512xi32, #tpu.memory_space<vmem>> -> memref<512xi32, #tpu.memory_space<vmem>>
    %dma_start3A_247 = tpu.memref_slice %arg2[%dma_start3A_242, %mul3A_2] : memref<26x16384xi32, #tpu.memory_space<hbm>> -> memref<1x512xi32, #tpu.memory_space<hbm>>
    %dma_start3A_248 = tpu.memref_squeeze %dma_start3A_247 : memref<1x512xi32, #tpu.memory_space<hbm>> -> memref<512xi32, #tpu.memory_space<hbm>>
    %dma_start3A_249 = arith.constant 0 : i32
    %dma_start3A_250 = tpu.memref_slice %arg30[%dma_start3A_243, %dma_start3A_249] : memref<26x512xi32, #tpu.memory_space<vmem>> -> memref<1x512xi32, #tpu.memory_space<vmem>>
    %dma_start3A_251 = tpu.memref_squeeze %dma_start3A_250 : memref<1x512xi32, #tpu.memory_space<vmem>> -> memref<512xi32, #tpu.memory_space<vmem>>
    %dma_start3A_252 = tpu.memref_slice %arg2[%dma_start3A_242, %mul3A_2] : memref<26x16384xi32, #tpu.memory_space<hbm>> -> memref<1x512xi32, #tpu.memory_space<hbm>>
    %dma_start3A_253 = tpu.memref_squeeze %dma_start3A_252 : memref<1x512xi32, #tpu.memory_space<hbm>> -> memref<512xi32, #tpu.memory_space<hbm>>
    tpu.enqueue_dma source(%dma_start3A_253 : memref<512xi32, #tpu.memory_space<hbm>>) target(%dma_start3A_251 : memref<512xi32, #tpu.memory_space<vmem>>) target_semaphore(%arg32 : memref<!tpu.dma_semaphore, #tpu.memory_space<semaphore_mem>>)
    %dma_start3A_254 = arith.constant 21 : i32
    %dma_start3A_255 = arith.constant 21 : i32
    %dma_start3A_256 = arith.constant 0 : i32
    %dma_start3A_257 = tpu.memref_slice %arg30[%dma_start3A_255, %dma_start3A_256] : memref<26x512xi32, #tpu.memory_space<vmem>> -> memref<1x512xi32, #tpu.memory_space<vmem>>
    %dma_start3A_258 = tpu.memref_squeeze %dma_start3A_257 : memref<1x512xi32, #tpu.memory_space<vmem>> -> memref<512xi32, #tpu.memory_space<vmem>>
    %dma_start3A_259 = tpu.memref_slice %arg2[%dma_start3A_254, %mul3A_2] : memref<26x16384xi32, #tpu.memory_space<hbm>> -> memref<1x512xi32, #tpu.memory_space<hbm>>
    %dma_start3A_260 = tpu.memref_squeeze %dma_start3A_259 : memref<1x512xi32, #tpu.memory_space<hbm>> -> memref<512xi32, #tpu.memory_space<hbm>>
    %dma_start3A_261 = arith.constant 0 : i32
    %dma_start3A_262 = tpu.memref_slice %arg30[%dma_start3A_255, %dma_start3A_261] : memref<26x512xi32, #tpu.memory_space<vmem>> -> memref<1x512xi32, #tpu.memory_space<vmem>>
    %dma_start3A_263 = tpu.memref_squeeze %dma_start3A_262 : memref<1x512xi32, #tpu.memory_space<vmem>> -> memref<512xi32, #tpu.memory_space<vmem>>
    %dma_start3A_264 = tpu.memref_slice %arg2[%dma_start3A_254, %mul3A_2] : memref<26x16384xi32, #tpu.memory_space<hbm>> -> memref<1x512xi32, #tpu.memory_space<hbm>>
    %dma_start3A_265 = tpu.memref_squeeze %dma_start3A_264 : memref<1x512xi32, #tpu.memory_space<hbm>> -> memref<512xi32, #tpu.memory_space<hbm>>
    tpu.enqueue_dma source(%dma_start3A_265 : memref<512xi32, #tpu.memory_space<hbm>>) target(%dma_start3A_263 : memref<512xi32, #tpu.memory_space<vmem>>) target_semaphore(%arg32 : memref<!tpu.dma_semaphore, #tpu.memory_space<semaphore_mem>>)
    %dma_start3A_266 = arith.constant 22 : i32
    %dma_start3A_267 = arith.constant 22 : i32
    %dma_start3A_268 = arith.constant 0 : i32
    %dma_start3A_269 = tpu.memref_slice %arg30[%dma_start3A_267, %dma_start3A_268] : memref<26x512xi32, #tpu.memory_space<vmem>> -> memref<1x512xi32, #tpu.memory_space<vmem>>
    %dma_start3A_270 = tpu.memref_squeeze %dma_start3A_269 : memref<1x512xi32, #tpu.memory_space<vmem>> -> memref<512xi32, #tpu.memory_space<vmem>>
    %dma_start3A_271 = tpu.memref_slice %arg2[%dma_start3A_266, %mul3A_2] : memref<26x16384xi32, #tpu.memory_space<hbm>> -> memref<1x512xi32, #tpu.memory_space<hbm>>
    %dma_start3A_272 = tpu.memref_squeeze %dma_start3A_271 : memref<1x512xi32, #tpu.memory_space<hbm>> -> memref<512xi32, #tpu.memory_space<hbm>>
    %dma_start3A_273 = arith.constant 0 : i32
    %dma_start3A_274 = tpu.memref_slice %arg30[%dma_start3A_267, %dma_start3A_273] : memref<26x512xi32, #tpu.memory_space<vmem>> -> memref<1x512xi32, #tpu.memory_space<vmem>>
    %dma_start3A_275 = tpu.memref_squeeze %dma_start3A_274 : memref<1x512xi32, #tpu.memory_space<vmem>> -> memref<512xi32, #tpu.memory_space<vmem>>
    %dma_start3A_276 = tpu.memref_slice %arg2[%dma_start3A_266, %mul3A_2] : memref<26x16384xi32, #tpu.memory_space<hbm>> -> memref<1x512xi32, #tpu.memory_space<hbm>>
    %dma_start3A_277 = tpu.memref_squeeze %dma_start3A_276 : memref<1x512xi32, #tpu.memory_space<hbm>> -> memref<512xi32, #tpu.memory_space<hbm>>
    tpu.enqueue_dma source(%dma_start3A_277 : memref<512xi32, #tpu.memory_space<hbm>>) target(%dma_start3A_275 : memref<512xi32, #tpu.memory_space<vmem>>) target_semaphore(%arg32 : memref<!tpu.dma_semaphore, #tpu.memory_space<semaphore_mem>>)
    %dma_start3A_278 = arith.constant 23 : i32
    %dma_start3A_279 = arith.constant 23 : i32
    %dma_start3A_280 = arith.constant 0 : i32
    %dma_start3A_281 = tpu.memref_slice %arg30[%dma_start3A_279, %dma_start3A_280] : memref<26x512xi32, #tpu.memory_space<vmem>> -> memref<1x512xi32, #tpu.memory_space<vmem>>
    %dma_start3A_282 = tpu.memref_squeeze %dma_start3A_281 : memref<1x512xi32, #tpu.memory_space<vmem>> -> memref<512xi32, #tpu.memory_space<vmem>>
    %dma_start3A_283 = tpu.memref_slice %arg2[%dma_start3A_278, %mul3A_2] : memref<26x16384xi32, #tpu.memory_space<hbm>> -> memref<1x512xi32, #tpu.memory_space<hbm>>
    %dma_start3A_284 = tpu.memref_squeeze %dma_start3A_283 : memref<1x512xi32, #tpu.memory_space<hbm>> -> memref<512xi32, #tpu.memory_space<hbm>>
    %dma_start3A_285 = arith.constant 0 : i32
    %dma_start3A_286 = tpu.memref_slice %arg30[%dma_start3A_279, %dma_start3A_285] : memref<26x512xi32, #tpu.memory_space<vmem>> -> memref<1x512xi32, #tpu.memory_space<vmem>>
    %dma_start3A_287 = tpu.memref_squeeze %dma_start3A_286 : memref<1x512xi32, #tpu.memory_space<vmem>> -> memref<512xi32, #tpu.memory_space<vmem>>
    %dma_start3A_288 = tpu.memref_slice %arg2[%dma_start3A_278, %mul3A_2] : memref<26x16384xi32, #tpu.memory_space<hbm>> -> memref<1x512xi32, #tpu.memory_space<hbm>>
    %dma_start3A_289 = tpu.memref_squeeze %dma_start3A_288 : memref<1x512xi32, #tpu.memory_space<hbm>> -> memref<512xi32, #tpu.memory_space<hbm>>
    tpu.enqueue_dma source(%dma_start3A_289 : memref<512xi32, #tpu.memory_space<hbm>>) target(%dma_start3A_287 : memref<512xi32, #tpu.memory_space<vmem>>) target_semaphore(%arg32 : memref<!tpu.dma_semaphore, #tpu.memory_space<semaphore_mem>>)
    %dma_start3A_290 = arith.constant 24 : i32
    %dma_start3A_291 = arith.constant 24 : i32
    %dma_start3A_292 = arith.constant 0 : i32
    %dma_start3A_293 = tpu.memref_slice %arg30[%dma_start3A_291, %dma_start3A_292] : memref<26x512xi32, #tpu.memory_space<vmem>> -> memref<1x512xi32, #tpu.memory_space<vmem>>
    %dma_start3A_294 = tpu.memref_squeeze %dma_start3A_293 : memref<1x512xi32, #tpu.memory_space<vmem>> -> memref<512xi32, #tpu.memory_space<vmem>>
    %dma_start3A_295 = tpu.memref_slice %arg2[%dma_start3A_290, %mul3A_2] : memref<26x16384xi32, #tpu.memory_space<hbm>> -> memref<1x512xi32, #tpu.memory_space<hbm>>
    %dma_start3A_296 = tpu.memref_squeeze %dma_start3A_295 : memref<1x512xi32, #tpu.memory_space<hbm>> -> memref<512xi32, #tpu.memory_space<hbm>>
    %dma_start3A_297 = arith.constant 0 : i32
    %dma_start3A_298 = tpu.memref_slice %arg30[%dma_start3A_291, %dma_start3A_297] : memref<26x512xi32, #tpu.memory_space<vmem>> -> memref<1x512xi32, #tpu.memory_space<vmem>>
    %dma_start3A_299 = tpu.memref_squeeze %dma_start3A_298 : memref<1x512xi32, #tpu.memory_space<vmem>> -> memref<512xi32, #tpu.memory_space<vmem>>
    %dma_start3A_300 = tpu.memref_slice %arg2[%dma_start3A_290, %mul3A_2] : memref<26x16384xi32, #tpu.memory_space<hbm>> -> memref<1x512xi32, #tpu.memory_space<hbm>>
    %dma_start3A_301 = tpu.memref_squeeze %dma_start3A_300 : memref<1x512xi32, #tpu.memory_space<hbm>> -> memref<512xi32, #tpu.memory_space<hbm>>
    tpu.enqueue_dma source(%dma_start3A_301 : memref<512xi32, #tpu.memory_space<hbm>>) target(%dma_start3A_299 : memref<512xi32, #tpu.memory_space<vmem>>) target_semaphore(%arg32 : memref<!tpu.dma_semaphore, #tpu.memory_space<semaphore_mem>>)
    %dma_start3A_302 = arith.constant 25 : i32
    %dma_start3A_303 = arith.constant 25 : i32
    %dma_start3A_304 = arith.constant 0 : i32
    %dma_start3A_305 = tpu.memref_slice %arg30[%dma_start3A_303, %dma_start3A_304] : memref<26x512xi32, #tpu.memory_space<vmem>> -> memref<1x512xi32, #tpu.memory_space<vmem>>
    %dma_start3A_306 = tpu.memref_squeeze %dma_start3A_305 : memref<1x512xi32, #tpu.memory_space<vmem>> -> memref<512xi32, #tpu.memory_space<vmem>>
    %dma_start3A_307 = tpu.memref_slice %arg2[%dma_start3A_302, %mul3A_2] : memref<26x16384xi32, #tpu.memory_space<hbm>> -> memref<1x512xi32, #tpu.memory_space<hbm>>
    %dma_start3A_308 = tpu.memref_squeeze %dma_start3A_307 : memref<1x512xi32, #tpu.memory_space<hbm>> -> memref<512xi32, #tpu.memory_space<hbm>>
    %dma_start3A_309 = arith.constant 0 : i32
    %dma_start3A_310 = tpu.memref_slice %arg30[%dma_start3A_303, %dma_start3A_309] : memref<26x512xi32, #tpu.memory_space<vmem>> -> memref<1x512xi32, #tpu.memory_space<vmem>>
    %dma_start3A_311 = tpu.memref_squeeze %dma_start3A_310 : memref<1x512xi32, #tpu.memory_space<vmem>> -> memref<512xi32, #tpu.memory_space<vmem>>
    %dma_start3A_312 = tpu.memref_slice %arg2[%dma_start3A_302, %mul3A_2] : memref<26x16384xi32, #tpu.memory_space<hbm>> -> memref<1x512xi32, #tpu.memory_space<hbm>>
    %dma_start3A_313 = tpu.memref_squeeze %dma_start3A_312 : memref<1x512xi32, #tpu.memory_space<hbm>> -> memref<512xi32, #tpu.memory_space<hbm>>
    tpu.enqueue_dma source(%dma_start3A_313 : memref<512xi32, #tpu.memory_space<hbm>>) target(%dma_start3A_311 : memref<512xi32, #tpu.memory_space<vmem>>) target_semaphore(%arg32 : memref<!tpu.dma_semaphore, #tpu.memory_space<semaphore_mem>>)
    %dma_wait3A = arith.constant 0 : i32
    %dma_wait3A_314 = arith.constant 0 : i32
    %dma_wait3A_315 = arith.constant 0 : i32
    %dma_wait3A_316 = tpu.memref_slice %arg30[%dma_wait3A_314, %dma_wait3A_315] : memref<26x512xi32, #tpu.memory_space<vmem>> -> memref<1x512xi32, #tpu.memory_space<vmem>>
    %dma_wait3A_317 = tpu.memref_squeeze %dma_wait3A_316 : memref<1x512xi32, #tpu.memory_space<vmem>> -> memref<512xi32, #tpu.memory_space<vmem>>
    %dma_wait3A_318 = tpu.memref_slice %arg2[%dma_wait3A, %mul3A_2] : memref<26x16384xi32, #tpu.memory_space<hbm>> -> memref<1x512xi32, #tpu.memory_space<hbm>>
    %dma_wait3A_319 = tpu.memref_squeeze %dma_wait3A_318 : memref<1x512xi32, #tpu.memory_space<hbm>> -> memref<512xi32, #tpu.memory_space<hbm>>
    %dma_wait3A_320 = arith.constant 0 : i32
    %dma_wait3A_321 = tpu.memref_slice %arg30[%dma_wait3A_314, %dma_wait3A_320] : memref<26x512xi32, #tpu.memory_space<vmem>> -> memref<1x512xi32, #tpu.memory_space<vmem>>
    %dma_wait3A_322 = tpu.memref_squeeze %dma_wait3A_321 : memref<1x512xi32, #tpu.memory_space<vmem>> -> memref<512xi32, #tpu.memory_space<vmem>>
    %dma_wait3A_323 = tpu.memref_slice %arg2[%dma_wait3A, %mul3A_2] : memref<26x16384xi32, #tpu.memory_space<hbm>> -> memref<1x512xi32, #tpu.memory_space<hbm>>
    %dma_wait3A_324 = tpu.memref_squeeze %dma_wait3A_323 : memref<1x512xi32, #tpu.memory_space<hbm>> -> memref<512xi32, #tpu.memory_space<hbm>>
    tpu.wait_dma2 semaphore(%arg32 : memref<!tpu.dma_semaphore, #tpu.memory_space<semaphore_mem>>) src(%dma_wait3A_324 : memref<512xi32, #tpu.memory_space<hbm>>) dst(%dma_wait3A_322 : memref<512xi32, #tpu.memory_space<vmem>>)
    %dma_wait3A_325 = arith.constant 1 : i32
    %dma_wait3A_326 = arith.constant 1 : i32
    %dma_wait3A_327 = arith.constant 0 : i32
    %dma_wait3A_328 = tpu.memref_slice %arg30[%dma_wait3A_326, %dma_wait3A_327] : memref<26x512xi32, #tpu.memory_space<vmem>> -> memref<1x512xi32, #tpu.memory_space<vmem>>
    %dma_wait3A_329 = tpu.memref_squeeze %dma_wait3A_328 : memref<1x512xi32, #tpu.memory_space<vmem>> -> memref<512xi32, #tpu.memory_space<vmem>>
    %dma_wait3A_330 = tpu.memref_slice %arg2[%dma_wait3A_325, %mul3A_2] : memref<26x16384xi32, #tpu.memory_space<hbm>> -> memref<1x512xi32, #tpu.memory_space<hbm>>
    %dma_wait3A_331 = tpu.memref_squeeze %dma_wait3A_330 : memref<1x512xi32, #tpu.memory_space<hbm>> -> memref<512xi32, #tpu.memory_space<hbm>>
    %dma_wait3A_332 = arith.constant 0 : i32
    %dma_wait3A_333 = tpu.memref_slice %arg30[%dma_wait3A_326, %dma_wait3A_332] : memref<26x512xi32, #tpu.memory_space<vmem>> -> memref<1x512xi32, #tpu.memory_space<vmem>>
    %dma_wait3A_334 = tpu.memref_squeeze %dma_wait3A_333 : memref<1x512xi32, #tpu.memory_space<vmem>> -> memref<512xi32, #tpu.memory_space<vmem>>
    %dma_wait3A_335 = tpu.memref_slice %arg2[%dma_wait3A_325, %mul3A_2] : memref<26x16384xi32, #tpu.memory_space<hbm>> -> memref<1x512xi32, #tpu.memory_space<hbm>>
    %dma_wait3A_336 = tpu.memref_squeeze %dma_wait3A_335 : memref<1x512xi32, #tpu.memory_space<hbm>> -> memref<512xi32, #tpu.memory_space<hbm>>
    tpu.wait_dma2 semaphore(%arg32 : memref<!tpu.dma_semaphore, #tpu.memory_space<semaphore_mem>>) src(%dma_wait3A_336 : memref<512xi32, #tpu.memory_space<hbm>>) dst(%dma_wait3A_334 : memref<512xi32, #tpu.memory_space<vmem>>)
    %dma_wait3A_337 = arith.constant 2 : i32
    %dma_wait3A_338 = arith.constant 2 : i32
    %dma_wait3A_339 = arith.constant 0 : i32
    %dma_wait3A_340 = tpu.memref_slice %arg30[%dma_wait3A_338, %dma_wait3A_339] : memref<26x512xi32, #tpu.memory_space<vmem>> -> memref<1x512xi32, #tpu.memory_space<vmem>>
    %dma_wait3A_341 = tpu.memref_squeeze %dma_wait3A_340 : memref<1x512xi32, #tpu.memory_space<vmem>> -> memref<512xi32, #tpu.memory_space<vmem>>
    %dma_wait3A_342 = tpu.memref_slice %arg2[%dma_wait3A_337, %mul3A_2] : memref<26x16384xi32, #tpu.memory_space<hbm>> -> memref<1x512xi32, #tpu.memory_space<hbm>>
    %dma_wait3A_343 = tpu.memref_squeeze %dma_wait3A_342 : memref<1x512xi32, #tpu.memory_space<hbm>> -> memref<512xi32, #tpu.memory_space<hbm>>
    %dma_wait3A_344 = arith.constant 0 : i32
    %dma_wait3A_345 = tpu.memref_slice %arg30[%dma_wait3A_338, %dma_wait3A_344] : memref<26x512xi32, #tpu.memory_space<vmem>> -> memref<1x512xi32, #tpu.memory_space<vmem>>
    %dma_wait3A_346 = tpu.memref_squeeze %dma_wait3A_345 : memref<1x512xi32, #tpu.memory_space<vmem>> -> memref<512xi32, #tpu.memory_space<vmem>>
    %dma_wait3A_347 = tpu.memref_slice %arg2[%dma_wait3A_337, %mul3A_2] : memref<26x16384xi32, #tpu.memory_space<hbm>> -> memref<1x512xi32, #tpu.memory_space<hbm>>
    %dma_wait3A_348 = tpu.memref_squeeze %dma_wait3A_347 : memref<1x512xi32, #tpu.memory_space<hbm>> -> memref<512xi32, #tpu.memory_space<hbm>>
    tpu.wait_dma2 semaphore(%arg32 : memref<!tpu.dma_semaphore, #tpu.memory_space<semaphore_mem>>) src(%dma_wait3A_348 : memref<512xi32, #tpu.memory_space<hbm>>) dst(%dma_wait3A_346 : memref<512xi32, #tpu.memory_space<vmem>>)
    %dma_wait3A_349 = arith.constant 3 : i32
    %dma_wait3A_350 = arith.constant 3 : i32
    %dma_wait3A_351 = arith.constant 0 : i32
    %dma_wait3A_352 = tpu.memref_slice %arg30[%dma_wait3A_350, %dma_wait3A_351] : memref<26x512xi32, #tpu.memory_space<vmem>> -> memref<1x512xi32, #tpu.memory_space<vmem>>
    %dma_wait3A_353 = tpu.memref_squeeze %dma_wait3A_352 : memref<1x512xi32, #tpu.memory_space<vmem>> -> memref<512xi32, #tpu.memory_space<vmem>>
    %dma_wait3A_354 = tpu.memref_slice %arg2[%dma_wait3A_349, %mul3A_2] : memref<26x16384xi32, #tpu.memory_space<hbm>> -> memref<1x512xi32, #tpu.memory_space<hbm>>
    %dma_wait3A_355 = tpu.memref_squeeze %dma_wait3A_354 : memref<1x512xi32, #tpu.memory_space<hbm>> -> memref<512xi32, #tpu.memory_space<hbm>>
    %dma_wait3A_356 = arith.constant 0 : i32
    %dma_wait3A_357 = tpu.memref_slice %arg30[%dma_wait3A_350, %dma_wait3A_356] : memref<26x512xi32, #tpu.memory_space<vmem>> -> memref<1x512xi32, #tpu.memory_space<vmem>>
    %dma_wait3A_358 = tpu.memref_squeeze %dma_wait3A_357 : memref<1x512xi32, #tpu.memory_space<vmem>> -> memref<512xi32, #tpu.memory_space<vmem>>
    %dma_wait3A_359 = tpu.memref_slice %arg2[%dma_wait3A_349, %mul3A_2] : memref<26x16384xi32, #tpu.memory_space<hbm>> -> memref<1x512xi32, #tpu.memory_space<hbm>>
    %dma_wait3A_360 = tpu.memref_squeeze %dma_wait3A_359 : memref<1x512xi32, #tpu.memory_space<hbm>> -> memref<512xi32, #tpu.memory_space<hbm>>
    tpu.wait_dma2 semaphore(%arg32 : memref<!tpu.dma_semaphore, #tpu.memory_space<semaphore_mem>>) src(%dma_wait3A_360 : memref<512xi32, #tpu.memory_space<hbm>>) dst(%dma_wait3A_358 : memref<512xi32, #tpu.memory_space<vmem>>)
    %dma_wait3A_361 = arith.constant 4 : i32
    %dma_wait3A_362 = arith.constant 4 : i32
    %dma_wait3A_363 = arith.constant 0 : i32
    %dma_wait3A_364 = tpu.memref_slice %arg30[%dma_wait3A_362, %dma_wait3A_363] : memref<26x512xi32, #tpu.memory_space<vmem>> -> memref<1x512xi32, #tpu.memory_space<vmem>>
    %dma_wait3A_365 = tpu.memref_squeeze %dma_wait3A_364 : memref<1x512xi32, #tpu.memory_space<vmem>> -> memref<512xi32, #tpu.memory_space<vmem>>
    %dma_wait3A_366 = tpu.memref_slice %arg2[%dma_wait3A_361, %mul3A_2] : memref<26x16384xi32, #tpu.memory_space<hbm>> -> memref<1x512xi32, #tpu.memory_space<hbm>>
    %dma_wait3A_367 = tpu.memref_squeeze %dma_wait3A_366 : memref<1x512xi32, #tpu.memory_space<hbm>> -> memref<512xi32, #tpu.memory_space<hbm>>
    %dma_wait3A_368 = arith.constant 0 : i32
    %dma_wait3A_369 = tpu.memref_slice %arg30[%dma_wait3A_362, %dma_wait3A_368] : memref<26x512xi32, #tpu.memory_space<vmem>> -> memref<1x512xi32, #tpu.memory_space<vmem>>
    %dma_wait3A_370 = tpu.memref_squeeze %dma_wait3A_369 : memref<1x512xi32, #tpu.memory_space<vmem>> -> memref<512xi32, #tpu.memory_space<vmem>>
    %dma_wait3A_371 = tpu.memref_slice %arg2[%dma_wait3A_361, %mul3A_2] : memref<26x16384xi32, #tpu.memory_space<hbm>> -> memref<1x512xi32, #tpu.memory_space<hbm>>
    %dma_wait3A_372 = tpu.memref_squeeze %dma_wait3A_371 : memref<1x512xi32, #tpu.memory_space<hbm>> -> memref<512xi32, #tpu.memory_space<hbm>>
    tpu.wait_dma2 semaphore(%arg32 : memref<!tpu.dma_semaphore, #tpu.memory_space<semaphore_mem>>) src(%dma_wait3A_372 : memref<512xi32, #tpu.memory_space<hbm>>) dst(%dma_wait3A_370 : memref<512xi32, #tpu.memory_space<vmem>>)
    %dma_wait3A_373 = arith.constant 5 : i32
    %dma_wait3A_374 = arith.constant 5 : i32
    %dma_wait3A_375 = arith.constant 0 : i32
    %dma_wait3A_376 = tpu.memref_slice %arg30[%dma_wait3A_374, %dma_wait3A_375] : memref<26x512xi32, #tpu.memory_space<vmem>> -> memref<1x512xi32, #tpu.memory_space<vmem>>
    %dma_wait3A_377 = tpu.memref_squeeze %dma_wait3A_376 : memref<1x512xi32, #tpu.memory_space<vmem>> -> memref<512xi32, #tpu.memory_space<vmem>>
    %dma_wait3A_378 = tpu.memref_slice %arg2[%dma_wait3A_373, %mul3A_2] : memref<26x16384xi32, #tpu.memory_space<hbm>> -> memref<1x512xi32, #tpu.memory_space<hbm>>
    %dma_wait3A_379 = tpu.memref_squeeze %dma_wait3A_378 : memref<1x512xi32, #tpu.memory_space<hbm>> -> memref<512xi32, #tpu.memory_space<hbm>>
    %dma_wait3A_380 = arith.constant 0 : i32
    %dma_wait3A_381 = tpu.memref_slice %arg30[%dma_wait3A_374, %dma_wait3A_380] : memref<26x512xi32, #tpu.memory_space<vmem>> -> memref<1x512xi32, #tpu.memory_space<vmem>>
    %dma_wait3A_382 = tpu.memref_squeeze %dma_wait3A_381 : memref<1x512xi32, #tpu.memory_space<vmem>> -> memref<512xi32, #tpu.memory_space<vmem>>
    %dma_wait3A_383 = tpu.memref_slice %arg2[%dma_wait3A_373, %mul3A_2] : memref<26x16384xi32, #tpu.memory_space<hbm>> -> memref<1x512xi32, #tpu.memory_space<hbm>>
    %dma_wait3A_384 = tpu.memref_squeeze %dma_wait3A_383 : memref<1x512xi32, #tpu.memory_space<hbm>> -> memref<512xi32, #tpu.memory_space<hbm>>
    tpu.wait_dma2 semaphore(%arg32 : memref<!tpu.dma_semaphore, #tpu.memory_space<semaphore_mem>>) src(%dma_wait3A_384 : memref<512xi32, #tpu.memory_space<hbm>>) dst(%dma_wait3A_382 : memref<512xi32, #tpu.memory_space<vmem>>)
    %dma_wait3A_385 = arith.constant 6 : i32
    %dma_wait3A_386 = arith.constant 6 : i32
    %dma_wait3A_387 = arith.constant 0 : i32
    %dma_wait3A_388 = tpu.memref_slice %arg30[%dma_wait3A_386, %dma_wait3A_387] : memref<26x512xi32, #tpu.memory_space<vmem>> -> memref<1x512xi32, #tpu.memory_space<vmem>>
    %dma_wait3A_389 = tpu.memref_squeeze %dma_wait3A_388 : memref<1x512xi32, #tpu.memory_space<vmem>> -> memref<512xi32, #tpu.memory_space<vmem>>
    %dma_wait3A_390 = tpu.memref_slice %arg2[%dma_wait3A_385, %mul3A_2] : memref<26x16384xi32, #tpu.memory_space<hbm>> -> memref<1x512xi32, #tpu.memory_space<hbm>>
    %dma_wait3A_391 = tpu.memref_squeeze %dma_wait3A_390 : memref<1x512xi32, #tpu.memory_space<hbm>> -> memref<512xi32, #tpu.memory_space<hbm>>
    %dma_wait3A_392 = arith.constant 0 : i32
    %dma_wait3A_393 = tpu.memref_slice %arg30[%dma_wait3A_386, %dma_wait3A_392] : memref<26x512xi32, #tpu.memory_space<vmem>> -> memref<1x512xi32, #tpu.memory_space<vmem>>
    %dma_wait3A_394 = tpu.memref_squeeze %dma_wait3A_393 : memref<1x512xi32, #tpu.memory_space<vmem>> -> memref<512xi32, #tpu.memory_space<vmem>>
    %dma_wait3A_395 = tpu.memref_slice %arg2[%dma_wait3A_385, %mul3A_2] : memref<26x16384xi32, #tpu.memory_space<hbm>> -> memref<1x512xi32, #tpu.memory_space<hbm>>
    %dma_wait3A_396 = tpu.memref_squeeze %dma_wait3A_395 : memref<1x512xi32, #tpu.memory_space<hbm>> -> memref<512xi32, #tpu.memory_space<hbm>>
    tpu.wait_dma2 semaphore(%arg32 : memref<!tpu.dma_semaphore, #tpu.memory_space<semaphore_mem>>) src(%dma_wait3A_396 : memref<512xi32, #tpu.memory_space<hbm>>) dst(%dma_wait3A_394 : memref<512xi32, #tpu.memory_space<vmem>>)
    %dma_wait3A_397 = arith.constant 7 : i32
    %dma_wait3A_398 = arith.constant 7 : i32
    %dma_wait3A_399 = arith.constant 0 : i32
    %dma_wait3A_400 = tpu.memref_slice %arg30[%dma_wait3A_398, %dma_wait3A_399] : memref<26x512xi32, #tpu.memory_space<vmem>> -> memref<1x512xi32, #tpu.memory_space<vmem>>
    %dma_wait3A_401 = tpu.memref_squeeze %dma_wait3A_400 : memref<1x512xi32, #tpu.memory_space<vmem>> -> memref<512xi32, #tpu.memory_space<vmem>>
    %dma_wait3A_402 = tpu.memref_slice %arg2[%dma_wait3A_397, %mul3A_2] : memref<26x16384xi32, #tpu.memory_space<hbm>> -> memref<1x512xi32, #tpu.memory_space<hbm>>
    %dma_wait3A_403 = tpu.memref_squeeze %dma_wait3A_402 : memref<1x512xi32, #tpu.memory_space<hbm>> -> memref<512xi32, #tpu.memory_space<hbm>>
    %dma_wait3A_404 = arith.constant 0 : i32
    %dma_wait3A_405 = tpu.memref_slice %arg30[%dma_wait3A_398, %dma_wait3A_404] : memref<26x512xi32, #tpu.memory_space<vmem>> -> memref<1x512xi32, #tpu.memory_space<vmem>>
    %dma_wait3A_406 = tpu.memref_squeeze %dma_wait3A_405 : memref<1x512xi32, #tpu.memory_space<vmem>> -> memref<512xi32, #tpu.memory_space<vmem>>
    %dma_wait3A_407 = tpu.memref_slice %arg2[%dma_wait3A_397, %mul3A_2] : memref<26x16384xi32, #tpu.memory_space<hbm>> -> memref<1x512xi32, #tpu.memory_space<hbm>>
    %dma_wait3A_408 = tpu.memref_squeeze %dma_wait3A_407 : memref<1x512xi32, #tpu.memory_space<hbm>> -> memref<512xi32, #tpu.memory_space<hbm>>
    tpu.wait_dma2 semaphore(%arg32 : memref<!tpu.dma_semaphore, #tpu.memory_space<semaphore_mem>>) src(%dma_wait3A_408 : memref<512xi32, #tpu.memory_space<hbm>>) dst(%dma_wait3A_406 : memref<512xi32, #tpu.memory_space<vmem>>)
    %dma_wait3A_409 = arith.constant 8 : i32
    %dma_wait3A_410 = arith.constant 8 : i32
    %dma_wait3A_411 = arith.constant 0 : i32
    %dma_wait3A_412 = tpu.memref_slice %arg30[%dma_wait3A_410, %dma_wait3A_411] : memref<26x512xi32, #tpu.memory_space<vmem>> -> memref<1x512xi32, #tpu.memory_space<vmem>>
    %dma_wait3A_413 = tpu.memref_squeeze %dma_wait3A_412 : memref<1x512xi32, #tpu.memory_space<vmem>> -> memref<512xi32, #tpu.memory_space<vmem>>
    %dma_wait3A_414 = tpu.memref_slice %arg2[%dma_wait3A_409, %mul3A_2] : memref<26x16384xi32, #tpu.memory_space<hbm>> -> memref<1x512xi32, #tpu.memory_space<hbm>>
    %dma_wait3A_415 = tpu.memref_squeeze %dma_wait3A_414 : memref<1x512xi32, #tpu.memory_space<hbm>> -> memref<512xi32, #tpu.memory_space<hbm>>
    %dma_wait3A_416 = arith.constant 0 : i32
    %dma_wait3A_417 = tpu.memref_slice %arg30[%dma_wait3A_410, %dma_wait3A_416] : memref<26x512xi32, #tpu.memory_space<vmem>> -> memref<1x512xi32, #tpu.memory_space<vmem>>
    %dma_wait3A_418 = tpu.memref_squeeze %dma_wait3A_417 : memref<1x512xi32, #tpu.memory_space<vmem>> -> memref<512xi32, #tpu.memory_space<vmem>>
    %dma_wait3A_419 = tpu.memref_slice %arg2[%dma_wait3A_409, %mul3A_2] : memref<26x16384xi32, #tpu.memory_space<hbm>> -> memref<1x512xi32, #tpu.memory_space<hbm>>
    %dma_wait3A_420 = tpu.memref_squeeze %dma_wait3A_419 : memref<1x512xi32, #tpu.memory_space<hbm>> -> memref<512xi32, #tpu.memory_space<hbm>>
    tpu.wait_dma2 semaphore(%arg32 : memref<!tpu.dma_semaphore, #tpu.memory_space<semaphore_mem>>) src(%dma_wait3A_420 : memref<512xi32, #tpu.memory_space<hbm>>) dst(%dma_wait3A_418 : memref<512xi32, #tpu.memory_space<vmem>>)
    %dma_wait3A_421 = arith.constant 9 : i32
    %dma_wait3A_422 = arith.constant 9 : i32
    %dma_wait3A_423 = arith.constant 0 : i32
    %dma_wait3A_424 = tpu.memref_slice %arg30[%dma_wait3A_422, %dma_wait3A_423] : memref<26x512xi32, #tpu.memory_space<vmem>> -> memref<1x512xi32, #tpu.memory_space<vmem>>
    %dma_wait3A_425 = tpu.memref_squeeze %dma_wait3A_424 : memref<1x512xi32, #tpu.memory_space<vmem>> -> memref<512xi32, #tpu.memory_space<vmem>>
    %dma_wait3A_426 = tpu.memref_slice %arg2[%dma_wait3A_421, %mul3A_2] : memref<26x16384xi32, #tpu.memory_space<hbm>> -> memref<1x512xi32, #tpu.memory_space<hbm>>
    %dma_wait3A_427 = tpu.memref_squeeze %dma_wait3A_426 : memref<1x512xi32, #tpu.memory_space<hbm>> -> memref<512xi32, #tpu.memory_space<hbm>>
    %dma_wait3A_428 = arith.constant 0 : i32
    %dma_wait3A_429 = tpu.memref_slice %arg30[%dma_wait3A_422, %dma_wait3A_428] : memref<26x512xi32, #tpu.memory_space<vmem>> -> memref<1x512xi32, #tpu.memory_space<vmem>>
    %dma_wait3A_430 = tpu.memref_squeeze %dma_wait3A_429 : memref<1x512xi32, #tpu.memory_space<vmem>> -> memref<512xi32, #tpu.memory_space<vmem>>
    %dma_wait3A_431 = tpu.memref_slice %arg2[%dma_wait3A_421, %mul3A_2] : memref<26x16384xi32, #tpu.memory_space<hbm>> -> memref<1x512xi32, #tpu.memory_space<hbm>>
    %dma_wait3A_432 = tpu.memref_squeeze %dma_wait3A_431 : memref<1x512xi32, #tpu.memory_space<hbm>> -> memref<512xi32, #tpu.memory_space<hbm>>
    tpu.wait_dma2 semaphore(%arg32 : memref<!tpu.dma_semaphore, #tpu.memory_space<semaphore_mem>>) src(%dma_wait3A_432 : memref<512xi32, #tpu.memory_space<hbm>>) dst(%dma_wait3A_430 : memref<512xi32, #tpu.memory_space<vmem>>)
    %dma_wait3A_433 = arith.constant 10 : i32
    %dma_wait3A_434 = arith.constant 10 : i32
    %dma_wait3A_435 = arith.constant 0 : i32
    %dma_wait3A_436 = tpu.memref_slice %arg30[%dma_wait3A_434, %dma_wait3A_435] : memref<26x512xi32, #tpu.memory_space<vmem>> -> memref<1x512xi32, #tpu.memory_space<vmem>>
    %dma_wait3A_437 = tpu.memref_squeeze %dma_wait3A_436 : memref<1x512xi32, #tpu.memory_space<vmem>> -> memref<512xi32, #tpu.memory_space<vmem>>
    %dma_wait3A_438 = tpu.memref_slice %arg2[%dma_wait3A_433, %mul3A_2] : memref<26x16384xi32, #tpu.memory_space<hbm>> -> memref<1x512xi32, #tpu.memory_space<hbm>>
    %dma_wait3A_439 = tpu.memref_squeeze %dma_wait3A_438 : memref<1x512xi32, #tpu.memory_space<hbm>> -> memref<512xi32, #tpu.memory_space<hbm>>
    %dma_wait3A_440 = arith.constant 0 : i32
    %dma_wait3A_441 = tpu.memref_slice %arg30[%dma_wait3A_434, %dma_wait3A_440] : memref<26x512xi32, #tpu.memory_space<vmem>> -> memref<1x512xi32, #tpu.memory_space<vmem>>
    %dma_wait3A_442 = tpu.memref_squeeze %dma_wait3A_441 : memref<1x512xi32, #tpu.memory_space<vmem>> -> memref<512xi32, #tpu.memory_space<vmem>>
    %dma_wait3A_443 = tpu.memref_slice %arg2[%dma_wait3A_433, %mul3A_2] : memref<26x16384xi32, #tpu.memory_space<hbm>> -> memref<1x512xi32, #tpu.memory_space<hbm>>
    %dma_wait3A_444 = tpu.memref_squeeze %dma_wait3A_443 : memref<1x512xi32, #tpu.memory_space<hbm>> -> memref<512xi32, #tpu.memory_space<hbm>>
    tpu.wait_dma2 semaphore(%arg32 : memref<!tpu.dma_semaphore, #tpu.memory_space<semaphore_mem>>) src(%dma_wait3A_444 : memref<512xi32, #tpu.memory_space<hbm>>) dst(%dma_wait3A_442 : memref<512xi32, #tpu.memory_space<vmem>>)
    %dma_wait3A_445 = arith.constant 11 : i32
    %dma_wait3A_446 = arith.constant 11 : i32
    %dma_wait3A_447 = arith.constant 0 : i32
    %dma_wait3A_448 = tpu.memref_slice %arg30[%dma_wait3A_446, %dma_wait3A_447] : memref<26x512xi32, #tpu.memory_space<vmem>> -> memref<1x512xi32, #tpu.memory_space<vmem>>
    %dma_wait3A_449 = tpu.memref_squeeze %dma_wait3A_448 : memref<1x512xi32, #tpu.memory_space<vmem>> -> memref<512xi32, #tpu.memory_space<vmem>>
    %dma_wait3A_450 = tpu.memref_slice %arg2[%dma_wait3A_445, %mul3A_2] : memref<26x16384xi32, #tpu.memory_space<hbm>> -> memref<1x512xi32, #tpu.memory_space<hbm>>
    %dma_wait3A_451 = tpu.memref_squeeze %dma_wait3A_450 : memref<1x512xi32, #tpu.memory_space<hbm>> -> memref<512xi32, #tpu.memory_space<hbm>>
    %dma_wait3A_452 = arith.constant 0 : i32
    %dma_wait3A_453 = tpu.memref_slice %arg30[%dma_wait3A_446, %dma_wait3A_452] : memref<26x512xi32, #tpu.memory_space<vmem>> -> memref<1x512xi32, #tpu.memory_space<vmem>>
    %dma_wait3A_454 = tpu.memref_squeeze %dma_wait3A_453 : memref<1x512xi32, #tpu.memory_space<vmem>> -> memref<512xi32, #tpu.memory_space<vmem>>
    %dma_wait3A_455 = tpu.memref_slice %arg2[%dma_wait3A_445, %mul3A_2] : memref<26x16384xi32, #tpu.memory_space<hbm>> -> memref<1x512xi32, #tpu.memory_space<hbm>>
    %dma_wait3A_456 = tpu.memref_squeeze %dma_wait3A_455 : memref<1x512xi32, #tpu.memory_space<hbm>> -> memref<512xi32, #tpu.memory_space<hbm>>
    tpu.wait_dma2 semaphore(%arg32 : memref<!tpu.dma_semaphore, #tpu.memory_space<semaphore_mem>>) src(%dma_wait3A_456 : memref<512xi32, #tpu.memory_space<hbm>>) dst(%dma_wait3A_454 : memref<512xi32, #tpu.memory_space<vmem>>)
    %dma_wait3A_457 = arith.constant 12 : i32
    %dma_wait3A_458 = arith.constant 12 : i32
    %dma_wait3A_459 = arith.constant 0 : i32
    %dma_wait3A_460 = tpu.memref_slice %arg30[%dma_wait3A_458, %dma_wait3A_459] : memref<26x512xi32, #tpu.memory_space<vmem>> -> memref<1x512xi32, #tpu.memory_space<vmem>>
    %dma_wait3A_461 = tpu.memref_squeeze %dma_wait3A_460 : memref<1x512xi32, #tpu.memory_space<vmem>> -> memref<512xi32, #tpu.memory_space<vmem>>
    %dma_wait3A_462 = tpu.memref_slice %arg2[%dma_wait3A_457, %mul3A_2] : memref<26x16384xi32, #tpu.memory_space<hbm>> -> memref<1x512xi32, #tpu.memory_space<hbm>>
    %dma_wait3A_463 = tpu.memref_squeeze %dma_wait3A_462 : memref<1x512xi32, #tpu.memory_space<hbm>> -> memref<512xi32, #tpu.memory_space<hbm>>
    %dma_wait3A_464 = arith.constant 0 : i32
    %dma_wait3A_465 = tpu.memref_slice %arg30[%dma_wait3A_458, %dma_wait3A_464] : memref<26x512xi32, #tpu.memory_space<vmem>> -> memref<1x512xi32, #tpu.memory_space<vmem>>
    %dma_wait3A_466 = tpu.memref_squeeze %dma_wait3A_465 : memref<1x512xi32, #tpu.memory_space<vmem>> -> memref<512xi32, #tpu.memory_space<vmem>>
    %dma_wait3A_467 = tpu.memref_slice %arg2[%dma_wait3A_457, %mul3A_2] : memref<26x16384xi32, #tpu.memory_space<hbm>> -> memref<1x512xi32, #tpu.memory_space<hbm>>
    %dma_wait3A_468 = tpu.memref_squeeze %dma_wait3A_467 : memref<1x512xi32, #tpu.memory_space<hbm>> -> memref<512xi32, #tpu.memory_space<hbm>>
    tpu.wait_dma2 semaphore(%arg32 : memref<!tpu.dma_semaphore, #tpu.memory_space<semaphore_mem>>) src(%dma_wait3A_468 : memref<512xi32, #tpu.memory_space<hbm>>) dst(%dma_wait3A_466 : memref<512xi32, #tpu.memory_space<vmem>>)
    %dma_wait3A_469 = arith.constant 13 : i32
    %dma_wait3A_470 = arith.constant 13 : i32
    %dma_wait3A_471 = arith.constant 0 : i32
    %dma_wait3A_472 = tpu.memref_slice %arg30[%dma_wait3A_470, %dma_wait3A_471] : memref<26x512xi32, #tpu.memory_space<vmem>> -> memref<1x512xi32, #tpu.memory_space<vmem>>
    %dma_wait3A_473 = tpu.memref_squeeze %dma_wait3A_472 : memref<1x512xi32, #tpu.memory_space<vmem>> -> memref<512xi32, #tpu.memory_space<vmem>>
    %dma_wait3A_474 = tpu.memref_slice %arg2[%dma_wait3A_469, %mul3A_2] : memref<26x16384xi32, #tpu.memory_space<hbm>> -> memref<1x512xi32, #tpu.memory_space<hbm>>
    %dma_wait3A_475 = tpu.memref_squeeze %dma_wait3A_474 : memref<1x512xi32, #tpu.memory_space<hbm>> -> memref<512xi32, #tpu.memory_space<hbm>>
    %dma_wait3A_476 = arith.constant 0 : i32
    %dma_wait3A_477 = tpu.memref_slice %arg30[%dma_wait3A_470, %dma_wait3A_476] : memref<26x512xi32, #tpu.memory_space<vmem>> -> memref<1x512xi32, #tpu.memory_space<vmem>>
    %dma_wait3A_478 = tpu.memref_squeeze %dma_wait3A_477 : memref<1x512xi32, #tpu.memory_space<vmem>> -> memref<512xi32, #tpu.memory_space<vmem>>
    %dma_wait3A_479 = tpu.memref_slice %arg2[%dma_wait3A_469, %mul3A_2] : memref<26x16384xi32, #tpu.memory_space<hbm>> -> memref<1x512xi32, #tpu.memory_space<hbm>>
    %dma_wait3A_480 = tpu.memref_squeeze %dma_wait3A_479 : memref<1x512xi32, #tpu.memory_space<hbm>> -> memref<512xi32, #tpu.memory_space<hbm>>
    tpu.wait_dma2 semaphore(%arg32 : memref<!tpu.dma_semaphore, #tpu.memory_space<semaphore_mem>>) src(%dma_wait3A_480 : memref<512xi32, #tpu.memory_space<hbm>>) dst(%dma_wait3A_478 : memref<512xi32, #tpu.memory_space<vmem>>)
    %dma_wait3A_481 = arith.constant 14 : i32
    %dma_wait3A_482 = arith.constant 14 : i32
    %dma_wait3A_483 = arith.constant 0 : i32
    %dma_wait3A_484 = tpu.memref_slice %arg30[%dma_wait3A_482, %dma_wait3A_483] : memref<26x512xi32, #tpu.memory_space<vmem>> -> memref<1x512xi32, #tpu.memory_space<vmem>>
    %dma_wait3A_485 = tpu.memref_squeeze %dma_wait3A_484 : memref<1x512xi32, #tpu.memory_space<vmem>> -> memref<512xi32, #tpu.memory_space<vmem>>
    %dma_wait3A_486 = tpu.memref_slice %arg2[%dma_wait3A_481, %mul3A_2] : memref<26x16384xi32, #tpu.memory_space<hbm>> -> memref<1x512xi32, #tpu.memory_space<hbm>>
    %dma_wait3A_487 = tpu.memref_squeeze %dma_wait3A_486 : memref<1x512xi32, #tpu.memory_space<hbm>> -> memref<512xi32, #tpu.memory_space<hbm>>
    %dma_wait3A_488 = arith.constant 0 : i32
    %dma_wait3A_489 = tpu.memref_slice %arg30[%dma_wait3A_482, %dma_wait3A_488] : memref<26x512xi32, #tpu.memory_space<vmem>> -> memref<1x512xi32, #tpu.memory_space<vmem>>
    %dma_wait3A_490 = tpu.memref_squeeze %dma_wait3A_489 : memref<1x512xi32, #tpu.memory_space<vmem>> -> memref<512xi32, #tpu.memory_space<vmem>>
    %dma_wait3A_491 = tpu.memref_slice %arg2[%dma_wait3A_481, %mul3A_2] : memref<26x16384xi32, #tpu.memory_space<hbm>> -> memref<1x512xi32, #tpu.memory_space<hbm>>
    %dma_wait3A_492 = tpu.memref_squeeze %dma_wait3A_491 : memref<1x512xi32, #tpu.memory_space<hbm>> -> memref<512xi32, #tpu.memory_space<hbm>>
    tpu.wait_dma2 semaphore(%arg32 : memref<!tpu.dma_semaphore, #tpu.memory_space<semaphore_mem>>) src(%dma_wait3A_492 : memref<512xi32, #tpu.memory_space<hbm>>) dst(%dma_wait3A_490 : memref<512xi32, #tpu.memory_space<vmem>>)
    %dma_wait3A_493 = arith.constant 15 : i32
    %dma_wait3A_494 = arith.constant 15 : i32
    %dma_wait3A_495 = arith.constant 0 : i32
    %dma_wait3A_496 = tpu.memref_slice %arg30[%dma_wait3A_494, %dma_wait3A_495] : memref<26x512xi32, #tpu.memory_space<vmem>> -> memref<1x512xi32, #tpu.memory_space<vmem>>
    %dma_wait3A_497 = tpu.memref_squeeze %dma_wait3A_496 : memref<1x512xi32, #tpu.memory_space<vmem>> -> memref<512xi32, #tpu.memory_space<vmem>>
    %dma_wait3A_498 = tpu.memref_slice %arg2[%dma_wait3A_493, %mul3A_2] : memref<26x16384xi32, #tpu.memory_space<hbm>> -> memref<1x512xi32, #tpu.memory_space<hbm>>
    %dma_wait3A_499 = tpu.memref_squeeze %dma_wait3A_498 : memref<1x512xi32, #tpu.memory_space<hbm>> -> memref<512xi32, #tpu.memory_space<hbm>>
    %dma_wait3A_500 = arith.constant 0 : i32
    %dma_wait3A_501 = tpu.memref_slice %arg30[%dma_wait3A_494, %dma_wait3A_500] : memref<26x512xi32, #tpu.memory_space<vmem>> -> memref<1x512xi32, #tpu.memory_space<vmem>>
    %dma_wait3A_502 = tpu.memref_squeeze %dma_wait3A_501 : memref<1x512xi32, #tpu.memory_space<vmem>> -> memref<512xi32, #tpu.memory_space<vmem>>
    %dma_wait3A_503 = tpu.memref_slice %arg2[%dma_wait3A_493, %mul3A_2] : memref<26x16384xi32, #tpu.memory_space<hbm>> -> memref<1x512xi32, #tpu.memory_space<hbm>>
    %dma_wait3A_504 = tpu.memref_squeeze %dma_wait3A_503 : memref<1x512xi32, #tpu.memory_space<hbm>> -> memref<512xi32, #tpu.memory_space<hbm>>
    tpu.wait_dma2 semaphore(%arg32 : memref<!tpu.dma_semaphore, #tpu.memory_space<semaphore_mem>>) src(%dma_wait3A_504 : memref<512xi32, #tpu.memory_space<hbm>>) dst(%dma_wait3A_502 : memref<512xi32, #tpu.memory_space<vmem>>)
    %dma_wait3A_505 = arith.constant 16 : i32
    %dma_wait3A_506 = arith.constant 16 : i32
    %dma_wait3A_507 = arith.constant 0 : i32
    %dma_wait3A_508 = tpu.memref_slice %arg30[%dma_wait3A_506, %dma_wait3A_507] : memref<26x512xi32, #tpu.memory_space<vmem>> -> memref<1x512xi32, #tpu.memory_space<vmem>>
    %dma_wait3A_509 = tpu.memref_squeeze %dma_wait3A_508 : memref<1x512xi32, #tpu.memory_space<vmem>> -> memref<512xi32, #tpu.memory_space<vmem>>
    %dma_wait3A_510 = tpu.memref_slice %arg2[%dma_wait3A_505, %mul3A_2] : memref<26x16384xi32, #tpu.memory_space<hbm>> -> memref<1x512xi32, #tpu.memory_space<hbm>>
    %dma_wait3A_511 = tpu.memref_squeeze %dma_wait3A_510 : memref<1x512xi32, #tpu.memory_space<hbm>> -> memref<512xi32, #tpu.memory_space<hbm>>
    %dma_wait3A_512 = arith.constant 0 : i32
    %dma_wait3A_513 = tpu.memref_slice %arg30[%dma_wait3A_506, %dma_wait3A_512] : memref<26x512xi32, #tpu.memory_space<vmem>> -> memref<1x512xi32, #tpu.memory_space<vmem>>
    %dma_wait3A_514 = tpu.memref_squeeze %dma_wait3A_513 : memref<1x512xi32, #tpu.memory_space<vmem>> -> memref<512xi32, #tpu.memory_space<vmem>>
    %dma_wait3A_515 = tpu.memref_slice %arg2[%dma_wait3A_505, %mul3A_2] : memref<26x16384xi32, #tpu.memory_space<hbm>> -> memref<1x512xi32, #tpu.memory_space<hbm>>
    %dma_wait3A_516 = tpu.memref_squeeze %dma_wait3A_515 : memref<1x512xi32, #tpu.memory_space<hbm>> -> memref<512xi32, #tpu.memory_space<hbm>>
    tpu.wait_dma2 semaphore(%arg32 : memref<!tpu.dma_semaphore, #tpu.memory_space<semaphore_mem>>) src(%dma_wait3A_516 : memref<512xi32, #tpu.memory_space<hbm>>) dst(%dma_wait3A_514 : memref<512xi32, #tpu.memory_space<vmem>>)
    %dma_wait3A_517 = arith.constant 17 : i32
    %dma_wait3A_518 = arith.constant 17 : i32
    %dma_wait3A_519 = arith.constant 0 : i32
    %dma_wait3A_520 = tpu.memref_slice %arg30[%dma_wait3A_518, %dma_wait3A_519] : memref<26x512xi32, #tpu.memory_space<vmem>> -> memref<1x512xi32, #tpu.memory_space<vmem>>
    %dma_wait3A_521 = tpu.memref_squeeze %dma_wait3A_520 : memref<1x512xi32, #tpu.memory_space<vmem>> -> memref<512xi32, #tpu.memory_space<vmem>>
    %dma_wait3A_522 = tpu.memref_slice %arg2[%dma_wait3A_517, %mul3A_2] : memref<26x16384xi32, #tpu.memory_space<hbm>> -> memref<1x512xi32, #tpu.memory_space<hbm>>
    %dma_wait3A_523 = tpu.memref_squeeze %dma_wait3A_522 : memref<1x512xi32, #tpu.memory_space<hbm>> -> memref<512xi32, #tpu.memory_space<hbm>>
    %dma_wait3A_524 = arith.constant 0 : i32
    %dma_wait3A_525 = tpu.memref_slice %arg30[%dma_wait3A_518, %dma_wait3A_524] : memref<26x512xi32, #tpu.memory_space<vmem>> -> memref<1x512xi32, #tpu.memory_space<vmem>>
    %dma_wait3A_526 = tpu.memref_squeeze %dma_wait3A_525 : memref<1x512xi32, #tpu.memory_space<vmem>> -> memref<512xi32, #tpu.memory_space<vmem>>
    %dma_wait3A_527 = tpu.memref_slice %arg2[%dma_wait3A_517, %mul3A_2] : memref<26x16384xi32, #tpu.memory_space<hbm>> -> memref<1x512xi32, #tpu.memory_space<hbm>>
    %dma_wait3A_528 = tpu.memref_squeeze %dma_wait3A_527 : memref<1x512xi32, #tpu.memory_space<hbm>> -> memref<512xi32, #tpu.memory_space<hbm>>
    tpu.wait_dma2 semaphore(%arg32 : memref<!tpu.dma_semaphore, #tpu.memory_space<semaphore_mem>>) src(%dma_wait3A_528 : memref<512xi32, #tpu.memory_space<hbm>>) dst(%dma_wait3A_526 : memref<512xi32, #tpu.memory_space<vmem>>)
    %dma_wait3A_529 = arith.constant 18 : i32
    %dma_wait3A_530 = arith.constant 18 : i32
    %dma_wait3A_531 = arith.constant 0 : i32
    %dma_wait3A_532 = tpu.memref_slice %arg30[%dma_wait3A_530, %dma_wait3A_531] : memref<26x512xi32, #tpu.memory_space<vmem>> -> memref<1x512xi32, #tpu.memory_space<vmem>>
    %dma_wait3A_533 = tpu.memref_squeeze %dma_wait3A_532 : memref<1x512xi32, #tpu.memory_space<vmem>> -> memref<512xi32, #tpu.memory_space<vmem>>
    %dma_wait3A_534 = tpu.memref_slice %arg2[%dma_wait3A_529, %mul3A_2] : memref<26x16384xi32, #tpu.memory_space<hbm>> -> memref<1x512xi32, #tpu.memory_space<hbm>>
    %dma_wait3A_535 = tpu.memref_squeeze %dma_wait3A_534 : memref<1x512xi32, #tpu.memory_space<hbm>> -> memref<512xi32, #tpu.memory_space<hbm>>
    %dma_wait3A_536 = arith.constant 0 : i32
    %dma_wait3A_537 = tpu.memref_slice %arg30[%dma_wait3A_530, %dma_wait3A_536] : memref<26x512xi32, #tpu.memory_space<vmem>> -> memref<1x512xi32, #tpu.memory_space<vmem>>
    %dma_wait3A_538 = tpu.memref_squeeze %dma_wait3A_537 : memref<1x512xi32, #tpu.memory_space<vmem>> -> memref<512xi32, #tpu.memory_space<vmem>>
    %dma_wait3A_539 = tpu.memref_slice %arg2[%dma_wait3A_529, %mul3A_2] : memref<26x16384xi32, #tpu.memory_space<hbm>> -> memref<1x512xi32, #tpu.memory_space<hbm>>
    %dma_wait3A_540 = tpu.memref_squeeze %dma_wait3A_539 : memref<1x512xi32, #tpu.memory_space<hbm>> -> memref<512xi32, #tpu.memory_space<hbm>>
    tpu.wait_dma2 semaphore(%arg32 : memref<!tpu.dma_semaphore, #tpu.memory_space<semaphore_mem>>) src(%dma_wait3A_540 : memref<512xi32, #tpu.memory_space<hbm>>) dst(%dma_wait3A_538 : memref<512xi32, #tpu.memory_space<vmem>>)
    %dma_wait3A_541 = arith.constant 19 : i32
    %dma_wait3A_542 = arith.constant 19 : i32
    %dma_wait3A_543 = arith.constant 0 : i32
    %dma_wait3A_544 = tpu.memref_slice %arg30[%dma_wait3A_542, %dma_wait3A_543] : memref<26x512xi32, #tpu.memory_space<vmem>> -> memref<1x512xi32, #tpu.memory_space<vmem>>
    %dma_wait3A_545 = tpu.memref_squeeze %dma_wait3A_544 : memref<1x512xi32, #tpu.memory_space<vmem>> -> memref<512xi32, #tpu.memory_space<vmem>>
    %dma_wait3A_546 = tpu.memref_slice %arg2[%dma_wait3A_541, %mul3A_2] : memref<26x16384xi32, #tpu.memory_space<hbm>> -> memref<1x512xi32, #tpu.memory_space<hbm>>
    %dma_wait3A_547 = tpu.memref_squeeze %dma_wait3A_546 : memref<1x512xi32, #tpu.memory_space<hbm>> -> memref<512xi32, #tpu.memory_space<hbm>>
    %dma_wait3A_548 = arith.constant 0 : i32
    %dma_wait3A_549 = tpu.memref_slice %arg30[%dma_wait3A_542, %dma_wait3A_548] : memref<26x512xi32, #tpu.memory_space<vmem>> -> memref<1x512xi32, #tpu.memory_space<vmem>>
    %dma_wait3A_550 = tpu.memref_squeeze %dma_wait3A_549 : memref<1x512xi32, #tpu.memory_space<vmem>> -> memref<512xi32, #tpu.memory_space<vmem>>
    %dma_wait3A_551 = tpu.memref_slice %arg2[%dma_wait3A_541, %mul3A_2] : memref<26x16384xi32, #tpu.memory_space<hbm>> -> memref<1x512xi32, #tpu.memory_space<hbm>>
    %dma_wait3A_552 = tpu.memref_squeeze %dma_wait3A_551 : memref<1x512xi32, #tpu.memory_space<hbm>> -> memref<512xi32, #tpu.memory_space<hbm>>
    tpu.wait_dma2 semaphore(%arg32 : memref<!tpu.dma_semaphore, #tpu.memory_space<semaphore_mem>>) src(%dma_wait3A_552 : memref<512xi32, #tpu.memory_space<hbm>>) dst(%dma_wait3A_550 : memref<512xi32, #tpu.memory_space<vmem>>)
    %dma_wait3A_553 = arith.constant 20 : i32
    %dma_wait3A_554 = arith.constant 20 : i32
    %dma_wait3A_555 = arith.constant 0 : i32
    %dma_wait3A_556 = tpu.memref_slice %arg30[%dma_wait3A_554, %dma_wait3A_555] : memref<26x512xi32, #tpu.memory_space<vmem>> -> memref<1x512xi32, #tpu.memory_space<vmem>>
    %dma_wait3A_557 = tpu.memref_squeeze %dma_wait3A_556 : memref<1x512xi32, #tpu.memory_space<vmem>> -> memref<512xi32, #tpu.memory_space<vmem>>
    %dma_wait3A_558 = tpu.memref_slice %arg2[%dma_wait3A_553, %mul3A_2] : memref<26x16384xi32, #tpu.memory_space<hbm>> -> memref<1x512xi32, #tpu.memory_space<hbm>>
    %dma_wait3A_559 = tpu.memref_squeeze %dma_wait3A_558 : memref<1x512xi32, #tpu.memory_space<hbm>> -> memref<512xi32, #tpu.memory_space<hbm>>
    %dma_wait3A_560 = arith.constant 0 : i32
    %dma_wait3A_561 = tpu.memref_slice %arg30[%dma_wait3A_554, %dma_wait3A_560] : memref<26x512xi32, #tpu.memory_space<vmem>> -> memref<1x512xi32, #tpu.memory_space<vmem>>
    %dma_wait3A_562 = tpu.memref_squeeze %dma_wait3A_561 : memref<1x512xi32, #tpu.memory_space<vmem>> -> memref<512xi32, #tpu.memory_space<vmem>>
    %dma_wait3A_563 = tpu.memref_slice %arg2[%dma_wait3A_553, %mul3A_2] : memref<26x16384xi32, #tpu.memory_space<hbm>> -> memref<1x512xi32, #tpu.memory_space<hbm>>
    %dma_wait3A_564 = tpu.memref_squeeze %dma_wait3A_563 : memref<1x512xi32, #tpu.memory_space<hbm>> -> memref<512xi32, #tpu.memory_space<hbm>>
    tpu.wait_dma2 semaphore(%arg32 : memref<!tpu.dma_semaphore, #tpu.memory_space<semaphore_mem>>) src(%dma_wait3A_564 : memref<512xi32, #tpu.memory_space<hbm>>) dst(%dma_wait3A_562 : memref<512xi32, #tpu.memory_space<vmem>>)
    %dma_wait3A_565 = arith.constant 21 : i32
    %dma_wait3A_566 = arith.constant 21 : i32
    %dma_wait3A_567 = arith.constant 0 : i32
    %dma_wait3A_568 = tpu.memref_slice %arg30[%dma_wait3A_566, %dma_wait3A_567] : memref<26x512xi32, #tpu.memory_space<vmem>> -> memref<1x512xi32, #tpu.memory_space<vmem>>
    %dma_wait3A_569 = tpu.memref_squeeze %dma_wait3A_568 : memref<1x512xi32, #tpu.memory_space<vmem>> -> memref<512xi32, #tpu.memory_space<vmem>>
    %dma_wait3A_570 = tpu.memref_slice %arg2[%dma_wait3A_565, %mul3A_2] : memref<26x16384xi32, #tpu.memory_space<hbm>> -> memref<1x512xi32, #tpu.memory_space<hbm>>
    %dma_wait3A_571 = tpu.memref_squeeze %dma_wait3A_570 : memref<1x512xi32, #tpu.memory_space<hbm>> -> memref<512xi32, #tpu.memory_space<hbm>>
    %dma_wait3A_572 = arith.constant 0 : i32
    %dma_wait3A_573 = tpu.memref_slice %arg30[%dma_wait3A_566, %dma_wait3A_572] : memref<26x512xi32, #tpu.memory_space<vmem>> -> memref<1x512xi32, #tpu.memory_space<vmem>>
    %dma_wait3A_574 = tpu.memref_squeeze %dma_wait3A_573 : memref<1x512xi32, #tpu.memory_space<vmem>> -> memref<512xi32, #tpu.memory_space<vmem>>
    %dma_wait3A_575 = tpu.memref_slice %arg2[%dma_wait3A_565, %mul3A_2] : memref<26x16384xi32, #tpu.memory_space<hbm>> -> memref<1x512xi32, #tpu.memory_space<hbm>>
    %dma_wait3A_576 = tpu.memref_squeeze %dma_wait3A_575 : memref<1x512xi32, #tpu.memory_space<hbm>> -> memref<512xi32, #tpu.memory_space<hbm>>
    tpu.wait_dma2 semaphore(%arg32 : memref<!tpu.dma_semaphore, #tpu.memory_space<semaphore_mem>>) src(%dma_wait3A_576 : memref<512xi32, #tpu.memory_space<hbm>>) dst(%dma_wait3A_574 : memref<512xi32, #tpu.memory_space<vmem>>)
    %dma_wait3A_577 = arith.constant 22 : i32
    %dma_wait3A_578 = arith.constant 22 : i32
    %dma_wait3A_579 = arith.constant 0 : i32
    %dma_wait3A_580 = tpu.memref_slice %arg30[%dma_wait3A_578, %dma_wait3A_579] : memref<26x512xi32, #tpu.memory_space<vmem>> -> memref<1x512xi32, #tpu.memory_space<vmem>>
    %dma_wait3A_581 = tpu.memref_squeeze %dma_wait3A_580 : memref<1x512xi32, #tpu.memory_space<vmem>> -> memref<512xi32, #tpu.memory_space<vmem>>
    %dma_wait3A_582 = tpu.memref_slice %arg2[%dma_wait3A_577, %mul3A_2] : memref<26x16384xi32, #tpu.memory_space<hbm>> -> memref<1x512xi32, #tpu.memory_space<hbm>>
    %dma_wait3A_583 = tpu.memref_squeeze %dma_wait3A_582 : memref<1x512xi32, #tpu.memory_space<hbm>> -> memref<512xi32, #tpu.memory_space<hbm>>
    %dma_wait3A_584 = arith.constant 0 : i32
    %dma_wait3A_585 = tpu.memref_slice %arg30[%dma_wait3A_578, %dma_wait3A_584] : memref<26x512xi32, #tpu.memory_space<vmem>> -> memref<1x512xi32, #tpu.memory_space<vmem>>
    %dma_wait3A_586 = tpu.memref_squeeze %dma_wait3A_585 : memref<1x512xi32, #tpu.memory_space<vmem>> -> memref<512xi32, #tpu.memory_space<vmem>>
    %dma_wait3A_587 = tpu.memref_slice %arg2[%dma_wait3A_577, %mul3A_2] : memref<26x16384xi32, #tpu.memory_space<hbm>> -> memref<1x512xi32, #tpu.memory_space<hbm>>
    %dma_wait3A_588 = tpu.memref_squeeze %dma_wait3A_587 : memref<1x512xi32, #tpu.memory_space<hbm>> -> memref<512xi32, #tpu.memory_space<hbm>>
    tpu.wait_dma2 semaphore(%arg32 : memref<!tpu.dma_semaphore, #tpu.memory_space<semaphore_mem>>) src(%dma_wait3A_588 : memref<512xi32, #tpu.memory_space<hbm>>) dst(%dma_wait3A_586 : memref<512xi32, #tpu.memory_space<vmem>>)
    %dma_wait3A_589 = arith.constant 23 : i32
    %dma_wait3A_590 = arith.constant 23 : i32
    %dma_wait3A_591 = arith.constant 0 : i32
    %dma_wait3A_592 = tpu.memref_slice %arg30[%dma_wait3A_590, %dma_wait3A_591] : memref<26x512xi32, #tpu.memory_space<vmem>> -> memref<1x512xi32, #tpu.memory_space<vmem>>
    %dma_wait3A_593 = tpu.memref_squeeze %dma_wait3A_592 : memref<1x512xi32, #tpu.memory_space<vmem>> -> memref<512xi32, #tpu.memory_space<vmem>>
    %dma_wait3A_594 = tpu.memref_slice %arg2[%dma_wait3A_589, %mul3A_2] : memref<26x16384xi32, #tpu.memory_space<hbm>> -> memref<1x512xi32, #tpu.memory_space<hbm>>
    %dma_wait3A_595 = tpu.memref_squeeze %dma_wait3A_594 : memref<1x512xi32, #tpu.memory_space<hbm>> -> memref<512xi32, #tpu.memory_space<hbm>>
    %dma_wait3A_596 = arith.constant 0 : i32
    %dma_wait3A_597 = tpu.memref_slice %arg30[%dma_wait3A_590, %dma_wait3A_596] : memref<26x512xi32, #tpu.memory_space<vmem>> -> memref<1x512xi32, #tpu.memory_space<vmem>>
    %dma_wait3A_598 = tpu.memref_squeeze %dma_wait3A_597 : memref<1x512xi32, #tpu.memory_space<vmem>> -> memref<512xi32, #tpu.memory_space<vmem>>
    %dma_wait3A_599 = tpu.memref_slice %arg2[%dma_wait3A_589, %mul3A_2] : memref<26x16384xi32, #tpu.memory_space<hbm>> -> memref<1x512xi32, #tpu.memory_space<hbm>>
    %dma_wait3A_600 = tpu.memref_squeeze %dma_wait3A_599 : memref<1x512xi32, #tpu.memory_space<hbm>> -> memref<512xi32, #tpu.memory_space<hbm>>
    tpu.wait_dma2 semaphore(%arg32 : memref<!tpu.dma_semaphore, #tpu.memory_space<semaphore_mem>>) src(%dma_wait3A_600 : memref<512xi32, #tpu.memory_space<hbm>>) dst(%dma_wait3A_598 : memref<512xi32, #tpu.memory_space<vmem>>)
    %dma_wait3A_601 = arith.constant 24 : i32
    %dma_wait3A_602 = arith.constant 24 : i32
    %dma_wait3A_603 = arith.constant 0 : i32
    %dma_wait3A_604 = tpu.memref_slice %arg30[%dma_wait3A_602, %dma_wait3A_603] : memref<26x512xi32, #tpu.memory_space<vmem>> -> memref<1x512xi32, #tpu.memory_space<vmem>>
    %dma_wait3A_605 = tpu.memref_squeeze %dma_wait3A_604 : memref<1x512xi32, #tpu.memory_space<vmem>> -> memref<512xi32, #tpu.memory_space<vmem>>
    %dma_wait3A_606 = tpu.memref_slice %arg2[%dma_wait3A_601, %mul3A_2] : memref<26x16384xi32, #tpu.memory_space<hbm>> -> memref<1x512xi32, #tpu.memory_space<hbm>>
    %dma_wait3A_607 = tpu.memref_squeeze %dma_wait3A_606 : memref<1x512xi32, #tpu.memory_space<hbm>> -> memref<512xi32, #tpu.memory_space<hbm>>
    %dma_wait3A_608 = arith.constant 0 : i32
    %dma_wait3A_609 = tpu.memref_slice %arg30[%dma_wait3A_602, %dma_wait3A_608] : memref<26x512xi32, #tpu.memory_space<vmem>> -> memref<1x512xi32, #tpu.memory_space<vmem>>
    %dma_wait3A_610 = tpu.memref_squeeze %dma_wait3A_609 : memref<1x512xi32, #tpu.memory_space<vmem>> -> memref<512xi32, #tpu.memory_space<vmem>>
    %dma_wait3A_611 = tpu.memref_slice %arg2[%dma_wait3A_601, %mul3A_2] : memref<26x16384xi32, #tpu.memory_space<hbm>> -> memref<1x512xi32, #tpu.memory_space<hbm>>
    %dma_wait3A_612 = tpu.memref_squeeze %dma_wait3A_611 : memref<1x512xi32, #tpu.memory_space<hbm>> -> memref<512xi32, #tpu.memory_space<hbm>>
    tpu.wait_dma2 semaphore(%arg32 : memref<!tpu.dma_semaphore, #tpu.memory_space<semaphore_mem>>) src(%dma_wait3A_612 : memref<512xi32, #tpu.memory_space<hbm>>) dst(%dma_wait3A_610 : memref<512xi32, #tpu.memory_space<vmem>>)
    %dma_wait3A_613 = arith.constant 25 : i32
    %dma_wait3A_614 = arith.constant 25 : i32
    %dma_wait3A_615 = arith.constant 0 : i32
    %dma_wait3A_616 = tpu.memref_slice %arg30[%dma_wait3A_614, %dma_wait3A_615] : memref<26x512xi32, #tpu.memory_space<vmem>> -> memref<1x512xi32, #tpu.memory_space<vmem>>
    %dma_wait3A_617 = tpu.memref_squeeze %dma_wait3A_616 : memref<1x512xi32, #tpu.memory_space<vmem>> -> memref<512xi32, #tpu.memory_space<vmem>>
    %dma_wait3A_618 = tpu.memref_slice %arg2[%dma_wait3A_613, %mul3A_2] : memref<26x16384xi32, #tpu.memory_space<hbm>> -> memref<1x512xi32, #tpu.memory_space<hbm>>
    %dma_wait3A_619 = tpu.memref_squeeze %dma_wait3A_618 : memref<1x512xi32, #tpu.memory_space<hbm>> -> memref<512xi32, #tpu.memory_space<hbm>>
    %dma_wait3A_620 = arith.constant 0 : i32
    %dma_wait3A_621 = tpu.memref_slice %arg30[%dma_wait3A_614, %dma_wait3A_620] : memref<26x512xi32, #tpu.memory_space<vmem>> -> memref<1x512xi32, #tpu.memory_space<vmem>>
    %dma_wait3A_622 = tpu.memref_squeeze %dma_wait3A_621 : memref<1x512xi32, #tpu.memory_space<vmem>> -> memref<512xi32, #tpu.memory_space<vmem>>
    %dma_wait3A_623 = tpu.memref_slice %arg2[%dma_wait3A_613, %mul3A_2] : memref<26x16384xi32, #tpu.memory_space<hbm>> -> memref<1x512xi32, #tpu.memory_space<hbm>>
    %dma_wait3A_624 = tpu.memref_squeeze %dma_wait3A_623 : memref<1x512xi32, #tpu.memory_space<hbm>> -> memref<512xi32, #tpu.memory_space<hbm>>
    tpu.wait_dma2 semaphore(%arg32 : memref<!tpu.dma_semaphore, #tpu.memory_space<semaphore_mem>>) src(%dma_wait3A_624 : memref<512xi32, #tpu.memory_space<hbm>>) dst(%dma_wait3A_622 : memref<512xi32, #tpu.memory_space<vmem>>)
    %dma_start3A_625 = arith.constant 0 : i32
    %dma_start3A_626 = arith.constant 0 : i32
    %dma_start3A_627 = arith.constant 0 : i32
    %dma_start3A_628 = arith.constant 0 : i32
    %dma_start3A_629 = tpu.memref_slice %arg31[%dma_start3A_626, %dma_start3A_627, %dma_start3A_628] : memref<4x512x32xf32, #tpu.memory_space<vmem>> -> memref<1x512x32xf32, #tpu.memory_space<vmem>>
    %dma_start3A_630 = tpu.memref_squeeze %dma_start3A_629 : memref<1x512x32xf32, #tpu.memory_space<vmem>> -> memref<512x32xf32, #tpu.memory_space<vmem>>
    %dma_start3A_631 = arith.constant 0 : i32
    %dma_start3A_632 = tpu.memref_slice %arg30[%dma_start3A_625, %dma_start3A_631] : memref<26x512xi32, #tpu.memory_space<vmem>> -> memref<1x512xi32, #tpu.memory_space<vmem>>
    %dma_start3A_633 = tpu.memref_squeeze %dma_start3A_632 : memref<1x512xi32, #tpu.memory_space<vmem>> -> memref<512xi32, #tpu.memory_space<vmem>>
    %dma_start3A_634 = arith.constant 0 : i32
    %dma_start3A_635 = arith.constant 0 : i32
    %dma_start3A_636 = tpu.memref_slice %arg3[%dma_start3A_634, %dma_start3A_635] : memref<100000x32xf32, #tpu.memory_space<hbm>> -> memref<100000x32xf32, #tpu.memory_space<hbm>>
    tpu.enqueue_indirect_dma source(%dma_start3A_636 : memref<100000x32xf32, #tpu.memory_space<hbm>>) target(%dma_start3A_630 : memref<512x32xf32, #tpu.memory_space<vmem>>) offsets(%dma_start3A_633 : memref<512xi32, #tpu.memory_space<vmem>>) semaphore(%arg33 : memref<!tpu.dma_semaphore, #tpu.memory_space<semaphore_mem>>)
    %dma_start3A_637 = arith.constant 1 : i32
    %dma_start3A_638 = arith.constant 1 : i32
    %dma_start3A_639 = arith.constant 0 : i32
    %dma_start3A_640 = arith.constant 0 : i32
    %dma_start3A_641 = tpu.memref_slice %arg31[%dma_start3A_638, %dma_start3A_639, %dma_start3A_640] : memref<4x512x32xf32, #tpu.memory_space<vmem>> -> memref<1x512x32xf32, #tpu.memory_space<vmem>>
    %dma_start3A_642 = tpu.memref_squeeze %dma_start3A_641 : memref<1x512x32xf32, #tpu.memory_space<vmem>> -> memref<512x32xf32, #tpu.memory_space<vmem>>
    %dma_start3A_643 = arith.constant 0 : i32
    %dma_start3A_644 = tpu.memref_slice %arg30[%dma_start3A_637, %dma_start3A_643] : memref<26x512xi32, #tpu.memory_space<vmem>> -> memref<1x512xi32, #tpu.memory_space<vmem>>
    %dma_start3A_645 = tpu.memref_squeeze %dma_start3A_644 : memref<1x512xi32, #tpu.memory_space<vmem>> -> memref<512xi32, #tpu.memory_space<vmem>>
    %dma_start3A_646 = arith.constant 0 : i32
    %dma_start3A_647 = arith.constant 0 : i32
    %dma_start3A_648 = tpu.memref_slice %arg4[%dma_start3A_646, %dma_start3A_647] : memref<100000x32xf32, #tpu.memory_space<hbm>> -> memref<100000x32xf32, #tpu.memory_space<hbm>>
    tpu.enqueue_indirect_dma source(%dma_start3A_648 : memref<100000x32xf32, #tpu.memory_space<hbm>>) target(%dma_start3A_642 : memref<512x32xf32, #tpu.memory_space<vmem>>) offsets(%dma_start3A_645 : memref<512xi32, #tpu.memory_space<vmem>>) semaphore(%arg34 : memref<!tpu.dma_semaphore, #tpu.memory_space<semaphore_mem>>)
    %dma_start3A_649 = arith.constant 2 : i32
    %dma_start3A_650 = arith.constant 2 : i32
    %dma_start3A_651 = arith.constant 0 : i32
    %dma_start3A_652 = arith.constant 0 : i32
    %dma_start3A_653 = tpu.memref_slice %arg31[%dma_start3A_650, %dma_start3A_651, %dma_start3A_652] : memref<4x512x32xf32, #tpu.memory_space<vmem>> -> memref<1x512x32xf32, #tpu.memory_space<vmem>>
    %dma_start3A_654 = tpu.memref_squeeze %dma_start3A_653 : memref<1x512x32xf32, #tpu.memory_space<vmem>> -> memref<512x32xf32, #tpu.memory_space<vmem>>
    %dma_start3A_655 = arith.constant 0 : i32
    %dma_start3A_656 = tpu.memref_slice %arg30[%dma_start3A_649, %dma_start3A_655] : memref<26x512xi32, #tpu.memory_space<vmem>> -> memref<1x512xi32, #tpu.memory_space<vmem>>
    %dma_start3A_657 = tpu.memref_squeeze %dma_start3A_656 : memref<1x512xi32, #tpu.memory_space<vmem>> -> memref<512xi32, #tpu.memory_space<vmem>>
    %dma_start3A_658 = arith.constant 0 : i32
    %dma_start3A_659 = arith.constant 0 : i32
    %dma_start3A_660 = tpu.memref_slice %arg5[%dma_start3A_658, %dma_start3A_659] : memref<100000x32xf32, #tpu.memory_space<hbm>> -> memref<100000x32xf32, #tpu.memory_space<hbm>>
    tpu.enqueue_indirect_dma source(%dma_start3A_660 : memref<100000x32xf32, #tpu.memory_space<hbm>>) target(%dma_start3A_654 : memref<512x32xf32, #tpu.memory_space<vmem>>) offsets(%dma_start3A_657 : memref<512xi32, #tpu.memory_space<vmem>>) semaphore(%arg35 : memref<!tpu.dma_semaphore, #tpu.memory_space<semaphore_mem>>)
    %dma_start3A_661 = arith.constant 3 : i32
    %dma_start3A_662 = arith.constant 3 : i32
    %dma_start3A_663 = arith.constant 0 : i32
    %dma_start3A_664 = arith.constant 0 : i32
    %dma_start3A_665 = tpu.memref_slice %arg31[%dma_start3A_662, %dma_start3A_663, %dma_start3A_664] : memref<4x512x32xf32, #tpu.memory_space<vmem>> -> memref<1x512x32xf32, #tpu.memory_space<vmem>>
    %dma_start3A_666 = tpu.memref_squeeze %dma_start3A_665 : memref<1x512x32xf32, #tpu.memory_space<vmem>> -> memref<512x32xf32, #tpu.memory_space<vmem>>
    %dma_start3A_667 = arith.constant 0 : i32
    %dma_start3A_668 = tpu.memref_slice %arg30[%dma_start3A_661, %dma_start3A_667] : memref<26x512xi32, #tpu.memory_space<vmem>> -> memref<1x512xi32, #tpu.memory_space<vmem>>
    %dma_start3A_669 = tpu.memref_squeeze %dma_start3A_668 : memref<1x512xi32, #tpu.memory_space<vmem>> -> memref<512xi32, #tpu.memory_space<vmem>>
    %dma_start3A_670 = arith.constant 0 : i32
    %dma_start3A_671 = arith.constant 0 : i32
    %dma_start3A_672 = tpu.memref_slice %arg6[%dma_start3A_670, %dma_start3A_671] : memref<100000x32xf32, #tpu.memory_space<hbm>> -> memref<100000x32xf32, #tpu.memory_space<hbm>>
    tpu.enqueue_indirect_dma source(%dma_start3A_672 : memref<100000x32xf32, #tpu.memory_space<hbm>>) target(%dma_start3A_666 : memref<512x32xf32, #tpu.memory_space<vmem>>) offsets(%dma_start3A_669 : memref<512xi32, #tpu.memory_space<vmem>>) semaphore(%arg36 : memref<!tpu.dma_semaphore, #tpu.memory_space<semaphore_mem>>)
    %dma_wait3A_673 = arith.constant 0 : i32
    %dma_wait3A_674 = arith.constant 0 : i32
    %dma_wait3A_675 = arith.constant 0 : i32
    %dma_wait3A_676 = arith.constant 0 : i32
    %dma_wait3A_677 = tpu.memref_slice %arg31[%dma_wait3A_674, %dma_wait3A_675, %dma_wait3A_676] : memref<4x512x32xf32, #tpu.memory_space<vmem>> -> memref<1x512x32xf32, #tpu.memory_space<vmem>>
    %dma_wait3A_678 = tpu.memref_squeeze %dma_wait3A_677 : memref<1x512x32xf32, #tpu.memory_space<vmem>> -> memref<512x32xf32, #tpu.memory_space<vmem>>
    %dma_wait3A_679 = arith.constant 0 : i32
    %dma_wait3A_680 = tpu.memref_slice %arg30[%dma_wait3A_673, %dma_wait3A_679] : memref<26x512xi32, #tpu.memory_space<vmem>> -> memref<1x512xi32, #tpu.memory_space<vmem>>
    %dma_wait3A_681 = tpu.memref_squeeze %dma_wait3A_680 : memref<1x512xi32, #tpu.memory_space<vmem>> -> memref<512xi32, #tpu.memory_space<vmem>>
    %dma_wait3A_682 = arith.constant 0 : i32
    %dma_wait3A_683 = arith.constant 0 : i32
    %dma_wait3A_684 = tpu.memref_slice %arg3[%dma_wait3A_682, %dma_wait3A_683] : memref<100000x32xf32, #tpu.memory_space<hbm>> -> memref<100000x32xf32, #tpu.memory_space<hbm>>
    tpu.wait_indirect_dma semaphore(%arg33 : memref<!tpu.dma_semaphore, #tpu.memory_space<semaphore_mem>>) src(%dma_wait3A_684 : memref<100000x32xf32, #tpu.memory_space<hbm>>) dst(%dma_wait3A_678 : memref<512x32xf32, #tpu.memory_space<vmem>>)
    %dma_start3A_685 = arith.constant 0 : i32
    %dma_start3A_686 = arith.constant 0 : i32
    %dma_start3A_687 = arith.constant 0 : i32
    %dma_start3A_688 = arith.constant 0 : i32
    %dma_start3A_689 = tpu.memref_slice %arg31[%dma_start3A_685, %dma_start3A_687, %dma_start3A_688] : memref<4x512x32xf32, #tpu.memory_space<vmem>> -> memref<1x512x32xf32, #tpu.memory_space<vmem>>
    %dma_start3A_690 = tpu.memref_squeeze %dma_start3A_689 : memref<1x512x32xf32, #tpu.memory_space<vmem>> -> memref<512x32xf32, #tpu.memory_space<vmem>>
    %dma_start3A_691 = arith.constant 0 : i32
    %dma_start3A_692 = tpu.memref_slice %arg29[%mul3A_2, %dma_start3A_686, %dma_start3A_691] : memref<16384x26x32xf32, #tpu.memory_space<hbm>> -> memref<512x1x32xf32, #tpu.memory_space<hbm>>
    %dma_start3A_693 = tpu.memref_squeeze %dma_start3A_692 : memref<512x1x32xf32, #tpu.memory_space<hbm>> -> memref<512x32xf32, #tpu.memory_space<hbm>>
    %dma_start3A_694 = arith.constant 0 : i32
    %dma_start3A_695 = tpu.memref_slice %arg29[%mul3A_2, %dma_start3A_686, %dma_start3A_694] : memref<16384x26x32xf32, #tpu.memory_space<hbm>> -> memref<512x1x32xf32, #tpu.memory_space<hbm>>
    %dma_start3A_696 = tpu.memref_squeeze %dma_start3A_695 : memref<512x1x32xf32, #tpu.memory_space<hbm>> -> memref<512x32xf32, #tpu.memory_space<hbm>>
    %dma_start3A_697 = arith.constant 0 : i32
    %dma_start3A_698 = arith.constant 0 : i32
    %dma_start3A_699 = tpu.memref_slice %arg31[%dma_start3A_685, %dma_start3A_697, %dma_start3A_698] : memref<4x512x32xf32, #tpu.memory_space<vmem>> -> memref<1x512x32xf32, #tpu.memory_space<vmem>>
    %dma_start3A_700 = tpu.memref_squeeze %dma_start3A_699 : memref<1x512x32xf32, #tpu.memory_space<vmem>> -> memref<512x32xf32, #tpu.memory_space<vmem>>
    tpu.enqueue_dma source(%dma_start3A_700 : memref<512x32xf32, #tpu.memory_space<vmem>>) target(%dma_start3A_696 : memref<512x32xf32, #tpu.memory_space<hbm>>) target_semaphore(%arg37 : memref<!tpu.dma_semaphore, #tpu.memory_space<semaphore_mem>>)
    %dma_wait3A_701 = arith.constant 0 : i32
    %dma_wait3A_702 = arith.constant 0 : i32
    %dma_wait3A_703 = arith.constant 0 : i32
    %dma_wait3A_704 = arith.constant 0 : i32
    %dma_wait3A_705 = tpu.memref_slice %arg31[%dma_wait3A_701, %dma_wait3A_703, %dma_wait3A_704] : memref<4x512x32xf32, #tpu.memory_space<vmem>> -> memref<1x512x32xf32, #tpu.memory_space<vmem>>
    %dma_wait3A_706 = tpu.memref_squeeze %dma_wait3A_705 : memref<1x512x32xf32, #tpu.memory_space<vmem>> -> memref<512x32xf32, #tpu.memory_space<vmem>>
    %dma_wait3A_707 = arith.constant 0 : i32
    %dma_wait3A_708 = tpu.memref_slice %arg29[%mul3A_2, %dma_wait3A_702, %dma_wait3A_707] : memref<16384x26x32xf32, #tpu.memory_space<hbm>> -> memref<512x1x32xf32, #tpu.memory_space<hbm>>
    %dma_wait3A_709 = tpu.memref_squeeze %dma_wait3A_708 : memref<512x1x32xf32, #tpu.memory_space<hbm>> -> memref<512x32xf32, #tpu.memory_space<hbm>>
    %dma_wait3A_710 = arith.constant 0 : i32
    %dma_wait3A_711 = tpu.memref_slice %arg29[%mul3A_2, %dma_wait3A_702, %dma_wait3A_710] : memref<16384x26x32xf32, #tpu.memory_space<hbm>> -> memref<512x1x32xf32, #tpu.memory_space<hbm>>
    %dma_wait3A_712 = tpu.memref_squeeze %dma_wait3A_711 : memref<512x1x32xf32, #tpu.memory_space<hbm>> -> memref<512x32xf32, #tpu.memory_space<hbm>>
    %dma_wait3A_713 = arith.constant 0 : i32
    %dma_wait3A_714 = arith.constant 0 : i32
    %dma_wait3A_715 = tpu.memref_slice %arg31[%dma_wait3A_701, %dma_wait3A_713, %dma_wait3A_714] : memref<4x512x32xf32, #tpu.memory_space<vmem>> -> memref<1x512x32xf32, #tpu.memory_space<vmem>>
    %dma_wait3A_716 = tpu.memref_squeeze %dma_wait3A_715 : memref<1x512x32xf32, #tpu.memory_space<vmem>> -> memref<512x32xf32, #tpu.memory_space<vmem>>
    tpu.wait_dma2 semaphore(%arg37 : memref<!tpu.dma_semaphore, #tpu.memory_space<semaphore_mem>>) src(%dma_wait3A_716 : memref<512x32xf32, #tpu.memory_space<vmem>>) dst(%dma_wait3A_712 : memref<512x32xf32, #tpu.memory_space<hbm>>)
    %dma_start3A_717 = arith.constant 4 : i32
    %dma_start3A_718 = arith.constant 0 : i32
    %dma_start3A_719 = arith.constant 0 : i32
    %dma_start3A_720 = arith.constant 0 : i32
    %dma_start3A_721 = tpu.memref_slice %arg31[%dma_start3A_718, %dma_start3A_719, %dma_start3A_720] : memref<4x512x32xf32, #tpu.memory_space<vmem>> -> memref<1x512x32xf32, #tpu.memory_space<vmem>>
    %dma_start3A_722 = tpu.memref_squeeze %dma_start3A_721 : memref<1x512x32xf32, #tpu.memory_space<vmem>> -> memref<512x32xf32, #tpu.memory_space<vmem>>
    %dma_start3A_723 = arith.constant 0 : i32
    %dma_start3A_724 = tpu.memref_slice %arg30[%dma_start3A_717, %dma_start3A_723] : memref<26x512xi32, #tpu.memory_space<vmem>> -> memref<1x512xi32, #tpu.memory_space<vmem>>
    %dma_start3A_725 = tpu.memref_squeeze %dma_start3A_724 : memref<1x512xi32, #tpu.memory_space<vmem>> -> memref<512xi32, #tpu.memory_space<vmem>>
    %dma_start3A_726 = arith.constant 0 : i32
    %dma_start3A_727 = arith.constant 0 : i32
    %dma_start3A_728 = tpu.memref_slice %arg7[%dma_start3A_726, %dma_start3A_727] : memref<100000x32xf32, #tpu.memory_space<hbm>> -> memref<100000x32xf32, #tpu.memory_space<hbm>>
    tpu.enqueue_indirect_dma source(%dma_start3A_728 : memref<100000x32xf32, #tpu.memory_space<hbm>>) target(%dma_start3A_722 : memref<512x32xf32, #tpu.memory_space<vmem>>) offsets(%dma_start3A_725 : memref<512xi32, #tpu.memory_space<vmem>>) semaphore(%arg33 : memref<!tpu.dma_semaphore, #tpu.memory_space<semaphore_mem>>)
    %dma_wait3A_729 = arith.constant 1 : i32
    %dma_wait3A_730 = arith.constant 1 : i32
    %dma_wait3A_731 = arith.constant 0 : i32
    %dma_wait3A_732 = arith.constant 0 : i32
    %dma_wait3A_733 = tpu.memref_slice %arg31[%dma_wait3A_730, %dma_wait3A_731, %dma_wait3A_732] : memref<4x512x32xf32, #tpu.memory_space<vmem>> -> memref<1x512x32xf32, #tpu.memory_space<vmem>>
    %dma_wait3A_734 = tpu.memref_squeeze %dma_wait3A_733 : memref<1x512x32xf32, #tpu.memory_space<vmem>> -> memref<512x32xf32, #tpu.memory_space<vmem>>
    %dma_wait3A_735 = arith.constant 0 : i32
    %dma_wait3A_736 = tpu.memref_slice %arg30[%dma_wait3A_729, %dma_wait3A_735] : memref<26x512xi32, #tpu.memory_space<vmem>> -> memref<1x512xi32, #tpu.memory_space<vmem>>
    %dma_wait3A_737 = tpu.memref_squeeze %dma_wait3A_736 : memref<1x512xi32, #tpu.memory_space<vmem>> -> memref<512xi32, #tpu.memory_space<vmem>>
    %dma_wait3A_738 = arith.constant 0 : i32
    %dma_wait3A_739 = arith.constant 0 : i32
    %dma_wait3A_740 = tpu.memref_slice %arg4[%dma_wait3A_738, %dma_wait3A_739] : memref<100000x32xf32, #tpu.memory_space<hbm>> -> memref<100000x32xf32, #tpu.memory_space<hbm>>
    tpu.wait_indirect_dma semaphore(%arg34 : memref<!tpu.dma_semaphore, #tpu.memory_space<semaphore_mem>>) src(%dma_wait3A_740 : memref<100000x32xf32, #tpu.memory_space<hbm>>) dst(%dma_wait3A_734 : memref<512x32xf32, #tpu.memory_space<vmem>>)
    %dma_start3A_741 = arith.constant 1 : i32
    %dma_start3A_742 = arith.constant 1 : i32
    %dma_start3A_743 = arith.constant 0 : i32
    %dma_start3A_744 = arith.constant 0 : i32
    %dma_start3A_745 = tpu.memref_slice %arg31[%dma_start3A_741, %dma_start3A_743, %dma_start3A_744] : memref<4x512x32xf32, #tpu.memory_space<vmem>> -> memref<1x512x32xf32, #tpu.memory_space<vmem>>
    %dma_start3A_746 = tpu.memref_squeeze %dma_start3A_745 : memref<1x512x32xf32, #tpu.memory_space<vmem>> -> memref<512x32xf32, #tpu.memory_space<vmem>>
    %dma_start3A_747 = arith.constant 0 : i32
    %dma_start3A_748 = tpu.memref_slice %arg29[%mul3A_2, %dma_start3A_742, %dma_start3A_747] : memref<16384x26x32xf32, #tpu.memory_space<hbm>> -> memref<512x1x32xf32, #tpu.memory_space<hbm>>
    %dma_start3A_749 = tpu.memref_squeeze %dma_start3A_748 : memref<512x1x32xf32, #tpu.memory_space<hbm>> -> memref<512x32xf32, #tpu.memory_space<hbm>>
    %dma_start3A_750 = arith.constant 0 : i32
    %dma_start3A_751 = tpu.memref_slice %arg29[%mul3A_2, %dma_start3A_742, %dma_start3A_750] : memref<16384x26x32xf32, #tpu.memory_space<hbm>> -> memref<512x1x32xf32, #tpu.memory_space<hbm>>
    %dma_start3A_752 = tpu.memref_squeeze %dma_start3A_751 : memref<512x1x32xf32, #tpu.memory_space<hbm>> -> memref<512x32xf32, #tpu.memory_space<hbm>>
    %dma_start3A_753 = arith.constant 0 : i32
    %dma_start3A_754 = arith.constant 0 : i32
    %dma_start3A_755 = tpu.memref_slice %arg31[%dma_start3A_741, %dma_start3A_753, %dma_start3A_754] : memref<4x512x32xf32, #tpu.memory_space<vmem>> -> memref<1x512x32xf32, #tpu.memory_space<vmem>>
    %dma_start3A_756 = tpu.memref_squeeze %dma_start3A_755 : memref<1x512x32xf32, #tpu.memory_space<vmem>> -> memref<512x32xf32, #tpu.memory_space<vmem>>
    tpu.enqueue_dma source(%dma_start3A_756 : memref<512x32xf32, #tpu.memory_space<vmem>>) target(%dma_start3A_752 : memref<512x32xf32, #tpu.memory_space<hbm>>) target_semaphore(%arg38 : memref<!tpu.dma_semaphore, #tpu.memory_space<semaphore_mem>>)
    %dma_wait3A_757 = arith.constant 1 : i32
    %dma_wait3A_758 = arith.constant 1 : i32
    %dma_wait3A_759 = arith.constant 0 : i32
    %dma_wait3A_760 = arith.constant 0 : i32
    %dma_wait3A_761 = tpu.memref_slice %arg31[%dma_wait3A_757, %dma_wait3A_759, %dma_wait3A_760] : memref<4x512x32xf32, #tpu.memory_space<vmem>> -> memref<1x512x32xf32, #tpu.memory_space<vmem>>
    %dma_wait3A_762 = tpu.memref_squeeze %dma_wait3A_761 : memref<1x512x32xf32, #tpu.memory_space<vmem>> -> memref<512x32xf32, #tpu.memory_space<vmem>>
    %dma_wait3A_763 = arith.constant 0 : i32
    %dma_wait3A_764 = tpu.memref_slice %arg29[%mul3A_2, %dma_wait3A_758, %dma_wait3A_763] : memref<16384x26x32xf32, #tpu.memory_space<hbm>> -> memref<512x1x32xf32, #tpu.memory_space<hbm>>
    %dma_wait3A_765 = tpu.memref_squeeze %dma_wait3A_764 : memref<512x1x32xf32, #tpu.memory_space<hbm>> -> memref<512x32xf32, #tpu.memory_space<hbm>>
    %dma_wait3A_766 = arith.constant 0 : i32
    %dma_wait3A_767 = tpu.memref_slice %arg29[%mul3A_2, %dma_wait3A_758, %dma_wait3A_766] : memref<16384x26x32xf32, #tpu.memory_space<hbm>> -> memref<512x1x32xf32, #tpu.memory_space<hbm>>
    %dma_wait3A_768 = tpu.memref_squeeze %dma_wait3A_767 : memref<512x1x32xf32, #tpu.memory_space<hbm>> -> memref<512x32xf32, #tpu.memory_space<hbm>>
    %dma_wait3A_769 = arith.constant 0 : i32
    %dma_wait3A_770 = arith.constant 0 : i32
    %dma_wait3A_771 = tpu.memref_slice %arg31[%dma_wait3A_757, %dma_wait3A_769, %dma_wait3A_770] : memref<4x512x32xf32, #tpu.memory_space<vmem>> -> memref<1x512x32xf32, #tpu.memory_space<vmem>>
    %dma_wait3A_772 = tpu.memref_squeeze %dma_wait3A_771 : memref<1x512x32xf32, #tpu.memory_space<vmem>> -> memref<512x32xf32, #tpu.memory_space<vmem>>
    tpu.wait_dma2 semaphore(%arg38 : memref<!tpu.dma_semaphore, #tpu.memory_space<semaphore_mem>>) src(%dma_wait3A_772 : memref<512x32xf32, #tpu.memory_space<vmem>>) dst(%dma_wait3A_768 : memref<512x32xf32, #tpu.memory_space<hbm>>)
    %dma_start3A_773 = arith.constant 5 : i32
    %dma_start3A_774 = arith.constant 1 : i32
    %dma_start3A_775 = arith.constant 0 : i32
    %dma_start3A_776 = arith.constant 0 : i32
    %dma_start3A_777 = tpu.memref_slice %arg31[%dma_start3A_774, %dma_start3A_775, %dma_start3A_776] : memref<4x512x32xf32, #tpu.memory_space<vmem>> -> memref<1x512x32xf32, #tpu.memory_space<vmem>>
    %dma_start3A_778 = tpu.memref_squeeze %dma_start3A_777 : memref<1x512x32xf32, #tpu.memory_space<vmem>> -> memref<512x32xf32, #tpu.memory_space<vmem>>
    %dma_start3A_779 = arith.constant 0 : i32
    %dma_start3A_780 = tpu.memref_slice %arg30[%dma_start3A_773, %dma_start3A_779] : memref<26x512xi32, #tpu.memory_space<vmem>> -> memref<1x512xi32, #tpu.memory_space<vmem>>
    %dma_start3A_781 = tpu.memref_squeeze %dma_start3A_780 : memref<1x512xi32, #tpu.memory_space<vmem>> -> memref<512xi32, #tpu.memory_space<vmem>>
    %dma_start3A_782 = arith.constant 0 : i32
    %dma_start3A_783 = arith.constant 0 : i32
    %dma_start3A_784 = tpu.memref_slice %arg8[%dma_start3A_782, %dma_start3A_783] : memref<100000x32xf32, #tpu.memory_space<hbm>> -> memref<100000x32xf32, #tpu.memory_space<hbm>>
    tpu.enqueue_indirect_dma source(%dma_start3A_784 : memref<100000x32xf32, #tpu.memory_space<hbm>>) target(%dma_start3A_778 : memref<512x32xf32, #tpu.memory_space<vmem>>) offsets(%dma_start3A_781 : memref<512xi32, #tpu.memory_space<vmem>>) semaphore(%arg34 : memref<!tpu.dma_semaphore, #tpu.memory_space<semaphore_mem>>)
    %dma_wait3A_785 = arith.constant 2 : i32
    %dma_wait3A_786 = arith.constant 2 : i32
    %dma_wait3A_787 = arith.constant 0 : i32
    %dma_wait3A_788 = arith.constant 0 : i32
    %dma_wait3A_789 = tpu.memref_slice %arg31[%dma_wait3A_786, %dma_wait3A_787, %dma_wait3A_788] : memref<4x512x32xf32, #tpu.memory_space<vmem>> -> memref<1x512x32xf32, #tpu.memory_space<vmem>>
    %dma_wait3A_790 = tpu.memref_squeeze %dma_wait3A_789 : memref<1x512x32xf32, #tpu.memory_space<vmem>> -> memref<512x32xf32, #tpu.memory_space<vmem>>
    %dma_wait3A_791 = arith.constant 0 : i32
    %dma_wait3A_792 = tpu.memref_slice %arg30[%dma_wait3A_785, %dma_wait3A_791] : memref<26x512xi32, #tpu.memory_space<vmem>> -> memref<1x512xi32, #tpu.memory_space<vmem>>
    %dma_wait3A_793 = tpu.memref_squeeze %dma_wait3A_792 : memref<1x512xi32, #tpu.memory_space<vmem>> -> memref<512xi32, #tpu.memory_space<vmem>>
    %dma_wait3A_794 = arith.constant 0 : i32
    %dma_wait3A_795 = arith.constant 0 : i32
    %dma_wait3A_796 = tpu.memref_slice %arg5[%dma_wait3A_794, %dma_wait3A_795] : memref<100000x32xf32, #tpu.memory_space<hbm>> -> memref<100000x32xf32, #tpu.memory_space<hbm>>
    tpu.wait_indirect_dma semaphore(%arg35 : memref<!tpu.dma_semaphore, #tpu.memory_space<semaphore_mem>>) src(%dma_wait3A_796 : memref<100000x32xf32, #tpu.memory_space<hbm>>) dst(%dma_wait3A_790 : memref<512x32xf32, #tpu.memory_space<vmem>>)
    %dma_start3A_797 = arith.constant 2 : i32
    %dma_start3A_798 = arith.constant 2 : i32
    %dma_start3A_799 = arith.constant 0 : i32
    %dma_start3A_800 = arith.constant 0 : i32
    %dma_start3A_801 = tpu.memref_slice %arg31[%dma_start3A_797, %dma_start3A_799, %dma_start3A_800] : memref<4x512x32xf32, #tpu.memory_space<vmem>> -> memref<1x512x32xf32, #tpu.memory_space<vmem>>
    %dma_start3A_802 = tpu.memref_squeeze %dma_start3A_801 : memref<1x512x32xf32, #tpu.memory_space<vmem>> -> memref<512x32xf32, #tpu.memory_space<vmem>>
    %dma_start3A_803 = arith.constant 0 : i32
    %dma_start3A_804 = tpu.memref_slice %arg29[%mul3A_2, %dma_start3A_798, %dma_start3A_803] : memref<16384x26x32xf32, #tpu.memory_space<hbm>> -> memref<512x1x32xf32, #tpu.memory_space<hbm>>
    %dma_start3A_805 = tpu.memref_squeeze %dma_start3A_804 : memref<512x1x32xf32, #tpu.memory_space<hbm>> -> memref<512x32xf32, #tpu.memory_space<hbm>>
    %dma_start3A_806 = arith.constant 0 : i32
    %dma_start3A_807 = tpu.memref_slice %arg29[%mul3A_2, %dma_start3A_798, %dma_start3A_806] : memref<16384x26x32xf32, #tpu.memory_space<hbm>> -> memref<512x1x32xf32, #tpu.memory_space<hbm>>
    %dma_start3A_808 = tpu.memref_squeeze %dma_start3A_807 : memref<512x1x32xf32, #tpu.memory_space<hbm>> -> memref<512x32xf32, #tpu.memory_space<hbm>>
    %dma_start3A_809 = arith.constant 0 : i32
    %dma_start3A_810 = arith.constant 0 : i32
    %dma_start3A_811 = tpu.memref_slice %arg31[%dma_start3A_797, %dma_start3A_809, %dma_start3A_810] : memref<4x512x32xf32, #tpu.memory_space<vmem>> -> memref<1x512x32xf32, #tpu.memory_space<vmem>>
    %dma_start3A_812 = tpu.memref_squeeze %dma_start3A_811 : memref<1x512x32xf32, #tpu.memory_space<vmem>> -> memref<512x32xf32, #tpu.memory_space<vmem>>
    tpu.enqueue_dma source(%dma_start3A_812 : memref<512x32xf32, #tpu.memory_space<vmem>>) target(%dma_start3A_808 : memref<512x32xf32, #tpu.memory_space<hbm>>) target_semaphore(%arg39 : memref<!tpu.dma_semaphore, #tpu.memory_space<semaphore_mem>>)
    %dma_wait3A_813 = arith.constant 2 : i32
    %dma_wait3A_814 = arith.constant 2 : i32
    %dma_wait3A_815 = arith.constant 0 : i32
    %dma_wait3A_816 = arith.constant 0 : i32
    %dma_wait3A_817 = tpu.memref_slice %arg31[%dma_wait3A_813, %dma_wait3A_815, %dma_wait3A_816] : memref<4x512x32xf32, #tpu.memory_space<vmem>> -> memref<1x512x32xf32, #tpu.memory_space<vmem>>
    %dma_wait3A_818 = tpu.memref_squeeze %dma_wait3A_817 : memref<1x512x32xf32, #tpu.memory_space<vmem>> -> memref<512x32xf32, #tpu.memory_space<vmem>>
    %dma_wait3A_819 = arith.constant 0 : i32
    %dma_wait3A_820 = tpu.memref_slice %arg29[%mul3A_2, %dma_wait3A_814, %dma_wait3A_819] : memref<16384x26x32xf32, #tpu.memory_space<hbm>> -> memref<512x1x32xf32, #tpu.memory_space<hbm>>
    %dma_wait3A_821 = tpu.memref_squeeze %dma_wait3A_820 : memref<512x1x32xf32, #tpu.memory_space<hbm>> -> memref<512x32xf32, #tpu.memory_space<hbm>>
    %dma_wait3A_822 = arith.constant 0 : i32
    %dma_wait3A_823 = tpu.memref_slice %arg29[%mul3A_2, %dma_wait3A_814, %dma_wait3A_822] : memref<16384x26x32xf32, #tpu.memory_space<hbm>> -> memref<512x1x32xf32, #tpu.memory_space<hbm>>
    %dma_wait3A_824 = tpu.memref_squeeze %dma_wait3A_823 : memref<512x1x32xf32, #tpu.memory_space<hbm>> -> memref<512x32xf32, #tpu.memory_space<hbm>>
    %dma_wait3A_825 = arith.constant 0 : i32
    %dma_wait3A_826 = arith.constant 0 : i32
    %dma_wait3A_827 = tpu.memref_slice %arg31[%dma_wait3A_813, %dma_wait3A_825, %dma_wait3A_826] : memref<4x512x32xf32, #tpu.memory_space<vmem>> -> memref<1x512x32xf32, #tpu.memory_space<vmem>>
    %dma_wait3A_828 = tpu.memref_squeeze %dma_wait3A_827 : memref<1x512x32xf32, #tpu.memory_space<vmem>> -> memref<512x32xf32, #tpu.memory_space<vmem>>
    tpu.wait_dma2 semaphore(%arg39 : memref<!tpu.dma_semaphore, #tpu.memory_space<semaphore_mem>>) src(%dma_wait3A_828 : memref<512x32xf32, #tpu.memory_space<vmem>>) dst(%dma_wait3A_824 : memref<512x32xf32, #tpu.memory_space<hbm>>)
    %dma_start3A_829 = arith.constant 6 : i32
    %dma_start3A_830 = arith.constant 2 : i32
    %dma_start3A_831 = arith.constant 0 : i32
    %dma_start3A_832 = arith.constant 0 : i32
    %dma_start3A_833 = tpu.memref_slice %arg31[%dma_start3A_830, %dma_start3A_831, %dma_start3A_832] : memref<4x512x32xf32, #tpu.memory_space<vmem>> -> memref<1x512x32xf32, #tpu.memory_space<vmem>>
    %dma_start3A_834 = tpu.memref_squeeze %dma_start3A_833 : memref<1x512x32xf32, #tpu.memory_space<vmem>> -> memref<512x32xf32, #tpu.memory_space<vmem>>
    %dma_start3A_835 = arith.constant 0 : i32
    %dma_start3A_836 = tpu.memref_slice %arg30[%dma_start3A_829, %dma_start3A_835] : memref<26x512xi32, #tpu.memory_space<vmem>> -> memref<1x512xi32, #tpu.memory_space<vmem>>
    %dma_start3A_837 = tpu.memref_squeeze %dma_start3A_836 : memref<1x512xi32, #tpu.memory_space<vmem>> -> memref<512xi32, #tpu.memory_space<vmem>>
    %dma_start3A_838 = arith.constant 0 : i32
    %dma_start3A_839 = arith.constant 0 : i32
    %dma_start3A_840 = tpu.memref_slice %arg9[%dma_start3A_838, %dma_start3A_839] : memref<100000x32xf32, #tpu.memory_space<hbm>> -> memref<100000x32xf32, #tpu.memory_space<hbm>>
    tpu.enqueue_indirect_dma source(%dma_start3A_840 : memref<100000x32xf32, #tpu.memory_space<hbm>>) target(%dma_start3A_834 : memref<512x32xf32, #tpu.memory_space<vmem>>) offsets(%dma_start3A_837 : memref<512xi32, #tpu.memory_space<vmem>>) semaphore(%arg35 : memref<!tpu.dma_semaphore, #tpu.memory_space<semaphore_mem>>)
    %dma_wait3A_841 = arith.constant 3 : i32
    %dma_wait3A_842 = arith.constant 3 : i32
    %dma_wait3A_843 = arith.constant 0 : i32
    %dma_wait3A_844 = arith.constant 0 : i32
    %dma_wait3A_845 = tpu.memref_slice %arg31[%dma_wait3A_842, %dma_wait3A_843, %dma_wait3A_844] : memref<4x512x32xf32, #tpu.memory_space<vmem>> -> memref<1x512x32xf32, #tpu.memory_space<vmem>>
    %dma_wait3A_846 = tpu.memref_squeeze %dma_wait3A_845 : memref<1x512x32xf32, #tpu.memory_space<vmem>> -> memref<512x32xf32, #tpu.memory_space<vmem>>
    %dma_wait3A_847 = arith.constant 0 : i32
    %dma_wait3A_848 = tpu.memref_slice %arg30[%dma_wait3A_841, %dma_wait3A_847] : memref<26x512xi32, #tpu.memory_space<vmem>> -> memref<1x512xi32, #tpu.memory_space<vmem>>
    %dma_wait3A_849 = tpu.memref_squeeze %dma_wait3A_848 : memref<1x512xi32, #tpu.memory_space<vmem>> -> memref<512xi32, #tpu.memory_space<vmem>>
    %dma_wait3A_850 = arith.constant 0 : i32
    %dma_wait3A_851 = arith.constant 0 : i32
    %dma_wait3A_852 = tpu.memref_slice %arg6[%dma_wait3A_850, %dma_wait3A_851] : memref<100000x32xf32, #tpu.memory_space<hbm>> -> memref<100000x32xf32, #tpu.memory_space<hbm>>
    tpu.wait_indirect_dma semaphore(%arg36 : memref<!tpu.dma_semaphore, #tpu.memory_space<semaphore_mem>>) src(%dma_wait3A_852 : memref<100000x32xf32, #tpu.memory_space<hbm>>) dst(%dma_wait3A_846 : memref<512x32xf32, #tpu.memory_space<vmem>>)
    %dma_start3A_853 = arith.constant 3 : i32
    %dma_start3A_854 = arith.constant 3 : i32
    %dma_start3A_855 = arith.constant 0 : i32
    %dma_start3A_856 = arith.constant 0 : i32
    %dma_start3A_857 = tpu.memref_slice %arg31[%dma_start3A_853, %dma_start3A_855, %dma_start3A_856] : memref<4x512x32xf32, #tpu.memory_space<vmem>> -> memref<1x512x32xf32, #tpu.memory_space<vmem>>
    %dma_start3A_858 = tpu.memref_squeeze %dma_start3A_857 : memref<1x512x32xf32, #tpu.memory_space<vmem>> -> memref<512x32xf32, #tpu.memory_space<vmem>>
    %dma_start3A_859 = arith.constant 0 : i32
    %dma_start3A_860 = tpu.memref_slice %arg29[%mul3A_2, %dma_start3A_854, %dma_start3A_859] : memref<16384x26x32xf32, #tpu.memory_space<hbm>> -> memref<512x1x32xf32, #tpu.memory_space<hbm>>
    %dma_start3A_861 = tpu.memref_squeeze %dma_start3A_860 : memref<512x1x32xf32, #tpu.memory_space<hbm>> -> memref<512x32xf32, #tpu.memory_space<hbm>>
    %dma_start3A_862 = arith.constant 0 : i32
    %dma_start3A_863 = tpu.memref_slice %arg29[%mul3A_2, %dma_start3A_854, %dma_start3A_862] : memref<16384x26x32xf32, #tpu.memory_space<hbm>> -> memref<512x1x32xf32, #tpu.memory_space<hbm>>
    %dma_start3A_864 = tpu.memref_squeeze %dma_start3A_863 : memref<512x1x32xf32, #tpu.memory_space<hbm>> -> memref<512x32xf32, #tpu.memory_space<hbm>>
    %dma_start3A_865 = arith.constant 0 : i32
    %dma_start3A_866 = arith.constant 0 : i32
    %dma_start3A_867 = tpu.memref_slice %arg31[%dma_start3A_853, %dma_start3A_865, %dma_start3A_866] : memref<4x512x32xf32, #tpu.memory_space<vmem>> -> memref<1x512x32xf32, #tpu.memory_space<vmem>>
    %dma_start3A_868 = tpu.memref_squeeze %dma_start3A_867 : memref<1x512x32xf32, #tpu.memory_space<vmem>> -> memref<512x32xf32, #tpu.memory_space<vmem>>
    tpu.enqueue_dma source(%dma_start3A_868 : memref<512x32xf32, #tpu.memory_space<vmem>>) target(%dma_start3A_864 : memref<512x32xf32, #tpu.memory_space<hbm>>) target_semaphore(%arg40 : memref<!tpu.dma_semaphore, #tpu.memory_space<semaphore_mem>>)
    %dma_wait3A_869 = arith.constant 3 : i32
    %dma_wait3A_870 = arith.constant 3 : i32
    %dma_wait3A_871 = arith.constant 0 : i32
    %dma_wait3A_872 = arith.constant 0 : i32
    %dma_wait3A_873 = tpu.memref_slice %arg31[%dma_wait3A_869, %dma_wait3A_871, %dma_wait3A_872] : memref<4x512x32xf32, #tpu.memory_space<vmem>> -> memref<1x512x32xf32, #tpu.memory_space<vmem>>
    %dma_wait3A_874 = tpu.memref_squeeze %dma_wait3A_873 : memref<1x512x32xf32, #tpu.memory_space<vmem>> -> memref<512x32xf32, #tpu.memory_space<vmem>>
    %dma_wait3A_875 = arith.constant 0 : i32
    %dma_wait3A_876 = tpu.memref_slice %arg29[%mul3A_2, %dma_wait3A_870, %dma_wait3A_875] : memref<16384x26x32xf32, #tpu.memory_space<hbm>> -> memref<512x1x32xf32, #tpu.memory_space<hbm>>
    %dma_wait3A_877 = tpu.memref_squeeze %dma_wait3A_876 : memref<512x1x32xf32, #tpu.memory_space<hbm>> -> memref<512x32xf32, #tpu.memory_space<hbm>>
    %dma_wait3A_878 = arith.constant 0 : i32
    %dma_wait3A_879 = tpu.memref_slice %arg29[%mul3A_2, %dma_wait3A_870, %dma_wait3A_878] : memref<16384x26x32xf32, #tpu.memory_space<hbm>> -> memref<512x1x32xf32, #tpu.memory_space<hbm>>
    %dma_wait3A_880 = tpu.memref_squeeze %dma_wait3A_879 : memref<512x1x32xf32, #tpu.memory_space<hbm>> -> memref<512x32xf32, #tpu.memory_space<hbm>>
    %dma_wait3A_881 = arith.constant 0 : i32
    %dma_wait3A_882 = arith.constant 0 : i32
    %dma_wait3A_883 = tpu.memref_slice %arg31[%dma_wait3A_869, %dma_wait3A_881, %dma_wait3A_882] : memref<4x512x32xf32, #tpu.memory_space<vmem>> -> memref<1x512x32xf32, #tpu.memory_space<vmem>>
    %dma_wait3A_884 = tpu.memref_squeeze %dma_wait3A_883 : memref<1x512x32xf32, #tpu.memory_space<vmem>> -> memref<512x32xf32, #tpu.memory_space<vmem>>
    tpu.wait_dma2 semaphore(%arg40 : memref<!tpu.dma_semaphore, #tpu.memory_space<semaphore_mem>>) src(%dma_wait3A_884 : memref<512x32xf32, #tpu.memory_space<vmem>>) dst(%dma_wait3A_880 : memref<512x32xf32, #tpu.memory_space<hbm>>)
    %dma_start3A_885 = arith.constant 7 : i32
    %dma_start3A_886 = arith.constant 3 : i32
    %dma_start3A_887 = arith.constant 0 : i32
    %dma_start3A_888 = arith.constant 0 : i32
    %dma_start3A_889 = tpu.memref_slice %arg31[%dma_start3A_886, %dma_start3A_887, %dma_start3A_888] : memref<4x512x32xf32, #tpu.memory_space<vmem>> -> memref<1x512x32xf32, #tpu.memory_space<vmem>>
    %dma_start3A_890 = tpu.memref_squeeze %dma_start3A_889 : memref<1x512x32xf32, #tpu.memory_space<vmem>> -> memref<512x32xf32, #tpu.memory_space<vmem>>
    %dma_start3A_891 = arith.constant 0 : i32
    %dma_start3A_892 = tpu.memref_slice %arg30[%dma_start3A_885, %dma_start3A_891] : memref<26x512xi32, #tpu.memory_space<vmem>> -> memref<1x512xi32, #tpu.memory_space<vmem>>
    %dma_start3A_893 = tpu.memref_squeeze %dma_start3A_892 : memref<1x512xi32, #tpu.memory_space<vmem>> -> memref<512xi32, #tpu.memory_space<vmem>>
    %dma_start3A_894 = arith.constant 0 : i32
    %dma_start3A_895 = arith.constant 0 : i32
    %dma_start3A_896 = tpu.memref_slice %arg10[%dma_start3A_894, %dma_start3A_895] : memref<100000x32xf32, #tpu.memory_space<hbm>> -> memref<100000x32xf32, #tpu.memory_space<hbm>>
    tpu.enqueue_indirect_dma source(%dma_start3A_896 : memref<100000x32xf32, #tpu.memory_space<hbm>>) target(%dma_start3A_890 : memref<512x32xf32, #tpu.memory_space<vmem>>) offsets(%dma_start3A_893 : memref<512xi32, #tpu.memory_space<vmem>>) semaphore(%arg36 : memref<!tpu.dma_semaphore, #tpu.memory_space<semaphore_mem>>)
    %dma_wait3A_897 = arith.constant 4 : i32
    %dma_wait3A_898 = arith.constant 0 : i32
    %dma_wait3A_899 = arith.constant 0 : i32
    %dma_wait3A_900 = arith.constant 0 : i32
    %dma_wait3A_901 = tpu.memref_slice %arg31[%dma_wait3A_898, %dma_wait3A_899, %dma_wait3A_900] : memref<4x512x32xf32, #tpu.memory_space<vmem>> -> memref<1x512x32xf32, #tpu.memory_space<vmem>>
    %dma_wait3A_902 = tpu.memref_squeeze %dma_wait3A_901 : memref<1x512x32xf32, #tpu.memory_space<vmem>> -> memref<512x32xf32, #tpu.memory_space<vmem>>
    %dma_wait3A_903 = arith.constant 0 : i32
    %dma_wait3A_904 = tpu.memref_slice %arg30[%dma_wait3A_897, %dma_wait3A_903] : memref<26x512xi32, #tpu.memory_space<vmem>> -> memref<1x512xi32, #tpu.memory_space<vmem>>
    %dma_wait3A_905 = tpu.memref_squeeze %dma_wait3A_904 : memref<1x512xi32, #tpu.memory_space<vmem>> -> memref<512xi32, #tpu.memory_space<vmem>>
    %dma_wait3A_906 = arith.constant 0 : i32
    %dma_wait3A_907 = arith.constant 0 : i32
    %dma_wait3A_908 = tpu.memref_slice %arg7[%dma_wait3A_906, %dma_wait3A_907] : memref<100000x32xf32, #tpu.memory_space<hbm>> -> memref<100000x32xf32, #tpu.memory_space<hbm>>
    tpu.wait_indirect_dma semaphore(%arg33 : memref<!tpu.dma_semaphore, #tpu.memory_space<semaphore_mem>>) src(%dma_wait3A_908 : memref<100000x32xf32, #tpu.memory_space<hbm>>) dst(%dma_wait3A_902 : memref<512x32xf32, #tpu.memory_space<vmem>>)
    %dma_start3A_909 = arith.constant 0 : i32
    %dma_start3A_910 = arith.constant 4 : i32
    %dma_start3A_911 = arith.constant 0 : i32
    %dma_start3A_912 = arith.constant 0 : i32
    %dma_start3A_913 = tpu.memref_slice %arg31[%dma_start3A_909, %dma_start3A_911, %dma_start3A_912] : memref<4x512x32xf32, #tpu.memory_space<vmem>> -> memref<1x512x32xf32, #tpu.memory_space<vmem>>
    %dma_start3A_914 = tpu.memref_squeeze %dma_start3A_913 : memref<1x512x32xf32, #tpu.memory_space<vmem>> -> memref<512x32xf32, #tpu.memory_space<vmem>>
    %dma_start3A_915 = arith.constant 0 : i32
    %dma_start3A_916 = tpu.memref_slice %arg29[%mul3A_2, %dma_start3A_910, %dma_start3A_915] : memref<16384x26x32xf32, #tpu.memory_space<hbm>> -> memref<512x1x32xf32, #tpu.memory_space<hbm>>
    %dma_start3A_917 = tpu.memref_squeeze %dma_start3A_916 : memref<512x1x32xf32, #tpu.memory_space<hbm>> -> memref<512x32xf32, #tpu.memory_space<hbm>>
    %dma_start3A_918 = arith.constant 0 : i32
    %dma_start3A_919 = tpu.memref_slice %arg29[%mul3A_2, %dma_start3A_910, %dma_start3A_918] : memref<16384x26x32xf32, #tpu.memory_space<hbm>> -> memref<512x1x32xf32, #tpu.memory_space<hbm>>
    %dma_start3A_920 = tpu.memref_squeeze %dma_start3A_919 : memref<512x1x32xf32, #tpu.memory_space<hbm>> -> memref<512x32xf32, #tpu.memory_space<hbm>>
    %dma_start3A_921 = arith.constant 0 : i32
    %dma_start3A_922 = arith.constant 0 : i32
    %dma_start3A_923 = tpu.memref_slice %arg31[%dma_start3A_909, %dma_start3A_921, %dma_start3A_922] : memref<4x512x32xf32, #tpu.memory_space<vmem>> -> memref<1x512x32xf32, #tpu.memory_space<vmem>>
    %dma_start3A_924 = tpu.memref_squeeze %dma_start3A_923 : memref<1x512x32xf32, #tpu.memory_space<vmem>> -> memref<512x32xf32, #tpu.memory_space<vmem>>
    tpu.enqueue_dma source(%dma_start3A_924 : memref<512x32xf32, #tpu.memory_space<vmem>>) target(%dma_start3A_920 : memref<512x32xf32, #tpu.memory_space<hbm>>) target_semaphore(%arg37 : memref<!tpu.dma_semaphore, #tpu.memory_space<semaphore_mem>>)
    %dma_wait3A_925 = arith.constant 0 : i32
    %dma_wait3A_926 = arith.constant 4 : i32
    %dma_wait3A_927 = arith.constant 0 : i32
    %dma_wait3A_928 = arith.constant 0 : i32
    %dma_wait3A_929 = tpu.memref_slice %arg31[%dma_wait3A_925, %dma_wait3A_927, %dma_wait3A_928] : memref<4x512x32xf32, #tpu.memory_space<vmem>> -> memref<1x512x32xf32, #tpu.memory_space<vmem>>
    %dma_wait3A_930 = tpu.memref_squeeze %dma_wait3A_929 : memref<1x512x32xf32, #tpu.memory_space<vmem>> -> memref<512x32xf32, #tpu.memory_space<vmem>>
    %dma_wait3A_931 = arith.constant 0 : i32
    %dma_wait3A_932 = tpu.memref_slice %arg29[%mul3A_2, %dma_wait3A_926, %dma_wait3A_931] : memref<16384x26x32xf32, #tpu.memory_space<hbm>> -> memref<512x1x32xf32, #tpu.memory_space<hbm>>
    %dma_wait3A_933 = tpu.memref_squeeze %dma_wait3A_932 : memref<512x1x32xf32, #tpu.memory_space<hbm>> -> memref<512x32xf32, #tpu.memory_space<hbm>>
    %dma_wait3A_934 = arith.constant 0 : i32
    %dma_wait3A_935 = tpu.memref_slice %arg29[%mul3A_2, %dma_wait3A_926, %dma_wait3A_934] : memref<16384x26x32xf32, #tpu.memory_space<hbm>> -> memref<512x1x32xf32, #tpu.memory_space<hbm>>
    %dma_wait3A_936 = tpu.memref_squeeze %dma_wait3A_935 : memref<512x1x32xf32, #tpu.memory_space<hbm>> -> memref<512x32xf32, #tpu.memory_space<hbm>>
    %dma_wait3A_937 = arith.constant 0 : i32
    %dma_wait3A_938 = arith.constant 0 : i32
    %dma_wait3A_939 = tpu.memref_slice %arg31[%dma_wait3A_925, %dma_wait3A_937, %dma_wait3A_938] : memref<4x512x32xf32, #tpu.memory_space<vmem>> -> memref<1x512x32xf32, #tpu.memory_space<vmem>>
    %dma_wait3A_940 = tpu.memref_squeeze %dma_wait3A_939 : memref<1x512x32xf32, #tpu.memory_space<vmem>> -> memref<512x32xf32, #tpu.memory_space<vmem>>
    tpu.wait_dma2 semaphore(%arg37 : memref<!tpu.dma_semaphore, #tpu.memory_space<semaphore_mem>>) src(%dma_wait3A_940 : memref<512x32xf32, #tpu.memory_space<vmem>>) dst(%dma_wait3A_936 : memref<512x32xf32, #tpu.memory_space<hbm>>)
    %dma_start3A_941 = arith.constant 8 : i32
    %dma_start3A_942 = arith.constant 0 : i32
    %dma_start3A_943 = arith.constant 0 : i32
    %dma_start3A_944 = arith.constant 0 : i32
    %dma_start3A_945 = tpu.memref_slice %arg31[%dma_start3A_942, %dma_start3A_943, %dma_start3A_944] : memref<4x512x32xf32, #tpu.memory_space<vmem>> -> memref<1x512x32xf32, #tpu.memory_space<vmem>>
    %dma_start3A_946 = tpu.memref_squeeze %dma_start3A_945 : memref<1x512x32xf32, #tpu.memory_space<vmem>> -> memref<512x32xf32, #tpu.memory_space<vmem>>
    %dma_start3A_947 = arith.constant 0 : i32
    %dma_start3A_948 = tpu.memref_slice %arg30[%dma_start3A_941, %dma_start3A_947] : memref<26x512xi32, #tpu.memory_space<vmem>> -> memref<1x512xi32, #tpu.memory_space<vmem>>
    %dma_start3A_949 = tpu.memref_squeeze %dma_start3A_948 : memref<1x512xi32, #tpu.memory_space<vmem>> -> memref<512xi32, #tpu.memory_space<vmem>>
    %dma_start3A_950 = arith.constant 0 : i32
    %dma_start3A_951 = arith.constant 0 : i32
    %dma_start3A_952 = tpu.memref_slice %arg11[%dma_start3A_950, %dma_start3A_951] : memref<100000x32xf32, #tpu.memory_space<hbm>> -> memref<100000x32xf32, #tpu.memory_space<hbm>>
    tpu.enqueue_indirect_dma source(%dma_start3A_952 : memref<100000x32xf32, #tpu.memory_space<hbm>>) target(%dma_start3A_946 : memref<512x32xf32, #tpu.memory_space<vmem>>) offsets(%dma_start3A_949 : memref<512xi32, #tpu.memory_space<vmem>>) semaphore(%arg33 : memref<!tpu.dma_semaphore, #tpu.memory_space<semaphore_mem>>)
    %dma_wait3A_953 = arith.constant 5 : i32
    %dma_wait3A_954 = arith.constant 1 : i32
    %dma_wait3A_955 = arith.constant 0 : i32
    %dma_wait3A_956 = arith.constant 0 : i32
    %dma_wait3A_957 = tpu.memref_slice %arg31[%dma_wait3A_954, %dma_wait3A_955, %dma_wait3A_956] : memref<4x512x32xf32, #tpu.memory_space<vmem>> -> memref<1x512x32xf32, #tpu.memory_space<vmem>>
    %dma_wait3A_958 = tpu.memref_squeeze %dma_wait3A_957 : memref<1x512x32xf32, #tpu.memory_space<vmem>> -> memref<512x32xf32, #tpu.memory_space<vmem>>
    %dma_wait3A_959 = arith.constant 0 : i32
    %dma_wait3A_960 = tpu.memref_slice %arg30[%dma_wait3A_953, %dma_wait3A_959] : memref<26x512xi32, #tpu.memory_space<vmem>> -> memref<1x512xi32, #tpu.memory_space<vmem>>
    %dma_wait3A_961 = tpu.memref_squeeze %dma_wait3A_960 : memref<1x512xi32, #tpu.memory_space<vmem>> -> memref<512xi32, #tpu.memory_space<vmem>>
    %dma_wait3A_962 = arith.constant 0 : i32
    %dma_wait3A_963 = arith.constant 0 : i32
    %dma_wait3A_964 = tpu.memref_slice %arg8[%dma_wait3A_962, %dma_wait3A_963] : memref<100000x32xf32, #tpu.memory_space<hbm>> -> memref<100000x32xf32, #tpu.memory_space<hbm>>
    tpu.wait_indirect_dma semaphore(%arg34 : memref<!tpu.dma_semaphore, #tpu.memory_space<semaphore_mem>>) src(%dma_wait3A_964 : memref<100000x32xf32, #tpu.memory_space<hbm>>) dst(%dma_wait3A_958 : memref<512x32xf32, #tpu.memory_space<vmem>>)
    %dma_start3A_965 = arith.constant 1 : i32
    %dma_start3A_966 = arith.constant 5 : i32
    %dma_start3A_967 = arith.constant 0 : i32
    %dma_start3A_968 = arith.constant 0 : i32
    %dma_start3A_969 = tpu.memref_slice %arg31[%dma_start3A_965, %dma_start3A_967, %dma_start3A_968] : memref<4x512x32xf32, #tpu.memory_space<vmem>> -> memref<1x512x32xf32, #tpu.memory_space<vmem>>
    %dma_start3A_970 = tpu.memref_squeeze %dma_start3A_969 : memref<1x512x32xf32, #tpu.memory_space<vmem>> -> memref<512x32xf32, #tpu.memory_space<vmem>>
    %dma_start3A_971 = arith.constant 0 : i32
    %dma_start3A_972 = tpu.memref_slice %arg29[%mul3A_2, %dma_start3A_966, %dma_start3A_971] : memref<16384x26x32xf32, #tpu.memory_space<hbm>> -> memref<512x1x32xf32, #tpu.memory_space<hbm>>
    %dma_start3A_973 = tpu.memref_squeeze %dma_start3A_972 : memref<512x1x32xf32, #tpu.memory_space<hbm>> -> memref<512x32xf32, #tpu.memory_space<hbm>>
    %dma_start3A_974 = arith.constant 0 : i32
    %dma_start3A_975 = tpu.memref_slice %arg29[%mul3A_2, %dma_start3A_966, %dma_start3A_974] : memref<16384x26x32xf32, #tpu.memory_space<hbm>> -> memref<512x1x32xf32, #tpu.memory_space<hbm>>
    %dma_start3A_976 = tpu.memref_squeeze %dma_start3A_975 : memref<512x1x32xf32, #tpu.memory_space<hbm>> -> memref<512x32xf32, #tpu.memory_space<hbm>>
    %dma_start3A_977 = arith.constant 0 : i32
    %dma_start3A_978 = arith.constant 0 : i32
    %dma_start3A_979 = tpu.memref_slice %arg31[%dma_start3A_965, %dma_start3A_977, %dma_start3A_978] : memref<4x512x32xf32, #tpu.memory_space<vmem>> -> memref<1x512x32xf32, #tpu.memory_space<vmem>>
    %dma_start3A_980 = tpu.memref_squeeze %dma_start3A_979 : memref<1x512x32xf32, #tpu.memory_space<vmem>> -> memref<512x32xf32, #tpu.memory_space<vmem>>
    tpu.enqueue_dma source(%dma_start3A_980 : memref<512x32xf32, #tpu.memory_space<vmem>>) target(%dma_start3A_976 : memref<512x32xf32, #tpu.memory_space<hbm>>) target_semaphore(%arg38 : memref<!tpu.dma_semaphore, #tpu.memory_space<semaphore_mem>>)
    %dma_wait3A_981 = arith.constant 1 : i32
    %dma_wait3A_982 = arith.constant 5 : i32
    %dma_wait3A_983 = arith.constant 0 : i32
    %dma_wait3A_984 = arith.constant 0 : i32
    %dma_wait3A_985 = tpu.memref_slice %arg31[%dma_wait3A_981, %dma_wait3A_983, %dma_wait3A_984] : memref<4x512x32xf32, #tpu.memory_space<vmem>> -> memref<1x512x32xf32, #tpu.memory_space<vmem>>
    %dma_wait3A_986 = tpu.memref_squeeze %dma_wait3A_985 : memref<1x512x32xf32, #tpu.memory_space<vmem>> -> memref<512x32xf32, #tpu.memory_space<vmem>>
    %dma_wait3A_987 = arith.constant 0 : i32
    %dma_wait3A_988 = tpu.memref_slice %arg29[%mul3A_2, %dma_wait3A_982, %dma_wait3A_987] : memref<16384x26x32xf32, #tpu.memory_space<hbm>> -> memref<512x1x32xf32, #tpu.memory_space<hbm>>
    %dma_wait3A_989 = tpu.memref_squeeze %dma_wait3A_988 : memref<512x1x32xf32, #tpu.memory_space<hbm>> -> memref<512x32xf32, #tpu.memory_space<hbm>>
    %dma_wait3A_990 = arith.constant 0 : i32
    %dma_wait3A_991 = tpu.memref_slice %arg29[%mul3A_2, %dma_wait3A_982, %dma_wait3A_990] : memref<16384x26x32xf32, #tpu.memory_space<hbm>> -> memref<512x1x32xf32, #tpu.memory_space<hbm>>
    %dma_wait3A_992 = tpu.memref_squeeze %dma_wait3A_991 : memref<512x1x32xf32, #tpu.memory_space<hbm>> -> memref<512x32xf32, #tpu.memory_space<hbm>>
    %dma_wait3A_993 = arith.constant 0 : i32
    %dma_wait3A_994 = arith.constant 0 : i32
    %dma_wait3A_995 = tpu.memref_slice %arg31[%dma_wait3A_981, %dma_wait3A_993, %dma_wait3A_994] : memref<4x512x32xf32, #tpu.memory_space<vmem>> -> memref<1x512x32xf32, #tpu.memory_space<vmem>>
    %dma_wait3A_996 = tpu.memref_squeeze %dma_wait3A_995 : memref<1x512x32xf32, #tpu.memory_space<vmem>> -> memref<512x32xf32, #tpu.memory_space<vmem>>
    tpu.wait_dma2 semaphore(%arg38 : memref<!tpu.dma_semaphore, #tpu.memory_space<semaphore_mem>>) src(%dma_wait3A_996 : memref<512x32xf32, #tpu.memory_space<vmem>>) dst(%dma_wait3A_992 : memref<512x32xf32, #tpu.memory_space<hbm>>)
    %dma_start3A_997 = arith.constant 9 : i32
    %dma_start3A_998 = arith.constant 1 : i32
    %dma_start3A_999 = arith.constant 0 : i32
    %dma_start3A_1000 = arith.constant 0 : i32
    %dma_start3A_1001 = tpu.memref_slice %arg31[%dma_start3A_998, %dma_start3A_999, %dma_start3A_1000] : memref<4x512x32xf32, #tpu.memory_space<vmem>> -> memref<1x512x32xf32, #tpu.memory_space<vmem>>
    %dma_start3A_1002 = tpu.memref_squeeze %dma_start3A_1001 : memref<1x512x32xf32, #tpu.memory_space<vmem>> -> memref<512x32xf32, #tpu.memory_space<vmem>>
    %dma_start3A_1003 = arith.constant 0 : i32
    %dma_start3A_1004 = tpu.memref_slice %arg30[%dma_start3A_997, %dma_start3A_1003] : memref<26x512xi32, #tpu.memory_space<vmem>> -> memref<1x512xi32, #tpu.memory_space<vmem>>
    %dma_start3A_1005 = tpu.memref_squeeze %dma_start3A_1004 : memref<1x512xi32, #tpu.memory_space<vmem>> -> memref<512xi32, #tpu.memory_space<vmem>>
    %dma_start3A_1006 = arith.constant 0 : i32
    %dma_start3A_1007 = arith.constant 0 : i32
    %dma_start3A_1008 = tpu.memref_slice %arg12[%dma_start3A_1006, %dma_start3A_1007] : memref<100000x32xf32, #tpu.memory_space<hbm>> -> memref<100000x32xf32, #tpu.memory_space<hbm>>
    tpu.enqueue_indirect_dma source(%dma_start3A_1008 : memref<100000x32xf32, #tpu.memory_space<hbm>>) target(%dma_start3A_1002 : memref<512x32xf32, #tpu.memory_space<vmem>>) offsets(%dma_start3A_1005 : memref<512xi32, #tpu.memory_space<vmem>>) semaphore(%arg34 : memref<!tpu.dma_semaphore, #tpu.memory_space<semaphore_mem>>)
    %dma_wait3A_1009 = arith.constant 6 : i32
    %dma_wait3A_1010 = arith.constant 2 : i32
    %dma_wait3A_1011 = arith.constant 0 : i32
    %dma_wait3A_1012 = arith.constant 0 : i32
    %dma_wait3A_1013 = tpu.memref_slice %arg31[%dma_wait3A_1010, %dma_wait3A_1011, %dma_wait3A_1012] : memref<4x512x32xf32, #tpu.memory_space<vmem>> -> memref<1x512x32xf32, #tpu.memory_space<vmem>>
    %dma_wait3A_1014 = tpu.memref_squeeze %dma_wait3A_1013 : memref<1x512x32xf32, #tpu.memory_space<vmem>> -> memref<512x32xf32, #tpu.memory_space<vmem>>
    %dma_wait3A_1015 = arith.constant 0 : i32
    %dma_wait3A_1016 = tpu.memref_slice %arg30[%dma_wait3A_1009, %dma_wait3A_1015] : memref<26x512xi32, #tpu.memory_space<vmem>> -> memref<1x512xi32, #tpu.memory_space<vmem>>
    %dma_wait3A_1017 = tpu.memref_squeeze %dma_wait3A_1016 : memref<1x512xi32, #tpu.memory_space<vmem>> -> memref<512xi32, #tpu.memory_space<vmem>>
    %dma_wait3A_1018 = arith.constant 0 : i32
    %dma_wait3A_1019 = arith.constant 0 : i32
    %dma_wait3A_1020 = tpu.memref_slice %arg9[%dma_wait3A_1018, %dma_wait3A_1019] : memref<100000x32xf32, #tpu.memory_space<hbm>> -> memref<100000x32xf32, #tpu.memory_space<hbm>>
    tpu.wait_indirect_dma semaphore(%arg35 : memref<!tpu.dma_semaphore, #tpu.memory_space<semaphore_mem>>) src(%dma_wait3A_1020 : memref<100000x32xf32, #tpu.memory_space<hbm>>) dst(%dma_wait3A_1014 : memref<512x32xf32, #tpu.memory_space<vmem>>)
    %dma_start3A_1021 = arith.constant 2 : i32
    %dma_start3A_1022 = arith.constant 6 : i32
    %dma_start3A_1023 = arith.constant 0 : i32
    %dma_start3A_1024 = arith.constant 0 : i32
    %dma_start3A_1025 = tpu.memref_slice %arg31[%dma_start3A_1021, %dma_start3A_1023, %dma_start3A_1024] : memref<4x512x32xf32, #tpu.memory_space<vmem>> -> memref<1x512x32xf32, #tpu.memory_space<vmem>>
    %dma_start3A_1026 = tpu.memref_squeeze %dma_start3A_1025 : memref<1x512x32xf32, #tpu.memory_space<vmem>> -> memref<512x32xf32, #tpu.memory_space<vmem>>
    %dma_start3A_1027 = arith.constant 0 : i32
    %dma_start3A_1028 = tpu.memref_slice %arg29[%mul3A_2, %dma_start3A_1022, %dma_start3A_1027] : memref<16384x26x32xf32, #tpu.memory_space<hbm>> -> memref<512x1x32xf32, #tpu.memory_space<hbm>>
    %dma_start3A_1029 = tpu.memref_squeeze %dma_start3A_1028 : memref<512x1x32xf32, #tpu.memory_space<hbm>> -> memref<512x32xf32, #tpu.memory_space<hbm>>
    %dma_start3A_1030 = arith.constant 0 : i32
    %dma_start3A_1031 = tpu.memref_slice %arg29[%mul3A_2, %dma_start3A_1022, %dma_start3A_1030] : memref<16384x26x32xf32, #tpu.memory_space<hbm>> -> memref<512x1x32xf32, #tpu.memory_space<hbm>>
    %dma_start3A_1032 = tpu.memref_squeeze %dma_start3A_1031 : memref<512x1x32xf32, #tpu.memory_space<hbm>> -> memref<512x32xf32, #tpu.memory_space<hbm>>
    %dma_start3A_1033 = arith.constant 0 : i32
    %dma_start3A_1034 = arith.constant 0 : i32
    %dma_start3A_1035 = tpu.memref_slice %arg31[%dma_start3A_1021, %dma_start3A_1033, %dma_start3A_1034] : memref<4x512x32xf32, #tpu.memory_space<vmem>> -> memref<1x512x32xf32, #tpu.memory_space<vmem>>
    %dma_start3A_1036 = tpu.memref_squeeze %dma_start3A_1035 : memref<1x512x32xf32, #tpu.memory_space<vmem>> -> memref<512x32xf32, #tpu.memory_space<vmem>>
    tpu.enqueue_dma source(%dma_start3A_1036 : memref<512x32xf32, #tpu.memory_space<vmem>>) target(%dma_start3A_1032 : memref<512x32xf32, #tpu.memory_space<hbm>>) target_semaphore(%arg39 : memref<!tpu.dma_semaphore, #tpu.memory_space<semaphore_mem>>)
    %dma_wait3A_1037 = arith.constant 2 : i32
    %dma_wait3A_1038 = arith.constant 6 : i32
    %dma_wait3A_1039 = arith.constant 0 : i32
    %dma_wait3A_1040 = arith.constant 0 : i32
    %dma_wait3A_1041 = tpu.memref_slice %arg31[%dma_wait3A_1037, %dma_wait3A_1039, %dma_wait3A_1040] : memref<4x512x32xf32, #tpu.memory_space<vmem>> -> memref<1x512x32xf32, #tpu.memory_space<vmem>>
    %dma_wait3A_1042 = tpu.memref_squeeze %dma_wait3A_1041 : memref<1x512x32xf32, #tpu.memory_space<vmem>> -> memref<512x32xf32, #tpu.memory_space<vmem>>
    %dma_wait3A_1043 = arith.constant 0 : i32
    %dma_wait3A_1044 = tpu.memref_slice %arg29[%mul3A_2, %dma_wait3A_1038, %dma_wait3A_1043] : memref<16384x26x32xf32, #tpu.memory_space<hbm>> -> memref<512x1x32xf32, #tpu.memory_space<hbm>>
    %dma_wait3A_1045 = tpu.memref_squeeze %dma_wait3A_1044 : memref<512x1x32xf32, #tpu.memory_space<hbm>> -> memref<512x32xf32, #tpu.memory_space<hbm>>
    %dma_wait3A_1046 = arith.constant 0 : i32
    %dma_wait3A_1047 = tpu.memref_slice %arg29[%mul3A_2, %dma_wait3A_1038, %dma_wait3A_1046] : memref<16384x26x32xf32, #tpu.memory_space<hbm>> -> memref<512x1x32xf32, #tpu.memory_space<hbm>>
    %dma_wait3A_1048 = tpu.memref_squeeze %dma_wait3A_1047 : memref<512x1x32xf32, #tpu.memory_space<hbm>> -> memref<512x32xf32, #tpu.memory_space<hbm>>
    %dma_wait3A_1049 = arith.constant 0 : i32
    %dma_wait3A_1050 = arith.constant 0 : i32
    %dma_wait3A_1051 = tpu.memref_slice %arg31[%dma_wait3A_1037, %dma_wait3A_1049, %dma_wait3A_1050] : memref<4x512x32xf32, #tpu.memory_space<vmem>> -> memref<1x512x32xf32, #tpu.memory_space<vmem>>
    %dma_wait3A_1052 = tpu.memref_squeeze %dma_wait3A_1051 : memref<1x512x32xf32, #tpu.memory_space<vmem>> -> memref<512x32xf32, #tpu.memory_space<vmem>>
    tpu.wait_dma2 semaphore(%arg39 : memref<!tpu.dma_semaphore, #tpu.memory_space<semaphore_mem>>) src(%dma_wait3A_1052 : memref<512x32xf32, #tpu.memory_space<vmem>>) dst(%dma_wait3A_1048 : memref<512x32xf32, #tpu.memory_space<hbm>>)
    %dma_start3A_1053 = arith.constant 10 : i32
    %dma_start3A_1054 = arith.constant 2 : i32
    %dma_start3A_1055 = arith.constant 0 : i32
    %dma_start3A_1056 = arith.constant 0 : i32
    %dma_start3A_1057 = tpu.memref_slice %arg31[%dma_start3A_1054, %dma_start3A_1055, %dma_start3A_1056] : memref<4x512x32xf32, #tpu.memory_space<vmem>> -> memref<1x512x32xf32, #tpu.memory_space<vmem>>
    %dma_start3A_1058 = tpu.memref_squeeze %dma_start3A_1057 : memref<1x512x32xf32, #tpu.memory_space<vmem>> -> memref<512x32xf32, #tpu.memory_space<vmem>>
    %dma_start3A_1059 = arith.constant 0 : i32
    %dma_start3A_1060 = tpu.memref_slice %arg30[%dma_start3A_1053, %dma_start3A_1059] : memref<26x512xi32, #tpu.memory_space<vmem>> -> memref<1x512xi32, #tpu.memory_space<vmem>>
    %dma_start3A_1061 = tpu.memref_squeeze %dma_start3A_1060 : memref<1x512xi32, #tpu.memory_space<vmem>> -> memref<512xi32, #tpu.memory_space<vmem>>
    %dma_start3A_1062 = arith.constant 0 : i32
    %dma_start3A_1063 = arith.constant 0 : i32
    %dma_start3A_1064 = tpu.memref_slice %arg13[%dma_start3A_1062, %dma_start3A_1063] : memref<100000x32xf32, #tpu.memory_space<hbm>> -> memref<100000x32xf32, #tpu.memory_space<hbm>>
    tpu.enqueue_indirect_dma source(%dma_start3A_1064 : memref<100000x32xf32, #tpu.memory_space<hbm>>) target(%dma_start3A_1058 : memref<512x32xf32, #tpu.memory_space<vmem>>) offsets(%dma_start3A_1061 : memref<512xi32, #tpu.memory_space<vmem>>) semaphore(%arg35 : memref<!tpu.dma_semaphore, #tpu.memory_space<semaphore_mem>>)
    %dma_wait3A_1065 = arith.constant 7 : i32
    %dma_wait3A_1066 = arith.constant 3 : i32
    %dma_wait3A_1067 = arith.constant 0 : i32
    %dma_wait3A_1068 = arith.constant 0 : i32
    %dma_wait3A_1069 = tpu.memref_slice %arg31[%dma_wait3A_1066, %dma_wait3A_1067, %dma_wait3A_1068] : memref<4x512x32xf32, #tpu.memory_space<vmem>> -> memref<1x512x32xf32, #tpu.memory_space<vmem>>
    %dma_wait3A_1070 = tpu.memref_squeeze %dma_wait3A_1069 : memref<1x512x32xf32, #tpu.memory_space<vmem>> -> memref<512x32xf32, #tpu.memory_space<vmem>>
    %dma_wait3A_1071 = arith.constant 0 : i32
    %dma_wait3A_1072 = tpu.memref_slice %arg30[%dma_wait3A_1065, %dma_wait3A_1071] : memref<26x512xi32, #tpu.memory_space<vmem>> -> memref<1x512xi32, #tpu.memory_space<vmem>>
    %dma_wait3A_1073 = tpu.memref_squeeze %dma_wait3A_1072 : memref<1x512xi32, #tpu.memory_space<vmem>> -> memref<512xi32, #tpu.memory_space<vmem>>
    %dma_wait3A_1074 = arith.constant 0 : i32
    %dma_wait3A_1075 = arith.constant 0 : i32
    %dma_wait3A_1076 = tpu.memref_slice %arg10[%dma_wait3A_1074, %dma_wait3A_1075] : memref<100000x32xf32, #tpu.memory_space<hbm>> -> memref<100000x32xf32, #tpu.memory_space<hbm>>
    tpu.wait_indirect_dma semaphore(%arg36 : memref<!tpu.dma_semaphore, #tpu.memory_space<semaphore_mem>>) src(%dma_wait3A_1076 : memref<100000x32xf32, #tpu.memory_space<hbm>>) dst(%dma_wait3A_1070 : memref<512x32xf32, #tpu.memory_space<vmem>>)
    %dma_start3A_1077 = arith.constant 3 : i32
    %dma_start3A_1078 = arith.constant 7 : i32
    %dma_start3A_1079 = arith.constant 0 : i32
    %dma_start3A_1080 = arith.constant 0 : i32
    %dma_start3A_1081 = tpu.memref_slice %arg31[%dma_start3A_1077, %dma_start3A_1079, %dma_start3A_1080] : memref<4x512x32xf32, #tpu.memory_space<vmem>> -> memref<1x512x32xf32, #tpu.memory_space<vmem>>
    %dma_start3A_1082 = tpu.memref_squeeze %dma_start3A_1081 : memref<1x512x32xf32, #tpu.memory_space<vmem>> -> memref<512x32xf32, #tpu.memory_space<vmem>>
    %dma_start3A_1083 = arith.constant 0 : i32
    %dma_start3A_1084 = tpu.memref_slice %arg29[%mul3A_2, %dma_start3A_1078, %dma_start3A_1083] : memref<16384x26x32xf32, #tpu.memory_space<hbm>> -> memref<512x1x32xf32, #tpu.memory_space<hbm>>
    %dma_start3A_1085 = tpu.memref_squeeze %dma_start3A_1084 : memref<512x1x32xf32, #tpu.memory_space<hbm>> -> memref<512x32xf32, #tpu.memory_space<hbm>>
    %dma_start3A_1086 = arith.constant 0 : i32
    %dma_start3A_1087 = tpu.memref_slice %arg29[%mul3A_2, %dma_start3A_1078, %dma_start3A_1086] : memref<16384x26x32xf32, #tpu.memory_space<hbm>> -> memref<512x1x32xf32, #tpu.memory_space<hbm>>
    %dma_start3A_1088 = tpu.memref_squeeze %dma_start3A_1087 : memref<512x1x32xf32, #tpu.memory_space<hbm>> -> memref<512x32xf32, #tpu.memory_space<hbm>>
    %dma_start3A_1089 = arith.constant 0 : i32
    %dma_start3A_1090 = arith.constant 0 : i32
    %dma_start3A_1091 = tpu.memref_slice %arg31[%dma_start3A_1077, %dma_start3A_1089, %dma_start3A_1090] : memref<4x512x32xf32, #tpu.memory_space<vmem>> -> memref<1x512x32xf32, #tpu.memory_space<vmem>>
    %dma_start3A_1092 = tpu.memref_squeeze %dma_start3A_1091 : memref<1x512x32xf32, #tpu.memory_space<vmem>> -> memref<512x32xf32, #tpu.memory_space<vmem>>
    tpu.enqueue_dma source(%dma_start3A_1092 : memref<512x32xf32, #tpu.memory_space<vmem>>) target(%dma_start3A_1088 : memref<512x32xf32, #tpu.memory_space<hbm>>) target_semaphore(%arg40 : memref<!tpu.dma_semaphore, #tpu.memory_space<semaphore_mem>>)
    %dma_wait3A_1093 = arith.constant 3 : i32
    %dma_wait3A_1094 = arith.constant 7 : i32
    %dma_wait3A_1095 = arith.constant 0 : i32
    %dma_wait3A_1096 = arith.constant 0 : i32
    %dma_wait3A_1097 = tpu.memref_slice %arg31[%dma_wait3A_1093, %dma_wait3A_1095, %dma_wait3A_1096] : memref<4x512x32xf32, #tpu.memory_space<vmem>> -> memref<1x512x32xf32, #tpu.memory_space<vmem>>
    %dma_wait3A_1098 = tpu.memref_squeeze %dma_wait3A_1097 : memref<1x512x32xf32, #tpu.memory_space<vmem>> -> memref<512x32xf32, #tpu.memory_space<vmem>>
    %dma_wait3A_1099 = arith.constant 0 : i32
    %dma_wait3A_1100 = tpu.memref_slice %arg29[%mul3A_2, %dma_wait3A_1094, %dma_wait3A_1099] : memref<16384x26x32xf32, #tpu.memory_space<hbm>> -> memref<512x1x32xf32, #tpu.memory_space<hbm>>
    %dma_wait3A_1101 = tpu.memref_squeeze %dma_wait3A_1100 : memref<512x1x32xf32, #tpu.memory_space<hbm>> -> memref<512x32xf32, #tpu.memory_space<hbm>>
    %dma_wait3A_1102 = arith.constant 0 : i32
    %dma_wait3A_1103 = tpu.memref_slice %arg29[%mul3A_2, %dma_wait3A_1094, %dma_wait3A_1102] : memref<16384x26x32xf32, #tpu.memory_space<hbm>> -> memref<512x1x32xf32, #tpu.memory_space<hbm>>
    %dma_wait3A_1104 = tpu.memref_squeeze %dma_wait3A_1103 : memref<512x1x32xf32, #tpu.memory_space<hbm>> -> memref<512x32xf32, #tpu.memory_space<hbm>>
    %dma_wait3A_1105 = arith.constant 0 : i32
    %dma_wait3A_1106 = arith.constant 0 : i32
    %dma_wait3A_1107 = tpu.memref_slice %arg31[%dma_wait3A_1093, %dma_wait3A_1105, %dma_wait3A_1106] : memref<4x512x32xf32, #tpu.memory_space<vmem>> -> memref<1x512x32xf32, #tpu.memory_space<vmem>>
    %dma_wait3A_1108 = tpu.memref_squeeze %dma_wait3A_1107 : memref<1x512x32xf32, #tpu.memory_space<vmem>> -> memref<512x32xf32, #tpu.memory_space<vmem>>
    tpu.wait_dma2 semaphore(%arg40 : memref<!tpu.dma_semaphore, #tpu.memory_space<semaphore_mem>>) src(%dma_wait3A_1108 : memref<512x32xf32, #tpu.memory_space<vmem>>) dst(%dma_wait3A_1104 : memref<512x32xf32, #tpu.memory_space<hbm>>)
    %dma_start3A_1109 = arith.constant 11 : i32
    %dma_start3A_1110 = arith.constant 3 : i32
    %dma_start3A_1111 = arith.constant 0 : i32
    %dma_start3A_1112 = arith.constant 0 : i32
    %dma_start3A_1113 = tpu.memref_slice %arg31[%dma_start3A_1110, %dma_start3A_1111, %dma_start3A_1112] : memref<4x512x32xf32, #tpu.memory_space<vmem>> -> memref<1x512x32xf32, #tpu.memory_space<vmem>>
    %dma_start3A_1114 = tpu.memref_squeeze %dma_start3A_1113 : memref<1x512x32xf32, #tpu.memory_space<vmem>> -> memref<512x32xf32, #tpu.memory_space<vmem>>
    %dma_start3A_1115 = arith.constant 0 : i32
    %dma_start3A_1116 = tpu.memref_slice %arg30[%dma_start3A_1109, %dma_start3A_1115] : memref<26x512xi32, #tpu.memory_space<vmem>> -> memref<1x512xi32, #tpu.memory_space<vmem>>
    %dma_start3A_1117 = tpu.memref_squeeze %dma_start3A_1116 : memref<1x512xi32, #tpu.memory_space<vmem>> -> memref<512xi32, #tpu.memory_space<vmem>>
    %dma_start3A_1118 = arith.constant 0 : i32
    %dma_start3A_1119 = arith.constant 0 : i32
    %dma_start3A_1120 = tpu.memref_slice %arg14[%dma_start3A_1118, %dma_start3A_1119] : memref<100000x32xf32, #tpu.memory_space<hbm>> -> memref<100000x32xf32, #tpu.memory_space<hbm>>
    tpu.enqueue_indirect_dma source(%dma_start3A_1120 : memref<100000x32xf32, #tpu.memory_space<hbm>>) target(%dma_start3A_1114 : memref<512x32xf32, #tpu.memory_space<vmem>>) offsets(%dma_start3A_1117 : memref<512xi32, #tpu.memory_space<vmem>>) semaphore(%arg36 : memref<!tpu.dma_semaphore, #tpu.memory_space<semaphore_mem>>)
    %dma_wait3A_1121 = arith.constant 8 : i32
    %dma_wait3A_1122 = arith.constant 0 : i32
    %dma_wait3A_1123 = arith.constant 0 : i32
    %dma_wait3A_1124 = arith.constant 0 : i32
    %dma_wait3A_1125 = tpu.memref_slice %arg31[%dma_wait3A_1122, %dma_wait3A_1123, %dma_wait3A_1124] : memref<4x512x32xf32, #tpu.memory_space<vmem>> -> memref<1x512x32xf32, #tpu.memory_space<vmem>>
    %dma_wait3A_1126 = tpu.memref_squeeze %dma_wait3A_1125 : memref<1x512x32xf32, #tpu.memory_space<vmem>> -> memref<512x32xf32, #tpu.memory_space<vmem>>
    %dma_wait3A_1127 = arith.constant 0 : i32
    %dma_wait3A_1128 = tpu.memref_slice %arg30[%dma_wait3A_1121, %dma_wait3A_1127] : memref<26x512xi32, #tpu.memory_space<vmem>> -> memref<1x512xi32, #tpu.memory_space<vmem>>
    %dma_wait3A_1129 = tpu.memref_squeeze %dma_wait3A_1128 : memref<1x512xi32, #tpu.memory_space<vmem>> -> memref<512xi32, #tpu.memory_space<vmem>>
    %dma_wait3A_1130 = arith.constant 0 : i32
    %dma_wait3A_1131 = arith.constant 0 : i32
    %dma_wait3A_1132 = tpu.memref_slice %arg11[%dma_wait3A_1130, %dma_wait3A_1131] : memref<100000x32xf32, #tpu.memory_space<hbm>> -> memref<100000x32xf32, #tpu.memory_space<hbm>>
    tpu.wait_indirect_dma semaphore(%arg33 : memref<!tpu.dma_semaphore, #tpu.memory_space<semaphore_mem>>) src(%dma_wait3A_1132 : memref<100000x32xf32, #tpu.memory_space<hbm>>) dst(%dma_wait3A_1126 : memref<512x32xf32, #tpu.memory_space<vmem>>)
    %dma_start3A_1133 = arith.constant 0 : i32
    %dma_start3A_1134 = arith.constant 8 : i32
    %dma_start3A_1135 = arith.constant 0 : i32
    %dma_start3A_1136 = arith.constant 0 : i32
    %dma_start3A_1137 = tpu.memref_slice %arg31[%dma_start3A_1133, %dma_start3A_1135, %dma_start3A_1136] : memref<4x512x32xf32, #tpu.memory_space<vmem>> -> memref<1x512x32xf32, #tpu.memory_space<vmem>>
    %dma_start3A_1138 = tpu.memref_squeeze %dma_start3A_1137 : memref<1x512x32xf32, #tpu.memory_space<vmem>> -> memref<512x32xf32, #tpu.memory_space<vmem>>
    %dma_start3A_1139 = arith.constant 0 : i32
    %dma_start3A_1140 = tpu.memref_slice %arg29[%mul3A_2, %dma_start3A_1134, %dma_start3A_1139] : memref<16384x26x32xf32, #tpu.memory_space<hbm>> -> memref<512x1x32xf32, #tpu.memory_space<hbm>>
    %dma_start3A_1141 = tpu.memref_squeeze %dma_start3A_1140 : memref<512x1x32xf32, #tpu.memory_space<hbm>> -> memref<512x32xf32, #tpu.memory_space<hbm>>
    %dma_start3A_1142 = arith.constant 0 : i32
    %dma_start3A_1143 = tpu.memref_slice %arg29[%mul3A_2, %dma_start3A_1134, %dma_start3A_1142] : memref<16384x26x32xf32, #tpu.memory_space<hbm>> -> memref<512x1x32xf32, #tpu.memory_space<hbm>>
    %dma_start3A_1144 = tpu.memref_squeeze %dma_start3A_1143 : memref<512x1x32xf32, #tpu.memory_space<hbm>> -> memref<512x32xf32, #tpu.memory_space<hbm>>
    %dma_start3A_1145 = arith.constant 0 : i32
    %dma_start3A_1146 = arith.constant 0 : i32
    %dma_start3A_1147 = tpu.memref_slice %arg31[%dma_start3A_1133, %dma_start3A_1145, %dma_start3A_1146] : memref<4x512x32xf32, #tpu.memory_space<vmem>> -> memref<1x512x32xf32, #tpu.memory_space<vmem>>
    %dma_start3A_1148 = tpu.memref_squeeze %dma_start3A_1147 : memref<1x512x32xf32, #tpu.memory_space<vmem>> -> memref<512x32xf32, #tpu.memory_space<vmem>>
    tpu.enqueue_dma source(%dma_start3A_1148 : memref<512x32xf32, #tpu.memory_space<vmem>>) target(%dma_start3A_1144 : memref<512x32xf32, #tpu.memory_space<hbm>>) target_semaphore(%arg37 : memref<!tpu.dma_semaphore, #tpu.memory_space<semaphore_mem>>)
    %dma_wait3A_1149 = arith.constant 0 : i32
    %dma_wait3A_1150 = arith.constant 8 : i32
    %dma_wait3A_1151 = arith.constant 0 : i32
    %dma_wait3A_1152 = arith.constant 0 : i32
    %dma_wait3A_1153 = tpu.memref_slice %arg31[%dma_wait3A_1149, %dma_wait3A_1151, %dma_wait3A_1152] : memref<4x512x32xf32, #tpu.memory_space<vmem>> -> memref<1x512x32xf32, #tpu.memory_space<vmem>>
    %dma_wait3A_1154 = tpu.memref_squeeze %dma_wait3A_1153 : memref<1x512x32xf32, #tpu.memory_space<vmem>> -> memref<512x32xf32, #tpu.memory_space<vmem>>
    %dma_wait3A_1155 = arith.constant 0 : i32
    %dma_wait3A_1156 = tpu.memref_slice %arg29[%mul3A_2, %dma_wait3A_1150, %dma_wait3A_1155] : memref<16384x26x32xf32, #tpu.memory_space<hbm>> -> memref<512x1x32xf32, #tpu.memory_space<hbm>>
    %dma_wait3A_1157 = tpu.memref_squeeze %dma_wait3A_1156 : memref<512x1x32xf32, #tpu.memory_space<hbm>> -> memref<512x32xf32, #tpu.memory_space<hbm>>
    %dma_wait3A_1158 = arith.constant 0 : i32
    %dma_wait3A_1159 = tpu.memref_slice %arg29[%mul3A_2, %dma_wait3A_1150, %dma_wait3A_1158] : memref<16384x26x32xf32, #tpu.memory_space<hbm>> -> memref<512x1x32xf32, #tpu.memory_space<hbm>>
    %dma_wait3A_1160 = tpu.memref_squeeze %dma_wait3A_1159 : memref<512x1x32xf32, #tpu.memory_space<hbm>> -> memref<512x32xf32, #tpu.memory_space<hbm>>
    %dma_wait3A_1161 = arith.constant 0 : i32
    %dma_wait3A_1162 = arith.constant 0 : i32
    %dma_wait3A_1163 = tpu.memref_slice %arg31[%dma_wait3A_1149, %dma_wait3A_1161, %dma_wait3A_1162] : memref<4x512x32xf32, #tpu.memory_space<vmem>> -> memref<1x512x32xf32, #tpu.memory_space<vmem>>
    %dma_wait3A_1164 = tpu.memref_squeeze %dma_wait3A_1163 : memref<1x512x32xf32, #tpu.memory_space<vmem>> -> memref<512x32xf32, #tpu.memory_space<vmem>>
    tpu.wait_dma2 semaphore(%arg37 : memref<!tpu.dma_semaphore, #tpu.memory_space<semaphore_mem>>) src(%dma_wait3A_1164 : memref<512x32xf32, #tpu.memory_space<vmem>>) dst(%dma_wait3A_1160 : memref<512x32xf32, #tpu.memory_space<hbm>>)
    %dma_start3A_1165 = arith.constant 12 : i32
    %dma_start3A_1166 = arith.constant 0 : i32
    %dma_start3A_1167 = arith.constant 0 : i32
    %dma_start3A_1168 = arith.constant 0 : i32
    %dma_start3A_1169 = tpu.memref_slice %arg31[%dma_start3A_1166, %dma_start3A_1167, %dma_start3A_1168] : memref<4x512x32xf32, #tpu.memory_space<vmem>> -> memref<1x512x32xf32, #tpu.memory_space<vmem>>
    %dma_start3A_1170 = tpu.memref_squeeze %dma_start3A_1169 : memref<1x512x32xf32, #tpu.memory_space<vmem>> -> memref<512x32xf32, #tpu.memory_space<vmem>>
    %dma_start3A_1171 = arith.constant 0 : i32
    %dma_start3A_1172 = tpu.memref_slice %arg30[%dma_start3A_1165, %dma_start3A_1171] : memref<26x512xi32, #tpu.memory_space<vmem>> -> memref<1x512xi32, #tpu.memory_space<vmem>>
    %dma_start3A_1173 = tpu.memref_squeeze %dma_start3A_1172 : memref<1x512xi32, #tpu.memory_space<vmem>> -> memref<512xi32, #tpu.memory_space<vmem>>
    %dma_start3A_1174 = arith.constant 0 : i32
    %dma_start3A_1175 = arith.constant 0 : i32
    %dma_start3A_1176 = tpu.memref_slice %arg15[%dma_start3A_1174, %dma_start3A_1175] : memref<100000x32xf32, #tpu.memory_space<hbm>> -> memref<100000x32xf32, #tpu.memory_space<hbm>>
    tpu.enqueue_indirect_dma source(%dma_start3A_1176 : memref<100000x32xf32, #tpu.memory_space<hbm>>) target(%dma_start3A_1170 : memref<512x32xf32, #tpu.memory_space<vmem>>) offsets(%dma_start3A_1173 : memref<512xi32, #tpu.memory_space<vmem>>) semaphore(%arg33 : memref<!tpu.dma_semaphore, #tpu.memory_space<semaphore_mem>>)
    %dma_wait3A_1177 = arith.constant 9 : i32
    %dma_wait3A_1178 = arith.constant 1 : i32
    %dma_wait3A_1179 = arith.constant 0 : i32
    %dma_wait3A_1180 = arith.constant 0 : i32
    %dma_wait3A_1181 = tpu.memref_slice %arg31[%dma_wait3A_1178, %dma_wait3A_1179, %dma_wait3A_1180] : memref<4x512x32xf32, #tpu.memory_space<vmem>> -> memref<1x512x32xf32, #tpu.memory_space<vmem>>
    %dma_wait3A_1182 = tpu.memref_squeeze %dma_wait3A_1181 : memref<1x512x32xf32, #tpu.memory_space<vmem>> -> memref<512x32xf32, #tpu.memory_space<vmem>>
    %dma_wait3A_1183 = arith.constant 0 : i32
    %dma_wait3A_1184 = tpu.memref_slice %arg30[%dma_wait3A_1177, %dma_wait3A_1183] : memref<26x512xi32, #tpu.memory_space<vmem>> -> memref<1x512xi32, #tpu.memory_space<vmem>>
    %dma_wait3A_1185 = tpu.memref_squeeze %dma_wait3A_1184 : memref<1x512xi32, #tpu.memory_space<vmem>> -> memref<512xi32, #tpu.memory_space<vmem>>
    %dma_wait3A_1186 = arith.constant 0 : i32
    %dma_wait3A_1187 = arith.constant 0 : i32
    %dma_wait3A_1188 = tpu.memref_slice %arg12[%dma_wait3A_1186, %dma_wait3A_1187] : memref<100000x32xf32, #tpu.memory_space<hbm>> -> memref<100000x32xf32, #tpu.memory_space<hbm>>
    tpu.wait_indirect_dma semaphore(%arg34 : memref<!tpu.dma_semaphore, #tpu.memory_space<semaphore_mem>>) src(%dma_wait3A_1188 : memref<100000x32xf32, #tpu.memory_space<hbm>>) dst(%dma_wait3A_1182 : memref<512x32xf32, #tpu.memory_space<vmem>>)
    %dma_start3A_1189 = arith.constant 1 : i32
    %dma_start3A_1190 = arith.constant 9 : i32
    %dma_start3A_1191 = arith.constant 0 : i32
    %dma_start3A_1192 = arith.constant 0 : i32
    %dma_start3A_1193 = tpu.memref_slice %arg31[%dma_start3A_1189, %dma_start3A_1191, %dma_start3A_1192] : memref<4x512x32xf32, #tpu.memory_space<vmem>> -> memref<1x512x32xf32, #tpu.memory_space<vmem>>
    %dma_start3A_1194 = tpu.memref_squeeze %dma_start3A_1193 : memref<1x512x32xf32, #tpu.memory_space<vmem>> -> memref<512x32xf32, #tpu.memory_space<vmem>>
    %dma_start3A_1195 = arith.constant 0 : i32
    %dma_start3A_1196 = tpu.memref_slice %arg29[%mul3A_2, %dma_start3A_1190, %dma_start3A_1195] : memref<16384x26x32xf32, #tpu.memory_space<hbm>> -> memref<512x1x32xf32, #tpu.memory_space<hbm>>
    %dma_start3A_1197 = tpu.memref_squeeze %dma_start3A_1196 : memref<512x1x32xf32, #tpu.memory_space<hbm>> -> memref<512x32xf32, #tpu.memory_space<hbm>>
    %dma_start3A_1198 = arith.constant 0 : i32
    %dma_start3A_1199 = tpu.memref_slice %arg29[%mul3A_2, %dma_start3A_1190, %dma_start3A_1198] : memref<16384x26x32xf32, #tpu.memory_space<hbm>> -> memref<512x1x32xf32, #tpu.memory_space<hbm>>
    %dma_start3A_1200 = tpu.memref_squeeze %dma_start3A_1199 : memref<512x1x32xf32, #tpu.memory_space<hbm>> -> memref<512x32xf32, #tpu.memory_space<hbm>>
    %dma_start3A_1201 = arith.constant 0 : i32
    %dma_start3A_1202 = arith.constant 0 : i32
    %dma_start3A_1203 = tpu.memref_slice %arg31[%dma_start3A_1189, %dma_start3A_1201, %dma_start3A_1202] : memref<4x512x32xf32, #tpu.memory_space<vmem>> -> memref<1x512x32xf32, #tpu.memory_space<vmem>>
    %dma_start3A_1204 = tpu.memref_squeeze %dma_start3A_1203 : memref<1x512x32xf32, #tpu.memory_space<vmem>> -> memref<512x32xf32, #tpu.memory_space<vmem>>
    tpu.enqueue_dma source(%dma_start3A_1204 : memref<512x32xf32, #tpu.memory_space<vmem>>) target(%dma_start3A_1200 : memref<512x32xf32, #tpu.memory_space<hbm>>) target_semaphore(%arg38 : memref<!tpu.dma_semaphore, #tpu.memory_space<semaphore_mem>>)
    %dma_wait3A_1205 = arith.constant 1 : i32
    %dma_wait3A_1206 = arith.constant 9 : i32
    %dma_wait3A_1207 = arith.constant 0 : i32
    %dma_wait3A_1208 = arith.constant 0 : i32
    %dma_wait3A_1209 = tpu.memref_slice %arg31[%dma_wait3A_1205, %dma_wait3A_1207, %dma_wait3A_1208] : memref<4x512x32xf32, #tpu.memory_space<vmem>> -> memref<1x512x32xf32, #tpu.memory_space<vmem>>
    %dma_wait3A_1210 = tpu.memref_squeeze %dma_wait3A_1209 : memref<1x512x32xf32, #tpu.memory_space<vmem>> -> memref<512x32xf32, #tpu.memory_space<vmem>>
    %dma_wait3A_1211 = arith.constant 0 : i32
    %dma_wait3A_1212 = tpu.memref_slice %arg29[%mul3A_2, %dma_wait3A_1206, %dma_wait3A_1211] : memref<16384x26x32xf32, #tpu.memory_space<hbm>> -> memref<512x1x32xf32, #tpu.memory_space<hbm>>
    %dma_wait3A_1213 = tpu.memref_squeeze %dma_wait3A_1212 : memref<512x1x32xf32, #tpu.memory_space<hbm>> -> memref<512x32xf32, #tpu.memory_space<hbm>>
    %dma_wait3A_1214 = arith.constant 0 : i32
    %dma_wait3A_1215 = tpu.memref_slice %arg29[%mul3A_2, %dma_wait3A_1206, %dma_wait3A_1214] : memref<16384x26x32xf32, #tpu.memory_space<hbm>> -> memref<512x1x32xf32, #tpu.memory_space<hbm>>
    %dma_wait3A_1216 = tpu.memref_squeeze %dma_wait3A_1215 : memref<512x1x32xf32, #tpu.memory_space<hbm>> -> memref<512x32xf32, #tpu.memory_space<hbm>>
    %dma_wait3A_1217 = arith.constant 0 : i32
    %dma_wait3A_1218 = arith.constant 0 : i32
    %dma_wait3A_1219 = tpu.memref_slice %arg31[%dma_wait3A_1205, %dma_wait3A_1217, %dma_wait3A_1218] : memref<4x512x32xf32, #tpu.memory_space<vmem>> -> memref<1x512x32xf32, #tpu.memory_space<vmem>>
    %dma_wait3A_1220 = tpu.memref_squeeze %dma_wait3A_1219 : memref<1x512x32xf32, #tpu.memory_space<vmem>> -> memref<512x32xf32, #tpu.memory_space<vmem>>
    tpu.wait_dma2 semaphore(%arg38 : memref<!tpu.dma_semaphore, #tpu.memory_space<semaphore_mem>>) src(%dma_wait3A_1220 : memref<512x32xf32, #tpu.memory_space<vmem>>) dst(%dma_wait3A_1216 : memref<512x32xf32, #tpu.memory_space<hbm>>)
    %dma_start3A_1221 = arith.constant 13 : i32
    %dma_start3A_1222 = arith.constant 1 : i32
    %dma_start3A_1223 = arith.constant 0 : i32
    %dma_start3A_1224 = arith.constant 0 : i32
    %dma_start3A_1225 = tpu.memref_slice %arg31[%dma_start3A_1222, %dma_start3A_1223, %dma_start3A_1224] : memref<4x512x32xf32, #tpu.memory_space<vmem>> -> memref<1x512x32xf32, #tpu.memory_space<vmem>>
    %dma_start3A_1226 = tpu.memref_squeeze %dma_start3A_1225 : memref<1x512x32xf32, #tpu.memory_space<vmem>> -> memref<512x32xf32, #tpu.memory_space<vmem>>
    %dma_start3A_1227 = arith.constant 0 : i32
    %dma_start3A_1228 = tpu.memref_slice %arg30[%dma_start3A_1221, %dma_start3A_1227] : memref<26x512xi32, #tpu.memory_space<vmem>> -> memref<1x512xi32, #tpu.memory_space<vmem>>
    %dma_start3A_1229 = tpu.memref_squeeze %dma_start3A_1228 : memref<1x512xi32, #tpu.memory_space<vmem>> -> memref<512xi32, #tpu.memory_space<vmem>>
    %dma_start3A_1230 = arith.constant 0 : i32
    %dma_start3A_1231 = arith.constant 0 : i32
    %dma_start3A_1232 = tpu.memref_slice %arg16[%dma_start3A_1230, %dma_start3A_1231] : memref<100000x32xf32, #tpu.memory_space<hbm>> -> memref<100000x32xf32, #tpu.memory_space<hbm>>
    tpu.enqueue_indirect_dma source(%dma_start3A_1232 : memref<100000x32xf32, #tpu.memory_space<hbm>>) target(%dma_start3A_1226 : memref<512x32xf32, #tpu.memory_space<vmem>>) offsets(%dma_start3A_1229 : memref<512xi32, #tpu.memory_space<vmem>>) semaphore(%arg34 : memref<!tpu.dma_semaphore, #tpu.memory_space<semaphore_mem>>)
    %dma_wait3A_1233 = arith.constant 10 : i32
    %dma_wait3A_1234 = arith.constant 2 : i32
    %dma_wait3A_1235 = arith.constant 0 : i32
    %dma_wait3A_1236 = arith.constant 0 : i32
    %dma_wait3A_1237 = tpu.memref_slice %arg31[%dma_wait3A_1234, %dma_wait3A_1235, %dma_wait3A_1236] : memref<4x512x32xf32, #tpu.memory_space<vmem>> -> memref<1x512x32xf32, #tpu.memory_space<vmem>>
    %dma_wait3A_1238 = tpu.memref_squeeze %dma_wait3A_1237 : memref<1x512x32xf32, #tpu.memory_space<vmem>> -> memref<512x32xf32, #tpu.memory_space<vmem>>
    %dma_wait3A_1239 = arith.constant 0 : i32
    %dma_wait3A_1240 = tpu.memref_slice %arg30[%dma_wait3A_1233, %dma_wait3A_1239] : memref<26x512xi32, #tpu.memory_space<vmem>> -> memref<1x512xi32, #tpu.memory_space<vmem>>
    %dma_wait3A_1241 = tpu.memref_squeeze %dma_wait3A_1240 : memref<1x512xi32, #tpu.memory_space<vmem>> -> memref<512xi32, #tpu.memory_space<vmem>>
    %dma_wait3A_1242 = arith.constant 0 : i32
    %dma_wait3A_1243 = arith.constant 0 : i32
    %dma_wait3A_1244 = tpu.memref_slice %arg13[%dma_wait3A_1242, %dma_wait3A_1243] : memref<100000x32xf32, #tpu.memory_space<hbm>> -> memref<100000x32xf32, #tpu.memory_space<hbm>>
    tpu.wait_indirect_dma semaphore(%arg35 : memref<!tpu.dma_semaphore, #tpu.memory_space<semaphore_mem>>) src(%dma_wait3A_1244 : memref<100000x32xf32, #tpu.memory_space<hbm>>) dst(%dma_wait3A_1238 : memref<512x32xf32, #tpu.memory_space<vmem>>)
    %dma_start3A_1245 = arith.constant 2 : i32
    %dma_start3A_1246 = arith.constant 10 : i32
    %dma_start3A_1247 = arith.constant 0 : i32
    %dma_start3A_1248 = arith.constant 0 : i32
    %dma_start3A_1249 = tpu.memref_slice %arg31[%dma_start3A_1245, %dma_start3A_1247, %dma_start3A_1248] : memref<4x512x32xf32, #tpu.memory_space<vmem>> -> memref<1x512x32xf32, #tpu.memory_space<vmem>>
    %dma_start3A_1250 = tpu.memref_squeeze %dma_start3A_1249 : memref<1x512x32xf32, #tpu.memory_space<vmem>> -> memref<512x32xf32, #tpu.memory_space<vmem>>
    %dma_start3A_1251 = arith.constant 0 : i32
    %dma_start3A_1252 = tpu.memref_slice %arg29[%mul3A_2, %dma_start3A_1246, %dma_start3A_1251] : memref<16384x26x32xf32, #tpu.memory_space<hbm>> -> memref<512x1x32xf32, #tpu.memory_space<hbm>>
    %dma_start3A_1253 = tpu.memref_squeeze %dma_start3A_1252 : memref<512x1x32xf32, #tpu.memory_space<hbm>> -> memref<512x32xf32, #tpu.memory_space<hbm>>
    %dma_start3A_1254 = arith.constant 0 : i32
    %dma_start3A_1255 = tpu.memref_slice %arg29[%mul3A_2, %dma_start3A_1246, %dma_start3A_1254] : memref<16384x26x32xf32, #tpu.memory_space<hbm>> -> memref<512x1x32xf32, #tpu.memory_space<hbm>>
    %dma_start3A_1256 = tpu.memref_squeeze %dma_start3A_1255 : memref<512x1x32xf32, #tpu.memory_space<hbm>> -> memref<512x32xf32, #tpu.memory_space<hbm>>
    %dma_start3A_1257 = arith.constant 0 : i32
    %dma_start3A_1258 = arith.constant 0 : i32
    %dma_start3A_1259 = tpu.memref_slice %arg31[%dma_start3A_1245, %dma_start3A_1257, %dma_start3A_1258] : memref<4x512x32xf32, #tpu.memory_space<vmem>> -> memref<1x512x32xf32, #tpu.memory_space<vmem>>
    %dma_start3A_1260 = tpu.memref_squeeze %dma_start3A_1259 : memref<1x512x32xf32, #tpu.memory_space<vmem>> -> memref<512x32xf32, #tpu.memory_space<vmem>>
    tpu.enqueue_dma source(%dma_start3A_1260 : memref<512x32xf32, #tpu.memory_space<vmem>>) target(%dma_start3A_1256 : memref<512x32xf32, #tpu.memory_space<hbm>>) target_semaphore(%arg39 : memref<!tpu.dma_semaphore, #tpu.memory_space<semaphore_mem>>)
    %dma_wait3A_1261 = arith.constant 2 : i32
    %dma_wait3A_1262 = arith.constant 10 : i32
    %dma_wait3A_1263 = arith.constant 0 : i32
    %dma_wait3A_1264 = arith.constant 0 : i32
    %dma_wait3A_1265 = tpu.memref_slice %arg31[%dma_wait3A_1261, %dma_wait3A_1263, %dma_wait3A_1264] : memref<4x512x32xf32, #tpu.memory_space<vmem>> -> memref<1x512x32xf32, #tpu.memory_space<vmem>>
    %dma_wait3A_1266 = tpu.memref_squeeze %dma_wait3A_1265 : memref<1x512x32xf32, #tpu.memory_space<vmem>> -> memref<512x32xf32, #tpu.memory_space<vmem>>
    %dma_wait3A_1267 = arith.constant 0 : i32
    %dma_wait3A_1268 = tpu.memref_slice %arg29[%mul3A_2, %dma_wait3A_1262, %dma_wait3A_1267] : memref<16384x26x32xf32, #tpu.memory_space<hbm>> -> memref<512x1x32xf32, #tpu.memory_space<hbm>>
    %dma_wait3A_1269 = tpu.memref_squeeze %dma_wait3A_1268 : memref<512x1x32xf32, #tpu.memory_space<hbm>> -> memref<512x32xf32, #tpu.memory_space<hbm>>
    %dma_wait3A_1270 = arith.constant 0 : i32
    %dma_wait3A_1271 = tpu.memref_slice %arg29[%mul3A_2, %dma_wait3A_1262, %dma_wait3A_1270] : memref<16384x26x32xf32, #tpu.memory_space<hbm>> -> memref<512x1x32xf32, #tpu.memory_space<hbm>>
    %dma_wait3A_1272 = tpu.memref_squeeze %dma_wait3A_1271 : memref<512x1x32xf32, #tpu.memory_space<hbm>> -> memref<512x32xf32, #tpu.memory_space<hbm>>
    %dma_wait3A_1273 = arith.constant 0 : i32
    %dma_wait3A_1274 = arith.constant 0 : i32
    %dma_wait3A_1275 = tpu.memref_slice %arg31[%dma_wait3A_1261, %dma_wait3A_1273, %dma_wait3A_1274] : memref<4x512x32xf32, #tpu.memory_space<vmem>> -> memref<1x512x32xf32, #tpu.memory_space<vmem>>
    %dma_wait3A_1276 = tpu.memref_squeeze %dma_wait3A_1275 : memref<1x512x32xf32, #tpu.memory_space<vmem>> -> memref<512x32xf32, #tpu.memory_space<vmem>>
    tpu.wait_dma2 semaphore(%arg39 : memref<!tpu.dma_semaphore, #tpu.memory_space<semaphore_mem>>) src(%dma_wait3A_1276 : memref<512x32xf32, #tpu.memory_space<vmem>>) dst(%dma_wait3A_1272 : memref<512x32xf32, #tpu.memory_space<hbm>>)
    %dma_start3A_1277 = arith.constant 14 : i32
    %dma_start3A_1278 = arith.constant 2 : i32
    %dma_start3A_1279 = arith.constant 0 : i32
    %dma_start3A_1280 = arith.constant 0 : i32
    %dma_start3A_1281 = tpu.memref_slice %arg31[%dma_start3A_1278, %dma_start3A_1279, %dma_start3A_1280] : memref<4x512x32xf32, #tpu.memory_space<vmem>> -> memref<1x512x32xf32, #tpu.memory_space<vmem>>
    %dma_start3A_1282 = tpu.memref_squeeze %dma_start3A_1281 : memref<1x512x32xf32, #tpu.memory_space<vmem>> -> memref<512x32xf32, #tpu.memory_space<vmem>>
    %dma_start3A_1283 = arith.constant 0 : i32
    %dma_start3A_1284 = tpu.memref_slice %arg30[%dma_start3A_1277, %dma_start3A_1283] : memref<26x512xi32, #tpu.memory_space<vmem>> -> memref<1x512xi32, #tpu.memory_space<vmem>>
    %dma_start3A_1285 = tpu.memref_squeeze %dma_start3A_1284 : memref<1x512xi32, #tpu.memory_space<vmem>> -> memref<512xi32, #tpu.memory_space<vmem>>
    %dma_start3A_1286 = arith.constant 0 : i32
    %dma_start3A_1287 = arith.constant 0 : i32
    %dma_start3A_1288 = tpu.memref_slice %arg17[%dma_start3A_1286, %dma_start3A_1287] : memref<100000x32xf32, #tpu.memory_space<hbm>> -> memref<100000x32xf32, #tpu.memory_space<hbm>>
    tpu.enqueue_indirect_dma source(%dma_start3A_1288 : memref<100000x32xf32, #tpu.memory_space<hbm>>) target(%dma_start3A_1282 : memref<512x32xf32, #tpu.memory_space<vmem>>) offsets(%dma_start3A_1285 : memref<512xi32, #tpu.memory_space<vmem>>) semaphore(%arg35 : memref<!tpu.dma_semaphore, #tpu.memory_space<semaphore_mem>>)
    %dma_wait3A_1289 = arith.constant 11 : i32
    %dma_wait3A_1290 = arith.constant 3 : i32
    %dma_wait3A_1291 = arith.constant 0 : i32
    %dma_wait3A_1292 = arith.constant 0 : i32
    %dma_wait3A_1293 = tpu.memref_slice %arg31[%dma_wait3A_1290, %dma_wait3A_1291, %dma_wait3A_1292] : memref<4x512x32xf32, #tpu.memory_space<vmem>> -> memref<1x512x32xf32, #tpu.memory_space<vmem>>
    %dma_wait3A_1294 = tpu.memref_squeeze %dma_wait3A_1293 : memref<1x512x32xf32, #tpu.memory_space<vmem>> -> memref<512x32xf32, #tpu.memory_space<vmem>>
    %dma_wait3A_1295 = arith.constant 0 : i32
    %dma_wait3A_1296 = tpu.memref_slice %arg30[%dma_wait3A_1289, %dma_wait3A_1295] : memref<26x512xi32, #tpu.memory_space<vmem>> -> memref<1x512xi32, #tpu.memory_space<vmem>>
    %dma_wait3A_1297 = tpu.memref_squeeze %dma_wait3A_1296 : memref<1x512xi32, #tpu.memory_space<vmem>> -> memref<512xi32, #tpu.memory_space<vmem>>
    %dma_wait3A_1298 = arith.constant 0 : i32
    %dma_wait3A_1299 = arith.constant 0 : i32
    %dma_wait3A_1300 = tpu.memref_slice %arg14[%dma_wait3A_1298, %dma_wait3A_1299] : memref<100000x32xf32, #tpu.memory_space<hbm>> -> memref<100000x32xf32, #tpu.memory_space<hbm>>
    tpu.wait_indirect_dma semaphore(%arg36 : memref<!tpu.dma_semaphore, #tpu.memory_space<semaphore_mem>>) src(%dma_wait3A_1300 : memref<100000x32xf32, #tpu.memory_space<hbm>>) dst(%dma_wait3A_1294 : memref<512x32xf32, #tpu.memory_space<vmem>>)
    %dma_start3A_1301 = arith.constant 3 : i32
    %dma_start3A_1302 = arith.constant 11 : i32
    %dma_start3A_1303 = arith.constant 0 : i32
    %dma_start3A_1304 = arith.constant 0 : i32
    %dma_start3A_1305 = tpu.memref_slice %arg31[%dma_start3A_1301, %dma_start3A_1303, %dma_start3A_1304] : memref<4x512x32xf32, #tpu.memory_space<vmem>> -> memref<1x512x32xf32, #tpu.memory_space<vmem>>
    %dma_start3A_1306 = tpu.memref_squeeze %dma_start3A_1305 : memref<1x512x32xf32, #tpu.memory_space<vmem>> -> memref<512x32xf32, #tpu.memory_space<vmem>>
    %dma_start3A_1307 = arith.constant 0 : i32
    %dma_start3A_1308 = tpu.memref_slice %arg29[%mul3A_2, %dma_start3A_1302, %dma_start3A_1307] : memref<16384x26x32xf32, #tpu.memory_space<hbm>> -> memref<512x1x32xf32, #tpu.memory_space<hbm>>
    %dma_start3A_1309 = tpu.memref_squeeze %dma_start3A_1308 : memref<512x1x32xf32, #tpu.memory_space<hbm>> -> memref<512x32xf32, #tpu.memory_space<hbm>>
    %dma_start3A_1310 = arith.constant 0 : i32
    %dma_start3A_1311 = tpu.memref_slice %arg29[%mul3A_2, %dma_start3A_1302, %dma_start3A_1310] : memref<16384x26x32xf32, #tpu.memory_space<hbm>> -> memref<512x1x32xf32, #tpu.memory_space<hbm>>
    %dma_start3A_1312 = tpu.memref_squeeze %dma_start3A_1311 : memref<512x1x32xf32, #tpu.memory_space<hbm>> -> memref<512x32xf32, #tpu.memory_space<hbm>>
    %dma_start3A_1313 = arith.constant 0 : i32
    %dma_start3A_1314 = arith.constant 0 : i32
    %dma_start3A_1315 = tpu.memref_slice %arg31[%dma_start3A_1301, %dma_start3A_1313, %dma_start3A_1314] : memref<4x512x32xf32, #tpu.memory_space<vmem>> -> memref<1x512x32xf32, #tpu.memory_space<vmem>>
    %dma_start3A_1316 = tpu.memref_squeeze %dma_start3A_1315 : memref<1x512x32xf32, #tpu.memory_space<vmem>> -> memref<512x32xf32, #tpu.memory_space<vmem>>
    tpu.enqueue_dma source(%dma_start3A_1316 : memref<512x32xf32, #tpu.memory_space<vmem>>) target(%dma_start3A_1312 : memref<512x32xf32, #tpu.memory_space<hbm>>) target_semaphore(%arg40 : memref<!tpu.dma_semaphore, #tpu.memory_space<semaphore_mem>>)
    %dma_wait3A_1317 = arith.constant 3 : i32
    %dma_wait3A_1318 = arith.constant 11 : i32
    %dma_wait3A_1319 = arith.constant 0 : i32
    %dma_wait3A_1320 = arith.constant 0 : i32
    %dma_wait3A_1321 = tpu.memref_slice %arg31[%dma_wait3A_1317, %dma_wait3A_1319, %dma_wait3A_1320] : memref<4x512x32xf32, #tpu.memory_space<vmem>> -> memref<1x512x32xf32, #tpu.memory_space<vmem>>
    %dma_wait3A_1322 = tpu.memref_squeeze %dma_wait3A_1321 : memref<1x512x32xf32, #tpu.memory_space<vmem>> -> memref<512x32xf32, #tpu.memory_space<vmem>>
    %dma_wait3A_1323 = arith.constant 0 : i32
    %dma_wait3A_1324 = tpu.memref_slice %arg29[%mul3A_2, %dma_wait3A_1318, %dma_wait3A_1323] : memref<16384x26x32xf32, #tpu.memory_space<hbm>> -> memref<512x1x32xf32, #tpu.memory_space<hbm>>
    %dma_wait3A_1325 = tpu.memref_squeeze %dma_wait3A_1324 : memref<512x1x32xf32, #tpu.memory_space<hbm>> -> memref<512x32xf32, #tpu.memory_space<hbm>>
    %dma_wait3A_1326 = arith.constant 0 : i32
    %dma_wait3A_1327 = tpu.memref_slice %arg29[%mul3A_2, %dma_wait3A_1318, %dma_wait3A_1326] : memref<16384x26x32xf32, #tpu.memory_space<hbm>> -> memref<512x1x32xf32, #tpu.memory_space<hbm>>
    %dma_wait3A_1328 = tpu.memref_squeeze %dma_wait3A_1327 : memref<512x1x32xf32, #tpu.memory_space<hbm>> -> memref<512x32xf32, #tpu.memory_space<hbm>>
    %dma_wait3A_1329 = arith.constant 0 : i32
    %dma_wait3A_1330 = arith.constant 0 : i32
    %dma_wait3A_1331 = tpu.memref_slice %arg31[%dma_wait3A_1317, %dma_wait3A_1329, %dma_wait3A_1330] : memref<4x512x32xf32, #tpu.memory_space<vmem>> -> memref<1x512x32xf32, #tpu.memory_space<vmem>>
    %dma_wait3A_1332 = tpu.memref_squeeze %dma_wait3A_1331 : memref<1x512x32xf32, #tpu.memory_space<vmem>> -> memref<512x32xf32, #tpu.memory_space<vmem>>
    tpu.wait_dma2 semaphore(%arg40 : memref<!tpu.dma_semaphore, #tpu.memory_space<semaphore_mem>>) src(%dma_wait3A_1332 : memref<512x32xf32, #tpu.memory_space<vmem>>) dst(%dma_wait3A_1328 : memref<512x32xf32, #tpu.memory_space<hbm>>)
    %dma_start3A_1333 = arith.constant 15 : i32
    %dma_start3A_1334 = arith.constant 3 : i32
    %dma_start3A_1335 = arith.constant 0 : i32
    %dma_start3A_1336 = arith.constant 0 : i32
    %dma_start3A_1337 = tpu.memref_slice %arg31[%dma_start3A_1334, %dma_start3A_1335, %dma_start3A_1336] : memref<4x512x32xf32, #tpu.memory_space<vmem>> -> memref<1x512x32xf32, #tpu.memory_space<vmem>>
    %dma_start3A_1338 = tpu.memref_squeeze %dma_start3A_1337 : memref<1x512x32xf32, #tpu.memory_space<vmem>> -> memref<512x32xf32, #tpu.memory_space<vmem>>
    %dma_start3A_1339 = arith.constant 0 : i32
    %dma_start3A_1340 = tpu.memref_slice %arg30[%dma_start3A_1333, %dma_start3A_1339] : memref<26x512xi32, #tpu.memory_space<vmem>> -> memref<1x512xi32, #tpu.memory_space<vmem>>
    %dma_start3A_1341 = tpu.memref_squeeze %dma_start3A_1340 : memref<1x512xi32, #tpu.memory_space<vmem>> -> memref<512xi32, #tpu.memory_space<vmem>>
    %dma_start3A_1342 = arith.constant 0 : i32
    %dma_start3A_1343 = arith.constant 0 : i32
    %dma_start3A_1344 = tpu.memref_slice %arg18[%dma_start3A_1342, %dma_start3A_1343] : memref<100000x32xf32, #tpu.memory_space<hbm>> -> memref<100000x32xf32, #tpu.memory_space<hbm>>
    tpu.enqueue_indirect_dma source(%dma_start3A_1344 : memref<100000x32xf32, #tpu.memory_space<hbm>>) target(%dma_start3A_1338 : memref<512x32xf32, #tpu.memory_space<vmem>>) offsets(%dma_start3A_1341 : memref<512xi32, #tpu.memory_space<vmem>>) semaphore(%arg36 : memref<!tpu.dma_semaphore, #tpu.memory_space<semaphore_mem>>)
    %dma_wait3A_1345 = arith.constant 12 : i32
    %dma_wait3A_1346 = arith.constant 0 : i32
    %dma_wait3A_1347 = arith.constant 0 : i32
    %dma_wait3A_1348 = arith.constant 0 : i32
    %dma_wait3A_1349 = tpu.memref_slice %arg31[%dma_wait3A_1346, %dma_wait3A_1347, %dma_wait3A_1348] : memref<4x512x32xf32, #tpu.memory_space<vmem>> -> memref<1x512x32xf32, #tpu.memory_space<vmem>>
    %dma_wait3A_1350 = tpu.memref_squeeze %dma_wait3A_1349 : memref<1x512x32xf32, #tpu.memory_space<vmem>> -> memref<512x32xf32, #tpu.memory_space<vmem>>
    %dma_wait3A_1351 = arith.constant 0 : i32
    %dma_wait3A_1352 = tpu.memref_slice %arg30[%dma_wait3A_1345, %dma_wait3A_1351] : memref<26x512xi32, #tpu.memory_space<vmem>> -> memref<1x512xi32, #tpu.memory_space<vmem>>
    %dma_wait3A_1353 = tpu.memref_squeeze %dma_wait3A_1352 : memref<1x512xi32, #tpu.memory_space<vmem>> -> memref<512xi32, #tpu.memory_space<vmem>>
    %dma_wait3A_1354 = arith.constant 0 : i32
    %dma_wait3A_1355 = arith.constant 0 : i32
    %dma_wait3A_1356 = tpu.memref_slice %arg15[%dma_wait3A_1354, %dma_wait3A_1355] : memref<100000x32xf32, #tpu.memory_space<hbm>> -> memref<100000x32xf32, #tpu.memory_space<hbm>>
    tpu.wait_indirect_dma semaphore(%arg33 : memref<!tpu.dma_semaphore, #tpu.memory_space<semaphore_mem>>) src(%dma_wait3A_1356 : memref<100000x32xf32, #tpu.memory_space<hbm>>) dst(%dma_wait3A_1350 : memref<512x32xf32, #tpu.memory_space<vmem>>)
    %dma_start3A_1357 = arith.constant 0 : i32
    %dma_start3A_1358 = arith.constant 12 : i32
    %dma_start3A_1359 = arith.constant 0 : i32
    %dma_start3A_1360 = arith.constant 0 : i32
    %dma_start3A_1361 = tpu.memref_slice %arg31[%dma_start3A_1357, %dma_start3A_1359, %dma_start3A_1360] : memref<4x512x32xf32, #tpu.memory_space<vmem>> -> memref<1x512x32xf32, #tpu.memory_space<vmem>>
    %dma_start3A_1362 = tpu.memref_squeeze %dma_start3A_1361 : memref<1x512x32xf32, #tpu.memory_space<vmem>> -> memref<512x32xf32, #tpu.memory_space<vmem>>
    %dma_start3A_1363 = arith.constant 0 : i32
    %dma_start3A_1364 = tpu.memref_slice %arg29[%mul3A_2, %dma_start3A_1358, %dma_start3A_1363] : memref<16384x26x32xf32, #tpu.memory_space<hbm>> -> memref<512x1x32xf32, #tpu.memory_space<hbm>>
    %dma_start3A_1365 = tpu.memref_squeeze %dma_start3A_1364 : memref<512x1x32xf32, #tpu.memory_space<hbm>> -> memref<512x32xf32, #tpu.memory_space<hbm>>
    %dma_start3A_1366 = arith.constant 0 : i32
    %dma_start3A_1367 = tpu.memref_slice %arg29[%mul3A_2, %dma_start3A_1358, %dma_start3A_1366] : memref<16384x26x32xf32, #tpu.memory_space<hbm>> -> memref<512x1x32xf32, #tpu.memory_space<hbm>>
    %dma_start3A_1368 = tpu.memref_squeeze %dma_start3A_1367 : memref<512x1x32xf32, #tpu.memory_space<hbm>> -> memref<512x32xf32, #tpu.memory_space<hbm>>
    %dma_start3A_1369 = arith.constant 0 : i32
    %dma_start3A_1370 = arith.constant 0 : i32
    %dma_start3A_1371 = tpu.memref_slice %arg31[%dma_start3A_1357, %dma_start3A_1369, %dma_start3A_1370] : memref<4x512x32xf32, #tpu.memory_space<vmem>> -> memref<1x512x32xf32, #tpu.memory_space<vmem>>
    %dma_start3A_1372 = tpu.memref_squeeze %dma_start3A_1371 : memref<1x512x32xf32, #tpu.memory_space<vmem>> -> memref<512x32xf32, #tpu.memory_space<vmem>>
    tpu.enqueue_dma source(%dma_start3A_1372 : memref<512x32xf32, #tpu.memory_space<vmem>>) target(%dma_start3A_1368 : memref<512x32xf32, #tpu.memory_space<hbm>>) target_semaphore(%arg37 : memref<!tpu.dma_semaphore, #tpu.memory_space<semaphore_mem>>)
    %dma_wait3A_1373 = arith.constant 0 : i32
    %dma_wait3A_1374 = arith.constant 12 : i32
    %dma_wait3A_1375 = arith.constant 0 : i32
    %dma_wait3A_1376 = arith.constant 0 : i32
    %dma_wait3A_1377 = tpu.memref_slice %arg31[%dma_wait3A_1373, %dma_wait3A_1375, %dma_wait3A_1376] : memref<4x512x32xf32, #tpu.memory_space<vmem>> -> memref<1x512x32xf32, #tpu.memory_space<vmem>>
    %dma_wait3A_1378 = tpu.memref_squeeze %dma_wait3A_1377 : memref<1x512x32xf32, #tpu.memory_space<vmem>> -> memref<512x32xf32, #tpu.memory_space<vmem>>
    %dma_wait3A_1379 = arith.constant 0 : i32
    %dma_wait3A_1380 = tpu.memref_slice %arg29[%mul3A_2, %dma_wait3A_1374, %dma_wait3A_1379] : memref<16384x26x32xf32, #tpu.memory_space<hbm>> -> memref<512x1x32xf32, #tpu.memory_space<hbm>>
    %dma_wait3A_1381 = tpu.memref_squeeze %dma_wait3A_1380 : memref<512x1x32xf32, #tpu.memory_space<hbm>> -> memref<512x32xf32, #tpu.memory_space<hbm>>
    %dma_wait3A_1382 = arith.constant 0 : i32
    %dma_wait3A_1383 = tpu.memref_slice %arg29[%mul3A_2, %dma_wait3A_1374, %dma_wait3A_1382] : memref<16384x26x32xf32, #tpu.memory_space<hbm>> -> memref<512x1x32xf32, #tpu.memory_space<hbm>>
    %dma_wait3A_1384 = tpu.memref_squeeze %dma_wait3A_1383 : memref<512x1x32xf32, #tpu.memory_space<hbm>> -> memref<512x32xf32, #tpu.memory_space<hbm>>
    %dma_wait3A_1385 = arith.constant 0 : i32
    %dma_wait3A_1386 = arith.constant 0 : i32
    %dma_wait3A_1387 = tpu.memref_slice %arg31[%dma_wait3A_1373, %dma_wait3A_1385, %dma_wait3A_1386] : memref<4x512x32xf32, #tpu.memory_space<vmem>> -> memref<1x512x32xf32, #tpu.memory_space<vmem>>
    %dma_wait3A_1388 = tpu.memref_squeeze %dma_wait3A_1387 : memref<1x512x32xf32, #tpu.memory_space<vmem>> -> memref<512x32xf32, #tpu.memory_space<vmem>>
    tpu.wait_dma2 semaphore(%arg37 : memref<!tpu.dma_semaphore, #tpu.memory_space<semaphore_mem>>) src(%dma_wait3A_1388 : memref<512x32xf32, #tpu.memory_space<vmem>>) dst(%dma_wait3A_1384 : memref<512x32xf32, #tpu.memory_space<hbm>>)
    %dma_start3A_1389 = arith.constant 16 : i32
    %dma_start3A_1390 = arith.constant 0 : i32
    %dma_start3A_1391 = arith.constant 0 : i32
    %dma_start3A_1392 = arith.constant 0 : i32
    %dma_start3A_1393 = tpu.memref_slice %arg31[%dma_start3A_1390, %dma_start3A_1391, %dma_start3A_1392] : memref<4x512x32xf32, #tpu.memory_space<vmem>> -> memref<1x512x32xf32, #tpu.memory_space<vmem>>
    %dma_start3A_1394 = tpu.memref_squeeze %dma_start3A_1393 : memref<1x512x32xf32, #tpu.memory_space<vmem>> -> memref<512x32xf32, #tpu.memory_space<vmem>>
    %dma_start3A_1395 = arith.constant 0 : i32
    %dma_start3A_1396 = tpu.memref_slice %arg30[%dma_start3A_1389, %dma_start3A_1395] : memref<26x512xi32, #tpu.memory_space<vmem>> -> memref<1x512xi32, #tpu.memory_space<vmem>>
    %dma_start3A_1397 = tpu.memref_squeeze %dma_start3A_1396 : memref<1x512xi32, #tpu.memory_space<vmem>> -> memref<512xi32, #tpu.memory_space<vmem>>
    %dma_start3A_1398 = arith.constant 0 : i32
    %dma_start3A_1399 = arith.constant 0 : i32
    %dma_start3A_1400 = tpu.memref_slice %arg19[%dma_start3A_1398, %dma_start3A_1399] : memref<100000x32xf32, #tpu.memory_space<hbm>> -> memref<100000x32xf32, #tpu.memory_space<hbm>>
    tpu.enqueue_indirect_dma source(%dma_start3A_1400 : memref<100000x32xf32, #tpu.memory_space<hbm>>) target(%dma_start3A_1394 : memref<512x32xf32, #tpu.memory_space<vmem>>) offsets(%dma_start3A_1397 : memref<512xi32, #tpu.memory_space<vmem>>) semaphore(%arg33 : memref<!tpu.dma_semaphore, #tpu.memory_space<semaphore_mem>>)
    %dma_wait3A_1401 = arith.constant 13 : i32
    %dma_wait3A_1402 = arith.constant 1 : i32
    %dma_wait3A_1403 = arith.constant 0 : i32
    %dma_wait3A_1404 = arith.constant 0 : i32
    %dma_wait3A_1405 = tpu.memref_slice %arg31[%dma_wait3A_1402, %dma_wait3A_1403, %dma_wait3A_1404] : memref<4x512x32xf32, #tpu.memory_space<vmem>> -> memref<1x512x32xf32, #tpu.memory_space<vmem>>
    %dma_wait3A_1406 = tpu.memref_squeeze %dma_wait3A_1405 : memref<1x512x32xf32, #tpu.memory_space<vmem>> -> memref<512x32xf32, #tpu.memory_space<vmem>>
    %dma_wait3A_1407 = arith.constant 0 : i32
    %dma_wait3A_1408 = tpu.memref_slice %arg30[%dma_wait3A_1401, %dma_wait3A_1407] : memref<26x512xi32, #tpu.memory_space<vmem>> -> memref<1x512xi32, #tpu.memory_space<vmem>>
    %dma_wait3A_1409 = tpu.memref_squeeze %dma_wait3A_1408 : memref<1x512xi32, #tpu.memory_space<vmem>> -> memref<512xi32, #tpu.memory_space<vmem>>
    %dma_wait3A_1410 = arith.constant 0 : i32
    %dma_wait3A_1411 = arith.constant 0 : i32
    %dma_wait3A_1412 = tpu.memref_slice %arg16[%dma_wait3A_1410, %dma_wait3A_1411] : memref<100000x32xf32, #tpu.memory_space<hbm>> -> memref<100000x32xf32, #tpu.memory_space<hbm>>
    tpu.wait_indirect_dma semaphore(%arg34 : memref<!tpu.dma_semaphore, #tpu.memory_space<semaphore_mem>>) src(%dma_wait3A_1412 : memref<100000x32xf32, #tpu.memory_space<hbm>>) dst(%dma_wait3A_1406 : memref<512x32xf32, #tpu.memory_space<vmem>>)
    %dma_start3A_1413 = arith.constant 1 : i32
    %dma_start3A_1414 = arith.constant 13 : i32
    %dma_start3A_1415 = arith.constant 0 : i32
    %dma_start3A_1416 = arith.constant 0 : i32
    %dma_start3A_1417 = tpu.memref_slice %arg31[%dma_start3A_1413, %dma_start3A_1415, %dma_start3A_1416] : memref<4x512x32xf32, #tpu.memory_space<vmem>> -> memref<1x512x32xf32, #tpu.memory_space<vmem>>
    %dma_start3A_1418 = tpu.memref_squeeze %dma_start3A_1417 : memref<1x512x32xf32, #tpu.memory_space<vmem>> -> memref<512x32xf32, #tpu.memory_space<vmem>>
    %dma_start3A_1419 = arith.constant 0 : i32
    %dma_start3A_1420 = tpu.memref_slice %arg29[%mul3A_2, %dma_start3A_1414, %dma_start3A_1419] : memref<16384x26x32xf32, #tpu.memory_space<hbm>> -> memref<512x1x32xf32, #tpu.memory_space<hbm>>
    %dma_start3A_1421 = tpu.memref_squeeze %dma_start3A_1420 : memref<512x1x32xf32, #tpu.memory_space<hbm>> -> memref<512x32xf32, #tpu.memory_space<hbm>>
    %dma_start3A_1422 = arith.constant 0 : i32
    %dma_start3A_1423 = tpu.memref_slice %arg29[%mul3A_2, %dma_start3A_1414, %dma_start3A_1422] : memref<16384x26x32xf32, #tpu.memory_space<hbm>> -> memref<512x1x32xf32, #tpu.memory_space<hbm>>
    %dma_start3A_1424 = tpu.memref_squeeze %dma_start3A_1423 : memref<512x1x32xf32, #tpu.memory_space<hbm>> -> memref<512x32xf32, #tpu.memory_space<hbm>>
    %dma_start3A_1425 = arith.constant 0 : i32
    %dma_start3A_1426 = arith.constant 0 : i32
    %dma_start3A_1427 = tpu.memref_slice %arg31[%dma_start3A_1413, %dma_start3A_1425, %dma_start3A_1426] : memref<4x512x32xf32, #tpu.memory_space<vmem>> -> memref<1x512x32xf32, #tpu.memory_space<vmem>>
    %dma_start3A_1428 = tpu.memref_squeeze %dma_start3A_1427 : memref<1x512x32xf32, #tpu.memory_space<vmem>> -> memref<512x32xf32, #tpu.memory_space<vmem>>
    tpu.enqueue_dma source(%dma_start3A_1428 : memref<512x32xf32, #tpu.memory_space<vmem>>) target(%dma_start3A_1424 : memref<512x32xf32, #tpu.memory_space<hbm>>) target_semaphore(%arg38 : memref<!tpu.dma_semaphore, #tpu.memory_space<semaphore_mem>>)
    %dma_wait3A_1429 = arith.constant 1 : i32
    %dma_wait3A_1430 = arith.constant 13 : i32
    %dma_wait3A_1431 = arith.constant 0 : i32
    %dma_wait3A_1432 = arith.constant 0 : i32
    %dma_wait3A_1433 = tpu.memref_slice %arg31[%dma_wait3A_1429, %dma_wait3A_1431, %dma_wait3A_1432] : memref<4x512x32xf32, #tpu.memory_space<vmem>> -> memref<1x512x32xf32, #tpu.memory_space<vmem>>
    %dma_wait3A_1434 = tpu.memref_squeeze %dma_wait3A_1433 : memref<1x512x32xf32, #tpu.memory_space<vmem>> -> memref<512x32xf32, #tpu.memory_space<vmem>>
    %dma_wait3A_1435 = arith.constant 0 : i32
    %dma_wait3A_1436 = tpu.memref_slice %arg29[%mul3A_2, %dma_wait3A_1430, %dma_wait3A_1435] : memref<16384x26x32xf32, #tpu.memory_space<hbm>> -> memref<512x1x32xf32, #tpu.memory_space<hbm>>
    %dma_wait3A_1437 = tpu.memref_squeeze %dma_wait3A_1436 : memref<512x1x32xf32, #tpu.memory_space<hbm>> -> memref<512x32xf32, #tpu.memory_space<hbm>>
    %dma_wait3A_1438 = arith.constant 0 : i32
    %dma_wait3A_1439 = tpu.memref_slice %arg29[%mul3A_2, %dma_wait3A_1430, %dma_wait3A_1438] : memref<16384x26x32xf32, #tpu.memory_space<hbm>> -> memref<512x1x32xf32, #tpu.memory_space<hbm>>
    %dma_wait3A_1440 = tpu.memref_squeeze %dma_wait3A_1439 : memref<512x1x32xf32, #tpu.memory_space<hbm>> -> memref<512x32xf32, #tpu.memory_space<hbm>>
    %dma_wait3A_1441 = arith.constant 0 : i32
    %dma_wait3A_1442 = arith.constant 0 : i32
    %dma_wait3A_1443 = tpu.memref_slice %arg31[%dma_wait3A_1429, %dma_wait3A_1441, %dma_wait3A_1442] : memref<4x512x32xf32, #tpu.memory_space<vmem>> -> memref<1x512x32xf32, #tpu.memory_space<vmem>>
    %dma_wait3A_1444 = tpu.memref_squeeze %dma_wait3A_1443 : memref<1x512x32xf32, #tpu.memory_space<vmem>> -> memref<512x32xf32, #tpu.memory_space<vmem>>
    tpu.wait_dma2 semaphore(%arg38 : memref<!tpu.dma_semaphore, #tpu.memory_space<semaphore_mem>>) src(%dma_wait3A_1444 : memref<512x32xf32, #tpu.memory_space<vmem>>) dst(%dma_wait3A_1440 : memref<512x32xf32, #tpu.memory_space<hbm>>)
    %dma_start3A_1445 = arith.constant 17 : i32
    %dma_start3A_1446 = arith.constant 1 : i32
    %dma_start3A_1447 = arith.constant 0 : i32
    %dma_start3A_1448 = arith.constant 0 : i32
    %dma_start3A_1449 = tpu.memref_slice %arg31[%dma_start3A_1446, %dma_start3A_1447, %dma_start3A_1448] : memref<4x512x32xf32, #tpu.memory_space<vmem>> -> memref<1x512x32xf32, #tpu.memory_space<vmem>>
    %dma_start3A_1450 = tpu.memref_squeeze %dma_start3A_1449 : memref<1x512x32xf32, #tpu.memory_space<vmem>> -> memref<512x32xf32, #tpu.memory_space<vmem>>
    %dma_start3A_1451 = arith.constant 0 : i32
    %dma_start3A_1452 = tpu.memref_slice %arg30[%dma_start3A_1445, %dma_start3A_1451] : memref<26x512xi32, #tpu.memory_space<vmem>> -> memref<1x512xi32, #tpu.memory_space<vmem>>
    %dma_start3A_1453 = tpu.memref_squeeze %dma_start3A_1452 : memref<1x512xi32, #tpu.memory_space<vmem>> -> memref<512xi32, #tpu.memory_space<vmem>>
    %dma_start3A_1454 = arith.constant 0 : i32
    %dma_start3A_1455 = arith.constant 0 : i32
    %dma_start3A_1456 = tpu.memref_slice %arg20[%dma_start3A_1454, %dma_start3A_1455] : memref<100000x32xf32, #tpu.memory_space<hbm>> -> memref<100000x32xf32, #tpu.memory_space<hbm>>
    tpu.enqueue_indirect_dma source(%dma_start3A_1456 : memref<100000x32xf32, #tpu.memory_space<hbm>>) target(%dma_start3A_1450 : memref<512x32xf32, #tpu.memory_space<vmem>>) offsets(%dma_start3A_1453 : memref<512xi32, #tpu.memory_space<vmem>>) semaphore(%arg34 : memref<!tpu.dma_semaphore, #tpu.memory_space<semaphore_mem>>)
    %dma_wait3A_1457 = arith.constant 14 : i32
    %dma_wait3A_1458 = arith.constant 2 : i32
    %dma_wait3A_1459 = arith.constant 0 : i32
    %dma_wait3A_1460 = arith.constant 0 : i32
    %dma_wait3A_1461 = tpu.memref_slice %arg31[%dma_wait3A_1458, %dma_wait3A_1459, %dma_wait3A_1460] : memref<4x512x32xf32, #tpu.memory_space<vmem>> -> memref<1x512x32xf32, #tpu.memory_space<vmem>>
    %dma_wait3A_1462 = tpu.memref_squeeze %dma_wait3A_1461 : memref<1x512x32xf32, #tpu.memory_space<vmem>> -> memref<512x32xf32, #tpu.memory_space<vmem>>
    %dma_wait3A_1463 = arith.constant 0 : i32
    %dma_wait3A_1464 = tpu.memref_slice %arg30[%dma_wait3A_1457, %dma_wait3A_1463] : memref<26x512xi32, #tpu.memory_space<vmem>> -> memref<1x512xi32, #tpu.memory_space<vmem>>
    %dma_wait3A_1465 = tpu.memref_squeeze %dma_wait3A_1464 : memref<1x512xi32, #tpu.memory_space<vmem>> -> memref<512xi32, #tpu.memory_space<vmem>>
    %dma_wait3A_1466 = arith.constant 0 : i32
    %dma_wait3A_1467 = arith.constant 0 : i32
    %dma_wait3A_1468 = tpu.memref_slice %arg17[%dma_wait3A_1466, %dma_wait3A_1467] : memref<100000x32xf32, #tpu.memory_space<hbm>> -> memref<100000x32xf32, #tpu.memory_space<hbm>>
    tpu.wait_indirect_dma semaphore(%arg35 : memref<!tpu.dma_semaphore, #tpu.memory_space<semaphore_mem>>) src(%dma_wait3A_1468 : memref<100000x32xf32, #tpu.memory_space<hbm>>) dst(%dma_wait3A_1462 : memref<512x32xf32, #tpu.memory_space<vmem>>)
    %dma_start3A_1469 = arith.constant 2 : i32
    %dma_start3A_1470 = arith.constant 14 : i32
    %dma_start3A_1471 = arith.constant 0 : i32
    %dma_start3A_1472 = arith.constant 0 : i32
    %dma_start3A_1473 = tpu.memref_slice %arg31[%dma_start3A_1469, %dma_start3A_1471, %dma_start3A_1472] : memref<4x512x32xf32, #tpu.memory_space<vmem>> -> memref<1x512x32xf32, #tpu.memory_space<vmem>>
    %dma_start3A_1474 = tpu.memref_squeeze %dma_start3A_1473 : memref<1x512x32xf32, #tpu.memory_space<vmem>> -> memref<512x32xf32, #tpu.memory_space<vmem>>
    %dma_start3A_1475 = arith.constant 0 : i32
    %dma_start3A_1476 = tpu.memref_slice %arg29[%mul3A_2, %dma_start3A_1470, %dma_start3A_1475] : memref<16384x26x32xf32, #tpu.memory_space<hbm>> -> memref<512x1x32xf32, #tpu.memory_space<hbm>>
    %dma_start3A_1477 = tpu.memref_squeeze %dma_start3A_1476 : memref<512x1x32xf32, #tpu.memory_space<hbm>> -> memref<512x32xf32, #tpu.memory_space<hbm>>
    %dma_start3A_1478 = arith.constant 0 : i32
    %dma_start3A_1479 = tpu.memref_slice %arg29[%mul3A_2, %dma_start3A_1470, %dma_start3A_1478] : memref<16384x26x32xf32, #tpu.memory_space<hbm>> -> memref<512x1x32xf32, #tpu.memory_space<hbm>>
    %dma_start3A_1480 = tpu.memref_squeeze %dma_start3A_1479 : memref<512x1x32xf32, #tpu.memory_space<hbm>> -> memref<512x32xf32, #tpu.memory_space<hbm>>
    %dma_start3A_1481 = arith.constant 0 : i32
    %dma_start3A_1482 = arith.constant 0 : i32
    %dma_start3A_1483 = tpu.memref_slice %arg31[%dma_start3A_1469, %dma_start3A_1481, %dma_start3A_1482] : memref<4x512x32xf32, #tpu.memory_space<vmem>> -> memref<1x512x32xf32, #tpu.memory_space<vmem>>
    %dma_start3A_1484 = tpu.memref_squeeze %dma_start3A_1483 : memref<1x512x32xf32, #tpu.memory_space<vmem>> -> memref<512x32xf32, #tpu.memory_space<vmem>>
    tpu.enqueue_dma source(%dma_start3A_1484 : memref<512x32xf32, #tpu.memory_space<vmem>>) target(%dma_start3A_1480 : memref<512x32xf32, #tpu.memory_space<hbm>>) target_semaphore(%arg39 : memref<!tpu.dma_semaphore, #tpu.memory_space<semaphore_mem>>)
    %dma_wait3A_1485 = arith.constant 2 : i32
    %dma_wait3A_1486 = arith.constant 14 : i32
    %dma_wait3A_1487 = arith.constant 0 : i32
    %dma_wait3A_1488 = arith.constant 0 : i32
    %dma_wait3A_1489 = tpu.memref_slice %arg31[%dma_wait3A_1485, %dma_wait3A_1487, %dma_wait3A_1488] : memref<4x512x32xf32, #tpu.memory_space<vmem>> -> memref<1x512x32xf32, #tpu.memory_space<vmem>>
    %dma_wait3A_1490 = tpu.memref_squeeze %dma_wait3A_1489 : memref<1x512x32xf32, #tpu.memory_space<vmem>> -> memref<512x32xf32, #tpu.memory_space<vmem>>
    %dma_wait3A_1491 = arith.constant 0 : i32
    %dma_wait3A_1492 = tpu.memref_slice %arg29[%mul3A_2, %dma_wait3A_1486, %dma_wait3A_1491] : memref<16384x26x32xf32, #tpu.memory_space<hbm>> -> memref<512x1x32xf32, #tpu.memory_space<hbm>>
    %dma_wait3A_1493 = tpu.memref_squeeze %dma_wait3A_1492 : memref<512x1x32xf32, #tpu.memory_space<hbm>> -> memref<512x32xf32, #tpu.memory_space<hbm>>
    %dma_wait3A_1494 = arith.constant 0 : i32
    %dma_wait3A_1495 = tpu.memref_slice %arg29[%mul3A_2, %dma_wait3A_1486, %dma_wait3A_1494] : memref<16384x26x32xf32, #tpu.memory_space<hbm>> -> memref<512x1x32xf32, #tpu.memory_space<hbm>>
    %dma_wait3A_1496 = tpu.memref_squeeze %dma_wait3A_1495 : memref<512x1x32xf32, #tpu.memory_space<hbm>> -> memref<512x32xf32, #tpu.memory_space<hbm>>
    %dma_wait3A_1497 = arith.constant 0 : i32
    %dma_wait3A_1498 = arith.constant 0 : i32
    %dma_wait3A_1499 = tpu.memref_slice %arg31[%dma_wait3A_1485, %dma_wait3A_1497, %dma_wait3A_1498] : memref<4x512x32xf32, #tpu.memory_space<vmem>> -> memref<1x512x32xf32, #tpu.memory_space<vmem>>
    %dma_wait3A_1500 = tpu.memref_squeeze %dma_wait3A_1499 : memref<1x512x32xf32, #tpu.memory_space<vmem>> -> memref<512x32xf32, #tpu.memory_space<vmem>>
    tpu.wait_dma2 semaphore(%arg39 : memref<!tpu.dma_semaphore, #tpu.memory_space<semaphore_mem>>) src(%dma_wait3A_1500 : memref<512x32xf32, #tpu.memory_space<vmem>>) dst(%dma_wait3A_1496 : memref<512x32xf32, #tpu.memory_space<hbm>>)
    %dma_start3A_1501 = arith.constant 18 : i32
    %dma_start3A_1502 = arith.constant 2 : i32
    %dma_start3A_1503 = arith.constant 0 : i32
    %dma_start3A_1504 = arith.constant 0 : i32
    %dma_start3A_1505 = tpu.memref_slice %arg31[%dma_start3A_1502, %dma_start3A_1503, %dma_start3A_1504] : memref<4x512x32xf32, #tpu.memory_space<vmem>> -> memref<1x512x32xf32, #tpu.memory_space<vmem>>
    %dma_start3A_1506 = tpu.memref_squeeze %dma_start3A_1505 : memref<1x512x32xf32, #tpu.memory_space<vmem>> -> memref<512x32xf32, #tpu.memory_space<vmem>>
    %dma_start3A_1507 = arith.constant 0 : i32
    %dma_start3A_1508 = tpu.memref_slice %arg30[%dma_start3A_1501, %dma_start3A_1507] : memref<26x512xi32, #tpu.memory_space<vmem>> -> memref<1x512xi32, #tpu.memory_space<vmem>>
    %dma_start3A_1509 = tpu.memref_squeeze %dma_start3A_1508 : memref<1x512xi32, #tpu.memory_space<vmem>> -> memref<512xi32, #tpu.memory_space<vmem>>
    %dma_start3A_1510 = arith.constant 0 : i32
    %dma_start3A_1511 = arith.constant 0 : i32
    %dma_start3A_1512 = tpu.memref_slice %arg21[%dma_start3A_1510, %dma_start3A_1511] : memref<100000x32xf32, #tpu.memory_space<hbm>> -> memref<100000x32xf32, #tpu.memory_space<hbm>>
    tpu.enqueue_indirect_dma source(%dma_start3A_1512 : memref<100000x32xf32, #tpu.memory_space<hbm>>) target(%dma_start3A_1506 : memref<512x32xf32, #tpu.memory_space<vmem>>) offsets(%dma_start3A_1509 : memref<512xi32, #tpu.memory_space<vmem>>) semaphore(%arg35 : memref<!tpu.dma_semaphore, #tpu.memory_space<semaphore_mem>>)
    %dma_wait3A_1513 = arith.constant 15 : i32
    %dma_wait3A_1514 = arith.constant 3 : i32
    %dma_wait3A_1515 = arith.constant 0 : i32
    %dma_wait3A_1516 = arith.constant 0 : i32
    %dma_wait3A_1517 = tpu.memref_slice %arg31[%dma_wait3A_1514, %dma_wait3A_1515, %dma_wait3A_1516] : memref<4x512x32xf32, #tpu.memory_space<vmem>> -> memref<1x512x32xf32, #tpu.memory_space<vmem>>
    %dma_wait3A_1518 = tpu.memref_squeeze %dma_wait3A_1517 : memref<1x512x32xf32, #tpu.memory_space<vmem>> -> memref<512x32xf32, #tpu.memory_space<vmem>>
    %dma_wait3A_1519 = arith.constant 0 : i32
    %dma_wait3A_1520 = tpu.memref_slice %arg30[%dma_wait3A_1513, %dma_wait3A_1519] : memref<26x512xi32, #tpu.memory_space<vmem>> -> memref<1x512xi32, #tpu.memory_space<vmem>>
    %dma_wait3A_1521 = tpu.memref_squeeze %dma_wait3A_1520 : memref<1x512xi32, #tpu.memory_space<vmem>> -> memref<512xi32, #tpu.memory_space<vmem>>
    %dma_wait3A_1522 = arith.constant 0 : i32
    %dma_wait3A_1523 = arith.constant 0 : i32
    %dma_wait3A_1524 = tpu.memref_slice %arg18[%dma_wait3A_1522, %dma_wait3A_1523] : memref<100000x32xf32, #tpu.memory_space<hbm>> -> memref<100000x32xf32, #tpu.memory_space<hbm>>
    tpu.wait_indirect_dma semaphore(%arg36 : memref<!tpu.dma_semaphore, #tpu.memory_space<semaphore_mem>>) src(%dma_wait3A_1524 : memref<100000x32xf32, #tpu.memory_space<hbm>>) dst(%dma_wait3A_1518 : memref<512x32xf32, #tpu.memory_space<vmem>>)
    %dma_start3A_1525 = arith.constant 3 : i32
    %dma_start3A_1526 = arith.constant 15 : i32
    %dma_start3A_1527 = arith.constant 0 : i32
    %dma_start3A_1528 = arith.constant 0 : i32
    %dma_start3A_1529 = tpu.memref_slice %arg31[%dma_start3A_1525, %dma_start3A_1527, %dma_start3A_1528] : memref<4x512x32xf32, #tpu.memory_space<vmem>> -> memref<1x512x32xf32, #tpu.memory_space<vmem>>
    %dma_start3A_1530 = tpu.memref_squeeze %dma_start3A_1529 : memref<1x512x32xf32, #tpu.memory_space<vmem>> -> memref<512x32xf32, #tpu.memory_space<vmem>>
    %dma_start3A_1531 = arith.constant 0 : i32
    %dma_start3A_1532 = tpu.memref_slice %arg29[%mul3A_2, %dma_start3A_1526, %dma_start3A_1531] : memref<16384x26x32xf32, #tpu.memory_space<hbm>> -> memref<512x1x32xf32, #tpu.memory_space<hbm>>
    %dma_start3A_1533 = tpu.memref_squeeze %dma_start3A_1532 : memref<512x1x32xf32, #tpu.memory_space<hbm>> -> memref<512x32xf32, #tpu.memory_space<hbm>>
    %dma_start3A_1534 = arith.constant 0 : i32
    %dma_start3A_1535 = tpu.memref_slice %arg29[%mul3A_2, %dma_start3A_1526, %dma_start3A_1534] : memref<16384x26x32xf32, #tpu.memory_space<hbm>> -> memref<512x1x32xf32, #tpu.memory_space<hbm>>
    %dma_start3A_1536 = tpu.memref_squeeze %dma_start3A_1535 : memref<512x1x32xf32, #tpu.memory_space<hbm>> -> memref<512x32xf32, #tpu.memory_space<hbm>>
    %dma_start3A_1537 = arith.constant 0 : i32
    %dma_start3A_1538 = arith.constant 0 : i32
    %dma_start3A_1539 = tpu.memref_slice %arg31[%dma_start3A_1525, %dma_start3A_1537, %dma_start3A_1538] : memref<4x512x32xf32, #tpu.memory_space<vmem>> -> memref<1x512x32xf32, #tpu.memory_space<vmem>>
    %dma_start3A_1540 = tpu.memref_squeeze %dma_start3A_1539 : memref<1x512x32xf32, #tpu.memory_space<vmem>> -> memref<512x32xf32, #tpu.memory_space<vmem>>
    tpu.enqueue_dma source(%dma_start3A_1540 : memref<512x32xf32, #tpu.memory_space<vmem>>) target(%dma_start3A_1536 : memref<512x32xf32, #tpu.memory_space<hbm>>) target_semaphore(%arg40 : memref<!tpu.dma_semaphore, #tpu.memory_space<semaphore_mem>>)
    %dma_wait3A_1541 = arith.constant 3 : i32
    %dma_wait3A_1542 = arith.constant 15 : i32
    %dma_wait3A_1543 = arith.constant 0 : i32
    %dma_wait3A_1544 = arith.constant 0 : i32
    %dma_wait3A_1545 = tpu.memref_slice %arg31[%dma_wait3A_1541, %dma_wait3A_1543, %dma_wait3A_1544] : memref<4x512x32xf32, #tpu.memory_space<vmem>> -> memref<1x512x32xf32, #tpu.memory_space<vmem>>
    %dma_wait3A_1546 = tpu.memref_squeeze %dma_wait3A_1545 : memref<1x512x32xf32, #tpu.memory_space<vmem>> -> memref<512x32xf32, #tpu.memory_space<vmem>>
    %dma_wait3A_1547 = arith.constant 0 : i32
    %dma_wait3A_1548 = tpu.memref_slice %arg29[%mul3A_2, %dma_wait3A_1542, %dma_wait3A_1547] : memref<16384x26x32xf32, #tpu.memory_space<hbm>> -> memref<512x1x32xf32, #tpu.memory_space<hbm>>
    %dma_wait3A_1549 = tpu.memref_squeeze %dma_wait3A_1548 : memref<512x1x32xf32, #tpu.memory_space<hbm>> -> memref<512x32xf32, #tpu.memory_space<hbm>>
    %dma_wait3A_1550 = arith.constant 0 : i32
    %dma_wait3A_1551 = tpu.memref_slice %arg29[%mul3A_2, %dma_wait3A_1542, %dma_wait3A_1550] : memref<16384x26x32xf32, #tpu.memory_space<hbm>> -> memref<512x1x32xf32, #tpu.memory_space<hbm>>
    %dma_wait3A_1552 = tpu.memref_squeeze %dma_wait3A_1551 : memref<512x1x32xf32, #tpu.memory_space<hbm>> -> memref<512x32xf32, #tpu.memory_space<hbm>>
    %dma_wait3A_1553 = arith.constant 0 : i32
    %dma_wait3A_1554 = arith.constant 0 : i32
    %dma_wait3A_1555 = tpu.memref_slice %arg31[%dma_wait3A_1541, %dma_wait3A_1553, %dma_wait3A_1554] : memref<4x512x32xf32, #tpu.memory_space<vmem>> -> memref<1x512x32xf32, #tpu.memory_space<vmem>>
    %dma_wait3A_1556 = tpu.memref_squeeze %dma_wait3A_1555 : memref<1x512x32xf32, #tpu.memory_space<vmem>> -> memref<512x32xf32, #tpu.memory_space<vmem>>
    tpu.wait_dma2 semaphore(%arg40 : memref<!tpu.dma_semaphore, #tpu.memory_space<semaphore_mem>>) src(%dma_wait3A_1556 : memref<512x32xf32, #tpu.memory_space<vmem>>) dst(%dma_wait3A_1552 : memref<512x32xf32, #tpu.memory_space<hbm>>)
    %dma_start3A_1557 = arith.constant 19 : i32
    %dma_start3A_1558 = arith.constant 3 : i32
    %dma_start3A_1559 = arith.constant 0 : i32
    %dma_start3A_1560 = arith.constant 0 : i32
    %dma_start3A_1561 = tpu.memref_slice %arg31[%dma_start3A_1558, %dma_start3A_1559, %dma_start3A_1560] : memref<4x512x32xf32, #tpu.memory_space<vmem>> -> memref<1x512x32xf32, #tpu.memory_space<vmem>>
    %dma_start3A_1562 = tpu.memref_squeeze %dma_start3A_1561 : memref<1x512x32xf32, #tpu.memory_space<vmem>> -> memref<512x32xf32, #tpu.memory_space<vmem>>
    %dma_start3A_1563 = arith.constant 0 : i32
    %dma_start3A_1564 = tpu.memref_slice %arg30[%dma_start3A_1557, %dma_start3A_1563] : memref<26x512xi32, #tpu.memory_space<vmem>> -> memref<1x512xi32, #tpu.memory_space<vmem>>
    %dma_start3A_1565 = tpu.memref_squeeze %dma_start3A_1564 : memref<1x512xi32, #tpu.memory_space<vmem>> -> memref<512xi32, #tpu.memory_space<vmem>>
    %dma_start3A_1566 = arith.constant 0 : i32
    %dma_start3A_1567 = arith.constant 0 : i32
    %dma_start3A_1568 = tpu.memref_slice %arg22[%dma_start3A_1566, %dma_start3A_1567] : memref<100000x32xf32, #tpu.memory_space<hbm>> -> memref<100000x32xf32, #tpu.memory_space<hbm>>
    tpu.enqueue_indirect_dma source(%dma_start3A_1568 : memref<100000x32xf32, #tpu.memory_space<hbm>>) target(%dma_start3A_1562 : memref<512x32xf32, #tpu.memory_space<vmem>>) offsets(%dma_start3A_1565 : memref<512xi32, #tpu.memory_space<vmem>>) semaphore(%arg36 : memref<!tpu.dma_semaphore, #tpu.memory_space<semaphore_mem>>)
    %dma_wait3A_1569 = arith.constant 16 : i32
    %dma_wait3A_1570 = arith.constant 0 : i32
    %dma_wait3A_1571 = arith.constant 0 : i32
    %dma_wait3A_1572 = arith.constant 0 : i32
    %dma_wait3A_1573 = tpu.memref_slice %arg31[%dma_wait3A_1570, %dma_wait3A_1571, %dma_wait3A_1572] : memref<4x512x32xf32, #tpu.memory_space<vmem>> -> memref<1x512x32xf32, #tpu.memory_space<vmem>>
    %dma_wait3A_1574 = tpu.memref_squeeze %dma_wait3A_1573 : memref<1x512x32xf32, #tpu.memory_space<vmem>> -> memref<512x32xf32, #tpu.memory_space<vmem>>
    %dma_wait3A_1575 = arith.constant 0 : i32
    %dma_wait3A_1576 = tpu.memref_slice %arg30[%dma_wait3A_1569, %dma_wait3A_1575] : memref<26x512xi32, #tpu.memory_space<vmem>> -> memref<1x512xi32, #tpu.memory_space<vmem>>
    %dma_wait3A_1577 = tpu.memref_squeeze %dma_wait3A_1576 : memref<1x512xi32, #tpu.memory_space<vmem>> -> memref<512xi32, #tpu.memory_space<vmem>>
    %dma_wait3A_1578 = arith.constant 0 : i32
    %dma_wait3A_1579 = arith.constant 0 : i32
    %dma_wait3A_1580 = tpu.memref_slice %arg19[%dma_wait3A_1578, %dma_wait3A_1579] : memref<100000x32xf32, #tpu.memory_space<hbm>> -> memref<100000x32xf32, #tpu.memory_space<hbm>>
    tpu.wait_indirect_dma semaphore(%arg33 : memref<!tpu.dma_semaphore, #tpu.memory_space<semaphore_mem>>) src(%dma_wait3A_1580 : memref<100000x32xf32, #tpu.memory_space<hbm>>) dst(%dma_wait3A_1574 : memref<512x32xf32, #tpu.memory_space<vmem>>)
    %dma_start3A_1581 = arith.constant 0 : i32
    %dma_start3A_1582 = arith.constant 16 : i32
    %dma_start3A_1583 = arith.constant 0 : i32
    %dma_start3A_1584 = arith.constant 0 : i32
    %dma_start3A_1585 = tpu.memref_slice %arg31[%dma_start3A_1581, %dma_start3A_1583, %dma_start3A_1584] : memref<4x512x32xf32, #tpu.memory_space<vmem>> -> memref<1x512x32xf32, #tpu.memory_space<vmem>>
    %dma_start3A_1586 = tpu.memref_squeeze %dma_start3A_1585 : memref<1x512x32xf32, #tpu.memory_space<vmem>> -> memref<512x32xf32, #tpu.memory_space<vmem>>
    %dma_start3A_1587 = arith.constant 0 : i32
    %dma_start3A_1588 = tpu.memref_slice %arg29[%mul3A_2, %dma_start3A_1582, %dma_start3A_1587] : memref<16384x26x32xf32, #tpu.memory_space<hbm>> -> memref<512x1x32xf32, #tpu.memory_space<hbm>>
    %dma_start3A_1589 = tpu.memref_squeeze %dma_start3A_1588 : memref<512x1x32xf32, #tpu.memory_space<hbm>> -> memref<512x32xf32, #tpu.memory_space<hbm>>
    %dma_start3A_1590 = arith.constant 0 : i32
    %dma_start3A_1591 = tpu.memref_slice %arg29[%mul3A_2, %dma_start3A_1582, %dma_start3A_1590] : memref<16384x26x32xf32, #tpu.memory_space<hbm>> -> memref<512x1x32xf32, #tpu.memory_space<hbm>>
    %dma_start3A_1592 = tpu.memref_squeeze %dma_start3A_1591 : memref<512x1x32xf32, #tpu.memory_space<hbm>> -> memref<512x32xf32, #tpu.memory_space<hbm>>
    %dma_start3A_1593 = arith.constant 0 : i32
    %dma_start3A_1594 = arith.constant 0 : i32
    %dma_start3A_1595 = tpu.memref_slice %arg31[%dma_start3A_1581, %dma_start3A_1593, %dma_start3A_1594] : memref<4x512x32xf32, #tpu.memory_space<vmem>> -> memref<1x512x32xf32, #tpu.memory_space<vmem>>
    %dma_start3A_1596 = tpu.memref_squeeze %dma_start3A_1595 : memref<1x512x32xf32, #tpu.memory_space<vmem>> -> memref<512x32xf32, #tpu.memory_space<vmem>>
    tpu.enqueue_dma source(%dma_start3A_1596 : memref<512x32xf32, #tpu.memory_space<vmem>>) target(%dma_start3A_1592 : memref<512x32xf32, #tpu.memory_space<hbm>>) target_semaphore(%arg37 : memref<!tpu.dma_semaphore, #tpu.memory_space<semaphore_mem>>)
    %dma_wait3A_1597 = arith.constant 0 : i32
    %dma_wait3A_1598 = arith.constant 16 : i32
    %dma_wait3A_1599 = arith.constant 0 : i32
    %dma_wait3A_1600 = arith.constant 0 : i32
    %dma_wait3A_1601 = tpu.memref_slice %arg31[%dma_wait3A_1597, %dma_wait3A_1599, %dma_wait3A_1600] : memref<4x512x32xf32, #tpu.memory_space<vmem>> -> memref<1x512x32xf32, #tpu.memory_space<vmem>>
    %dma_wait3A_1602 = tpu.memref_squeeze %dma_wait3A_1601 : memref<1x512x32xf32, #tpu.memory_space<vmem>> -> memref<512x32xf32, #tpu.memory_space<vmem>>
    %dma_wait3A_1603 = arith.constant 0 : i32
    %dma_wait3A_1604 = tpu.memref_slice %arg29[%mul3A_2, %dma_wait3A_1598, %dma_wait3A_1603] : memref<16384x26x32xf32, #tpu.memory_space<hbm>> -> memref<512x1x32xf32, #tpu.memory_space<hbm>>
    %dma_wait3A_1605 = tpu.memref_squeeze %dma_wait3A_1604 : memref<512x1x32xf32, #tpu.memory_space<hbm>> -> memref<512x32xf32, #tpu.memory_space<hbm>>
    %dma_wait3A_1606 = arith.constant 0 : i32
    %dma_wait3A_1607 = tpu.memref_slice %arg29[%mul3A_2, %dma_wait3A_1598, %dma_wait3A_1606] : memref<16384x26x32xf32, #tpu.memory_space<hbm>> -> memref<512x1x32xf32, #tpu.memory_space<hbm>>
    %dma_wait3A_1608 = tpu.memref_squeeze %dma_wait3A_1607 : memref<512x1x32xf32, #tpu.memory_space<hbm>> -> memref<512x32xf32, #tpu.memory_space<hbm>>
    %dma_wait3A_1609 = arith.constant 0 : i32
    %dma_wait3A_1610 = arith.constant 0 : i32
    %dma_wait3A_1611 = tpu.memref_slice %arg31[%dma_wait3A_1597, %dma_wait3A_1609, %dma_wait3A_1610] : memref<4x512x32xf32, #tpu.memory_space<vmem>> -> memref<1x512x32xf32, #tpu.memory_space<vmem>>
    %dma_wait3A_1612 = tpu.memref_squeeze %dma_wait3A_1611 : memref<1x512x32xf32, #tpu.memory_space<vmem>> -> memref<512x32xf32, #tpu.memory_space<vmem>>
    tpu.wait_dma2 semaphore(%arg37 : memref<!tpu.dma_semaphore, #tpu.memory_space<semaphore_mem>>) src(%dma_wait3A_1612 : memref<512x32xf32, #tpu.memory_space<vmem>>) dst(%dma_wait3A_1608 : memref<512x32xf32, #tpu.memory_space<hbm>>)
    %dma_start3A_1613 = arith.constant 20 : i32
    %dma_start3A_1614 = arith.constant 0 : i32
    %dma_start3A_1615 = arith.constant 0 : i32
    %dma_start3A_1616 = arith.constant 0 : i32
    %dma_start3A_1617 = tpu.memref_slice %arg31[%dma_start3A_1614, %dma_start3A_1615, %dma_start3A_1616] : memref<4x512x32xf32, #tpu.memory_space<vmem>> -> memref<1x512x32xf32, #tpu.memory_space<vmem>>
    %dma_start3A_1618 = tpu.memref_squeeze %dma_start3A_1617 : memref<1x512x32xf32, #tpu.memory_space<vmem>> -> memref<512x32xf32, #tpu.memory_space<vmem>>
    %dma_start3A_1619 = arith.constant 0 : i32
    %dma_start3A_1620 = tpu.memref_slice %arg30[%dma_start3A_1613, %dma_start3A_1619] : memref<26x512xi32, #tpu.memory_space<vmem>> -> memref<1x512xi32, #tpu.memory_space<vmem>>
    %dma_start3A_1621 = tpu.memref_squeeze %dma_start3A_1620 : memref<1x512xi32, #tpu.memory_space<vmem>> -> memref<512xi32, #tpu.memory_space<vmem>>
    %dma_start3A_1622 = arith.constant 0 : i32
    %dma_start3A_1623 = arith.constant 0 : i32
    %dma_start3A_1624 = tpu.memref_slice %arg23[%dma_start3A_1622, %dma_start3A_1623] : memref<100000x32xf32, #tpu.memory_space<hbm>> -> memref<100000x32xf32, #tpu.memory_space<hbm>>
    tpu.enqueue_indirect_dma source(%dma_start3A_1624 : memref<100000x32xf32, #tpu.memory_space<hbm>>) target(%dma_start3A_1618 : memref<512x32xf32, #tpu.memory_space<vmem>>) offsets(%dma_start3A_1621 : memref<512xi32, #tpu.memory_space<vmem>>) semaphore(%arg33 : memref<!tpu.dma_semaphore, #tpu.memory_space<semaphore_mem>>)
    %dma_wait3A_1625 = arith.constant 17 : i32
    %dma_wait3A_1626 = arith.constant 1 : i32
    %dma_wait3A_1627 = arith.constant 0 : i32
    %dma_wait3A_1628 = arith.constant 0 : i32
    %dma_wait3A_1629 = tpu.memref_slice %arg31[%dma_wait3A_1626, %dma_wait3A_1627, %dma_wait3A_1628] : memref<4x512x32xf32, #tpu.memory_space<vmem>> -> memref<1x512x32xf32, #tpu.memory_space<vmem>>
    %dma_wait3A_1630 = tpu.memref_squeeze %dma_wait3A_1629 : memref<1x512x32xf32, #tpu.memory_space<vmem>> -> memref<512x32xf32, #tpu.memory_space<vmem>>
    %dma_wait3A_1631 = arith.constant 0 : i32
    %dma_wait3A_1632 = tpu.memref_slice %arg30[%dma_wait3A_1625, %dma_wait3A_1631] : memref<26x512xi32, #tpu.memory_space<vmem>> -> memref<1x512xi32, #tpu.memory_space<vmem>>
    %dma_wait3A_1633 = tpu.memref_squeeze %dma_wait3A_1632 : memref<1x512xi32, #tpu.memory_space<vmem>> -> memref<512xi32, #tpu.memory_space<vmem>>
    %dma_wait3A_1634 = arith.constant 0 : i32
    %dma_wait3A_1635 = arith.constant 0 : i32
    %dma_wait3A_1636 = tpu.memref_slice %arg20[%dma_wait3A_1634, %dma_wait3A_1635] : memref<100000x32xf32, #tpu.memory_space<hbm>> -> memref<100000x32xf32, #tpu.memory_space<hbm>>
    tpu.wait_indirect_dma semaphore(%arg34 : memref<!tpu.dma_semaphore, #tpu.memory_space<semaphore_mem>>) src(%dma_wait3A_1636 : memref<100000x32xf32, #tpu.memory_space<hbm>>) dst(%dma_wait3A_1630 : memref<512x32xf32, #tpu.memory_space<vmem>>)
    %dma_start3A_1637 = arith.constant 1 : i32
    %dma_start3A_1638 = arith.constant 17 : i32
    %dma_start3A_1639 = arith.constant 0 : i32
    %dma_start3A_1640 = arith.constant 0 : i32
    %dma_start3A_1641 = tpu.memref_slice %arg31[%dma_start3A_1637, %dma_start3A_1639, %dma_start3A_1640] : memref<4x512x32xf32, #tpu.memory_space<vmem>> -> memref<1x512x32xf32, #tpu.memory_space<vmem>>
    %dma_start3A_1642 = tpu.memref_squeeze %dma_start3A_1641 : memref<1x512x32xf32, #tpu.memory_space<vmem>> -> memref<512x32xf32, #tpu.memory_space<vmem>>
    %dma_start3A_1643 = arith.constant 0 : i32
    %dma_start3A_1644 = tpu.memref_slice %arg29[%mul3A_2, %dma_start3A_1638, %dma_start3A_1643] : memref<16384x26x32xf32, #tpu.memory_space<hbm>> -> memref<512x1x32xf32, #tpu.memory_space<hbm>>
    %dma_start3A_1645 = tpu.memref_squeeze %dma_start3A_1644 : memref<512x1x32xf32, #tpu.memory_space<hbm>> -> memref<512x32xf32, #tpu.memory_space<hbm>>
    %dma_start3A_1646 = arith.constant 0 : i32
    %dma_start3A_1647 = tpu.memref_slice %arg29[%mul3A_2, %dma_start3A_1638, %dma_start3A_1646] : memref<16384x26x32xf32, #tpu.memory_space<hbm>> -> memref<512x1x32xf32, #tpu.memory_space<hbm>>
    %dma_start3A_1648 = tpu.memref_squeeze %dma_start3A_1647 : memref<512x1x32xf32, #tpu.memory_space<hbm>> -> memref<512x32xf32, #tpu.memory_space<hbm>>
    %dma_start3A_1649 = arith.constant 0 : i32
    %dma_start3A_1650 = arith.constant 0 : i32
    %dma_start3A_1651 = tpu.memref_slice %arg31[%dma_start3A_1637, %dma_start3A_1649, %dma_start3A_1650] : memref<4x512x32xf32, #tpu.memory_space<vmem>> -> memref<1x512x32xf32, #tpu.memory_space<vmem>>
    %dma_start3A_1652 = tpu.memref_squeeze %dma_start3A_1651 : memref<1x512x32xf32, #tpu.memory_space<vmem>> -> memref<512x32xf32, #tpu.memory_space<vmem>>
    tpu.enqueue_dma source(%dma_start3A_1652 : memref<512x32xf32, #tpu.memory_space<vmem>>) target(%dma_start3A_1648 : memref<512x32xf32, #tpu.memory_space<hbm>>) target_semaphore(%arg38 : memref<!tpu.dma_semaphore, #tpu.memory_space<semaphore_mem>>)
    %dma_wait3A_1653 = arith.constant 1 : i32
    %dma_wait3A_1654 = arith.constant 17 : i32
    %dma_wait3A_1655 = arith.constant 0 : i32
    %dma_wait3A_1656 = arith.constant 0 : i32
    %dma_wait3A_1657 = tpu.memref_slice %arg31[%dma_wait3A_1653, %dma_wait3A_1655, %dma_wait3A_1656] : memref<4x512x32xf32, #tpu.memory_space<vmem>> -> memref<1x512x32xf32, #tpu.memory_space<vmem>>
    %dma_wait3A_1658 = tpu.memref_squeeze %dma_wait3A_1657 : memref<1x512x32xf32, #tpu.memory_space<vmem>> -> memref<512x32xf32, #tpu.memory_space<vmem>>
    %dma_wait3A_1659 = arith.constant 0 : i32
    %dma_wait3A_1660 = tpu.memref_slice %arg29[%mul3A_2, %dma_wait3A_1654, %dma_wait3A_1659] : memref<16384x26x32xf32, #tpu.memory_space<hbm>> -> memref<512x1x32xf32, #tpu.memory_space<hbm>>
    %dma_wait3A_1661 = tpu.memref_squeeze %dma_wait3A_1660 : memref<512x1x32xf32, #tpu.memory_space<hbm>> -> memref<512x32xf32, #tpu.memory_space<hbm>>
    %dma_wait3A_1662 = arith.constant 0 : i32
    %dma_wait3A_1663 = tpu.memref_slice %arg29[%mul3A_2, %dma_wait3A_1654, %dma_wait3A_1662] : memref<16384x26x32xf32, #tpu.memory_space<hbm>> -> memref<512x1x32xf32, #tpu.memory_space<hbm>>
    %dma_wait3A_1664 = tpu.memref_squeeze %dma_wait3A_1663 : memref<512x1x32xf32, #tpu.memory_space<hbm>> -> memref<512x32xf32, #tpu.memory_space<hbm>>
    %dma_wait3A_1665 = arith.constant 0 : i32
    %dma_wait3A_1666 = arith.constant 0 : i32
    %dma_wait3A_1667 = tpu.memref_slice %arg31[%dma_wait3A_1653, %dma_wait3A_1665, %dma_wait3A_1666] : memref<4x512x32xf32, #tpu.memory_space<vmem>> -> memref<1x512x32xf32, #tpu.memory_space<vmem>>
    %dma_wait3A_1668 = tpu.memref_squeeze %dma_wait3A_1667 : memref<1x512x32xf32, #tpu.memory_space<vmem>> -> memref<512x32xf32, #tpu.memory_space<vmem>>
    tpu.wait_dma2 semaphore(%arg38 : memref<!tpu.dma_semaphore, #tpu.memory_space<semaphore_mem>>) src(%dma_wait3A_1668 : memref<512x32xf32, #tpu.memory_space<vmem>>) dst(%dma_wait3A_1664 : memref<512x32xf32, #tpu.memory_space<hbm>>)
    %dma_start3A_1669 = arith.constant 21 : i32
    %dma_start3A_1670 = arith.constant 1 : i32
    %dma_start3A_1671 = arith.constant 0 : i32
    %dma_start3A_1672 = arith.constant 0 : i32
    %dma_start3A_1673 = tpu.memref_slice %arg31[%dma_start3A_1670, %dma_start3A_1671, %dma_start3A_1672] : memref<4x512x32xf32, #tpu.memory_space<vmem>> -> memref<1x512x32xf32, #tpu.memory_space<vmem>>
    %dma_start3A_1674 = tpu.memref_squeeze %dma_start3A_1673 : memref<1x512x32xf32, #tpu.memory_space<vmem>> -> memref<512x32xf32, #tpu.memory_space<vmem>>
    %dma_start3A_1675 = arith.constant 0 : i32
    %dma_start3A_1676 = tpu.memref_slice %arg30[%dma_start3A_1669, %dma_start3A_1675] : memref<26x512xi32, #tpu.memory_space<vmem>> -> memref<1x512xi32, #tpu.memory_space<vmem>>
    %dma_start3A_1677 = tpu.memref_squeeze %dma_start3A_1676 : memref<1x512xi32, #tpu.memory_space<vmem>> -> memref<512xi32, #tpu.memory_space<vmem>>
    %dma_start3A_1678 = arith.constant 0 : i32
    %dma_start3A_1679 = arith.constant 0 : i32
    %dma_start3A_1680 = tpu.memref_slice %arg24[%dma_start3A_1678, %dma_start3A_1679] : memref<100000x32xf32, #tpu.memory_space<hbm>> -> memref<100000x32xf32, #tpu.memory_space<hbm>>
    tpu.enqueue_indirect_dma source(%dma_start3A_1680 : memref<100000x32xf32, #tpu.memory_space<hbm>>) target(%dma_start3A_1674 : memref<512x32xf32, #tpu.memory_space<vmem>>) offsets(%dma_start3A_1677 : memref<512xi32, #tpu.memory_space<vmem>>) semaphore(%arg34 : memref<!tpu.dma_semaphore, #tpu.memory_space<semaphore_mem>>)
    %dma_wait3A_1681 = arith.constant 18 : i32
    %dma_wait3A_1682 = arith.constant 2 : i32
    %dma_wait3A_1683 = arith.constant 0 : i32
    %dma_wait3A_1684 = arith.constant 0 : i32
    %dma_wait3A_1685 = tpu.memref_slice %arg31[%dma_wait3A_1682, %dma_wait3A_1683, %dma_wait3A_1684] : memref<4x512x32xf32, #tpu.memory_space<vmem>> -> memref<1x512x32xf32, #tpu.memory_space<vmem>>
    %dma_wait3A_1686 = tpu.memref_squeeze %dma_wait3A_1685 : memref<1x512x32xf32, #tpu.memory_space<vmem>> -> memref<512x32xf32, #tpu.memory_space<vmem>>
    %dma_wait3A_1687 = arith.constant 0 : i32
    %dma_wait3A_1688 = tpu.memref_slice %arg30[%dma_wait3A_1681, %dma_wait3A_1687] : memref<26x512xi32, #tpu.memory_space<vmem>> -> memref<1x512xi32, #tpu.memory_space<vmem>>
    %dma_wait3A_1689 = tpu.memref_squeeze %dma_wait3A_1688 : memref<1x512xi32, #tpu.memory_space<vmem>> -> memref<512xi32, #tpu.memory_space<vmem>>
    %dma_wait3A_1690 = arith.constant 0 : i32
    %dma_wait3A_1691 = arith.constant 0 : i32
    %dma_wait3A_1692 = tpu.memref_slice %arg21[%dma_wait3A_1690, %dma_wait3A_1691] : memref<100000x32xf32, #tpu.memory_space<hbm>> -> memref<100000x32xf32, #tpu.memory_space<hbm>>
    tpu.wait_indirect_dma semaphore(%arg35 : memref<!tpu.dma_semaphore, #tpu.memory_space<semaphore_mem>>) src(%dma_wait3A_1692 : memref<100000x32xf32, #tpu.memory_space<hbm>>) dst(%dma_wait3A_1686 : memref<512x32xf32, #tpu.memory_space<vmem>>)
    %dma_start3A_1693 = arith.constant 2 : i32
    %dma_start3A_1694 = arith.constant 18 : i32
    %dma_start3A_1695 = arith.constant 0 : i32
    %dma_start3A_1696 = arith.constant 0 : i32
    %dma_start3A_1697 = tpu.memref_slice %arg31[%dma_start3A_1693, %dma_start3A_1695, %dma_start3A_1696] : memref<4x512x32xf32, #tpu.memory_space<vmem>> -> memref<1x512x32xf32, #tpu.memory_space<vmem>>
    %dma_start3A_1698 = tpu.memref_squeeze %dma_start3A_1697 : memref<1x512x32xf32, #tpu.memory_space<vmem>> -> memref<512x32xf32, #tpu.memory_space<vmem>>
    %dma_start3A_1699 = arith.constant 0 : i32
    %dma_start3A_1700 = tpu.memref_slice %arg29[%mul3A_2, %dma_start3A_1694, %dma_start3A_1699] : memref<16384x26x32xf32, #tpu.memory_space<hbm>> -> memref<512x1x32xf32, #tpu.memory_space<hbm>>
    %dma_start3A_1701 = tpu.memref_squeeze %dma_start3A_1700 : memref<512x1x32xf32, #tpu.memory_space<hbm>> -> memref<512x32xf32, #tpu.memory_space<hbm>>
    %dma_start3A_1702 = arith.constant 0 : i32
    %dma_start3A_1703 = tpu.memref_slice %arg29[%mul3A_2, %dma_start3A_1694, %dma_start3A_1702] : memref<16384x26x32xf32, #tpu.memory_space<hbm>> -> memref<512x1x32xf32, #tpu.memory_space<hbm>>
    %dma_start3A_1704 = tpu.memref_squeeze %dma_start3A_1703 : memref<512x1x32xf32, #tpu.memory_space<hbm>> -> memref<512x32xf32, #tpu.memory_space<hbm>>
    %dma_start3A_1705 = arith.constant 0 : i32
    %dma_start3A_1706 = arith.constant 0 : i32
    %dma_start3A_1707 = tpu.memref_slice %arg31[%dma_start3A_1693, %dma_start3A_1705, %dma_start3A_1706] : memref<4x512x32xf32, #tpu.memory_space<vmem>> -> memref<1x512x32xf32, #tpu.memory_space<vmem>>
    %dma_start3A_1708 = tpu.memref_squeeze %dma_start3A_1707 : memref<1x512x32xf32, #tpu.memory_space<vmem>> -> memref<512x32xf32, #tpu.memory_space<vmem>>
    tpu.enqueue_dma source(%dma_start3A_1708 : memref<512x32xf32, #tpu.memory_space<vmem>>) target(%dma_start3A_1704 : memref<512x32xf32, #tpu.memory_space<hbm>>) target_semaphore(%arg39 : memref<!tpu.dma_semaphore, #tpu.memory_space<semaphore_mem>>)
    %dma_wait3A_1709 = arith.constant 2 : i32
    %dma_wait3A_1710 = arith.constant 18 : i32
    %dma_wait3A_1711 = arith.constant 0 : i32
    %dma_wait3A_1712 = arith.constant 0 : i32
    %dma_wait3A_1713 = tpu.memref_slice %arg31[%dma_wait3A_1709, %dma_wait3A_1711, %dma_wait3A_1712] : memref<4x512x32xf32, #tpu.memory_space<vmem>> -> memref<1x512x32xf32, #tpu.memory_space<vmem>>
    %dma_wait3A_1714 = tpu.memref_squeeze %dma_wait3A_1713 : memref<1x512x32xf32, #tpu.memory_space<vmem>> -> memref<512x32xf32, #tpu.memory_space<vmem>>
    %dma_wait3A_1715 = arith.constant 0 : i32
    %dma_wait3A_1716 = tpu.memref_slice %arg29[%mul3A_2, %dma_wait3A_1710, %dma_wait3A_1715] : memref<16384x26x32xf32, #tpu.memory_space<hbm>> -> memref<512x1x32xf32, #tpu.memory_space<hbm>>
    %dma_wait3A_1717 = tpu.memref_squeeze %dma_wait3A_1716 : memref<512x1x32xf32, #tpu.memory_space<hbm>> -> memref<512x32xf32, #tpu.memory_space<hbm>>
    %dma_wait3A_1718 = arith.constant 0 : i32
    %dma_wait3A_1719 = tpu.memref_slice %arg29[%mul3A_2, %dma_wait3A_1710, %dma_wait3A_1718] : memref<16384x26x32xf32, #tpu.memory_space<hbm>> -> memref<512x1x32xf32, #tpu.memory_space<hbm>>
    %dma_wait3A_1720 = tpu.memref_squeeze %dma_wait3A_1719 : memref<512x1x32xf32, #tpu.memory_space<hbm>> -> memref<512x32xf32, #tpu.memory_space<hbm>>
    %dma_wait3A_1721 = arith.constant 0 : i32
    %dma_wait3A_1722 = arith.constant 0 : i32
    %dma_wait3A_1723 = tpu.memref_slice %arg31[%dma_wait3A_1709, %dma_wait3A_1721, %dma_wait3A_1722] : memref<4x512x32xf32, #tpu.memory_space<vmem>> -> memref<1x512x32xf32, #tpu.memory_space<vmem>>
    %dma_wait3A_1724 = tpu.memref_squeeze %dma_wait3A_1723 : memref<1x512x32xf32, #tpu.memory_space<vmem>> -> memref<512x32xf32, #tpu.memory_space<vmem>>
    tpu.wait_dma2 semaphore(%arg39 : memref<!tpu.dma_semaphore, #tpu.memory_space<semaphore_mem>>) src(%dma_wait3A_1724 : memref<512x32xf32, #tpu.memory_space<vmem>>) dst(%dma_wait3A_1720 : memref<512x32xf32, #tpu.memory_space<hbm>>)
    %dma_start3A_1725 = arith.constant 22 : i32
    %dma_start3A_1726 = arith.constant 2 : i32
    %dma_start3A_1727 = arith.constant 0 : i32
    %dma_start3A_1728 = arith.constant 0 : i32
    %dma_start3A_1729 = tpu.memref_slice %arg31[%dma_start3A_1726, %dma_start3A_1727, %dma_start3A_1728] : memref<4x512x32xf32, #tpu.memory_space<vmem>> -> memref<1x512x32xf32, #tpu.memory_space<vmem>>
    %dma_start3A_1730 = tpu.memref_squeeze %dma_start3A_1729 : memref<1x512x32xf32, #tpu.memory_space<vmem>> -> memref<512x32xf32, #tpu.memory_space<vmem>>
    %dma_start3A_1731 = arith.constant 0 : i32
    %dma_start3A_1732 = tpu.memref_slice %arg30[%dma_start3A_1725, %dma_start3A_1731] : memref<26x512xi32, #tpu.memory_space<vmem>> -> memref<1x512xi32, #tpu.memory_space<vmem>>
    %dma_start3A_1733 = tpu.memref_squeeze %dma_start3A_1732 : memref<1x512xi32, #tpu.memory_space<vmem>> -> memref<512xi32, #tpu.memory_space<vmem>>
    %dma_start3A_1734 = arith.constant 0 : i32
    %dma_start3A_1735 = arith.constant 0 : i32
    %dma_start3A_1736 = tpu.memref_slice %arg25[%dma_start3A_1734, %dma_start3A_1735] : memref<100000x32xf32, #tpu.memory_space<hbm>> -> memref<100000x32xf32, #tpu.memory_space<hbm>>
    tpu.enqueue_indirect_dma source(%dma_start3A_1736 : memref<100000x32xf32, #tpu.memory_space<hbm>>) target(%dma_start3A_1730 : memref<512x32xf32, #tpu.memory_space<vmem>>) offsets(%dma_start3A_1733 : memref<512xi32, #tpu.memory_space<vmem>>) semaphore(%arg35 : memref<!tpu.dma_semaphore, #tpu.memory_space<semaphore_mem>>)
    %dma_wait3A_1737 = arith.constant 19 : i32
    %dma_wait3A_1738 = arith.constant 3 : i32
    %dma_wait3A_1739 = arith.constant 0 : i32
    %dma_wait3A_1740 = arith.constant 0 : i32
    %dma_wait3A_1741 = tpu.memref_slice %arg31[%dma_wait3A_1738, %dma_wait3A_1739, %dma_wait3A_1740] : memref<4x512x32xf32, #tpu.memory_space<vmem>> -> memref<1x512x32xf32, #tpu.memory_space<vmem>>
    %dma_wait3A_1742 = tpu.memref_squeeze %dma_wait3A_1741 : memref<1x512x32xf32, #tpu.memory_space<vmem>> -> memref<512x32xf32, #tpu.memory_space<vmem>>
    %dma_wait3A_1743 = arith.constant 0 : i32
    %dma_wait3A_1744 = tpu.memref_slice %arg30[%dma_wait3A_1737, %dma_wait3A_1743] : memref<26x512xi32, #tpu.memory_space<vmem>> -> memref<1x512xi32, #tpu.memory_space<vmem>>
    %dma_wait3A_1745 = tpu.memref_squeeze %dma_wait3A_1744 : memref<1x512xi32, #tpu.memory_space<vmem>> -> memref<512xi32, #tpu.memory_space<vmem>>
    %dma_wait3A_1746 = arith.constant 0 : i32
    %dma_wait3A_1747 = arith.constant 0 : i32
    %dma_wait3A_1748 = tpu.memref_slice %arg22[%dma_wait3A_1746, %dma_wait3A_1747] : memref<100000x32xf32, #tpu.memory_space<hbm>> -> memref<100000x32xf32, #tpu.memory_space<hbm>>
    tpu.wait_indirect_dma semaphore(%arg36 : memref<!tpu.dma_semaphore, #tpu.memory_space<semaphore_mem>>) src(%dma_wait3A_1748 : memref<100000x32xf32, #tpu.memory_space<hbm>>) dst(%dma_wait3A_1742 : memref<512x32xf32, #tpu.memory_space<vmem>>)
    %dma_start3A_1749 = arith.constant 3 : i32
    %dma_start3A_1750 = arith.constant 19 : i32
    %dma_start3A_1751 = arith.constant 0 : i32
    %dma_start3A_1752 = arith.constant 0 : i32
    %dma_start3A_1753 = tpu.memref_slice %arg31[%dma_start3A_1749, %dma_start3A_1751, %dma_start3A_1752] : memref<4x512x32xf32, #tpu.memory_space<vmem>> -> memref<1x512x32xf32, #tpu.memory_space<vmem>>
    %dma_start3A_1754 = tpu.memref_squeeze %dma_start3A_1753 : memref<1x512x32xf32, #tpu.memory_space<vmem>> -> memref<512x32xf32, #tpu.memory_space<vmem>>
    %dma_start3A_1755 = arith.constant 0 : i32
    %dma_start3A_1756 = tpu.memref_slice %arg29[%mul3A_2, %dma_start3A_1750, %dma_start3A_1755] : memref<16384x26x32xf32, #tpu.memory_space<hbm>> -> memref<512x1x32xf32, #tpu.memory_space<hbm>>
    %dma_start3A_1757 = tpu.memref_squeeze %dma_start3A_1756 : memref<512x1x32xf32, #tpu.memory_space<hbm>> -> memref<512x32xf32, #tpu.memory_space<hbm>>
    %dma_start3A_1758 = arith.constant 0 : i32
    %dma_start3A_1759 = tpu.memref_slice %arg29[%mul3A_2, %dma_start3A_1750, %dma_start3A_1758] : memref<16384x26x32xf32, #tpu.memory_space<hbm>> -> memref<512x1x32xf32, #tpu.memory_space<hbm>>
    %dma_start3A_1760 = tpu.memref_squeeze %dma_start3A_1759 : memref<512x1x32xf32, #tpu.memory_space<hbm>> -> memref<512x32xf32, #tpu.memory_space<hbm>>
    %dma_start3A_1761 = arith.constant 0 : i32
    %dma_start3A_1762 = arith.constant 0 : i32
    %dma_start3A_1763 = tpu.memref_slice %arg31[%dma_start3A_1749, %dma_start3A_1761, %dma_start3A_1762] : memref<4x512x32xf32, #tpu.memory_space<vmem>> -> memref<1x512x32xf32, #tpu.memory_space<vmem>>
    %dma_start3A_1764 = tpu.memref_squeeze %dma_start3A_1763 : memref<1x512x32xf32, #tpu.memory_space<vmem>> -> memref<512x32xf32, #tpu.memory_space<vmem>>
    tpu.enqueue_dma source(%dma_start3A_1764 : memref<512x32xf32, #tpu.memory_space<vmem>>) target(%dma_start3A_1760 : memref<512x32xf32, #tpu.memory_space<hbm>>) target_semaphore(%arg40 : memref<!tpu.dma_semaphore, #tpu.memory_space<semaphore_mem>>)
    %dma_wait3A_1765 = arith.constant 3 : i32
    %dma_wait3A_1766 = arith.constant 19 : i32
    %dma_wait3A_1767 = arith.constant 0 : i32
    %dma_wait3A_1768 = arith.constant 0 : i32
    %dma_wait3A_1769 = tpu.memref_slice %arg31[%dma_wait3A_1765, %dma_wait3A_1767, %dma_wait3A_1768] : memref<4x512x32xf32, #tpu.memory_space<vmem>> -> memref<1x512x32xf32, #tpu.memory_space<vmem>>
    %dma_wait3A_1770 = tpu.memref_squeeze %dma_wait3A_1769 : memref<1x512x32xf32, #tpu.memory_space<vmem>> -> memref<512x32xf32, #tpu.memory_space<vmem>>
    %dma_wait3A_1771 = arith.constant 0 : i32
    %dma_wait3A_1772 = tpu.memref_slice %arg29[%mul3A_2, %dma_wait3A_1766, %dma_wait3A_1771] : memref<16384x26x32xf32, #tpu.memory_space<hbm>> -> memref<512x1x32xf32, #tpu.memory_space<hbm>>
    %dma_wait3A_1773 = tpu.memref_squeeze %dma_wait3A_1772 : memref<512x1x32xf32, #tpu.memory_space<hbm>> -> memref<512x32xf32, #tpu.memory_space<hbm>>
    %dma_wait3A_1774 = arith.constant 0 : i32
    %dma_wait3A_1775 = tpu.memref_slice %arg29[%mul3A_2, %dma_wait3A_1766, %dma_wait3A_1774] : memref<16384x26x32xf32, #tpu.memory_space<hbm>> -> memref<512x1x32xf32, #tpu.memory_space<hbm>>
    %dma_wait3A_1776 = tpu.memref_squeeze %dma_wait3A_1775 : memref<512x1x32xf32, #tpu.memory_space<hbm>> -> memref<512x32xf32, #tpu.memory_space<hbm>>
    %dma_wait3A_1777 = arith.constant 0 : i32
    %dma_wait3A_1778 = arith.constant 0 : i32
    %dma_wait3A_1779 = tpu.memref_slice %arg31[%dma_wait3A_1765, %dma_wait3A_1777, %dma_wait3A_1778] : memref<4x512x32xf32, #tpu.memory_space<vmem>> -> memref<1x512x32xf32, #tpu.memory_space<vmem>>
    %dma_wait3A_1780 = tpu.memref_squeeze %dma_wait3A_1779 : memref<1x512x32xf32, #tpu.memory_space<vmem>> -> memref<512x32xf32, #tpu.memory_space<vmem>>
    tpu.wait_dma2 semaphore(%arg40 : memref<!tpu.dma_semaphore, #tpu.memory_space<semaphore_mem>>) src(%dma_wait3A_1780 : memref<512x32xf32, #tpu.memory_space<vmem>>) dst(%dma_wait3A_1776 : memref<512x32xf32, #tpu.memory_space<hbm>>)
    %dma_start3A_1781 = arith.constant 23 : i32
    %dma_start3A_1782 = arith.constant 3 : i32
    %dma_start3A_1783 = arith.constant 0 : i32
    %dma_start3A_1784 = arith.constant 0 : i32
    %dma_start3A_1785 = tpu.memref_slice %arg31[%dma_start3A_1782, %dma_start3A_1783, %dma_start3A_1784] : memref<4x512x32xf32, #tpu.memory_space<vmem>> -> memref<1x512x32xf32, #tpu.memory_space<vmem>>
    %dma_start3A_1786 = tpu.memref_squeeze %dma_start3A_1785 : memref<1x512x32xf32, #tpu.memory_space<vmem>> -> memref<512x32xf32, #tpu.memory_space<vmem>>
    %dma_start3A_1787 = arith.constant 0 : i32
    %dma_start3A_1788 = tpu.memref_slice %arg30[%dma_start3A_1781, %dma_start3A_1787] : memref<26x512xi32, #tpu.memory_space<vmem>> -> memref<1x512xi32, #tpu.memory_space<vmem>>
    %dma_start3A_1789 = tpu.memref_squeeze %dma_start3A_1788 : memref<1x512xi32, #tpu.memory_space<vmem>> -> memref<512xi32, #tpu.memory_space<vmem>>
    %dma_start3A_1790 = arith.constant 0 : i32
    %dma_start3A_1791 = arith.constant 0 : i32
    %dma_start3A_1792 = tpu.memref_slice %arg26[%dma_start3A_1790, %dma_start3A_1791] : memref<100000x32xf32, #tpu.memory_space<hbm>> -> memref<100000x32xf32, #tpu.memory_space<hbm>>
    tpu.enqueue_indirect_dma source(%dma_start3A_1792 : memref<100000x32xf32, #tpu.memory_space<hbm>>) target(%dma_start3A_1786 : memref<512x32xf32, #tpu.memory_space<vmem>>) offsets(%dma_start3A_1789 : memref<512xi32, #tpu.memory_space<vmem>>) semaphore(%arg36 : memref<!tpu.dma_semaphore, #tpu.memory_space<semaphore_mem>>)
    %dma_wait3A_1793 = arith.constant 20 : i32
    %dma_wait3A_1794 = arith.constant 0 : i32
    %dma_wait3A_1795 = arith.constant 0 : i32
    %dma_wait3A_1796 = arith.constant 0 : i32
    %dma_wait3A_1797 = tpu.memref_slice %arg31[%dma_wait3A_1794, %dma_wait3A_1795, %dma_wait3A_1796] : memref<4x512x32xf32, #tpu.memory_space<vmem>> -> memref<1x512x32xf32, #tpu.memory_space<vmem>>
    %dma_wait3A_1798 = tpu.memref_squeeze %dma_wait3A_1797 : memref<1x512x32xf32, #tpu.memory_space<vmem>> -> memref<512x32xf32, #tpu.memory_space<vmem>>
    %dma_wait3A_1799 = arith.constant 0 : i32
    %dma_wait3A_1800 = tpu.memref_slice %arg30[%dma_wait3A_1793, %dma_wait3A_1799] : memref<26x512xi32, #tpu.memory_space<vmem>> -> memref<1x512xi32, #tpu.memory_space<vmem>>
    %dma_wait3A_1801 = tpu.memref_squeeze %dma_wait3A_1800 : memref<1x512xi32, #tpu.memory_space<vmem>> -> memref<512xi32, #tpu.memory_space<vmem>>
    %dma_wait3A_1802 = arith.constant 0 : i32
    %dma_wait3A_1803 = arith.constant 0 : i32
    %dma_wait3A_1804 = tpu.memref_slice %arg23[%dma_wait3A_1802, %dma_wait3A_1803] : memref<100000x32xf32, #tpu.memory_space<hbm>> -> memref<100000x32xf32, #tpu.memory_space<hbm>>
    tpu.wait_indirect_dma semaphore(%arg33 : memref<!tpu.dma_semaphore, #tpu.memory_space<semaphore_mem>>) src(%dma_wait3A_1804 : memref<100000x32xf32, #tpu.memory_space<hbm>>) dst(%dma_wait3A_1798 : memref<512x32xf32, #tpu.memory_space<vmem>>)
    %dma_start3A_1805 = arith.constant 0 : i32
    %dma_start3A_1806 = arith.constant 20 : i32
    %dma_start3A_1807 = arith.constant 0 : i32
    %dma_start3A_1808 = arith.constant 0 : i32
    %dma_start3A_1809 = tpu.memref_slice %arg31[%dma_start3A_1805, %dma_start3A_1807, %dma_start3A_1808] : memref<4x512x32xf32, #tpu.memory_space<vmem>> -> memref<1x512x32xf32, #tpu.memory_space<vmem>>
    %dma_start3A_1810 = tpu.memref_squeeze %dma_start3A_1809 : memref<1x512x32xf32, #tpu.memory_space<vmem>> -> memref<512x32xf32, #tpu.memory_space<vmem>>
    %dma_start3A_1811 = arith.constant 0 : i32
    %dma_start3A_1812 = tpu.memref_slice %arg29[%mul3A_2, %dma_start3A_1806, %dma_start3A_1811] : memref<16384x26x32xf32, #tpu.memory_space<hbm>> -> memref<512x1x32xf32, #tpu.memory_space<hbm>>
    %dma_start3A_1813 = tpu.memref_squeeze %dma_start3A_1812 : memref<512x1x32xf32, #tpu.memory_space<hbm>> -> memref<512x32xf32, #tpu.memory_space<hbm>>
    %dma_start3A_1814 = arith.constant 0 : i32
    %dma_start3A_1815 = tpu.memref_slice %arg29[%mul3A_2, %dma_start3A_1806, %dma_start3A_1814] : memref<16384x26x32xf32, #tpu.memory_space<hbm>> -> memref<512x1x32xf32, #tpu.memory_space<hbm>>
    %dma_start3A_1816 = tpu.memref_squeeze %dma_start3A_1815 : memref<512x1x32xf32, #tpu.memory_space<hbm>> -> memref<512x32xf32, #tpu.memory_space<hbm>>
    %dma_start3A_1817 = arith.constant 0 : i32
    %dma_start3A_1818 = arith.constant 0 : i32
    %dma_start3A_1819 = tpu.memref_slice %arg31[%dma_start3A_1805, %dma_start3A_1817, %dma_start3A_1818] : memref<4x512x32xf32, #tpu.memory_space<vmem>> -> memref<1x512x32xf32, #tpu.memory_space<vmem>>
    %dma_start3A_1820 = tpu.memref_squeeze %dma_start3A_1819 : memref<1x512x32xf32, #tpu.memory_space<vmem>> -> memref<512x32xf32, #tpu.memory_space<vmem>>
    tpu.enqueue_dma source(%dma_start3A_1820 : memref<512x32xf32, #tpu.memory_space<vmem>>) target(%dma_start3A_1816 : memref<512x32xf32, #tpu.memory_space<hbm>>) target_semaphore(%arg37 : memref<!tpu.dma_semaphore, #tpu.memory_space<semaphore_mem>>)
    %dma_wait3A_1821 = arith.constant 0 : i32
    %dma_wait3A_1822 = arith.constant 20 : i32
    %dma_wait3A_1823 = arith.constant 0 : i32
    %dma_wait3A_1824 = arith.constant 0 : i32
    %dma_wait3A_1825 = tpu.memref_slice %arg31[%dma_wait3A_1821, %dma_wait3A_1823, %dma_wait3A_1824] : memref<4x512x32xf32, #tpu.memory_space<vmem>> -> memref<1x512x32xf32, #tpu.memory_space<vmem>>
    %dma_wait3A_1826 = tpu.memref_squeeze %dma_wait3A_1825 : memref<1x512x32xf32, #tpu.memory_space<vmem>> -> memref<512x32xf32, #tpu.memory_space<vmem>>
    %dma_wait3A_1827 = arith.constant 0 : i32
    %dma_wait3A_1828 = tpu.memref_slice %arg29[%mul3A_2, %dma_wait3A_1822, %dma_wait3A_1827] : memref<16384x26x32xf32, #tpu.memory_space<hbm>> -> memref<512x1x32xf32, #tpu.memory_space<hbm>>
    %dma_wait3A_1829 = tpu.memref_squeeze %dma_wait3A_1828 : memref<512x1x32xf32, #tpu.memory_space<hbm>> -> memref<512x32xf32, #tpu.memory_space<hbm>>
    %dma_wait3A_1830 = arith.constant 0 : i32
    %dma_wait3A_1831 = tpu.memref_slice %arg29[%mul3A_2, %dma_wait3A_1822, %dma_wait3A_1830] : memref<16384x26x32xf32, #tpu.memory_space<hbm>> -> memref<512x1x32xf32, #tpu.memory_space<hbm>>
    %dma_wait3A_1832 = tpu.memref_squeeze %dma_wait3A_1831 : memref<512x1x32xf32, #tpu.memory_space<hbm>> -> memref<512x32xf32, #tpu.memory_space<hbm>>
    %dma_wait3A_1833 = arith.constant 0 : i32
    %dma_wait3A_1834 = arith.constant 0 : i32
    %dma_wait3A_1835 = tpu.memref_slice %arg31[%dma_wait3A_1821, %dma_wait3A_1833, %dma_wait3A_1834] : memref<4x512x32xf32, #tpu.memory_space<vmem>> -> memref<1x512x32xf32, #tpu.memory_space<vmem>>
    %dma_wait3A_1836 = tpu.memref_squeeze %dma_wait3A_1835 : memref<1x512x32xf32, #tpu.memory_space<vmem>> -> memref<512x32xf32, #tpu.memory_space<vmem>>
    tpu.wait_dma2 semaphore(%arg37 : memref<!tpu.dma_semaphore, #tpu.memory_space<semaphore_mem>>) src(%dma_wait3A_1836 : memref<512x32xf32, #tpu.memory_space<vmem>>) dst(%dma_wait3A_1832 : memref<512x32xf32, #tpu.memory_space<hbm>>)
    %dma_start3A_1837 = arith.constant 24 : i32
    %dma_start3A_1838 = arith.constant 0 : i32
    %dma_start3A_1839 = arith.constant 0 : i32
    %dma_start3A_1840 = arith.constant 0 : i32
    %dma_start3A_1841 = tpu.memref_slice %arg31[%dma_start3A_1838, %dma_start3A_1839, %dma_start3A_1840] : memref<4x512x32xf32, #tpu.memory_space<vmem>> -> memref<1x512x32xf32, #tpu.memory_space<vmem>>
    %dma_start3A_1842 = tpu.memref_squeeze %dma_start3A_1841 : memref<1x512x32xf32, #tpu.memory_space<vmem>> -> memref<512x32xf32, #tpu.memory_space<vmem>>
    %dma_start3A_1843 = arith.constant 0 : i32
    %dma_start3A_1844 = tpu.memref_slice %arg30[%dma_start3A_1837, %dma_start3A_1843] : memref<26x512xi32, #tpu.memory_space<vmem>> -> memref<1x512xi32, #tpu.memory_space<vmem>>
    %dma_start3A_1845 = tpu.memref_squeeze %dma_start3A_1844 : memref<1x512xi32, #tpu.memory_space<vmem>> -> memref<512xi32, #tpu.memory_space<vmem>>
    %dma_start3A_1846 = arith.constant 0 : i32
    %dma_start3A_1847 = arith.constant 0 : i32
    %dma_start3A_1848 = tpu.memref_slice %arg27[%dma_start3A_1846, %dma_start3A_1847] : memref<100000x32xf32, #tpu.memory_space<hbm>> -> memref<100000x32xf32, #tpu.memory_space<hbm>>
    tpu.enqueue_indirect_dma source(%dma_start3A_1848 : memref<100000x32xf32, #tpu.memory_space<hbm>>) target(%dma_start3A_1842 : memref<512x32xf32, #tpu.memory_space<vmem>>) offsets(%dma_start3A_1845 : memref<512xi32, #tpu.memory_space<vmem>>) semaphore(%arg33 : memref<!tpu.dma_semaphore, #tpu.memory_space<semaphore_mem>>)
    %dma_wait3A_1849 = arith.constant 21 : i32
    %dma_wait3A_1850 = arith.constant 1 : i32
    %dma_wait3A_1851 = arith.constant 0 : i32
    %dma_wait3A_1852 = arith.constant 0 : i32
    %dma_wait3A_1853 = tpu.memref_slice %arg31[%dma_wait3A_1850, %dma_wait3A_1851, %dma_wait3A_1852] : memref<4x512x32xf32, #tpu.memory_space<vmem>> -> memref<1x512x32xf32, #tpu.memory_space<vmem>>
    %dma_wait3A_1854 = tpu.memref_squeeze %dma_wait3A_1853 : memref<1x512x32xf32, #tpu.memory_space<vmem>> -> memref<512x32xf32, #tpu.memory_space<vmem>>
    %dma_wait3A_1855 = arith.constant 0 : i32
    %dma_wait3A_1856 = tpu.memref_slice %arg30[%dma_wait3A_1849, %dma_wait3A_1855] : memref<26x512xi32, #tpu.memory_space<vmem>> -> memref<1x512xi32, #tpu.memory_space<vmem>>
    %dma_wait3A_1857 = tpu.memref_squeeze %dma_wait3A_1856 : memref<1x512xi32, #tpu.memory_space<vmem>> -> memref<512xi32, #tpu.memory_space<vmem>>
    %dma_wait3A_1858 = arith.constant 0 : i32
    %dma_wait3A_1859 = arith.constant 0 : i32
    %dma_wait3A_1860 = tpu.memref_slice %arg24[%dma_wait3A_1858, %dma_wait3A_1859] : memref<100000x32xf32, #tpu.memory_space<hbm>> -> memref<100000x32xf32, #tpu.memory_space<hbm>>
    tpu.wait_indirect_dma semaphore(%arg34 : memref<!tpu.dma_semaphore, #tpu.memory_space<semaphore_mem>>) src(%dma_wait3A_1860 : memref<100000x32xf32, #tpu.memory_space<hbm>>) dst(%dma_wait3A_1854 : memref<512x32xf32, #tpu.memory_space<vmem>>)
    %dma_start3A_1861 = arith.constant 1 : i32
    %dma_start3A_1862 = arith.constant 21 : i32
    %dma_start3A_1863 = arith.constant 0 : i32
    %dma_start3A_1864 = arith.constant 0 : i32
    %dma_start3A_1865 = tpu.memref_slice %arg31[%dma_start3A_1861, %dma_start3A_1863, %dma_start3A_1864] : memref<4x512x32xf32, #tpu.memory_space<vmem>> -> memref<1x512x32xf32, #tpu.memory_space<vmem>>
    %dma_start3A_1866 = tpu.memref_squeeze %dma_start3A_1865 : memref<1x512x32xf32, #tpu.memory_space<vmem>> -> memref<512x32xf32, #tpu.memory_space<vmem>>
    %dma_start3A_1867 = arith.constant 0 : i32
    %dma_start3A_1868 = tpu.memref_slice %arg29[%mul3A_2, %dma_start3A_1862, %dma_start3A_1867] : memref<16384x26x32xf32, #tpu.memory_space<hbm>> -> memref<512x1x32xf32, #tpu.memory_space<hbm>>
    %dma_start3A_1869 = tpu.memref_squeeze %dma_start3A_1868 : memref<512x1x32xf32, #tpu.memory_space<hbm>> -> memref<512x32xf32, #tpu.memory_space<hbm>>
    %dma_start3A_1870 = arith.constant 0 : i32
    %dma_start3A_1871 = tpu.memref_slice %arg29[%mul3A_2, %dma_start3A_1862, %dma_start3A_1870] : memref<16384x26x32xf32, #tpu.memory_space<hbm>> -> memref<512x1x32xf32, #tpu.memory_space<hbm>>
    %dma_start3A_1872 = tpu.memref_squeeze %dma_start3A_1871 : memref<512x1x32xf32, #tpu.memory_space<hbm>> -> memref<512x32xf32, #tpu.memory_space<hbm>>
    %dma_start3A_1873 = arith.constant 0 : i32
    %dma_start3A_1874 = arith.constant 0 : i32
    %dma_start3A_1875 = tpu.memref_slice %arg31[%dma_start3A_1861, %dma_start3A_1873, %dma_start3A_1874] : memref<4x512x32xf32, #tpu.memory_space<vmem>> -> memref<1x512x32xf32, #tpu.memory_space<vmem>>
    %dma_start3A_1876 = tpu.memref_squeeze %dma_start3A_1875 : memref<1x512x32xf32, #tpu.memory_space<vmem>> -> memref<512x32xf32, #tpu.memory_space<vmem>>
    tpu.enqueue_dma source(%dma_start3A_1876 : memref<512x32xf32, #tpu.memory_space<vmem>>) target(%dma_start3A_1872 : memref<512x32xf32, #tpu.memory_space<hbm>>) target_semaphore(%arg38 : memref<!tpu.dma_semaphore, #tpu.memory_space<semaphore_mem>>)
    %dma_wait3A_1877 = arith.constant 1 : i32
    %dma_wait3A_1878 = arith.constant 21 : i32
    %dma_wait3A_1879 = arith.constant 0 : i32
    %dma_wait3A_1880 = arith.constant 0 : i32
    %dma_wait3A_1881 = tpu.memref_slice %arg31[%dma_wait3A_1877, %dma_wait3A_1879, %dma_wait3A_1880] : memref<4x512x32xf32, #tpu.memory_space<vmem>> -> memref<1x512x32xf32, #tpu.memory_space<vmem>>
    %dma_wait3A_1882 = tpu.memref_squeeze %dma_wait3A_1881 : memref<1x512x32xf32, #tpu.memory_space<vmem>> -> memref<512x32xf32, #tpu.memory_space<vmem>>
    %dma_wait3A_1883 = arith.constant 0 : i32
    %dma_wait3A_1884 = tpu.memref_slice %arg29[%mul3A_2, %dma_wait3A_1878, %dma_wait3A_1883] : memref<16384x26x32xf32, #tpu.memory_space<hbm>> -> memref<512x1x32xf32, #tpu.memory_space<hbm>>
    %dma_wait3A_1885 = tpu.memref_squeeze %dma_wait3A_1884 : memref<512x1x32xf32, #tpu.memory_space<hbm>> -> memref<512x32xf32, #tpu.memory_space<hbm>>
    %dma_wait3A_1886 = arith.constant 0 : i32
    %dma_wait3A_1887 = tpu.memref_slice %arg29[%mul3A_2, %dma_wait3A_1878, %dma_wait3A_1886] : memref<16384x26x32xf32, #tpu.memory_space<hbm>> -> memref<512x1x32xf32, #tpu.memory_space<hbm>>
    %dma_wait3A_1888 = tpu.memref_squeeze %dma_wait3A_1887 : memref<512x1x32xf32, #tpu.memory_space<hbm>> -> memref<512x32xf32, #tpu.memory_space<hbm>>
    %dma_wait3A_1889 = arith.constant 0 : i32
    %dma_wait3A_1890 = arith.constant 0 : i32
    %dma_wait3A_1891 = tpu.memref_slice %arg31[%dma_wait3A_1877, %dma_wait3A_1889, %dma_wait3A_1890] : memref<4x512x32xf32, #tpu.memory_space<vmem>> -> memref<1x512x32xf32, #tpu.memory_space<vmem>>
    %dma_wait3A_1892 = tpu.memref_squeeze %dma_wait3A_1891 : memref<1x512x32xf32, #tpu.memory_space<vmem>> -> memref<512x32xf32, #tpu.memory_space<vmem>>
    tpu.wait_dma2 semaphore(%arg38 : memref<!tpu.dma_semaphore, #tpu.memory_space<semaphore_mem>>) src(%dma_wait3A_1892 : memref<512x32xf32, #tpu.memory_space<vmem>>) dst(%dma_wait3A_1888 : memref<512x32xf32, #tpu.memory_space<hbm>>)
    %dma_start3A_1893 = arith.constant 25 : i32
    %dma_start3A_1894 = arith.constant 1 : i32
    %dma_start3A_1895 = arith.constant 0 : i32
    %dma_start3A_1896 = arith.constant 0 : i32
    %dma_start3A_1897 = tpu.memref_slice %arg31[%dma_start3A_1894, %dma_start3A_1895, %dma_start3A_1896] : memref<4x512x32xf32, #tpu.memory_space<vmem>> -> memref<1x512x32xf32, #tpu.memory_space<vmem>>
    %dma_start3A_1898 = tpu.memref_squeeze %dma_start3A_1897 : memref<1x512x32xf32, #tpu.memory_space<vmem>> -> memref<512x32xf32, #tpu.memory_space<vmem>>
    %dma_start3A_1899 = arith.constant 0 : i32
    %dma_start3A_1900 = tpu.memref_slice %arg30[%dma_start3A_1893, %dma_start3A_1899] : memref<26x512xi32, #tpu.memory_space<vmem>> -> memref<1x512xi32, #tpu.memory_space<vmem>>
    %dma_start3A_1901 = tpu.memref_squeeze %dma_start3A_1900 : memref<1x512xi32, #tpu.memory_space<vmem>> -> memref<512xi32, #tpu.memory_space<vmem>>
    %dma_start3A_1902 = arith.constant 0 : i32
    %dma_start3A_1903 = arith.constant 0 : i32
    %dma_start3A_1904 = tpu.memref_slice %arg28[%dma_start3A_1902, %dma_start3A_1903] : memref<100000x32xf32, #tpu.memory_space<hbm>> -> memref<100000x32xf32, #tpu.memory_space<hbm>>
    tpu.enqueue_indirect_dma source(%dma_start3A_1904 : memref<100000x32xf32, #tpu.memory_space<hbm>>) target(%dma_start3A_1898 : memref<512x32xf32, #tpu.memory_space<vmem>>) offsets(%dma_start3A_1901 : memref<512xi32, #tpu.memory_space<vmem>>) semaphore(%arg34 : memref<!tpu.dma_semaphore, #tpu.memory_space<semaphore_mem>>)
    %dma_wait3A_1905 = arith.constant 22 : i32
    %dma_wait3A_1906 = arith.constant 2 : i32
    %dma_wait3A_1907 = arith.constant 0 : i32
    %dma_wait3A_1908 = arith.constant 0 : i32
    %dma_wait3A_1909 = tpu.memref_slice %arg31[%dma_wait3A_1906, %dma_wait3A_1907, %dma_wait3A_1908] : memref<4x512x32xf32, #tpu.memory_space<vmem>> -> memref<1x512x32xf32, #tpu.memory_space<vmem>>
    %dma_wait3A_1910 = tpu.memref_squeeze %dma_wait3A_1909 : memref<1x512x32xf32, #tpu.memory_space<vmem>> -> memref<512x32xf32, #tpu.memory_space<vmem>>
    %dma_wait3A_1911 = arith.constant 0 : i32
    %dma_wait3A_1912 = tpu.memref_slice %arg30[%dma_wait3A_1905, %dma_wait3A_1911] : memref<26x512xi32, #tpu.memory_space<vmem>> -> memref<1x512xi32, #tpu.memory_space<vmem>>
    %dma_wait3A_1913 = tpu.memref_squeeze %dma_wait3A_1912 : memref<1x512xi32, #tpu.memory_space<vmem>> -> memref<512xi32, #tpu.memory_space<vmem>>
    %dma_wait3A_1914 = arith.constant 0 : i32
    %dma_wait3A_1915 = arith.constant 0 : i32
    %dma_wait3A_1916 = tpu.memref_slice %arg25[%dma_wait3A_1914, %dma_wait3A_1915] : memref<100000x32xf32, #tpu.memory_space<hbm>> -> memref<100000x32xf32, #tpu.memory_space<hbm>>
    tpu.wait_indirect_dma semaphore(%arg35 : memref<!tpu.dma_semaphore, #tpu.memory_space<semaphore_mem>>) src(%dma_wait3A_1916 : memref<100000x32xf32, #tpu.memory_space<hbm>>) dst(%dma_wait3A_1910 : memref<512x32xf32, #tpu.memory_space<vmem>>)
    %dma_start3A_1917 = arith.constant 2 : i32
    %dma_start3A_1918 = arith.constant 22 : i32
    %dma_start3A_1919 = arith.constant 0 : i32
    %dma_start3A_1920 = arith.constant 0 : i32
    %dma_start3A_1921 = tpu.memref_slice %arg31[%dma_start3A_1917, %dma_start3A_1919, %dma_start3A_1920] : memref<4x512x32xf32, #tpu.memory_space<vmem>> -> memref<1x512x32xf32, #tpu.memory_space<vmem>>
    %dma_start3A_1922 = tpu.memref_squeeze %dma_start3A_1921 : memref<1x512x32xf32, #tpu.memory_space<vmem>> -> memref<512x32xf32, #tpu.memory_space<vmem>>
    %dma_start3A_1923 = arith.constant 0 : i32
    %dma_start3A_1924 = tpu.memref_slice %arg29[%mul3A_2, %dma_start3A_1918, %dma_start3A_1923] : memref<16384x26x32xf32, #tpu.memory_space<hbm>> -> memref<512x1x32xf32, #tpu.memory_space<hbm>>
    %dma_start3A_1925 = tpu.memref_squeeze %dma_start3A_1924 : memref<512x1x32xf32, #tpu.memory_space<hbm>> -> memref<512x32xf32, #tpu.memory_space<hbm>>
    %dma_start3A_1926 = arith.constant 0 : i32
    %dma_start3A_1927 = tpu.memref_slice %arg29[%mul3A_2, %dma_start3A_1918, %dma_start3A_1926] : memref<16384x26x32xf32, #tpu.memory_space<hbm>> -> memref<512x1x32xf32, #tpu.memory_space<hbm>>
    %dma_start3A_1928 = tpu.memref_squeeze %dma_start3A_1927 : memref<512x1x32xf32, #tpu.memory_space<hbm>> -> memref<512x32xf32, #tpu.memory_space<hbm>>
    %dma_start3A_1929 = arith.constant 0 : i32
    %dma_start3A_1930 = arith.constant 0 : i32
    %dma_start3A_1931 = tpu.memref_slice %arg31[%dma_start3A_1917, %dma_start3A_1929, %dma_start3A_1930] : memref<4x512x32xf32, #tpu.memory_space<vmem>> -> memref<1x512x32xf32, #tpu.memory_space<vmem>>
    %dma_start3A_1932 = tpu.memref_squeeze %dma_start3A_1931 : memref<1x512x32xf32, #tpu.memory_space<vmem>> -> memref<512x32xf32, #tpu.memory_space<vmem>>
    tpu.enqueue_dma source(%dma_start3A_1932 : memref<512x32xf32, #tpu.memory_space<vmem>>) target(%dma_start3A_1928 : memref<512x32xf32, #tpu.memory_space<hbm>>) target_semaphore(%arg39 : memref<!tpu.dma_semaphore, #tpu.memory_space<semaphore_mem>>)
    %dma_wait3A_1933 = arith.constant 23 : i32
    %dma_wait3A_1934 = arith.constant 3 : i32
    %dma_wait3A_1935 = arith.constant 0 : i32
    %dma_wait3A_1936 = arith.constant 0 : i32
    %dma_wait3A_1937 = tpu.memref_slice %arg31[%dma_wait3A_1934, %dma_wait3A_1935, %dma_wait3A_1936] : memref<4x512x32xf32, #tpu.memory_space<vmem>> -> memref<1x512x32xf32, #tpu.memory_space<vmem>>
    %dma_wait3A_1938 = tpu.memref_squeeze %dma_wait3A_1937 : memref<1x512x32xf32, #tpu.memory_space<vmem>> -> memref<512x32xf32, #tpu.memory_space<vmem>>
    %dma_wait3A_1939 = arith.constant 0 : i32
    %dma_wait3A_1940 = tpu.memref_slice %arg30[%dma_wait3A_1933, %dma_wait3A_1939] : memref<26x512xi32, #tpu.memory_space<vmem>> -> memref<1x512xi32, #tpu.memory_space<vmem>>
    %dma_wait3A_1941 = tpu.memref_squeeze %dma_wait3A_1940 : memref<1x512xi32, #tpu.memory_space<vmem>> -> memref<512xi32, #tpu.memory_space<vmem>>
    %dma_wait3A_1942 = arith.constant 0 : i32
    %dma_wait3A_1943 = arith.constant 0 : i32
    %dma_wait3A_1944 = tpu.memref_slice %arg26[%dma_wait3A_1942, %dma_wait3A_1943] : memref<100000x32xf32, #tpu.memory_space<hbm>> -> memref<100000x32xf32, #tpu.memory_space<hbm>>
    tpu.wait_indirect_dma semaphore(%arg36 : memref<!tpu.dma_semaphore, #tpu.memory_space<semaphore_mem>>) src(%dma_wait3A_1944 : memref<100000x32xf32, #tpu.memory_space<hbm>>) dst(%dma_wait3A_1938 : memref<512x32xf32, #tpu.memory_space<vmem>>)
    %dma_start3A_1945 = arith.constant 3 : i32
    %dma_start3A_1946 = arith.constant 23 : i32
    %dma_start3A_1947 = arith.constant 0 : i32
    %dma_start3A_1948 = arith.constant 0 : i32
    %dma_start3A_1949 = tpu.memref_slice %arg31[%dma_start3A_1945, %dma_start3A_1947, %dma_start3A_1948] : memref<4x512x32xf32, #tpu.memory_space<vmem>> -> memref<1x512x32xf32, #tpu.memory_space<vmem>>
    %dma_start3A_1950 = tpu.memref_squeeze %dma_start3A_1949 : memref<1x512x32xf32, #tpu.memory_space<vmem>> -> memref<512x32xf32, #tpu.memory_space<vmem>>
    %dma_start3A_1951 = arith.constant 0 : i32
    %dma_start3A_1952 = tpu.memref_slice %arg29[%mul3A_2, %dma_start3A_1946, %dma_start3A_1951] : memref<16384x26x32xf32, #tpu.memory_space<hbm>> -> memref<512x1x32xf32, #tpu.memory_space<hbm>>
    %dma_start3A_1953 = tpu.memref_squeeze %dma_start3A_1952 : memref<512x1x32xf32, #tpu.memory_space<hbm>> -> memref<512x32xf32, #tpu.memory_space<hbm>>
    %dma_start3A_1954 = arith.constant 0 : i32
    %dma_start3A_1955 = tpu.memref_slice %arg29[%mul3A_2, %dma_start3A_1946, %dma_start3A_1954] : memref<16384x26x32xf32, #tpu.memory_space<hbm>> -> memref<512x1x32xf32, #tpu.memory_space<hbm>>
    %dma_start3A_1956 = tpu.memref_squeeze %dma_start3A_1955 : memref<512x1x32xf32, #tpu.memory_space<hbm>> -> memref<512x32xf32, #tpu.memory_space<hbm>>
    %dma_start3A_1957 = arith.constant 0 : i32
    %dma_start3A_1958 = arith.constant 0 : i32
    %dma_start3A_1959 = tpu.memref_slice %arg31[%dma_start3A_1945, %dma_start3A_1957, %dma_start3A_1958] : memref<4x512x32xf32, #tpu.memory_space<vmem>> -> memref<1x512x32xf32, #tpu.memory_space<vmem>>
    %dma_start3A_1960 = tpu.memref_squeeze %dma_start3A_1959 : memref<1x512x32xf32, #tpu.memory_space<vmem>> -> memref<512x32xf32, #tpu.memory_space<vmem>>
    tpu.enqueue_dma source(%dma_start3A_1960 : memref<512x32xf32, #tpu.memory_space<vmem>>) target(%dma_start3A_1956 : memref<512x32xf32, #tpu.memory_space<hbm>>) target_semaphore(%arg40 : memref<!tpu.dma_semaphore, #tpu.memory_space<semaphore_mem>>)
    %dma_wait3A_1961 = arith.constant 24 : i32
    %dma_wait3A_1962 = arith.constant 0 : i32
    %dma_wait3A_1963 = arith.constant 0 : i32
    %dma_wait3A_1964 = arith.constant 0 : i32
    %dma_wait3A_1965 = tpu.memref_slice %arg31[%dma_wait3A_1962, %dma_wait3A_1963, %dma_wait3A_1964] : memref<4x512x32xf32, #tpu.memory_space<vmem>> -> memref<1x512x32xf32, #tpu.memory_space<vmem>>
    %dma_wait3A_1966 = tpu.memref_squeeze %dma_wait3A_1965 : memref<1x512x32xf32, #tpu.memory_space<vmem>> -> memref<512x32xf32, #tpu.memory_space<vmem>>
    %dma_wait3A_1967 = arith.constant 0 : i32
    %dma_wait3A_1968 = tpu.memref_slice %arg30[%dma_wait3A_1961, %dma_wait3A_1967] : memref<26x512xi32, #tpu.memory_space<vmem>> -> memref<1x512xi32, #tpu.memory_space<vmem>>
    %dma_wait3A_1969 = tpu.memref_squeeze %dma_wait3A_1968 : memref<1x512xi32, #tpu.memory_space<vmem>> -> memref<512xi32, #tpu.memory_space<vmem>>
    %dma_wait3A_1970 = arith.constant 0 : i32
    %dma_wait3A_1971 = arith.constant 0 : i32
    %dma_wait3A_1972 = tpu.memref_slice %arg27[%dma_wait3A_1970, %dma_wait3A_1971] : memref<100000x32xf32, #tpu.memory_space<hbm>> -> memref<100000x32xf32, #tpu.memory_space<hbm>>
    tpu.wait_indirect_dma semaphore(%arg33 : memref<!tpu.dma_semaphore, #tpu.memory_space<semaphore_mem>>) src(%dma_wait3A_1972 : memref<100000x32xf32, #tpu.memory_space<hbm>>) dst(%dma_wait3A_1966 : memref<512x32xf32, #tpu.memory_space<vmem>>)
    %dma_start3A_1973 = arith.constant 0 : i32
    %dma_start3A_1974 = arith.constant 24 : i32
    %dma_start3A_1975 = arith.constant 0 : i32
    %dma_start3A_1976 = arith.constant 0 : i32
    %dma_start3A_1977 = tpu.memref_slice %arg31[%dma_start3A_1973, %dma_start3A_1975, %dma_start3A_1976] : memref<4x512x32xf32, #tpu.memory_space<vmem>> -> memref<1x512x32xf32, #tpu.memory_space<vmem>>
    %dma_start3A_1978 = tpu.memref_squeeze %dma_start3A_1977 : memref<1x512x32xf32, #tpu.memory_space<vmem>> -> memref<512x32xf32, #tpu.memory_space<vmem>>
    %dma_start3A_1979 = arith.constant 0 : i32
    %dma_start3A_1980 = tpu.memref_slice %arg29[%mul3A_2, %dma_start3A_1974, %dma_start3A_1979] : memref<16384x26x32xf32, #tpu.memory_space<hbm>> -> memref<512x1x32xf32, #tpu.memory_space<hbm>>
    %dma_start3A_1981 = tpu.memref_squeeze %dma_start3A_1980 : memref<512x1x32xf32, #tpu.memory_space<hbm>> -> memref<512x32xf32, #tpu.memory_space<hbm>>
    %dma_start3A_1982 = arith.constant 0 : i32
    %dma_start3A_1983 = tpu.memref_slice %arg29[%mul3A_2, %dma_start3A_1974, %dma_start3A_1982] : memref<16384x26x32xf32, #tpu.memory_space<hbm>> -> memref<512x1x32xf32, #tpu.memory_space<hbm>>
    %dma_start3A_1984 = tpu.memref_squeeze %dma_start3A_1983 : memref<512x1x32xf32, #tpu.memory_space<hbm>> -> memref<512x32xf32, #tpu.memory_space<hbm>>
    %dma_start3A_1985 = arith.constant 0 : i32
    %dma_start3A_1986 = arith.constant 0 : i32
    %dma_start3A_1987 = tpu.memref_slice %arg31[%dma_start3A_1973, %dma_start3A_1985, %dma_start3A_1986] : memref<4x512x32xf32, #tpu.memory_space<vmem>> -> memref<1x512x32xf32, #tpu.memory_space<vmem>>
    %dma_start3A_1988 = tpu.memref_squeeze %dma_start3A_1987 : memref<1x512x32xf32, #tpu.memory_space<vmem>> -> memref<512x32xf32, #tpu.memory_space<vmem>>
    tpu.enqueue_dma source(%dma_start3A_1988 : memref<512x32xf32, #tpu.memory_space<vmem>>) target(%dma_start3A_1984 : memref<512x32xf32, #tpu.memory_space<hbm>>) target_semaphore(%arg37 : memref<!tpu.dma_semaphore, #tpu.memory_space<semaphore_mem>>)
    %dma_wait3A_1989 = arith.constant 25 : i32
    %dma_wait3A_1990 = arith.constant 1 : i32
    %dma_wait3A_1991 = arith.constant 0 : i32
    %dma_wait3A_1992 = arith.constant 0 : i32
    %dma_wait3A_1993 = tpu.memref_slice %arg31[%dma_wait3A_1990, %dma_wait3A_1991, %dma_wait3A_1992] : memref<4x512x32xf32, #tpu.memory_space<vmem>> -> memref<1x512x32xf32, #tpu.memory_space<vmem>>
    %dma_wait3A_1994 = tpu.memref_squeeze %dma_wait3A_1993 : memref<1x512x32xf32, #tpu.memory_space<vmem>> -> memref<512x32xf32, #tpu.memory_space<vmem>>
    %dma_wait3A_1995 = arith.constant 0 : i32
    %dma_wait3A_1996 = tpu.memref_slice %arg30[%dma_wait3A_1989, %dma_wait3A_1995] : memref<26x512xi32, #tpu.memory_space<vmem>> -> memref<1x512xi32, #tpu.memory_space<vmem>>
    %dma_wait3A_1997 = tpu.memref_squeeze %dma_wait3A_1996 : memref<1x512xi32, #tpu.memory_space<vmem>> -> memref<512xi32, #tpu.memory_space<vmem>>
    %dma_wait3A_1998 = arith.constant 0 : i32
    %dma_wait3A_1999 = arith.constant 0 : i32
    %dma_wait3A_2000 = tpu.memref_slice %arg28[%dma_wait3A_1998, %dma_wait3A_1999] : memref<100000x32xf32, #tpu.memory_space<hbm>> -> memref<100000x32xf32, #tpu.memory_space<hbm>>
    tpu.wait_indirect_dma semaphore(%arg34 : memref<!tpu.dma_semaphore, #tpu.memory_space<semaphore_mem>>) src(%dma_wait3A_2000 : memref<100000x32xf32, #tpu.memory_space<hbm>>) dst(%dma_wait3A_1994 : memref<512x32xf32, #tpu.memory_space<vmem>>)
    %dma_start3A_2001 = arith.constant 1 : i32
    %dma_start3A_2002 = arith.constant 25 : i32
    %dma_start3A_2003 = arith.constant 0 : i32
    %dma_start3A_2004 = arith.constant 0 : i32
    %dma_start3A_2005 = tpu.memref_slice %arg31[%dma_start3A_2001, %dma_start3A_2003, %dma_start3A_2004] : memref<4x512x32xf32, #tpu.memory_space<vmem>> -> memref<1x512x32xf32, #tpu.memory_space<vmem>>
    %dma_start3A_2006 = tpu.memref_squeeze %dma_start3A_2005 : memref<1x512x32xf32, #tpu.memory_space<vmem>> -> memref<512x32xf32, #tpu.memory_space<vmem>>
    %dma_start3A_2007 = arith.constant 0 : i32
    %dma_start3A_2008 = tpu.memref_slice %arg29[%mul3A_2, %dma_start3A_2002, %dma_start3A_2007] : memref<16384x26x32xf32, #tpu.memory_space<hbm>> -> memref<512x1x32xf32, #tpu.memory_space<hbm>>
    %dma_start3A_2009 = tpu.memref_squeeze %dma_start3A_2008 : memref<512x1x32xf32, #tpu.memory_space<hbm>> -> memref<512x32xf32, #tpu.memory_space<hbm>>
    %dma_start3A_2010 = arith.constant 0 : i32
    %dma_start3A_2011 = tpu.memref_slice %arg29[%mul3A_2, %dma_start3A_2002, %dma_start3A_2010] : memref<16384x26x32xf32, #tpu.memory_space<hbm>> -> memref<512x1x32xf32, #tpu.memory_space<hbm>>
    %dma_start3A_2012 = tpu.memref_squeeze %dma_start3A_2011 : memref<512x1x32xf32, #tpu.memory_space<hbm>> -> memref<512x32xf32, #tpu.memory_space<hbm>>
    %dma_start3A_2013 = arith.constant 0 : i32
    %dma_start3A_2014 = arith.constant 0 : i32
    %dma_start3A_2015 = tpu.memref_slice %arg31[%dma_start3A_2001, %dma_start3A_2013, %dma_start3A_2014] : memref<4x512x32xf32, #tpu.memory_space<vmem>> -> memref<1x512x32xf32, #tpu.memory_space<vmem>>
    %dma_start3A_2016 = tpu.memref_squeeze %dma_start3A_2015 : memref<1x512x32xf32, #tpu.memory_space<vmem>> -> memref<512x32xf32, #tpu.memory_space<vmem>>
    tpu.enqueue_dma source(%dma_start3A_2016 : memref<512x32xf32, #tpu.memory_space<vmem>>) target(%dma_start3A_2012 : memref<512x32xf32, #tpu.memory_space<hbm>>) target_semaphore(%arg38 : memref<!tpu.dma_semaphore, #tpu.memory_space<semaphore_mem>>)
    %dma_wait3A_2017 = arith.constant 2 : i32
    %dma_wait3A_2018 = arith.constant 22 : i32
    %dma_wait3A_2019 = arith.constant 0 : i32
    %dma_wait3A_2020 = arith.constant 0 : i32
    %dma_wait3A_2021 = tpu.memref_slice %arg31[%dma_wait3A_2017, %dma_wait3A_2019, %dma_wait3A_2020] : memref<4x512x32xf32, #tpu.memory_space<vmem>> -> memref<1x512x32xf32, #tpu.memory_space<vmem>>
    %dma_wait3A_2022 = tpu.memref_squeeze %dma_wait3A_2021 : memref<1x512x32xf32, #tpu.memory_space<vmem>> -> memref<512x32xf32, #tpu.memory_space<vmem>>
    %dma_wait3A_2023 = arith.constant 0 : i32
    %dma_wait3A_2024 = tpu.memref_slice %arg29[%mul3A_2, %dma_wait3A_2018, %dma_wait3A_2023] : memref<16384x26x32xf32, #tpu.memory_space<hbm>> -> memref<512x1x32xf32, #tpu.memory_space<hbm>>
    %dma_wait3A_2025 = tpu.memref_squeeze %dma_wait3A_2024 : memref<512x1x32xf32, #tpu.memory_space<hbm>> -> memref<512x32xf32, #tpu.memory_space<hbm>>
    %dma_wait3A_2026 = arith.constant 0 : i32
    %dma_wait3A_2027 = tpu.memref_slice %arg29[%mul3A_2, %dma_wait3A_2018, %dma_wait3A_2026] : memref<16384x26x32xf32, #tpu.memory_space<hbm>> -> memref<512x1x32xf32, #tpu.memory_space<hbm>>
    %dma_wait3A_2028 = tpu.memref_squeeze %dma_wait3A_2027 : memref<512x1x32xf32, #tpu.memory_space<hbm>> -> memref<512x32xf32, #tpu.memory_space<hbm>>
    %dma_wait3A_2029 = arith.constant 0 : i32
    %dma_wait3A_2030 = arith.constant 0 : i32
    %dma_wait3A_2031 = tpu.memref_slice %arg31[%dma_wait3A_2017, %dma_wait3A_2029, %dma_wait3A_2030] : memref<4x512x32xf32, #tpu.memory_space<vmem>> -> memref<1x512x32xf32, #tpu.memory_space<vmem>>
    %dma_wait3A_2032 = tpu.memref_squeeze %dma_wait3A_2031 : memref<1x512x32xf32, #tpu.memory_space<vmem>> -> memref<512x32xf32, #tpu.memory_space<vmem>>
    tpu.wait_dma2 semaphore(%arg39 : memref<!tpu.dma_semaphore, #tpu.memory_space<semaphore_mem>>) src(%dma_wait3A_2032 : memref<512x32xf32, #tpu.memory_space<vmem>>) dst(%dma_wait3A_2028 : memref<512x32xf32, #tpu.memory_space<hbm>>)
    %dma_wait3A_2033 = arith.constant 3 : i32
    %dma_wait3A_2034 = arith.constant 23 : i32
    %dma_wait3A_2035 = arith.constant 0 : i32
    %dma_wait3A_2036 = arith.constant 0 : i32
    %dma_wait3A_2037 = tpu.memref_slice %arg31[%dma_wait3A_2033, %dma_wait3A_2035, %dma_wait3A_2036] : memref<4x512x32xf32, #tpu.memory_space<vmem>> -> memref<1x512x32xf32, #tpu.memory_space<vmem>>
    %dma_wait3A_2038 = tpu.memref_squeeze %dma_wait3A_2037 : memref<1x512x32xf32, #tpu.memory_space<vmem>> -> memref<512x32xf32, #tpu.memory_space<vmem>>
    %dma_wait3A_2039 = arith.constant 0 : i32
    %dma_wait3A_2040 = tpu.memref_slice %arg29[%mul3A_2, %dma_wait3A_2034, %dma_wait3A_2039] : memref<16384x26x32xf32, #tpu.memory_space<hbm>> -> memref<512x1x32xf32, #tpu.memory_space<hbm>>
    %dma_wait3A_2041 = tpu.memref_squeeze %dma_wait3A_2040 : memref<512x1x32xf32, #tpu.memory_space<hbm>> -> memref<512x32xf32, #tpu.memory_space<hbm>>
    %dma_wait3A_2042 = arith.constant 0 : i32
    %dma_wait3A_2043 = tpu.memref_slice %arg29[%mul3A_2, %dma_wait3A_2034, %dma_wait3A_2042] : memref<16384x26x32xf32, #tpu.memory_space<hbm>> -> memref<512x1x32xf32, #tpu.memory_space<hbm>>
    %dma_wait3A_2044 = tpu.memref_squeeze %dma_wait3A_2043 : memref<512x1x32xf32, #tpu.memory_space<hbm>> -> memref<512x32xf32, #tpu.memory_space<hbm>>
    %dma_wait3A_2045 = arith.constant 0 : i32
    %dma_wait3A_2046 = arith.constant 0 : i32
    %dma_wait3A_2047 = tpu.memref_slice %arg31[%dma_wait3A_2033, %dma_wait3A_2045, %dma_wait3A_2046] : memref<4x512x32xf32, #tpu.memory_space<vmem>> -> memref<1x512x32xf32, #tpu.memory_space<vmem>>
    %dma_wait3A_2048 = tpu.memref_squeeze %dma_wait3A_2047 : memref<1x512x32xf32, #tpu.memory_space<vmem>> -> memref<512x32xf32, #tpu.memory_space<vmem>>
    tpu.wait_dma2 semaphore(%arg40 : memref<!tpu.dma_semaphore, #tpu.memory_space<semaphore_mem>>) src(%dma_wait3A_2048 : memref<512x32xf32, #tpu.memory_space<vmem>>) dst(%dma_wait3A_2044 : memref<512x32xf32, #tpu.memory_space<hbm>>)
    %dma_wait3A_2049 = arith.constant 0 : i32
    %dma_wait3A_2050 = arith.constant 24 : i32
    %dma_wait3A_2051 = arith.constant 0 : i32
    %dma_wait3A_2052 = arith.constant 0 : i32
    %dma_wait3A_2053 = tpu.memref_slice %arg31[%dma_wait3A_2049, %dma_wait3A_2051, %dma_wait3A_2052] : memref<4x512x32xf32, #tpu.memory_space<vmem>> -> memref<1x512x32xf32, #tpu.memory_space<vmem>>
    %dma_wait3A_2054 = tpu.memref_squeeze %dma_wait3A_2053 : memref<1x512x32xf32, #tpu.memory_space<vmem>> -> memref<512x32xf32, #tpu.memory_space<vmem>>
    %dma_wait3A_2055 = arith.constant 0 : i32
    %dma_wait3A_2056 = tpu.memref_slice %arg29[%mul3A_2, %dma_wait3A_2050, %dma_wait3A_2055] : memref<16384x26x32xf32, #tpu.memory_space<hbm>> -> memref<512x1x32xf32, #tpu.memory_space<hbm>>
    %dma_wait3A_2057 = tpu.memref_squeeze %dma_wait3A_2056 : memref<512x1x32xf32, #tpu.memory_space<hbm>> -> memref<512x32xf32, #tpu.memory_space<hbm>>
    %dma_wait3A_2058 = arith.constant 0 : i32
    %dma_wait3A_2059 = tpu.memref_slice %arg29[%mul3A_2, %dma_wait3A_2050, %dma_wait3A_2058] : memref<16384x26x32xf32, #tpu.memory_space<hbm>> -> memref<512x1x32xf32, #tpu.memory_space<hbm>>
    %dma_wait3A_2060 = tpu.memref_squeeze %dma_wait3A_2059 : memref<512x1x32xf32, #tpu.memory_space<hbm>> -> memref<512x32xf32, #tpu.memory_space<hbm>>
    %dma_wait3A_2061 = arith.constant 0 : i32
    %dma_wait3A_2062 = arith.constant 0 : i32
    %dma_wait3A_2063 = tpu.memref_slice %arg31[%dma_wait3A_2049, %dma_wait3A_2061, %dma_wait3A_2062] : memref<4x512x32xf32, #tpu.memory_space<vmem>> -> memref<1x512x32xf32, #tpu.memory_space<vmem>>
    %dma_wait3A_2064 = tpu.memref_squeeze %dma_wait3A_2063 : memref<1x512x32xf32, #tpu.memory_space<vmem>> -> memref<512x32xf32, #tpu.memory_space<vmem>>
    tpu.wait_dma2 semaphore(%arg37 : memref<!tpu.dma_semaphore, #tpu.memory_space<semaphore_mem>>) src(%dma_wait3A_2064 : memref<512x32xf32, #tpu.memory_space<vmem>>) dst(%dma_wait3A_2060 : memref<512x32xf32, #tpu.memory_space<hbm>>)
    %dma_wait3A_2065 = arith.constant 1 : i32
    %dma_wait3A_2066 = arith.constant 25 : i32
    %dma_wait3A_2067 = arith.constant 0 : i32
    %dma_wait3A_2068 = arith.constant 0 : i32
    %dma_wait3A_2069 = tpu.memref_slice %arg31[%dma_wait3A_2065, %dma_wait3A_2067, %dma_wait3A_2068] : memref<4x512x32xf32, #tpu.memory_space<vmem>> -> memref<1x512x32xf32, #tpu.memory_space<vmem>>
    %dma_wait3A_2070 = tpu.memref_squeeze %dma_wait3A_2069 : memref<1x512x32xf32, #tpu.memory_space<vmem>> -> memref<512x32xf32, #tpu.memory_space<vmem>>
    %dma_wait3A_2071 = arith.constant 0 : i32
    %dma_wait3A_2072 = tpu.memref_slice %arg29[%mul3A_2, %dma_wait3A_2066, %dma_wait3A_2071] : memref<16384x26x32xf32, #tpu.memory_space<hbm>> -> memref<512x1x32xf32, #tpu.memory_space<hbm>>
    %dma_wait3A_2073 = tpu.memref_squeeze %dma_wait3A_2072 : memref<512x1x32xf32, #tpu.memory_space<hbm>> -> memref<512x32xf32, #tpu.memory_space<hbm>>
    %dma_wait3A_2074 = arith.constant 0 : i32
    %dma_wait3A_2075 = tpu.memref_slice %arg29[%mul3A_2, %dma_wait3A_2066, %dma_wait3A_2074] : memref<16384x26x32xf32, #tpu.memory_space<hbm>> -> memref<512x1x32xf32, #tpu.memory_space<hbm>>
    %dma_wait3A_2076 = tpu.memref_squeeze %dma_wait3A_2075 : memref<512x1x32xf32, #tpu.memory_space<hbm>> -> memref<512x32xf32, #tpu.memory_space<hbm>>
    %dma_wait3A_2077 = arith.constant 0 : i32
    %dma_wait3A_2078 = arith.constant 0 : i32
    %dma_wait3A_2079 = tpu.memref_slice %arg31[%dma_wait3A_2065, %dma_wait3A_2077, %dma_wait3A_2078] : memref<4x512x32xf32, #tpu.memory_space<vmem>> -> memref<1x512x32xf32, #tpu.memory_space<vmem>>
    %dma_wait3A_2080 = tpu.memref_squeeze %dma_wait3A_2079 : memref<1x512x32xf32, #tpu.memory_space<vmem>> -> memref<512x32xf32, #tpu.memory_space<vmem>>
    tpu.wait_dma2 semaphore(%arg38 : memref<!tpu.dma_semaphore, #tpu.memory_space<semaphore_mem>>) src(%dma_wait3A_2080 : memref<512x32xf32, #tpu.memory_space<vmem>>) dst(%dma_wait3A_2076 : memref<512x32xf32, #tpu.memory_space<hbm>>)
    return
  }
}

</mosaic_0001>

<sc_bundles>
// kernel: kernel.3.cloned.1.call-start
scs
__scs_entry_jumppad:
0x0: {  	(pc) =	sbr.rel $0x88, $3  }
0x1: {  	(tag) =	ssettag $0x0;
	lr =	simm.s32 $0x1  }
0x2: {  	[smem:$0x3F6D] =	sst lr;
	_ =	strace $0xD0000000  }
0x3: {  	_ = 	snop  }
0x4: {  	_ = 	snop  }
0x5: {  	_ = 	snop  }
0x6: {  	_ = 	snop  }
0x7: {  	_ = 	snop  }
__scs_overlays_trampoline_lowered:
0x8: {  	[smem:$0x3F7C] =	sst s0  }
0x9: {  	[smem:$0x3F7D] =	sst s1  }
0xa: {  	[smem:$0x3F7E] =	sst s2  }
0xb: {  	[smem:$0x3F7F] =	sst s3  }
0xc: {  	[smem:$0x3F80] =	sst s4  }
0xd: {  	[smem:$0x3F81] =	sst s5  }
0xe: {  	[smem:$0x3F82] =	sst s6  }
0xf: {  	[smem:$0x3F83] =	sst s7  }
0x10: {  	[smem:$0x3F84] =	sst s8  }
0x11: {  	[smem:$0x3F85] =	sst s9;
	s0 =	simm.s32 @!p0 $0x0  }
0x12: {  	s1 =	sld [smem:$0x3F6B];
	s0 =	simm.s32 @p0 $0x1  }
0x13: {  	[smem:$0x3F86] =	sst s0;
	s0 =	simm.s32 @!p1 $0x0  }
0x14: {  	s2 =	sld [smem:$0x3F6A];
	s0 =	simm.s32 @p1 $0x1  }
0x15: {  	[smem:$0x3F87] =	sst s0;
	s0 =	simm.s32 @!p2 $0x0  }
0x16: {  	s3 =	sld [smem:$0x3FDB];
	s0 =	simm.s32 @p2 $0x1  }
0x17: {  	s4 =	simm.s32 $0x1BF5;
	[smem:$0x3F89] =	sst s0  }
0x18: {  	s0 =	sld [smem:$0x3F6C];
	_ =	swait.ge [sflag:s4], $0x0  }
0x19: {  	s7 =	sld [smem:$0x3F6D]  }
0x1a: {  	s8 =	sadd.s32 $0xFFFFE003, lr  }
0x1b: {  	s9 =	sadd.s32 $0xFFFFFEF7, lr;
	s5 =	simm.s32 $0xFFFFFFFF;
	p2 =	slt.u32 s8, $0xFFFFF086  }
0x1c: {  	p1 =	slt.u32 s9, $0xF7A;
	s5 =	simm.s32 @!p2 $0x0  }
0x1d: {  	s5 =	simm.s32 @p1 $0x1;
	p0 =	seq.s32 s7, s2  }
0x1e: {  	s7 =	smul.u32 @!p0 $0xF7A, s2;
	p2 =	seq.s32 @!p0 s5, $0x0  }
0x1f: {  	s9 =	smul.u32 $0xF7A, s1;
	s8 =	simm.s32 @!p0 $0x1BF5;
	p2 =	por !p2, p0  }
0x20: {  	[sflag:s8] =	ssyncset.s32 @!p0 $0xFFFFF086;
	s6 =	sadd.s32 @!p0 s3, s7;
	s7 =	simm.s32 @!p0 $0x108  }
0x21: {  	s3 =	sadd.s32 s3, s9;
	s6 =	sadd.s32 @!p0 $0x88, s6;
	s7 =	simm.s32 @p2 $0x1082  }
0x22: {  	[simem:s7], [sflag:s8] =	dma.local @!p0 [hbm:s6], $0xF7A  }
0x23: {  	s9 =	sor.u32 $0xD0000000, s2;
	s6 =	simm.s32 $0x108;
	_ =	swait.ge @!p0 [sflag:s8], $0x0  }
0x24: {  	s3 =	sadd.s32 $0x88, s3;
	s6 =	simm.s32 @!p1 $0x1082;
	[sflag:s4] =	ssyncset.s32 $0xFFFFF086  }
0x25: {  	[simem:s6], [sflag:s4] =	dma.local [hbm:s3], $0xF7A  }
0x26: {  	[smem:$0x3F6D] =	sst s1;
	(tag) =	ssettag s2;
	_ =	strace s9  }
0x27: {  	s1 =	sld [smem:$0x3F7D]  }
0x28: {  	s2 =	sld [smem:$0x3F7E]  }
0x29: {  	s4 =	sld [smem:$0x3F80]  }
0x2a: {  	p0 =	seq.s32 s5, $0x0;
	s5 =	sld [smem:$0x3F81]  }
0x2b: {  	s6 =	sld [smem:$0x3F82]  }
0x2c: {  	s7 =	sld [smem:$0x3F83]  }
0x2d: {  	s3 =	simm.s32 $0x108;
	s8 =	sld [smem:$0x3F84]  }
0x2e: {  	s3 =	simm.s32 @!p0 $0x1082;
	s9 =	sld [smem:$0x3F85]  }
0x2f: {  	lr =	sadd.s32 s0, s3;
	s0 =	sld [smem:$0x3F7C]  }
0x30: {  	s3 =	sld [smem:$0x3F7F]  }
0x31: {  	[smem:$0x3F88] =	sst s10  }
0x32: {  	s10 =	sld [smem:$0x3F86];
	_ =	sdelay $0x3  }
0x33: {  	p0 =	seq.s32 s10, $0x1;
	s10 =	sld [smem:$0x3F88];
	_ =	sdelay $0x3  }
0x34: {  	[smem:$0x3F88] =	sst s10  }
0x35: {  	s10 =	sld [smem:$0x3F87];
	_ =	sdelay $0x3  }
0x36: {  	p1 =	seq.s32 s10, $0x1;
	s10 =	sld [smem:$0x3F88];
	_ =	sdelay $0x3  }
0x37: {  	[smem:$0x3F88] =	sst s10  }
0x38: {  	s10 =	sld [smem:$0x3F89]  }
0x39: {  	_ = 	snop;
	(pc) =	sbr.ind lr, $3  }
0x3a: {  	_ = 	snop  }
0x3b: {  	_ = 	snop  }
0x3c: {  	p2 =	seq.s32 s10, $0x1;
	s10 =	sld [smem:$0x3F88]  }
0x3d: {  	_ =	shalt  }
0x3e: {  	_ =	shalt  }
0x3f: {  	_ =	shalt  }
0x40: {  	_ =	shalt  }
0x41: {  	_ =	shalt  }
0x42: {  	_ =	shalt  }
0x43: {  	_ =	shalt  }
0x44: {  	_ =	shalt  }
0x45: {  	_ =	shalt  }
0x46: {  	_ =	shalt  }
0x47: {  	_ =	shalt  }
0x48: {  	_ =	shalt  }
0x49: {  	_ =	shalt  }
0x4a: {  	_ =	shalt  }
0x4b: {  	_ =	shalt  }
0x4c: {  	_ =	shalt  }
0x4d: {  	_ =	shalt  }
0x4e: {  	_ =	shalt  }
0x4f: {  	_ =	shalt  }
0x50: {  	_ =	shalt  }
0x51: {  	_ =	shalt  }
0x52: {  	_ =	shalt  }
0x53: {  	_ =	shalt  }
0x54: {  	_ =	shalt  }
0x55: {  	_ =	shalt  }
0x56: {  	_ =	shalt  }
0x57: {  	_ =	shalt  }
0x58: {  	_ =	shalt  }
0x59: {  	_ =	shalt  }
0x5a: {  	_ =	shalt  }
0x5b: {  	_ =	shalt  }
0x5c: {  	_ =	shalt  }
0x5d: {  	_ =	shalt  }
0x5e: {  	_ =	shalt  }
0x5f: {  	_ =	shalt  }
0x60: {  	_ =	shalt  }
0x61: {  	_ =	shalt  }
0x62: {  	_ =	shalt  }
0x63: {  	_ =	shalt  }
0x64: {  	_ =	shalt  }
0x65: {  	_ =	shalt  }
0x66: {  	_ =	shalt  }
0x67: {  	_ =	shalt  }
0x68: {  	_ =	shalt  }
0x69: {  	_ =	shalt  }
0x6a: {  	_ =	shalt  }
0x6b: {  	_ =	shalt  }
0x6c: {  	_ =	shalt  }
0x6d: {  	_ =	shalt  }
0x6e: {  	_ =	shalt  }
0x6f: {  	_ =	shalt  }
0x70: {  	_ =	shalt  }
0x71: {  	_ =	shalt  }
0x72: {  	_ =	shalt  }
0x73: {  	_ =	shalt  }
0x74: {  	_ =	shalt  }
0x75: {  	_ =	shalt  }
0x76: {  	_ =	shalt  }
0x77: {  	_ =	shalt  }
0x78: {  	_ =	shalt  }
0x79: {  	_ =	shalt  }
0x7a: {  	_ =	shalt  }
0x7b: {  	_ =	shalt  }
0x7c: {  	_ =	shalt  }
0x7d: {  	_ =	shalt  }
0x7e: {  	_ =	shalt  }
0x7f: {  	_ =	shalt  }
0x80: {  	_ =	shalt  }
0x81: {  	_ =	shalt  }
0x82: {  	_ =	shalt  }
0x83: {  	_ =	shalt  }
0x84: {  	_ =	shalt  }
0x85: {  	_ =	shalt  }
0x86: {  	_ =	shalt  }
0x87: {  	_ =	shalt  }
.Lfunc_end0:
.L_simem_size_0:
called_computation.1_lowered:
.L_overlay_start_0:
0x88: {  	s2 =	sld [smem:$0x3FD9]  }
0x89: {  	s3 =	sld [smem:$0x3FFE];
	_ =	sdelay $0x1  }
0x8a: {  	s1 =	srdreg.scid  }
0x8b: {  	s0 =	sand.u32 $0x1, s1  }
0x8c: {  	s17 =	sshll.u32 s0, $0xA;
	s2 =	sadd.s32 s3, s2  }
0x8d: {  	s2 =	sadd.s32 s2, s17  }
0x8e: {  	[smem:$0x3F94] =	sst s2  }
0x8f: {  	_ = 	snop  }
0x90: {  	s2 =	sld [smem:$0x3FD0];
	(tm) =	ssettm $0x1  }
0x91: {  	s18 =	sld [smem:$0x3FFB];
	_ =	sdelay $0x3  }
0x92: {  	_ =	strace s18  }
0x93: {  	s3 =	sld [smem:$0x3FFC];
	_ =	sdelay $0x3  }
0x94: {  	_ =	strace s3  }
0x95: {  	s3 =	sld [smem:$0x3FFD];
	_ =	sdelay $0x3  }
0x96: {  	_ =	strace s3  }
0x97: {  	_ =	strace $0x8FFFFFFF  }
0x98: {  	s19 =	sld [smem:$0x3FDB];
	_ =	sdelay $0x1  }
0x99: {  	s4 =	simm.s32 $_scs_section_size  }
0x9a: {  	s5 =	simm.s32 $_size__tile_overlayer_lowered;
	s6 =	simm.s32 $_tile_overlayer_lowered  }
0x9b: {  	s22 =	simm.s32 $0x1BFF;
	s21 =	sshll.u32 s6, $0x1;
	s3 =	sadd.s32 s4, s19  }
0x9c: {  	s7 =	simm.s32 $0x0;
	s20 =	sshll.u32 s5, $0x1;
	s5 =	sadd.s32 s21, s3  }
0x9d: {  	[timem:s7], [sflag:s22] =	dma.local [hbm:s5], s20  }
0x9e: {  	_ =	swait.ge [sflag:s22], s20  }
0x9f: {  	s4 =	ssub.s32 $0x0, s20;
	[sflag:s22] =	ssyncset.done $0x0  }
0xa0: {  	[sflag:s22] =	ssyncadd.s32 s4;
	_ =	sdelay $0x1  }
0xa1: {  	s23 =	simm.s32 $0x1B8B  }
0xa2: {  	_ =	swait.ge [sflag:s23], $0x1  }
0xa3: {  	[sflag:s23] =	ssyncset.done $0x0  }
0xa4: {  	s25 =	simm.s32 $0x1B8E;
	s24 =	sld [smem:$0x3FFE];
	[sflag:s23] =	ssyncadd.s32 $0xFFFFFFFF  }
0xa5: {  	s26 =	simm.s32 $execute0_lowered;
	[smem:$0x3FD2] =	sst s25  }
0xa6: {  	s5 =	sshll.u32 s26, $0x1;
	_ =	strace $0x80000046;
	[dreg:$0x1] =	wrdreg $0xFFFFFFFF  }
0xa7: {  	s28 =	simm.s32 $_size_execute0_lowered;
	s3 =	sadd.s32 s3, s5;
	[dreg:$0x0] =	wrdreg $0x0  }
0xa8: {  	s5 =	sshll.u32 s28, $0x1;
	[dreg:$0x2] =	wrdreg s3  }
0xa9: {  	[dreg:$0x3] =	wrdreg s5  }
0xaa: {  	[dreg:$0x4] =	wrdreg $0xC0  }
0xab: {  	_ =	task [dreg:s7], $0x5FFFF  }
0xac: {  	[dreg:$0x1] =	wrdreg $0xFFFFFFFF  }
0xad: {  	[dreg:$0x0] =	wrdreg $0x60  }
0xae: {  	[dreg:$0x2] =	wrdreg s24  }
0xaf: {  	[dreg:$0x3] =	wrdreg s2  }
0xb0: {  	[dreg:$0x4] =	wrdreg $0x9  }
0xb1: {  	_ =	task.clear_ibuf [dreg:s7], $0x5FFFF;
	_ =	strace $0x90000046  }
0xb2: {  	s29 =	simm.s32 $0x9;
	_ =	strace $0x80000048  }
0xb3: {  	_ =	swait.ge [sflag:s29], $0x1  }
0xb4: {  	[sflag:s29] =	ssyncadd.s32 $0xFFFFFFFF  }
0xb5: {  	_ =	strace $0x90000048  }
0xb6: {  	_ =	sfence  }
0xb7: {  	s30 =	sld [smem:$0x0];
	_ =	sdelay $0x2  }
0xb8: {  	s31 =	sshll.u32 s1, $0xD;
	s1 =	sshrl.u32 s1, $0x2  }
0xb9: {  	s3 =	sand.u32 $0x4000, s31;
	s1 =	sadd.s32 s1, s30  }
0xba: {  	s0 =	sor.u32 s3, s0;
	s1 =	sshll.u32 s1, $0x11  }
0xbb: {  	s0 =	sor.u32 s1, s0  }
0xbc: {  	s0 =	sadd.s32 $0x8F2B, s0  }
0xbd: {  	[sflag:s0] =	ssyncadd.remote.s32 $0x1  }
0xbe: {  	_ =	sfence.sel $0xFFFF  }
0xbf: {  	[dreg:$0x0] =	wrdreg $0xFFFFFFFF;
	(pc) =	sbr.abs _section_cstart, $3  }
0xc0: {  	[dreg:$0x1] =	wrdreg $0xFFFFFFFF  }
0xc1: {  	_ =	task.clear_ibuf [dreg:s7], $0x2FFFF;
	_ =	strace $0x9FFFFFFF  }
0xc2: {  	(tm) =	ssettm $0x7FFFFFFF  }
0xc3: {  	_ =	shalt  }
tec
execute0_lowered:
.L_overlay_start_1:
0x0: {  	(tag) =	ssettag $0x1  }
0x1: {  	s2 =	rddreg [dreg:$0x0]  }
0x2: {  	s1 =	rddreg [dreg:$0x1];
	s20 =	simm.s32 $0x0  }
0x3: {  	[smem:$0x7FF] =	sst s20;
	s0 =	sadd.s32 $0x26800, s2  }
0x4: {  	s19 =	sadd.s32 $0x88400, s2;
	_ =	strace $0x80000047;
	[dreg:$0x3] =	wrdreg s0  }
0x5: {  	s21 =	sadd.s32 $0xEA000, s2;
	[dreg:$0x4] =	wrdreg s19  }
0x6: {  	s22 =	sadd.s32 $0x14BC00, s2;
	[dreg:$0x5] =	wrdreg s21  }
0x7: {  	s23 =	sadd.s32 $0x1AD800, s2;
	[dreg:$0x6] =	wrdreg s22  }
0x8: {  	s24 =	sadd.s32 $0x20F400, s2;
	[dreg:$0x7] =	wrdreg s23  }
0x9: {  	s25 =	sadd.s32 $0x271000, s2;
	[dreg:$0x8] =	wrdreg s24  }
0xa: {  	s26 =	sadd.s32 $0x2D2C00, s2;
	[dreg:$0x9] =	wrdreg s25  }
0xb: {  	s30 =	sadd.s32 $0x334800, s2;
	[dreg:$0xa] =	wrdreg s26  }
0xc: {  	s3 =	sadd.s32 $0x396400, s2;
	[dreg:$0xb] =	wrdreg s30  }
0xd: {  	s4 =	sadd.s32 $0x3F8000, s2;
	[dreg:$0xc] =	wrdreg s3  }
0xe: {  	s5 =	sadd.s32 $0x459C00, s2;
	[dreg:$0xd] =	wrdreg s4  }
0xf: {  	s6 =	sadd.s32 $0x4BB800, s2;
	[dreg:$0xe] =	wrdreg s5  }
0x10: {  	s7 =	sadd.s32 $0x51D400, s2;
	[dreg:$0xf] =	wrdreg s6  }
0x11: {  	s8 =	sadd.s32 $0x57F000, s2;
	[dreg:$0x10] =	wrdreg s7  }
0x12: {  	s9 =	sadd.s32 $0x5E0C00, s2;
	[dreg:$0x11] =	wrdreg s8  }
0x13: {  	s10 =	sadd.s32 $0x642800, s2;
	[dreg:$0x12] =	wrdreg s9  }
0x14: {  	s11 =	sadd.s32 $0x6A4400, s2;
	[dreg:$0x13] =	wrdreg s10  }
0x15: {  	s12 =	sadd.s32 $0x706000, s2;
	s13 =	sadd.s32 $0x7C9800, s2;
	[dreg:$0x14] =	wrdreg s11  }
0x16: {  	s15 =	sadd.s32 $0x82B400, s2;
	s3 =	srdreg.scid;
	[dreg:$0x15] =	wrdreg s12  }
0x17: {  	s17 =	sadd.s32 $0x88D000, s2;
	s5 =	stileid.u32;
	[dreg:$0x17] =	wrdreg s13  }
0x18: {  	s4 =	sadd.s32 $0x767C00, s2;
	[dreg:$0x18] =	wrdreg s15;
	s0 =	sand.u32 $0x1, s3  }
0x19: {  	[dreg:$0x19] =	wrdreg s17;
	s14 =	sshll.u32 s5, $0xA;
	s16 =	sshll.u32 s0, $0x9  }
0x1a: {  	s18 =	sadd.s32 $0x8EEC00, s2;
	[dreg:$0x16] =	wrdreg s4;
	s4 =	sor.u32 s16, s14  }
0x1b: {  	[dreg:$0x1a] =	wrdreg s18;
	s19 =	sadd.s32 $0x950800, s2;
	s5 =	sshrl.u32 s4, $0x3  }
0x1c: {  	[dreg:$0x1b] =	wrdreg s19;
	s5 =	sadd.s32 s5, s2;
	s2 =	sadd.s32 $0x9B2400, s2  }
0x1d: {  	[dreg:$0x1c] =	wrdreg s2;
	s21 =	sadd.s32 $0x19800, s5  }
0x1e: {  	s22 =	sadd.s32 $0x1A000, s5;
	[dreg:$0x1d] =	wrdreg s21  }
0x1f: {  	s23 =	sadd.s32 $0x1A800, s5;
	[dreg:$0x1e] =	wrdreg s22  }
0x20: {  	s24 =	sadd.s32 $0x1B000, s5;
	[dreg:$0x1f] =	wrdreg s23  }
0x21: {  	s25 =	sadd.s32 $0x1B800, s5;
	[smem:$0x7CD] =	sst s24  }
0x22: {  	s26 =	sadd.s32 $0x1C000, s5;
	[smem:$0x7CE] =	sst s25  }
0x23: {  	s30 =	sadd.s32 $0x1C800, s5;
	[smem:$0x7CF] =	sst s26  }
0x24: {  	s3 =	sadd.s32 $0x1D000, s5;
	[smem:$0x7D0] =	sst s30  }
0x25: {  	s6 =	sadd.s32 $0x1D800, s5;
	[smem:$0x7D1] =	sst s3  }
0x26: {  	s7 =	sadd.s32 $0x1E000, s5;
	[smem:$0x7D2] =	sst s6  }
0x27: {  	s8 =	sadd.s32 $0x1E800, s5;
	[smem:$0x7D3] =	sst s7  }
0x28: {  	s9 =	sadd.s32 $0x1F000, s5;
	[smem:$0x7D4] =	sst s8  }
0x29: {  	s10 =	sadd.s32 $0x1F800, s5;
	[smem:$0x7D5] =	sst s9  }
0x2a: {  	s11 =	sadd.s32 $0x20000, s5;
	[smem:$0x7D6] =	sst s10  }
0x2b: {  	s12 =	sadd.s32 $0x20800, s5;
	[smem:$0x7D7] =	sst s11  }
0x2c: {  	s13 =	sadd.s32 $0x21000, s5;
	[smem:$0x7D8] =	sst s12  }
0x2d: {  	s14 =	sadd.s32 $0x21800, s5;
	[smem:$0x7D9] =	sst s13  }
0x2e: {  	s15 =	sadd.s32 $0x22000, s5;
	[smem:$0x7DA] =	sst s14  }
0x2f: {  	s16 =	sadd.s32 $0x22800, s5;
	[smem:$0x7DB] =	sst s15  }
0x30: {  	s17 =	sadd.s32 $0x23000, s5;
	[smem:$0x7DC] =	sst s16  }
0x31: {  	s18 =	sadd.s32 $0x23800, s5;
	[smem:$0x7DD] =	sst s17  }
0x32: {  	s19 =	sadd.s32 $0x24000, s5;
	[smem:$0x7DE] =	sst s18  }
0x33: {  	[smem:$0x7DF] =	sst s19;
	s21 =	sadd.s32 $0x24800, s5  }
0x34: {  	s22 =	sadd.s32 $0x25000, s5;
	[smem:$0x7E0] =	sst s21  }
0x35: {  	s24 =	sadd.s32 $0x25800, s5;
	[smem:$0x7E1] =	sst s22  }
0x36: {  	s23 =	smul.u32 $0x68, s4;
	s25 =	sadd.s32 $0x26000, s5;
	[smem:$0x7E2] =	sst s24  }
0x37: {  	[smem:$0x7E3] =	sst s25  }
0x38: {  	s31 =	rddreg [dreg:$0x1d];
	s3 =	sadd.s32 s1, s23  }
0x39: {  	s1 =	sadd.s32 $0x4, s3;
	[smem:$0x7FC] =	sst s3  }
0x3a: {  	s26 =	sadd.s32 $0x8, s3;
	[smem:$0x7E4] =	sst s1  }
0x3b: {  	s30 =	sadd.s32 $0xC, s3;
	[smem:$0x7E5] =	sst s26  }
0x3c: {  	s2 =	sadd.s32 $0x10, s3;
	[smem:$0x7E6] =	sst s30  }
0x3d: {  	s4 =	sadd.s32 $0x14, s3;
	[smem:$0x7E7] =	sst s2  }
0x3e: {  	s5 =	sadd.s32 $0x18, s3;
	[smem:$0x7E8] =	sst s4  }
0x3f: {  	s6 =	sadd.s32 $0x1C, s3;
	[smem:$0x7E9] =	sst s5  }
0x40: {  	s7 =	sadd.s32 $0x20, s3;
	[smem:$0x7EA] =	sst s6  }
0x41: {  	s8 =	sadd.s32 $0x24, s3;
	[smem:$0x7EB] =	sst s7  }
0x42: {  	s9 =	sadd.s32 $0x28, s3;
	[smem:$0x7EC] =	sst s8  }
0x43: {  	s10 =	sadd.s32 $0x2C, s3;
	[smem:$0x7ED] =	sst s9  }
0x44: {  	s11 =	sadd.s32 $0x30, s3;
	[smem:$0x7EE] =	sst s10  }
0x45: {  	s12 =	sadd.s32 $0x34, s3;
	[smem:$0x7EF] =	sst s11  }
0x46: {  	s13 =	sadd.s32 $0x38, s3;
	[smem:$0x7F0] =	sst s12  }
0x47: {  	s14 =	sadd.s32 $0x3C, s3;
	[smem:$0x7F1] =	sst s13  }
0x48: {  	s15 =	sadd.s32 $0x40, s3;
	[smem:$0x7F2] =	sst s14  }
0x49: {  	s16 =	sadd.s32 $0x44, s3;
	[smem:$0x7F3] =	sst s15  }
0x4a: {  	s28 =	simm.s32 $0x1C00;
	s17 =	sadd.s32 $0x48, s3;
	[smem:$0x7F4] =	sst s16  }
0x4b: {  	p0 =	por $0x0, $0x0;
	s18 =	sadd.s32 $0x4C, s3;
	[smem:$0x7F5] =	sst s17  }
0x4c: {  	s29 =	simm.s32 $0x1;
	s19 =	sadd.s32 $0x50, s3;
	[smem:$0x7F6] =	sst s18  }
0x4d: {  	s0 =	ssub.s32 $0x2, s0;
	s21 =	sadd.s32 $0x54, s3;
	[smem:$0x7F7] =	sst s19  }
0x4e: {  	s25 =	sshrl.u32 s0, $0x1;
	s22 =	sadd.s32 $0x58, s3;
	[smem:$0x7F8] =	sst s21  }
0x4f: {  	s0 =	ssub.s32 s0, s25;
	s23 =	sadd.s32 $0x5C, s3;
	[smem:$0x7F9] =	sst s22  }
0x50: {  	s25 =	simm.s32 $0x2000;
	s24 =	sadd.s32 $0x60, s3;
	[smem:$0x7FA] =	sst s23  }
0x51: {  	[smem:$0x7FB] =	sst s24;
	s26 =	sadd.s32 $0x64, s3;
	s30 =	smax.u32 s0, $0x1  }
0x52: {  	s2 =	simm.s32 $0x200;
	s24 =	simm.s32 $0x2200;
	s23 =	simm.s32 $0x2400  }
0x53: {  	s22 =	simm.s32 $0x2600;
	s15 =	simm.s32 $0x2800;
	s13 =	simm.s32 $0x2A00  }
0x54: {  	s19 =	simm.s32 $0x2C00;
	s18 =	simm.s32 $0x2E00;
	s6 =	simm.s32 $0x3400  }
0x55: {  	s5 =	simm.s32 $0x7400;
	s14 =	simm.s32 $0xB400;
	p1 =	sne.s32 s30, $0x1  }
.Ltmp0:
0x56: {  	s21 =	simm.s32 $0xF400;
	s12 =	simm.s32 $0x2;
	(pc) =	sbr.rel @!p1 .LBB2_1-.Ltmp0, $4  }
0x57: {  	s7 =	simm.s32 $0x20;
	s8 =	simm.s32 $0x340;
	s4 =	simm.s32 $0x6  }
0x58: {  	s11 =	simm.s32 $0x3;
	s3 =	simm.s32 $0x7;
	s17 =	simm.s32 $0x4  }
0x59: {  	s10 =	simm.s32 $0x8;
	s16 =	simm.s32 $0x5;
	s9 =	simm.s32 $0x9  }
0x5a: {  	[smem:$0x7FD] =	sst s26;
	s26 =	simm.s32 $0x1E00;
	s0 =	sadd.s32 $0xFFFFFFFF, s30  }
0x5b: {  	s30 =	rddreg [dreg:$0x1e]  }
0x5c: {  	[tilespmem:s20], [sflag:$0x1] =	stream.linear.gather [hbm4b:s31+s20], $0x200, $0x38;
	[tilespmem:$0x13400] =	vst v63  }
0x5d: {  	s31 =	rddreg [dreg:$0x1f]  }
0x5e: {  	[smem:$0x7CC] =	sst s0  }
0x5f: {  	[tilespmem:s2], [sflag:$0x1] =	stream.linear.gather [hbm4b:s30+s20], $0x200, $0x38;
	[tilespmem:$0x13400] =	vst v63  }
0x60: {  	s25 =	simm.s32 $0x400;
	s30 =	sld [smem:$0x7CD]  }
0x61: {  	[tilespmem:s25], [sflag:$0x1] =	stream.linear.gather [hbm4b:s31+s20], $0x200, $0x38;
	[tilespmem:$0x13400] =	vst v63  }
0x62: {  	s26 =	simm.s32 $0x600;
	s31 =	sld [smem:$0x7CE]  }
0x63: {  	[tilespmem:s26], [sflag:$0x1] =	stream.linear.gather [hbm4b:s30+s20], $0x200, $0x38;
	[tilespmem:$0x13400] =	vst v63  }
0x64: {  	s28 =	simm.s32 $0x800;
	s30 =	sld [smem:$0x7CF]  }
0x65: {  	[tilespmem:s28], [sflag:$0x1] =	stream.linear.gather [hbm4b:s31+s20], $0x200, $0x38;
	[tilespmem:$0x13400] =	vst v63  }
0x66: {  	s15 =	simm.s32 $0xA00;
	s31 =	sld [smem:$0x7D0]  }
0x67: {  	[tilespmem:s15], [sflag:$0x1] =	stream.linear.gather [hbm4b:s30+s20], $0x200, $0x38;
	[tilespmem:$0x13400] =	vst v63  }
0x68: {  	s18 =	simm.s32 $0xC00;
	s30 =	sld [smem:$0x7D1]  }
0x69: {  	[tilespmem:s18], [sflag:$0x1] =	stream.linear.gather [hbm4b:s31+s20], $0x200, $0x38;
	[tilespmem:$0x13400] =	vst v63  }
0x6a: {  	s19 =	simm.s32 $0xE00;
	s31 =	sld [smem:$0x7D2]  }
0x6b: {  	[tilespmem:s19], [sflag:$0x1] =	stream.linear.gather [hbm4b:s30+s20], $0x200, $0x38;
	[tilespmem:$0x13400] =	vst v63  }
0x6c: {  	s22 =	simm.s32 $0x1000;
	s30 =	sld [smem:$0x7D3]  }
0x6d: {  	[tilespmem:s22], [sflag:$0x1] =	stream.linear.gather [hbm4b:s31+s20], $0x200, $0x38;
	[tilespmem:$0x13400] =	vst v63  }
0x6e: {  	s23 =	simm.s32 $0x1200;
	s31 =	sld [smem:$0x7D4]  }
0x6f: {  	[tilespmem:s23], [sflag:$0x1] =	stream.linear.gather [hbm4b:s30+s20], $0x200, $0x38;
	[tilespmem:$0x13400] =	vst v63  }
0x70: {  	s13 =	simm.s32 $0x1400;
	s30 =	sld [smem:$0x7D5]  }
0x71: {  	[tilespmem:s13], [sflag:$0x1] =	stream.linear.gather [hbm4b:s31+s20], $0x200, $0x38;
	[tilespmem:$0x13400] =	vst v63  }
0x72: {  	s24 =	simm.s32 $0x1600;
	s31 =	sld [smem:$0x7D6]  }
0x73: {  	[tilespmem:s24], [sflag:$0x1] =	stream.linear.gather [hbm4b:s30+s20], $0x200, $0x38;
	[tilespmem:$0x13400] =	vst v63  }
0x74: {  	s25 =	simm.s32 $0x1800;
	s30 =	sld [smem:$0x7D7]  }
0x75: {  	[tilespmem:s25], [sflag:$0x1] =	stream.linear.gather [hbm4b:s31+s20], $0x200, $0x38;
	[tilespmem:$0x13400] =	vst v63  }
0x76: {  	s18 =	simm.s32 $0x1A00;
	s31 =	sld [smem:$0x7D8]  }
0x77: {  	[tilespmem:s18], [sflag:$0x1] =	stream.linear.gather [hbm4b:s30+s20], $0x200, $0x38;
	[tilespmem:$0x13400] =	vst v63  }
0x78: {  	s0 =	simm.s32 $0x1C00;
	s30 =	sld [smem:$0x7D9]  }
0x79: {  	[tilespmem:s0], [sflag:$0x1] =	stream.linear.gather [hbm4b:s31+s20], $0x200, $0x38;
	[tilespmem:$0x13400] =	vst v63  }
0x7a: {  	s28 =	simm.s32 $0x1E00;
	s31 =	sld [smem:$0x7DA]  }
0x7b: {  	[tilespmem:s28], [sflag:$0x1] =	stream.linear.gather [hbm4b:s30+s20], $0x200, $0x38;
	[tilespmem:$0x13400] =	vst v63  }
0x7c: {  	s26 =	simm.s32 $0x2000;
	s30 =	sld [smem:$0x7DB]  }
0x7d: {  	[tilespmem:s26], [sflag:$0x1] =	stream.linear.gather [hbm4b:s31+s20], $0x200, $0x38;
	[tilespmem:$0x13400] =	vst v63  }
0x7e: {  	s25 =	simm.s32 $0x2200;
	s31 =	sld [smem:$0x7DC]  }
0x7f: {  	[tilespmem:s25], [sflag:$0x1] =	stream.linear.gather [hbm4b:s30+s20], $0x200, $0x38;
	[tilespmem:$0x13400] =	vst v63  }
0x80: {  	s24 =	simm.s32 $0x2400;
	s30 =	sld [smem:$0x7DD]  }
0x81: {  	[tilespmem:s24], [sflag:$0x1] =	stream.linear.gather [hbm4b:s31+s20], $0x200, $0x38;
	[tilespmem:$0x13400] =	vst v63  }
0x82: {  	s23 =	simm.s32 $0x2600;
	s31 =	sld [smem:$0x7DE]  }
0x83: {  	[tilespmem:s23], [sflag:$0x1] =	stream.linear.gather [hbm4b:s30+s20], $0x200, $0x38;
	[tilespmem:$0x13400] =	vst v63  }
0x84: {  	s22 =	simm.s32 $0x2800;
	s30 =	sld [smem:$0x7DF]  }
0x85: {  	[tilespmem:s22], [sflag:$0x1] =	stream.linear.gather [hbm4b:s31+s20], $0x200, $0x38;
	[tilespmem:$0x13400] =	vst v63  }
0x86: {  	s15 =	simm.s32 $0x2A00;
	s31 =	sld [smem:$0x7E0]  }
0x87: {  	[tilespmem:s15], [sflag:$0x1] =	stream.linear.gather [hbm4b:s30+s20], $0x200, $0x38;
	[tilespmem:$0x13400] =	vst v63  }
0x88: {  	s13 =	simm.s32 $0x2C00;
	s30 =	sld [smem:$0x7E1]  }
0x89: {  	[tilespmem:s13], [sflag:$0x1] =	stream.linear.gather [hbm4b:s31+s20], $0x200, $0x38;
	[tilespmem:$0x13400] =	vst v63  }
0x8a: {  	s19 =	simm.s32 $0x2E00;
	s31 =	sld [smem:$0x7E2]  }
0x8b: {  	[tilespmem:s19], [sflag:$0x1] =	stream.linear.gather [hbm4b:s30+s20], $0x200, $0x38;
	[tilespmem:$0x13400] =	vst v63  }
0x8c: {  	s0 =	simm.s32 $0x3000;
	s30 =	sld [smem:$0x7E3]  }
0x8d: {  	[tilespmem:s0], [sflag:$0x1] =	stream.linear.gather [hbm4b:s31+s20], $0x200, $0x38;
	[tilespmem:$0x13400] =	vst v63  }
0x8e: {  	s1 =	simm.s32 $0x3200  }
0x8f: {  	[tilespmem:s1], [sflag:$0x1] =	stream.linear.gather [hbm4b:s30+s20], $0x200, $0x38;
	[tilespmem:$0x13400] =	vst v63  }
0x90: {  	_ =	swait.ge [sflag:s29], $0x200  }
0x91: {  	[sflag:s29] =	ssyncset.done $0x0  }
0x92: {  	[sflag:s29] =	ssyncadd.s32 $0xFFFFFE00  }
0x93: {  	_ =	swait.ge [sflag:s29], $0x200  }
0x94: {  	[sflag:s29] =	ssyncset.done $0x0  }
0x95: {  	[sflag:s29] =	ssyncadd.s32 $0xFFFFFE00  }
0x96: {  	_ =	swait.ge [sflag:s29], $0x200  }
0x97: {  	[sflag:s29] =	ssyncset.done $0x0  }
0x98: {  	[sflag:s29] =	ssyncadd.s32 $0xFFFFFE00  }
0x99: {  	_ =	swait.ge [sflag:s29], $0x200  }
0x9a: {  	[sflag:s29] =	ssyncset.done $0x0  }
0x9b: {  	[sflag:s29] =	ssyncadd.s32 $0xFFFFFE00  }
0x9c: {  	_ =	swait.ge [sflag:s29], $0x200  }
0x9d: {  	[sflag:s29] =	ssyncset.done $0x0  }
0x9e: {  	[sflag:s29] =	ssyncadd.s32 $0xFFFFFE00  }
0x9f: {  	_ =	swait.ge [sflag:s29], $0x200  }
0xa0: {  	[sflag:s29] =	ssyncset.done $0x0  }
0xa1: {  	[sflag:s29] =	ssyncadd.s32 $0xFFFFFE00  }
0xa2: {  	_ =	swait.ge [sflag:s29], $0x200  }
0xa3: {  	[sflag:s29] =	ssyncset.done $0x0  }
0xa4: {  	[sflag:s29] =	ssyncadd.s32 $0xFFFFFE00  }
0xa5: {  	_ =	swait.ge [sflag:s29], $0x200  }
0xa6: {  	[sflag:s29] =	ssyncset.done $0x0  }
0xa7: {  	[sflag:s29] =	ssyncadd.s32 $0xFFFFFE00  }
0xa8: {  	_ =	swait.ge [sflag:s29], $0x200  }
0xa9: {  	[sflag:s29] =	ssyncset.done $0x0  }
0xaa: {  	[sflag:s29] =	ssyncadd.s32 $0xFFFFFE00  }
0xab: {  	_ =	swait.ge [sflag:s29], $0x200  }
0xac: {  	[sflag:s29] =	ssyncset.done $0x0  }
0xad: {  	[sflag:s29] =	ssyncadd.s32 $0xFFFFFE00  }
0xae: {  	_ =	swait.ge [sflag:s29], $0x200  }
0xaf: {  	[sflag:s29] =	ssyncset.done $0x0  }
0xb0: {  	[sflag:s29] =	ssyncadd.s32 $0xFFFFFE00  }
0xb1: {  	_ =	swait.ge [sflag:s29], $0x200  }
0xb2: {  	[sflag:s29] =	ssyncset.done $0x0  }
0xb3: {  	[sflag:s29] =	ssyncadd.s32 $0xFFFFFE00  }
0xb4: {  	_ =	swait.ge [sflag:s29], $0x200  }
0xb5: {  	[sflag:s29] =	ssyncset.done $0x0  }
0xb6: {  	[sflag:s29] =	ssyncadd.s32 $0xFFFFFE00  }
0xb7: {  	_ =	swait.ge [sflag:s29], $0x200  }
0xb8: {  	[sflag:s29] =	ssyncset.done $0x0  }
0xb9: {  	[sflag:s29] =	ssyncadd.s32 $0xFFFFFE00  }
0xba: {  	_ =	swait.ge [sflag:s29], $0x200  }
0xbb: {  	[sflag:s29] =	ssyncset.done $0x0  }
0xbc: {  	[sflag:s29] =	ssyncadd.s32 $0xFFFFFE00  }
0xbd: {  	_ =	swait.ge [sflag:s29], $0x200  }
0xbe: {  	[sflag:s29] =	ssyncset.done $0x0  }
0xbf: {  	[sflag:s29] =	ssyncadd.s32 $0xFFFFFE00  }
0xc0: {  	_ =	swait.ge [sflag:s29], $0x200  }
0xc1: {  	[sflag:s29] =	ssyncset.done $0x0  }
0xc2: {  	[sflag:s29] =	ssyncadd.s32 $0xFFFFFE00  }
0xc3: {  	_ =	swait.ge [sflag:s29], $0x200  }
0xc4: {  	[sflag:s29] =	ssyncset.done $0x0  }
0xc5: {  	[sflag:s29] =	ssyncadd.s32 $0xFFFFFE00  }
0xc6: {  	_ =	swait.ge [sflag:s29], $0x200  }
0xc7: {  	[sflag:s29] =	ssyncset.done $0x0  }
0xc8: {  	[sflag:s29] =	ssyncadd.s32 $0xFFFFFE00  }
0xc9: {  	_ =	swait.ge [sflag:s29], $0x200  }
0xca: {  	[sflag:s29] =	ssyncset.done $0x0  }
0xcb: {  	[sflag:s29] =	ssyncadd.s32 $0xFFFFFE00  }
0xcc: {  	_ =	swait.ge [sflag:s29], $0x200  }
0xcd: {  	[sflag:s29] =	ssyncset.done $0x0  }
0xce: {  	[sflag:s29] =	ssyncadd.s32 $0xFFFFFE00  }
0xcf: {  	_ =	swait.ge [sflag:s29], $0x200  }
0xd0: {  	[sflag:s29] =	ssyncset.done $0x0  }
0xd1: {  	[sflag:s29] =	ssyncadd.s32 $0xFFFFFE00  }
0xd2: {  	_ =	swait.ge [sflag:s29], $0x200  }
0xd3: {  	[sflag:s29] =	ssyncset.done $0x0  }
0xd4: {  	[sflag:s29] =	ssyncadd.s32 $0xFFFFFE00  }
0xd5: {  	_ =	swait.ge [sflag:s29], $0x200  }
0xd6: {  	[sflag:s29] =	ssyncset.done $0x0  }
0xd7: {  	[sflag:s29] =	ssyncadd.s32 $0xFFFFFE00  }
0xd8: {  	_ =	swait.ge [sflag:s29], $0x200  }
0xd9: {  	[sflag:s29] =	ssyncset.done $0x0  }
0xda: {  	[sflag:s29] =	ssyncadd.s32 $0xFFFFFE00  }
0xdb: {  	_ =	swait.ge [sflag:s29], $0x200  }
0xdc: {  	[sflag:s29] =	ssyncset.done $0x0  }
0xdd: {  	s30 =	rddreg [dreg:$0x3];
	[sflag:s29] =	ssyncadd.s32 $0xFFFFFE00  }
0xde: {  	[tilespmem:s6], [sflag:$0x2] =	stream.indirect.gather [hbm4b:s30+s2], $0x20, s20, s2, $0xb8;
	[tilespmem:$0x13400] =	vst v63  }
0xdf: {  	s31 =	rddreg [dreg:$0x4]  }
0xe0: {  	[tilespmem:s5], [sflag:$0x3] =	stream.indirect.gather [hbm4b:s31+s2], $0x20, s2, s2, $0xb8;
	[tilespmem:$0x13400] =	vst v63  }
0xe1: {  	s1 =	simm.s32 $0x400;
	s30 =	rddreg [dreg:$0x5]  }
0xe2: {  	[tilespmem:s14], [sflag:$0x4] =	stream.indirect.gather [hbm4b:s30+s2], $0x20, s1, s2, $0xb8;
	[tilespmem:$0x13400] =	vst v63  }
0xe3: {  	s31 =	rddreg [dreg:$0x6];
	s1 =	simm.s32 $0x600  }
0xe4: {  	[tilespmem:s21], [sflag:$0x5] =	stream.indirect.gather [hbm4b:s31+s2], $0x20, s1, s2, $0xb8;
	[tilespmem:$0x13400] =	vst v63  }
0xe5: {  	_ =	swait.ge [sflag:s12], $0x4000  }
0xe6: {  	s30 =	sld [smem:$0x7FC]  }
0xe7: {  	[sflag:s12] =	ssyncset.done $0x0  }
0xe8: {  	[sflag:s12] =	ssyncadd.s32 $0xFFFFC000  }
0xe9: {  	[hbm4b:s30+s7] =	stream.strided.scatter [tilespmem:s6], [sflag:$0x6], $0x4000, s8, s7, $0x38;
	[tilespmem:$0x13400] =	vst v63  }
0xea: {  	_ =	swait.ge [sflag:s4], $0x4000  }
0xeb: {  	[sflag:s4] =	ssyncset.done $0x0  }
0xec: {  	s1 =	simm.s32 $0x800;
	s30 =	rddreg [dreg:$0x7];
	[sflag:s4] =	ssyncadd.s32 $0xFFFFC000  }
0xed: {  	[tilespmem:s6], [sflag:$0x2] =	stream.indirect.gather [hbm4b:s30+s2], $0x20, s1, s2, $0xb8;
	[tilespmem:$0x13400] =	vst v63  }
0xee: {  	_ =	swait.ge [sflag:s11], $0x4000  }
0xef: {  	s30 =	sld [smem:$0x7E4]  }
0xf0: {  	[sflag:s11] =	ssyncset.done $0x0  }
0xf1: {  	[sflag:s11] =	ssyncadd.s32 $0xFFFFC000  }
0xf2: {  	[hbm4b:s30+s7] =	stream.strided.scatter [tilespmem:s5], [sflag:$0x7], $0x4000, s8, s7, $0x38;
	[tilespmem:$0x13400] =	vst v63  }
0xf3: {  	_ =	swait.ge [sflag:s3], $0x4000  }
0xf4: {  	[sflag:s3] =	ssyncset.done $0x0  }
0xf5: {  	s1 =	simm.s32 $0xA00;
	s30 =	rddreg [dreg:$0x8];
	[sflag:s3] =	ssyncadd.s32 $0xFFFFC000  }
0xf6: {  	[tilespmem:s5], [sflag:$0x3] =	stream.indirect.gather [hbm4b:s30+s2], $0x20, s1, s2, $0xb8;
	[tilespmem:$0x13400] =	vst v63  }
0xf7: {  	_ =	swait.ge [sflag:s17], $0x4000  }
0xf8: {  	s30 =	sld [smem:$0x7E5]  }
0xf9: {  	[sflag:s17] =	ssyncset.done $0x0  }
0xfa: {  	[sflag:s17] =	ssyncadd.s32 $0xFFFFC000  }
0xfb: {  	[hbm4b:s30+s7] =	stream.strided.scatter [tilespmem:s14], [sflag:$0x8], $0x4000, s8, s7, $0x38;
	[tilespmem:$0x13400] =	vst v63  }
0xfc: {  	_ =	swait.ge [sflag:s10], $0x4000  }
0xfd: {  	[sflag:s10] =	ssyncset.done $0x0  }
0xfe: {  	s1 =	simm.s32 $0xC00;
	s30 =	rddreg [dreg:$0x9];
	[sflag:s10] =	ssyncadd.s32 $0xFFFFC000  }
0xff: {  	[tilespmem:s14], [sflag:$0x4] =	stream.indirect.gather [hbm4b:s30+s2], $0x20, s1, s2, $0xb8;
	[tilespmem:$0x13400] =	vst v63  }
0x100: {  	_ =	swait.ge [sflag:s16], $0x4000  }
0x101: {  	s30 =	sld [smem:$0x7E6]  }
0x102: {  	[sflag:s16] =	ssyncset.done $0x0  }
0x103: {  	[sflag:s16] =	ssyncadd.s32 $0xFFFFC000  }
0x104: {  	[hbm4b:s30+s7] =	stream.strided.scatter [tilespmem:s21], [sflag:$0x9], $0x4000, s8, s7, $0x38;
	[tilespmem:$0x13400] =	vst v63  }
0x105: {  	_ =	swait.ge [sflag:s9], $0x4000  }
0x106: {  	[sflag:s9] =	ssyncset.done $0x0  }
0x107: {  	s1 =	simm.s32 $0xE00;
	s30 =	rddreg [dreg:$0xa];
	[sflag:s9] =	ssyncadd.s32 $0xFFFFC000  }
0x108: {  	[tilespmem:s21], [sflag:$0x5] =	stream.indirect.gather [hbm4b:s30+s2], $0x20, s1, s2, $0xb8;
	[tilespmem:$0x13400] =	vst v63  }
0x109: {  	_ =	swait.ge [sflag:s12], $0x4000  }
0x10a: {  	s30 =	sld [smem:$0x7E7]  }
0x10b: {  	[sflag:s12] =	ssyncset.done $0x0  }
0x10c: {  	[sflag:s12] =	ssyncadd.s32 $0xFFFFC000  }
0x10d: {  	[hbm4b:s30+s7] =	stream.strided.scatter [tilespmem:s6], [sflag:$0x6], $0x4000, s8, s7, $0x38;
	[tilespmem:$0x13400] =	vst v63  }
0x10e: {  	_ =	swait.ge [sflag:s4], $0x4000  }
0x10f: {  	[sflag:s4] =	ssyncset.done $0x0  }
0x110: {  	s1 =	simm.s32 $0x1000;
	s30 =	rddreg [dreg:$0xb];
	[sflag:s4] =	ssyncadd.s32 $0xFFFFC000  }
0x111: {  	[tilespmem:s6], [sflag:$0x2] =	stream.indirect.gather [hbm4b:s30+s2], $0x20, s1, s2, $0xb8;
	[tilespmem:$0x13400] =	vst v63  }
0x112: {  	_ =	swait.ge [sflag:s11], $0x4000  }
0x113: {  	s30 =	sld [smem:$0x7E8]  }
0x114: {  	[sflag:s11] =	ssyncset.done $0x0  }
0x115: {  	[sflag:s11] =	ssyncadd.s32 $0xFFFFC000  }
0x116: {  	[hbm4b:s30+s7] =	stream.strided.scatter [tilespmem:s5], [sflag:$0x7], $0x4000, s8, s7, $0x38;
	[tilespmem:$0x13400] =	vst v63  }
0x117: {  	_ =	swait.ge [sflag:s3], $0x4000  }
0x118: {  	[sflag:s3] =	ssyncset.done $0x0  }
0x119: {  	s1 =	simm.s32 $0x1200;
	s30 =	rddreg [dreg:$0xc];
	[sflag:s3] =	ssyncadd.s32 $0xFFFFC000  }
0x11a: {  	[tilespmem:s5], [sflag:$0x3] =	stream.indirect.gather [hbm4b:s30+s2], $0x20, s1, s2, $0xb8;
	[tilespmem:$0x13400] =	vst v63  }
0x11b: {  	_ =	swait.ge [sflag:s17], $0x4000  }
0x11c: {  	s30 =	sld [smem:$0x7E9]  }
0x11d: {  	[sflag:s17] =	ssyncset.done $0x0  }
0x11e: {  	[sflag:s17] =	ssyncadd.s32 $0xFFFFC000  }
0x11f: {  	[hbm4b:s30+s7] =	stream.strided.scatter [tilespmem:s14], [sflag:$0x8], $0x4000, s8, s7, $0x38;
	[tilespmem:$0x13400] =	vst v63  }
0x120: {  	_ =	swait.ge [sflag:s10], $0x4000  }
0x121: {  	[sflag:s10] =	ssyncset.done $0x0  }
0x122: {  	s1 =	simm.s32 $0x1400;
	s30 =	rddreg [dreg:$0xd];
	[sflag:s10] =	ssyncadd.s32 $0xFFFFC000  }
0x123: {  	[tilespmem:s14], [sflag:$0x4] =	stream.indirect.gather [hbm4b:s30+s2], $0x20, s1, s2, $0xb8;
	[tilespmem:$0x13400] =	vst v63  }
0x124: {  	_ =	swait.ge [sflag:s16], $0x4000  }
0x125: {  	s30 =	sld [smem:$0x7EA]  }
0x126: {  	[sflag:s16] =	ssyncset.done $0x0  }
0x127: {  	[sflag:s16] =	ssyncadd.s32 $0xFFFFC000  }
0x128: {  	[hbm4b:s30+s7] =	stream.strided.scatter [tilespmem:s21], [sflag:$0x9], $0x4000, s8, s7, $0x38;
	[tilespmem:$0x13400] =	vst v63  }
0x129: {  	_ =	swait.ge [sflag:s9], $0x4000  }
0x12a: {  	[sflag:s9] =	ssyncset.done $0x0  }
0x12b: {  	s1 =	simm.s32 $0x1600;
	s30 =	rddreg [dreg:$0xe];
	[sflag:s9] =	ssyncadd.s32 $0xFFFFC000  }
0x12c: {  	[tilespmem:s21], [sflag:$0x5] =	stream.indirect.gather [hbm4b:s30+s2], $0x20, s1, s2, $0xb8;
	[tilespmem:$0x13400] =	vst v63  }
0x12d: {  	_ =	swait.ge [sflag:s12], $0x4000  }
0x12e: {  	s30 =	sld [smem:$0x7EB]  }
0x12f: {  	[sflag:s12] =	ssyncset.done $0x0  }
0x130: {  	[sflag:s12] =	ssyncadd.s32 $0xFFFFC000  }
0x131: {  	[hbm4b:s30+s7] =	stream.strided.scatter [tilespmem:s6], [sflag:$0x6], $0x4000, s8, s7, $0x38;
	[tilespmem:$0x13400] =	vst v63  }
0x132: {  	_ =	swait.ge [sflag:s4], $0x4000  }
0x133: {  	[sflag:s4] =	ssyncset.done $0x0  }
0x134: {  	s1 =	simm.s32 $0x1800;
	s30 =	rddreg [dreg:$0xf];
	[sflag:s4] =	ssyncadd.s32 $0xFFFFC000  }
0x135: {  	[tilespmem:s6], [sflag:$0x2] =	stream.indirect.gather [hbm4b:s30+s2], $0x20, s1, s2, $0xb8;
	[tilespmem:$0x13400] =	vst v63  }
0x136: {  	_ =	swait.ge [sflag:s11], $0x4000  }
0x137: {  	s30 =	sld [smem:$0x7EC]  }
0x138: {  	[sflag:s11] =	ssyncset.done $0x0  }
0x139: {  	[sflag:s11] =	ssyncadd.s32 $0xFFFFC000  }
0x13a: {  	[hbm4b:s30+s7] =	stream.strided.scatter [tilespmem:s5], [sflag:$0x7], $0x4000, s8, s7, $0x38;
	[tilespmem:$0x13400] =	vst v63  }
0x13b: {  	_ =	swait.ge [sflag:s3], $0x4000  }
0x13c: {  	[sflag:s3] =	ssyncset.done $0x0  }
0x13d: {  	s1 =	simm.s32 $0x1A00;
	s30 =	rddreg [dreg:$0x10];
	[sflag:s3] =	ssyncadd.s32 $0xFFFFC000  }
0x13e: {  	[tilespmem:s5], [sflag:$0x3] =	stream.indirect.gather [hbm4b:s30+s2], $0x20, s1, s2, $0xb8;
	[tilespmem:$0x13400] =	vst v63  }
0x13f: {  	_ =	swait.ge [sflag:s17], $0x4000  }
0x140: {  	s30 =	sld [smem:$0x7ED]  }
0x141: {  	[sflag:s17] =	ssyncset.done $0x0  }
0x142: {  	[sflag:s17] =	ssyncadd.s32 $0xFFFFC000  }
0x143: {  	[hbm4b:s30+s7] =	stream.strided.scatter [tilespmem:s14], [sflag:$0x8], $0x4000, s8, s7, $0x38;
	[tilespmem:$0x13400] =	vst v63  }
0x144: {  	_ =	swait.ge [sflag:s10], $0x4000  }
0x145: {  	[sflag:s10] =	ssyncset.done $0x0  }
0x146: {  	s18 =	simm.s32 $0x1C00;
	s30 =	rddreg [dreg:$0x11];
	[sflag:s10] =	ssyncadd.s32 $0xFFFFC000  }
0x147: {  	[tilespmem:s14], [sflag:$0x4] =	stream.indirect.gather [hbm4b:s30+s2], $0x20, s18, s2, $0xb8;
	[tilespmem:$0x13400] =	vst v63  }
0x148: {  	_ =	swait.ge [sflag:s16], $0x4000  }
0x149: {  	s30 =	sld [smem:$0x7EE]  }
0x14a: {  	[sflag:s16] =	ssyncset.done $0x0  }
0x14b: {  	[sflag:s16] =	ssyncadd.s32 $0xFFFFC000  }
0x14c: {  	[hbm4b:s30+s7] =	stream.strided.scatter [tilespmem:s21], [sflag:$0x9], $0x4000, s8, s7, $0x38;
	[tilespmem:$0x13400] =	vst v63  }
0x14d: {  	_ =	swait.ge [sflag:s9], $0x4000  }
0x14e: {  	[sflag:s9] =	ssyncset.done $0x0  }
0x14f: {  	s28 =	simm.s32 $0x1E00;
	s30 =	rddreg [dreg:$0x12];
	[sflag:s9] =	ssyncadd.s32 $0xFFFFC000  }
0x150: {  	[tilespmem:s21], [sflag:$0x5] =	stream.indirect.gather [hbm4b:s30+s2], $0x20, s28, s2, $0xb8;
	[tilespmem:$0x13400] =	vst v63  }
0x151: {  	_ =	swait.ge [sflag:s12], $0x4000  }
0x152: {  	s30 =	sld [smem:$0x7EF]  }
0x153: {  	[sflag:s12] =	ssyncset.done $0x0  }
0x154: {  	[sflag:s12] =	ssyncadd.s32 $0xFFFFC000  }
0x155: {  	[hbm4b:s30+s7] =	stream.strided.scatter [tilespmem:s6], [sflag:$0x6], $0x4000, s8, s7, $0x38;
	[tilespmem:$0x13400] =	vst v63  }
0x156: {  	_ =	swait.ge [sflag:s4], $0x4000  }
0x157: {  	[sflag:s4] =	ssyncset.done $0x0  }
0x158: {  	s26 =	simm.s32 $0x2000;
	s30 =	rddreg [dreg:$0x13];
	[sflag:s4] =	ssyncadd.s32 $0xFFFFC000  }
0x159: {  	[tilespmem:s6], [sflag:$0x2] =	stream.indirect.gather [hbm4b:s30+s2], $0x20, s26, s2, $0xb8;
	[tilespmem:$0x13400] =	vst v63  }
0x15a: {  	_ =	swait.ge [sflag:s11], $0x4000  }
0x15b: {  	s30 =	sld [smem:$0x7F0]  }
0x15c: {  	[sflag:s11] =	ssyncset.done $0x0  }
0x15d: {  	[sflag:s11] =	ssyncadd.s32 $0xFFFFC000  }
0x15e: {  	[hbm4b:s30+s7] =	stream.strided.scatter [tilespmem:s5], [sflag:$0x7], $0x4000, s8, s7, $0x38;
	[tilespmem:$0x13400] =	vst v63  }
0x15f: {  	_ =	swait.ge [sflag:s3], $0x4000  }
0x160: {  	[sflag:s3] =	ssyncset.done $0x0  }
0x161: {  	s25 =	simm.s32 $0x2200;
	s30 =	rddreg [dreg:$0x14];
	[sflag:s3] =	ssyncadd.s32 $0xFFFFC000  }
0x162: {  	[tilespmem:s5], [sflag:$0x3] =	stream.indirect.gather [hbm4b:s30+s2], $0x20, s25, s2, $0xb8;
	[tilespmem:$0x13400] =	vst v63  }
0x163: {  	_ =	swait.ge [sflag:s17], $0x4000  }
0x164: {  	s30 =	sld [smem:$0x7F1]  }
0x165: {  	[sflag:s17] =	ssyncset.done $0x0  }
0x166: {  	[sflag:s17] =	ssyncadd.s32 $0xFFFFC000  }
0x167: {  	[hbm4b:s30+s7] =	stream.strided.scatter [tilespmem:s14], [sflag:$0x8], $0x4000, s8, s7, $0x38;
	[tilespmem:$0x13400] =	vst v63  }
0x168: {  	_ =	swait.ge [sflag:s10], $0x4000  }
0x169: {  	[sflag:s10] =	ssyncset.done $0x0  }
0x16a: {  	s24 =	simm.s32 $0x2400;
	s30 =	rddreg [dreg:$0x15];
	[sflag:s10] =	ssyncadd.s32 $0xFFFFC000  }
0x16b: {  	[tilespmem:s14], [sflag:$0x4] =	stream.indirect.gather [hbm4b:s30+s2], $0x20, s24, s2, $0xb8;
	[tilespmem:$0x13400] =	vst v63  }
0x16c: {  	_ =	swait.ge [sflag:s16], $0x4000  }
0x16d: {  	s30 =	sld [smem:$0x7F2]  }
0x16e: {  	[sflag:s16] =	ssyncset.done $0x0  }
0x16f: {  	[sflag:s16] =	ssyncadd.s32 $0xFFFFC000  }
0x170: {  	[hbm4b:s30+s7] =	stream.strided.scatter [tilespmem:s21], [sflag:$0x9], $0x4000, s8, s7, $0x38;
	[tilespmem:$0x13400] =	vst v63  }
0x171: {  	_ =	swait.ge [sflag:s9], $0x4000  }
0x172: {  	[sflag:s9] =	ssyncset.done $0x0  }
0x173: {  	s23 =	simm.s32 $0x2600;
	s30 =	rddreg [dreg:$0x16];
	[sflag:s9] =	ssyncadd.s32 $0xFFFFC000  }
0x174: {  	[tilespmem:s21], [sflag:$0x5] =	stream.indirect.gather [hbm4b:s30+s2], $0x20, s23, s2, $0xb8;
	[tilespmem:$0x13400] =	vst v63  }
0x175: {  	_ =	swait.ge [sflag:s12], $0x4000  }
0x176: {  	s30 =	sld [smem:$0x7F3]  }
0x177: {  	[sflag:s12] =	ssyncset.done $0x0  }
0x178: {  	[sflag:s12] =	ssyncadd.s32 $0xFFFFC000  }
0x179: {  	[hbm4b:s30+s7] =	stream.strided.scatter [tilespmem:s6], [sflag:$0x6], $0x4000, s8, s7, $0x38;
	[tilespmem:$0x13400] =	vst v63  }
0x17a: {  	_ =	swait.ge [sflag:s4], $0x4000  }
0x17b: {  	[sflag:s4] =	ssyncset.done $0x0  }
0x17c: {  	s22 =	simm.s32 $0x2800;
	s30 =	rddreg [dreg:$0x17];
	[sflag:s4] =	ssyncadd.s32 $0xFFFFC000  }
0x17d: {  	[tilespmem:s6], [sflag:$0x2] =	stream.indirect.gather [hbm4b:s30+s2], $0x20, s22, s2, $0xb8;
	[tilespmem:$0x13400] =	vst v63  }
0x17e: {  	_ =	swait.ge [sflag:s11], $0x4000  }
0x17f: {  	s30 =	sld [smem:$0x7F4]  }
0x180: {  	[sflag:s11] =	ssyncset.done $0x0  }
0x181: {  	[sflag:s11] =	ssyncadd.s32 $0xFFFFC000  }
0x182: {  	[hbm4b:s30+s7] =	stream.strided.scatter [tilespmem:s5], [sflag:$0x7], $0x4000, s8, s7, $0x38;
	[tilespmem:$0x13400] =	vst v63  }
0x183: {  	_ =	swait.ge [sflag:s3], $0x4000  }
0x184: {  	[sflag:s3] =	ssyncset.done $0x0  }
0x185: {  	s15 =	simm.s32 $0x2A00;
	s30 =	rddreg [dreg:$0x18];
	[sflag:s3] =	ssyncadd.s32 $0xFFFFC000  }
0x186: {  	[tilespmem:s5], [sflag:$0x3] =	stream.indirect.gather [hbm4b:s30+s2], $0x20, s15, s2, $0xb8;
	[tilespmem:$0x13400] =	vst v63  }
0x187: {  	_ =	swait.ge [sflag:s17], $0x4000  }
0x188: {  	s30 =	sld [smem:$0x7F5]  }
0x189: {  	[sflag:s17] =	ssyncset.done $0x0  }
0x18a: {  	[sflag:s17] =	ssyncadd.s32 $0xFFFFC000  }
0x18b: {  	[hbm4b:s30+s7] =	stream.strided.scatter [tilespmem:s14], [sflag:$0x8], $0x4000, s8, s7, $0x38;
	[tilespmem:$0x13400] =	vst v63  }
0x18c: {  	_ =	swait.ge [sflag:s10], $0x4000  }
0x18d: {  	[sflag:s10] =	ssyncset.done $0x0  }
0x18e: {  	s13 =	simm.s32 $0x2C00;
	s30 =	rddreg [dreg:$0x19];
	[sflag:s10] =	ssyncadd.s32 $0xFFFFC000  }
0x18f: {  	[tilespmem:s14], [sflag:$0x4] =	stream.indirect.gather [hbm4b:s30+s2], $0x20, s13, s2, $0xb8;
	[tilespmem:$0x13400] =	vst v63  }
0x190: {  	_ =	swait.ge [sflag:s16], $0x4000  }
0x191: {  	s30 =	sld [smem:$0x7F6]  }
0x192: {  	[sflag:s16] =	ssyncset.done $0x0  }
0x193: {  	[sflag:s16] =	ssyncadd.s32 $0xFFFFC000  }
0x194: {  	[hbm4b:s30+s7] =	stream.strided.scatter [tilespmem:s21], [sflag:$0x9], $0x4000, s8, s7, $0x38;
	[tilespmem:$0x13400] =	vst v63  }
0x195: {  	_ =	swait.ge [sflag:s9], $0x4000  }
0x196: {  	[sflag:s9] =	ssyncset.done $0x0  }
0x197: {  	s19 =	simm.s32 $0x2E00;
	s30 =	rddreg [dreg:$0x1a];
	[sflag:s9] =	ssyncadd.s32 $0xFFFFC000  }
0x198: {  	[tilespmem:s21], [sflag:$0x5] =	stream.indirect.gather [hbm4b:s30+s2], $0x20, s19, s2, $0xb8;
	[tilespmem:$0x13400] =	vst v63  }
0x199: {  	_ =	swait.ge [sflag:s12], $0x4000  }
0x19a: {  	s30 =	sld [smem:$0x7F7]  }
0x19b: {  	[sflag:s12] =	ssyncset.done $0x0  }
0x19c: {  	[sflag:s12] =	ssyncadd.s32 $0xFFFFC000  }
0x19d: {  	[hbm4b:s30+s7] =	stream.strided.scatter [tilespmem:s6], [sflag:$0x6], $0x4000, s8, s7, $0x38;
	[tilespmem:$0x13400] =	vst v63  }
0x19e: {  	_ =	swait.ge [sflag:s4], $0x4000  }
0x19f: {  	[sflag:s4] =	ssyncset.done $0x0  }
0x1a0: {  	s26 =	simm.s32 $0x3000;
	s30 =	rddreg [dreg:$0x1b];
	[sflag:s4] =	ssyncadd.s32 $0xFFFFC000  }
0x1a1: {  	[tilespmem:s6], [sflag:$0x2] =	stream.indirect.gather [hbm4b:s30+s2], $0x20, s26, s2, $0xb8;
	[tilespmem:$0x13400] =	vst v63  }
0x1a2: {  	_ =	swait.ge [sflag:s11], $0x4000  }
0x1a3: {  	s30 =	sld [smem:$0x7F8]  }
0x1a4: {  	[sflag:s11] =	ssyncset.done $0x0  }
0x1a5: {  	[sflag:s11] =	ssyncadd.s32 $0xFFFFC000  }
0x1a6: {  	[hbm4b:s30+s7] =	stream.strided.scatter [tilespmem:s5], [sflag:$0x7], $0x4000, s8, s7, $0x38;
	[tilespmem:$0x13400] =	vst v63  }
0x1a7: {  	_ =	swait.ge [sflag:s3], $0x4000  }
0x1a8: {  	[sflag:s3] =	ssyncset.done $0x0  }
0x1a9: {  	s0 =	simm.s32 $0x3200;
	s30 =	rddreg [dreg:$0x1c];
	[sflag:s3] =	ssyncadd.s32 $0xFFFFC000  }
0x1aa: {  	[tilespmem:s5], [sflag:$0x3] =	stream.indirect.gather [hbm4b:s30+s2], $0x20, s0, s2, $0xb8;
	[tilespmem:$0x13400] =	vst v63  }
0x1ab: {  	_ =	swait.ge [sflag:s17], $0x4000  }
0x1ac: {  	s30 =	sld [smem:$0x7F9]  }
0x1ad: {  	[sflag:s17] =	ssyncset.done $0x0  }
0x1ae: {  	[sflag:s17] =	ssyncadd.s32 $0xFFFFC000  }
0x1af: {  	[hbm4b:s30+s7] =	stream.strided.scatter [tilespmem:s14], [sflag:$0x8], $0x4000, s8, s7, $0x38;
	[tilespmem:$0x13400] =	vst v63  }
0x1b0: {  	_ =	swait.ge [sflag:s16], $0x4000  }
0x1b1: {  	s30 =	sld [smem:$0x7FA]  }
0x1b2: {  	[sflag:s16] =	ssyncset.done $0x0  }
0x1b3: {  	[sflag:s16] =	ssyncadd.s32 $0xFFFFC000  }
0x1b4: {  	[hbm4b:s30+s7] =	stream.strided.scatter [tilespmem:s21], [sflag:$0x9], $0x4000, s8, s7, $0x38;
	[tilespmem:$0x13400] =	vst v63  }
0x1b5: {  	_ =	swait.ge [sflag:s12], $0x4000  }
0x1b6: {  	s30 =	sld [smem:$0x7FB]  }
0x1b7: {  	[sflag:s12] =	ssyncset.done $0x0  }
0x1b8: {  	[sflag:s12] =	ssyncadd.s32 $0xFFFFC000  }
0x1b9: {  	[hbm4b:s30+s7] =	stream.strided.scatter [tilespmem:s6], [sflag:$0x6], $0x4000, s8, s7, $0x38;
	[tilespmem:$0x13400] =	vst v63  }
0x1ba: {  	_ =	swait.ge [sflag:s11], $0x4000  }
0x1bb: {  	s30 =	sld [smem:$0x7FD]  }
0x1bc: {  	[sflag:s11] =	ssyncset.done $0x0  }
0x1bd: {  	[sflag:s11] =	ssyncadd.s32 $0xFFFFC000  }
0x1be: {  	[hbm4b:s30+s7] =	stream.strided.scatter [tilespmem:s5], [sflag:$0x7], $0x4000, s8, s7, $0x38;
	[tilespmem:$0x13400] =	vst v63  }
0x1bf: {  	_ =	swait.ge [sflag:s10], $0x4000  }
0x1c0: {  	[sflag:s10] =	ssyncset.done $0x0  }
0x1c1: {  	[sflag:s10] =	ssyncadd.s32 $0xFFFFC000  }
0x1c2: {  	_ =	swait.ge [sflag:s9], $0x4000  }
0x1c3: {  	[sflag:s9] =	ssyncset.done $0x0  }
0x1c4: {  	[sflag:s9] =	ssyncadd.s32 $0xFFFFC000  }
0x1c5: {  	_ =	swait.ge [sflag:s4], $0x4000  }
0x1c6: {  	s28 =	sld [smem:$0x7CC];
	_ =	sdelay $0x2  }
0x1c7: {  	p1 =	sne.s32 s28, $0x1  }
.Ltmp1:
0x1c8: {  	_ = 	snop;
	(pc) =	sbr.rel @!p1 .LBB2_7-.Ltmp1, $4  }
0x1c9: {  	[sflag:s4] =	ssyncset.done $0x0  }
0x1ca: {  	[sflag:s4] =	ssyncadd.s32 $0xFFFFC000  }
0x1cb: {  	p0 =	por $0x1, $0x1;
	_ =	swait.ge [sflag:s3], $0x4000  }
0x1cc: {  	s30 =	sadd.s32 $0xFFFFFFFF, s28;
	s31 =	rddreg [dreg:$0x1d];
	[sflag:s3] =	ssyncset.done $0x0  }
0x1cd: {  	s25 =	simm.s32 $0x400;
	s24 =	simm.s32 $0x800;
	s18 =	simm.s32 $0xA00  }
0x1ce: {  	s23 =	simm.s32 $0xC00;
	s28 =	simm.s32 $0xE00;
	s15 =	simm.s32 $0x1000  }
0x1cf: {  	s26 =	simm.s32 $0x1200;
	s13 =	simm.s32 $0x1400;
	s19 =	simm.s32 $0x1600  }
.LBB2_4:
0x1d0: {  	[sflag:s3] =	ssyncadd.s32 $0xFFFFC000;
	s0 =	rddreg [dreg:$0x1e]  }
0x1d1: {  	[tilespmem:s20], [sflag:$0x1] =	stream.linear.gather [hbm4b:s31+s20], $0x200, $0x38;
	[tilespmem:$0x13400] =	vst v63  }
0x1d2: {  	s22 =	sld [smem:$0x7CD]  }
0x1d3: {  	[tilespmem:s2], [sflag:$0x1] =	stream.linear.gather [hbm4b:s0+s20], $0x200, $0x38;
	[tilespmem:$0x13400] =	vst v63  }
0x1d4: {  	s31 =	rddreg [dreg:$0x1f]  }
0x1d5: {  	[tilespmem:s25], [sflag:$0x1] =	stream.linear.gather [hbm4b:s31+s20], $0x200, $0x38;
	[tilespmem:$0x13400] =	vst v63  }
0x1d6: {  	s1 =	simm.s32 $0x600;
	s31 =	sld [smem:$0x7CE]  }
0x1d7: {  	[tilespmem:s1], [sflag:$0x1] =	stream.linear.gather [hbm4b:s22+s20], $0x200, $0x38;
	[tilespmem:$0x13400] =	vst v63  }
0x1d8: {  	s22 =	sld [smem:$0x7CF]  }
0x1d9: {  	[tilespmem:s24], [sflag:$0x1] =	stream.linear.gather [hbm4b:s31+s20], $0x200, $0x38;
	[tilespmem:$0x13400] =	vst v63  }
0x1da: {  	s31 =	sld [smem:$0x7D0]  }
0x1db: {  	[tilespmem:s18], [sflag:$0x1] =	stream.linear.gather [hbm4b:s22+s20], $0x200, $0x38;
	[tilespmem:$0x13400] =	vst v63  }
0x1dc: {  	s22 =	sld [smem:$0x7D1]  }
0x1dd: {  	[tilespmem:s23], [sflag:$0x1] =	stream.linear.gather [hbm4b:s31+s20], $0x200, $0x38;
	[tilespmem:$0x13400] =	vst v63  }
0x1de: {  	s31 =	sld [smem:$0x7D2]  }
0x1df: {  	[tilespmem:s28], [sflag:$0x1] =	stream.linear.gather [hbm4b:s22+s20], $0x200, $0x38;
	[tilespmem:$0x13400] =	vst v63  }
0x1e0: {  	s22 =	sld [smem:$0x7D3]  }
0x1e1: {  	[tilespmem:s15], [sflag:$0x1] =	stream.linear.gather [hbm4b:s31+s20], $0x200, $0x38;
	[tilespmem:$0x13400] =	vst v63  }
0x1e2: {  	s31 =	sld [smem:$0x7D4]  }
0x1e3: {  	[tilespmem:s26], [sflag:$0x1] =	stream.linear.gather [hbm4b:s22+s20], $0x200, $0x38;
	[tilespmem:$0x13400] =	vst v63  }
0x1e4: {  	s22 =	sld [smem:$0x7D5]  }
0x1e5: {  	[tilespmem:s13], [sflag:$0x1] =	stream.linear.gather [hbm4b:s31+s20], $0x200, $0x38;
	[tilespmem:$0x13400] =	vst v63  }
0x1e6: {  	s31 =	sld [smem:$0x7D6]  }
0x1e7: {  	[tilespmem:s19], [sflag:$0x1] =	stream.linear.gather [hbm4b:s22+s20], $0x200, $0x38;
	[tilespmem:$0x13400] =	vst v63  }
0x1e8: {  	s0 =	sld [smem:$0x7D7];
	s22 =	simm.s32 $0x1800  }
0x1e9: {  	[tilespmem:s22], [sflag:$0x1] =	stream.linear.gather [hbm4b:s31+s20], $0x200, $0x38;
	[tilespmem:$0x13400] =	vst v63  }
0x1ea: {  	s31 =	sld [smem:$0x7D8];
	s22 =	simm.s32 $0x1A00  }
0x1eb: {  	[tilespmem:s22], [sflag:$0x1] =	stream.linear.gather [hbm4b:s0+s20], $0x200, $0x38;
	[tilespmem:$0x13400] =	vst v63  }
0x1ec: {  	s0 =	sld [smem:$0x7D9];
	s22 =	simm.s32 $0x1C00  }
0x1ed: {  	[tilespmem:s22], [sflag:$0x1] =	stream.linear.gather [hbm4b:s31+s20], $0x200, $0x38;
	[tilespmem:$0x13400] =	vst v63  }
0x1ee: {  	s31 =	sld [smem:$0x7DA];
	s22 =	simm.s32 $0x1E00  }
0x1ef: {  	[tilespmem:s22], [sflag:$0x1] =	stream.linear.gather [hbm4b:s0+s20], $0x200, $0x38;
	[tilespmem:$0x13400] =	vst v63  }
0x1f0: {  	s0 =	sld [smem:$0x7DB];
	s22 =	simm.s32 $0x2000  }
0x1f1: {  	[tilespmem:s22], [sflag:$0x1] =	stream.linear.gather [hbm4b:s31+s20], $0x200, $0x38;
	[tilespmem:$0x13400] =	vst v63  }
0x1f2: {  	s31 =	sld [smem:$0x7DC];
	s22 =	simm.s32 $0x2200  }
0x1f3: {  	[tilespmem:s22], [sflag:$0x1] =	stream.linear.gather [hbm4b:s0+s20], $0x200, $0x38;
	[tilespmem:$0x13400] =	vst v63  }
0x1f4: {  	s0 =	sld [smem:$0x7DD];
	s22 =	simm.s32 $0x2400  }
0x1f5: {  	[tilespmem:s22], [sflag:$0x1] =	stream.linear.gather [hbm4b:s31+s20], $0x200, $0x38;
	[tilespmem:$0x13400] =	vst v63  }
0x1f6: {  	s31 =	sld [smem:$0x7DE];
	s22 =	simm.s32 $0x2600  }
0x1f7: {  	[tilespmem:s22], [sflag:$0x1] =	stream.linear.gather [hbm4b:s0+s20], $0x200, $0x38;
	[tilespmem:$0x13400] =	vst v63  }
0x1f8: {  	s0 =	sld [smem:$0x7DF];
	s22 =	simm.s32 $0x2800  }
0x1f9: {  	[tilespmem:s22], [sflag:$0x1] =	stream.linear.gather [hbm4b:s31+s20], $0x200, $0x38;
	[tilespmem:$0x13400] =	vst v63  }
0x1fa: {  	s31 =	sld [smem:$0x7E0];
	s22 =	simm.s32 $0x2A00  }
0x1fb: {  	[tilespmem:s22], [sflag:$0x1] =	stream.linear.gather [hbm4b:s0+s20], $0x200, $0x38;
	[tilespmem:$0x13400] =	vst v63  }
0x1fc: {  	s0 =	sld [smem:$0x7E1];
	s22 =	simm.s32 $0x2C00  }
0x1fd: {  	[tilespmem:s22], [sflag:$0x1] =	stream.linear.gather [hbm4b:s31+s20], $0x200, $0x38;
	[tilespmem:$0x13400] =	vst v63  }
0x1fe: {  	s31 =	sld [smem:$0x7E2];
	s22 =	simm.s32 $0x2E00  }
0x1ff: {  	[tilespmem:s22], [sflag:$0x1] =	stream.linear.gather [hbm4b:s0+s20], $0x200, $0x38;
	[tilespmem:$0x13400] =	vst v63  }
0x200: {  	s0 =	sld [smem:$0x7E3];
	s22 =	simm.s32 $0x3000  }
0x201: {  	[tilespmem:s22], [sflag:$0x1] =	stream.linear.gather [hbm4b:s31+s20], $0x200, $0x38;
	[tilespmem:$0x13400] =	vst v63  }
0x202: {  	s31 =	simm.s32 $0x3200  }
0x203: {  	[tilespmem:s31], [sflag:$0x1] =	stream.linear.gather [hbm4b:s0+s20], $0x200, $0x38;
	[tilespmem:$0x13400] =	vst v63  }
0x204: {  	_ =	swait.ge [sflag:s29], $0x200  }
0x205: {  	[sflag:s29] =	ssyncset.done $0x0  }
0x206: {  	[sflag:s29] =	ssyncadd.s32 $0xFFFFFE00  }
0x207: {  	_ =	swait.ge [sflag:s29], $0x200  }
0x208: {  	[sflag:s29] =	ssyncset.done $0x0  }
0x209: {  	[sflag:s29] =	ssyncadd.s32 $0xFFFFFE00  }
0x20a: {  	_ =	swait.ge [sflag:s29], $0x200  }
0x20b: {  	[sflag:s29] =	ssyncset.done $0x0  }
0x20c: {  	[sflag:s29] =	ssyncadd.s32 $0xFFFFFE00  }
0x20d: {  	_ =	swait.ge [sflag:s29], $0x200  }
0x20e: {  	[sflag:s29] =	ssyncset.done $0x0  }
0x20f: {  	[sflag:s29] =	ssyncadd.s32 $0xFFFFFE00  }
0x210: {  	_ =	swait.ge [sflag:s29], $0x200  }
0x211: {  	[sflag:s29] =	ssyncset.done $0x0  }
0x212: {  	[sflag:s29] =	ssyncadd.s32 $0xFFFFFE00  }
0x213: {  	_ =	swait.ge [sflag:s29], $0x200  }
0x214: {  	[sflag:s29] =	ssyncset.done $0x0  }
0x215: {  	[sflag:s29] =	ssyncadd.s32 $0xFFFFFE00  }
0x216: {  	_ =	swait.ge [sflag:s29], $0x200  }
0x217: {  	[sflag:s29] =	ssyncset.done $0x0  }
0x218: {  	[sflag:s29] =	ssyncadd.s32 $0xFFFFFE00  }
0x219: {  	_ =	swait.ge [sflag:s29], $0x200  }
0x21a: {  	[sflag:s29] =	ssyncset.done $0x0  }
0x21b: {  	[sflag:s29] =	ssyncadd.s32 $0xFFFFFE00  }
0x21c: {  	_ =	swait.ge [sflag:s29], $0x200  }
0x21d: {  	[sflag:s29] =	ssyncset.done $0x0  }
0x21e: {  	[sflag:s29] =	ssyncadd.s32 $0xFFFFFE00  }
0x21f: {  	_ =	swait.ge [sflag:s29], $0x200  }
0x220: {  	[sflag:s29] =	ssyncset.done $0x0  }
0x221: {  	[sflag:s29] =	ssyncadd.s32 $0xFFFFFE00  }
0x222: {  	_ =	swait.ge [sflag:s29], $0x200  }
0x223: {  	[sflag:s29] =	ssyncset.done $0x0  }
0x224: {  	[sflag:s29] =	ssyncadd.s32 $0xFFFFFE00  }
0x225: {  	_ =	swait.ge [sflag:s29], $0x200  }
0x226: {  	[sflag:s29] =	ssyncset.done $0x0  }
0x227: {  	[sflag:s29] =	ssyncadd.s32 $0xFFFFFE00  }
0x228: {  	_ =	swait.ge [sflag:s29], $0x200  }
0x229: {  	[sflag:s29] =	ssyncset.done $0x0  }
0x22a: {  	[sflag:s29] =	ssyncadd.s32 $0xFFFFFE00  }
0x22b: {  	_ =	swait.ge [sflag:s29], $0x200  }
0x22c: {  	[sflag:s29] =	ssyncset.done $0x0  }
0x22d: {  	[sflag:s29] =	ssyncadd.s32 $0xFFFFFE00  }
0x22e: {  	_ =	swait.ge [sflag:s29], $0x200  }
0x22f: {  	[sflag:s29] =	ssyncset.done $0x0  }
0x230: {  	[sflag:s29] =	ssyncadd.s32 $0xFFFFFE00  }
0x231: {  	_ =	swait.ge [sflag:s29], $0x200  }
0x232: {  	[sflag:s29] =	ssyncset.done $0x0  }
0x233: {  	[sflag:s29] =	ssyncadd.s32 $0xFFFFFE00  }
0x234: {  	_ =	swait.ge [sflag:s29], $0x200  }
0x235: {  	[sflag:s29] =	ssyncset.done $0x0  }
0x236: {  	[sflag:s29] =	ssyncadd.s32 $0xFFFFFE00  }
0x237: {  	_ =	swait.ge [sflag:s29], $0x200  }
0x238: {  	[sflag:s29] =	ssyncset.done $0x0  }
0x239: {  	[sflag:s29] =	ssyncadd.s32 $0xFFFFFE00  }
0x23a: {  	_ =	swait.ge [sflag:s29], $0x200  }
0x23b: {  	[sflag:s29] =	ssyncset.done $0x0  }
0x23c: {  	[sflag:s29] =	ssyncadd.s32 $0xFFFFFE00  }
0x23d: {  	_ =	swait.ge [sflag:s29], $0x200  }
0x23e: {  	[sflag:s29] =	ssyncset.done $0x0  }
0x23f: {  	[sflag:s29] =	ssyncadd.s32 $0xFFFFFE00  }
0x240: {  	_ =	swait.ge [sflag:s29], $0x200  }
0x241: {  	[sflag:s29] =	ssyncset.done $0x0  }
0x242: {  	[sflag:s29] =	ssyncadd.s32 $0xFFFFFE00  }
0x243: {  	_ =	swait.ge [sflag:s29], $0x200  }
0x244: {  	[sflag:s29] =	ssyncset.done $0x0  }
0x245: {  	[sflag:s29] =	ssyncadd.s32 $0xFFFFFE00  }
0x246: {  	_ =	swait.ge [sflag:s29], $0x200  }
0x247: {  	[sflag:s29] =	ssyncset.done $0x0  }
0x248: {  	[sflag:s29] =	ssyncadd.s32 $0xFFFFFE00  }
0x249: {  	_ =	swait.ge [sflag:s29], $0x200  }
0x24a: {  	[sflag:s29] =	ssyncset.done $0x0  }
0x24b: {  	[sflag:s29] =	ssyncadd.s32 $0xFFFFFE00  }
0x24c: {  	_ =	swait.ge [sflag:s29], $0x200  }
0x24d: {  	[sflag:s29] =	ssyncset.done $0x0  }
0x24e: {  	[sflag:s29] =	ssyncadd.s32 $0xFFFFFE00  }
0x24f: {  	_ =	swait.ge [sflag:s29], $0x200  }
0x250: {  	[sflag:s29] =	ssyncset.done $0x0  }
0x251: {  	s0 =	rddreg [dreg:$0x3];
	[sflag:s29] =	ssyncadd.s32 $0xFFFFFE00  }
0x252: {  	[tilespmem:s6], [sflag:$0x2] =	stream.indirect.gather [hbm4b:s0+s2], $0x20, s20, s2, $0xb8;
	[tilespmem:$0x13400] =	vst v63  }
0x253: {  	s31 =	rddreg [dreg:$0x4]  }
0x254: {  	[tilespmem:s5], [sflag:$0x3] =	stream.indirect.gather [hbm4b:s31+s2], $0x20, s2, s2, $0xb8;
	[tilespmem:$0x13400] =	vst v63  }
0x255: {  	s0 =	rddreg [dreg:$0x5]  }
0x256: {  	[tilespmem:s14], [sflag:$0x4] =	stream.indirect.gather [hbm4b:s0+s2], $0x20, s25, s2, $0xb8;
	[tilespmem:$0x13400] =	vst v63  }
0x257: {  	s31 =	rddreg [dreg:$0x6]  }
0x258: {  	[tilespmem:s21], [sflag:$0x5] =	stream.indirect.gather [hbm4b:s31+s2], $0x20, s1, s2, $0xb8;
	[tilespmem:$0x13400] =	vst v63  }
0x259: {  	_ =	swait.ge [sflag:s12], $0x4000  }
0x25a: {  	s1 =	sld [smem:$0x7FC]  }
0x25b: {  	[sflag:s12] =	ssyncset.done $0x0  }
0x25c: {  	[sflag:s12] =	ssyncadd.s32 $0xFFFFC000  }
0x25d: {  	[hbm4b:s1+s7] =	stream.strided.scatter [tilespmem:s6], [sflag:$0x6], $0x4000, s8, s7, $0x38;
	[tilespmem:$0x13400] =	vst v63  }
0x25e: {  	_ =	swait.ge [sflag:s4], $0x4000  }
0x25f: {  	[sflag:s4] =	ssyncset.done $0x0  }
0x260: {  	s1 =	rddreg [dreg:$0x7];
	[sflag:s4] =	ssyncadd.s32 $0xFFFFC000  }
0x261: {  	[tilespmem:s6], [sflag:$0x2] =	stream.indirect.gather [hbm4b:s1+s2], $0x20, s24, s2, $0xb8;
	[tilespmem:$0x13400] =	vst v63  }
0x262: {  	_ =	swait.ge [sflag:s11], $0x4000  }
0x263: {  	s1 =	sld [smem:$0x7E4]  }
0x264: {  	[sflag:s11] =	ssyncset.done $0x0  }
0x265: {  	[sflag:s11] =	ssyncadd.s32 $0xFFFFC000  }
0x266: {  	[hbm4b:s1+s7] =	stream.strided.scatter [tilespmem:s5], [sflag:$0x7], $0x4000, s8, s7, $0x38;
	[tilespmem:$0x13400] =	vst v63  }
0x267: {  	_ =	swait.ge [sflag:s3], $0x4000  }
0x268: {  	[sflag:s3] =	ssyncset.done $0x0  }
0x269: {  	s1 =	rddreg [dreg:$0x8];
	[sflag:s3] =	ssyncadd.s32 $0xFFFFC000  }
0x26a: {  	[tilespmem:s5], [sflag:$0x3] =	stream.indirect.gather [hbm4b:s1+s2], $0x20, s18, s2, $0xb8;
	[tilespmem:$0x13400] =	vst v63  }
0x26b: {  	_ =	swait.ge [sflag:s17], $0x4000  }
0x26c: {  	s1 =	sld [smem:$0x7E5]  }
0x26d: {  	[sflag:s17] =	ssyncset.done $0x0  }
0x26e: {  	[sflag:s17] =	ssyncadd.s32 $0xFFFFC000  }
0x26f: {  	[hbm4b:s1+s7] =	stream.strided.scatter [tilespmem:s14], [sflag:$0x8], $0x4000, s8, s7, $0x38;
	[tilespmem:$0x13400] =	vst v63  }
0x270: {  	_ =	swait.ge [sflag:s10], $0x4000  }
0x271: {  	[sflag:s10] =	ssyncset.done $0x0  }
0x272: {  	s1 =	rddreg [dreg:$0x9];
	[sflag:s10] =	ssyncadd.s32 $0xFFFFC000  }
0x273: {  	[tilespmem:s14], [sflag:$0x4] =	stream.indirect.gather [hbm4b:s1+s2], $0x20, s23, s2, $0xb8;
	[tilespmem:$0x13400] =	vst v63  }
0x274: {  	_ =	swait.ge [sflag:s16], $0x4000  }
0x275: {  	s1 =	sld [smem:$0x7E6]  }
0x276: {  	[sflag:s16] =	ssyncset.done $0x0  }
0x277: {  	[sflag:s16] =	ssyncadd.s32 $0xFFFFC000  }
0x278: {  	[hbm4b:s1+s7] =	stream.strided.scatter [tilespmem:s21], [sflag:$0x9], $0x4000, s8, s7, $0x38;
	[tilespmem:$0x13400] =	vst v63  }
0x279: {  	_ =	swait.ge [sflag:s9], $0x4000  }
0x27a: {  	[sflag:s9] =	ssyncset.done $0x0  }
0x27b: {  	s1 =	rddreg [dreg:$0xa];
	[sflag:s9] =	ssyncadd.s32 $0xFFFFC000  }
0x27c: {  	[tilespmem:s21], [sflag:$0x5] =	stream.indirect.gather [hbm4b:s1+s2], $0x20, s28, s2, $0xb8;
	[tilespmem:$0x13400] =	vst v63  }
0x27d: {  	_ =	swait.ge [sflag:s12], $0x4000  }
0x27e: {  	s1 =	sld [smem:$0x7E7]  }
0x27f: {  	[sflag:s12] =	ssyncset.done $0x0  }
0x280: {  	[sflag:s12] =	ssyncadd.s32 $0xFFFFC000  }
0x281: {  	[hbm4b:s1+s7] =	stream.strided.scatter [tilespmem:s6], [sflag:$0x6], $0x4000, s8, s7, $0x38;
	[tilespmem:$0x13400] =	vst v63  }
0x282: {  	_ =	swait.ge [sflag:s4], $0x4000  }
0x283: {  	[sflag:s4] =	ssyncset.done $0x0  }
0x284: {  	s1 =	rddreg [dreg:$0xb];
	[sflag:s4] =	ssyncadd.s32 $0xFFFFC000  }
0x285: {  	[tilespmem:s6], [sflag:$0x2] =	stream.indirect.gather [hbm4b:s1+s2], $0x20, s15, s2, $0xb8;
	[tilespmem:$0x13400] =	vst v63  }
0x286: {  	_ =	swait.ge [sflag:s11], $0x4000  }
0x287: {  	s1 =	sld [smem:$0x7E8]  }
0x288: {  	[sflag:s11] =	ssyncset.done $0x0  }
0x289: {  	[sflag:s11] =	ssyncadd.s32 $0xFFFFC000  }
0x28a: {  	[hbm4b:s1+s7] =	stream.strided.scatter [tilespmem:s5], [sflag:$0x7], $0x4000, s8, s7, $0x38;
	[tilespmem:$0x13400] =	vst v63  }
0x28b: {  	_ =	swait.ge [sflag:s3], $0x4000  }
0x28c: {  	[sflag:s3] =	ssyncset.done $0x0  }
0x28d: {  	s1 =	rddreg [dreg:$0xc];
	[sflag:s3] =	ssyncadd.s32 $0xFFFFC000  }
0x28e: {  	[tilespmem:s5], [sflag:$0x3] =	stream.indirect.gather [hbm4b:s1+s2], $0x20, s26, s2, $0xb8;
	[tilespmem:$0x13400] =	vst v63  }
0x28f: {  	_ =	swait.ge [sflag:s17], $0x4000  }
0x290: {  	s1 =	sld [smem:$0x7E9]  }
0x291: {  	[sflag:s17] =	ssyncset.done $0x0  }
0x292: {  	[sflag:s17] =	ssyncadd.s32 $0xFFFFC000  }
0x293: {  	[hbm4b:s1+s7] =	stream.strided.scatter [tilespmem:s14], [sflag:$0x8], $0x4000, s8, s7, $0x38;
	[tilespmem:$0x13400] =	vst v63  }
0x294: {  	_ =	swait.ge [sflag:s10], $0x4000  }
0x295: {  	[sflag:s10] =	ssyncset.done $0x0  }
0x296: {  	s1 =	rddreg [dreg:$0xd];
	[sflag:s10] =	ssyncadd.s32 $0xFFFFC000  }
0x297: {  	[tilespmem:s14], [sflag:$0x4] =	stream.indirect.gather [hbm4b:s1+s2], $0x20, s13, s2, $0xb8;
	[tilespmem:$0x13400] =	vst v63  }
0x298: {  	_ =	swait.ge [sflag:s16], $0x4000  }
0x299: {  	s1 =	sld [smem:$0x7EA]  }
0x29a: {  	[sflag:s16] =	ssyncset.done $0x0  }
0x29b: {  	[sflag:s16] =	ssyncadd.s32 $0xFFFFC000  }
0x29c: {  	[hbm4b:s1+s7] =	stream.strided.scatter [tilespmem:s21], [sflag:$0x9], $0x4000, s8, s7, $0x38;
	[tilespmem:$0x13400] =	vst v63  }
0x29d: {  	_ =	swait.ge [sflag:s9], $0x4000  }
0x29e: {  	[sflag:s9] =	ssyncset.done $0x0  }
0x29f: {  	s1 =	rddreg [dreg:$0xe];
	[sflag:s9] =	ssyncadd.s32 $0xFFFFC000  }
0x2a0: {  	[tilespmem:s21], [sflag:$0x5] =	stream.indirect.gather [hbm4b:s1+s2], $0x20, s19, s2, $0xb8;
	[tilespmem:$0x13400] =	vst v63  }
0x2a1: {  	_ =	swait.ge [sflag:s12], $0x4000  }
0x2a2: {  	s1 =	sld [smem:$0x7EB]  }
0x2a3: {  	[sflag:s12] =	ssyncset.done $0x0  }
0x2a4: {  	[sflag:s12] =	ssyncadd.s32 $0xFFFFC000  }
0x2a5: {  	[hbm4b:s1+s7] =	stream.strided.scatter [tilespmem:s6], [sflag:$0x6], $0x4000, s8, s7, $0x38;
	[tilespmem:$0x13400] =	vst v63  }
0x2a6: {  	_ =	swait.ge [sflag:s4], $0x4000  }
0x2a7: {  	[sflag:s4] =	ssyncset.done $0x0  }
0x2a8: {  	s1 =	simm.s32 $0x1800;
	s0 =	rddreg [dreg:$0xf];
	[sflag:s4] =	ssyncadd.s32 $0xFFFFC000  }
0x2a9: {  	[tilespmem:s6], [sflag:$0x2] =	stream.indirect.gather [hbm4b:s0+s2], $0x20, s1, s2, $0xb8;
	[tilespmem:$0x13400] =	vst v63  }
0x2aa: {  	_ =	swait.ge [sflag:s11], $0x4000  }
0x2ab: {  	s1 =	sld [smem:$0x7EC]  }
0x2ac: {  	[sflag:s11] =	ssyncset.done $0x0  }
0x2ad: {  	[sflag:s11] =	ssyncadd.s32 $0xFFFFC000  }
0x2ae: {  	[hbm4b:s1+s7] =	stream.strided.scatter [tilespmem:s5], [sflag:$0x7], $0x4000, s8, s7, $0x38;
	[tilespmem:$0x13400] =	vst v63  }
0x2af: {  	_ =	swait.ge [sflag:s3], $0x4000  }
0x2b0: {  	[sflag:s3] =	ssyncset.done $0x0  }
0x2b1: {  	s1 =	simm.s32 $0x1A00;
	s0 =	rddreg [dreg:$0x10];
	[sflag:s3] =	ssyncadd.s32 $0xFFFFC000  }
0x2b2: {  	[tilespmem:s5], [sflag:$0x3] =	stream.indirect.gather [hbm4b:s0+s2], $0x20, s1, s2, $0xb8;
	[tilespmem:$0x13400] =	vst v63  }
0x2b3: {  	_ =	swait.ge [sflag:s17], $0x4000  }
0x2b4: {  	s1 =	sld [smem:$0x7ED]  }
0x2b5: {  	[sflag:s17] =	ssyncset.done $0x0  }
0x2b6: {  	[sflag:s17] =	ssyncadd.s32 $0xFFFFC000  }
0x2b7: {  	[hbm4b:s1+s7] =	stream.strided.scatter [tilespmem:s14], [sflag:$0x8], $0x4000, s8, s7, $0x38;
	[tilespmem:$0x13400] =	vst v63  }
0x2b8: {  	_ =	swait.ge [sflag:s10], $0x4000  }
0x2b9: {  	[sflag:s10] =	ssyncset.done $0x0  }
0x2ba: {  	s1 =	simm.s32 $0x1C00;
	s0 =	rddreg [dreg:$0x11];
	[sflag:s10] =	ssyncadd.s32 $0xFFFFC000  }
0x2bb: {  	[tilespmem:s14], [sflag:$0x4] =	stream.indirect.gather [hbm4b:s0+s2], $0x20, s1, s2, $0xb8;
	[tilespmem:$0x13400] =	vst v63  }
0x2bc: {  	_ =	swait.ge [sflag:s16], $0x4000  }
0x2bd: {  	s1 =	sld [smem:$0x7EE]  }
0x2be: {  	[sflag:s16] =	ssyncset.done $0x0  }
0x2bf: {  	[sflag:s16] =	ssyncadd.s32 $0xFFFFC000  }
0x2c0: {  	[hbm4b:s1+s7] =	stream.strided.scatter [tilespmem:s21], [sflag:$0x9], $0x4000, s8, s7, $0x38;
	[tilespmem:$0x13400] =	vst v63  }
0x2c1: {  	_ =	swait.ge [sflag:s9], $0x4000  }
0x2c2: {  	[sflag:s9] =	ssyncset.done $0x0  }
0x2c3: {  	s1 =	simm.s32 $0x1E00;
	s0 =	rddreg [dreg:$0x12];
	[sflag:s9] =	ssyncadd.s32 $0xFFFFC000  }
0x2c4: {  	[tilespmem:s21], [sflag:$0x5] =	stream.indirect.gather [hbm4b:s0+s2], $0x20, s1, s2, $0xb8;
	[tilespmem:$0x13400] =	vst v63  }
0x2c5: {  	_ =	swait.ge [sflag:s12], $0x4000  }
0x2c6: {  	s1 =	sld [smem:$0x7EF]  }
0x2c7: {  	[sflag:s12] =	ssyncset.done $0x0  }
0x2c8: {  	[sflag:s12] =	ssyncadd.s32 $0xFFFFC000  }
0x2c9: {  	[hbm4b:s1+s7] =	stream.strided.scatter [tilespmem:s6], [sflag:$0x6], $0x4000, s8, s7, $0x38;
	[tilespmem:$0x13400] =	vst v63  }
0x2ca: {  	_ =	swait.ge [sflag:s4], $0x4000  }
0x2cb: {  	[sflag:s4] =	ssyncset.done $0x0  }
0x2cc: {  	s1 =	simm.s32 $0x2000;
	s0 =	rddreg [dreg:$0x13];
	[sflag:s4] =	ssyncadd.s32 $0xFFFFC000  }
0x2cd: {  	[tilespmem:s6], [sflag:$0x2] =	stream.indirect.gather [hbm4b:s0+s2], $0x20, s1, s2, $0xb8;
	[tilespmem:$0x13400] =	vst v63  }
0x2ce: {  	_ =	swait.ge [sflag:s11], $0x4000  }
0x2cf: {  	s1 =	sld [smem:$0x7F0]  }
0x2d0: {  	[sflag:s11] =	ssyncset.done $0x0  }
0x2d1: {  	[sflag:s11] =	ssyncadd.s32 $0xFFFFC000  }
0x2d2: {  	[hbm4b:s1+s7] =	stream.strided.scatter [tilespmem:s5], [sflag:$0x7], $0x4000, s8, s7, $0x38;
	[tilespmem:$0x13400] =	vst v63  }
0x2d3: {  	_ =	swait.ge [sflag:s3], $0x4000  }
0x2d4: {  	[sflag:s3] =	ssyncset.done $0x0  }
0x2d5: {  	s1 =	simm.s32 $0x2200;
	s0 =	rddreg [dreg:$0x14];
	[sflag:s3] =	ssyncadd.s32 $0xFFFFC000  }
0x2d6: {  	[tilespmem:s5], [sflag:$0x3] =	stream.indirect.gather [hbm4b:s0+s2], $0x20, s1, s2, $0xb8;
	[tilespmem:$0x13400] =	vst v63  }
0x2d7: {  	_ =	swait.ge [sflag:s17], $0x4000  }
0x2d8: {  	s1 =	sld [smem:$0x7F1]  }
0x2d9: {  	[sflag:s17] =	ssyncset.done $0x0  }
0x2da: {  	[sflag:s17] =	ssyncadd.s32 $0xFFFFC000  }
0x2db: {  	[hbm4b:s1+s7] =	stream.strided.scatter [tilespmem:s14], [sflag:$0x8], $0x4000, s8, s7, $0x38;
	[tilespmem:$0x13400] =	vst v63  }
0x2dc: {  	_ =	swait.ge [sflag:s10], $0x4000  }
0x2dd: {  	[sflag:s10] =	ssyncset.done $0x0  }
0x2de: {  	s1 =	simm.s32 $0x2400;
	s0 =	rddreg [dreg:$0x15];
	[sflag:s10] =	ssyncadd.s32 $0xFFFFC000  }
0x2df: {  	[tilespmem:s14], [sflag:$0x4] =	stream.indirect.gather [hbm4b:s0+s2], $0x20, s1, s2, $0xb8;
	[tilespmem:$0x13400] =	vst v63  }
0x2e0: {  	_ =	swait.ge [sflag:s16], $0x4000  }
0x2e1: {  	s1 =	sld [smem:$0x7F2]  }
0x2e2: {  	[sflag:s16] =	ssyncset.done $0x0  }
0x2e3: {  	[sflag:s16] =	ssyncadd.s32 $0xFFFFC000  }
0x2e4: {  	[hbm4b:s1+s7] =	stream.strided.scatter [tilespmem:s21], [sflag:$0x9], $0x4000, s8, s7, $0x38;
	[tilespmem:$0x13400] =	vst v63  }
0x2e5: {  	_ =	swait.ge [sflag:s9], $0x4000  }
0x2e6: {  	[sflag:s9] =	ssyncset.done $0x0  }
0x2e7: {  	s1 =	simm.s32 $0x2600;
	s0 =	rddreg [dreg:$0x16];
	[sflag:s9] =	ssyncadd.s32 $0xFFFFC000  }
0x2e8: {  	[tilespmem:s21], [sflag:$0x5] =	stream.indirect.gather [hbm4b:s0+s2], $0x20, s1, s2, $0xb8;
	[tilespmem:$0x13400] =	vst v63  }
0x2e9: {  	_ =	swait.ge [sflag:s12], $0x4000  }
0x2ea: {  	s1 =	sld [smem:$0x7F3]  }
0x2eb: {  	[sflag:s12] =	ssyncset.done $0x0  }
0x2ec: {  	[sflag:s12] =	ssyncadd.s32 $0xFFFFC000  }
0x2ed: {  	[hbm4b:s1+s7] =	stream.strided.scatter [tilespmem:s6], [sflag:$0x6], $0x4000, s8, s7, $0x38;
	[tilespmem:$0x13400] =	vst v63  }
0x2ee: {  	_ =	swait.ge [sflag:s4], $0x4000  }
0x2ef: {  	[sflag:s4] =	ssyncset.done $0x0  }
0x2f0: {  	s1 =	simm.s32 $0x2800;
	s0 =	rddreg [dreg:$0x17];
	[sflag:s4] =	ssyncadd.s32 $0xFFFFC000  }
0x2f1: {  	[tilespmem:s6], [sflag:$0x2] =	stream.indirect.gather [hbm4b:s0+s2], $0x20, s1, s2, $0xb8;
	[tilespmem:$0x13400] =	vst v63  }
0x2f2: {  	_ =	swait.ge [sflag:s11], $0x4000  }
0x2f3: {  	s1 =	sld [smem:$0x7F4]  }
0x2f4: {  	[sflag:s11] =	ssyncset.done $0x0  }
0x2f5: {  	[sflag:s11] =	ssyncadd.s32 $0xFFFFC000  }
0x2f6: {  	[hbm4b:s1+s7] =	stream.strided.scatter [tilespmem:s5], [sflag:$0x7], $0x4000, s8, s7, $0x38;
	[tilespmem:$0x13400] =	vst v63  }
0x2f7: {  	_ =	swait.ge [sflag:s3], $0x4000  }
0x2f8: {  	[sflag:s3] =	ssyncset.done $0x0  }
0x2f9: {  	s1 =	simm.s32 $0x2A00;
	s0 =	rddreg [dreg:$0x18];
	[sflag:s3] =	ssyncadd.s32 $0xFFFFC000  }
0x2fa: {  	[tilespmem:s5], [sflag:$0x3] =	stream.indirect.gather [hbm4b:s0+s2], $0x20, s1, s2, $0xb8;
	[tilespmem:$0x13400] =	vst v63  }
0x2fb: {  	_ =	swait.ge [sflag:s17], $0x4000  }
0x2fc: {  	s1 =	sld [smem:$0x7F5]  }
0x2fd: {  	[sflag:s17] =	ssyncset.done $0x0  }
0x2fe: {  	[sflag:s17] =	ssyncadd.s32 $0xFFFFC000  }
0x2ff: {  	[hbm4b:s1+s7] =	stream.strided.scatter [tilespmem:s14], [sflag:$0x8], $0x4000, s8, s7, $0x38;
	[tilespmem:$0x13400] =	vst v63  }
0x300: {  	_ =	swait.ge [sflag:s10], $0x4000  }
0x301: {  	[sflag:s10] =	ssyncset.done $0x0  }
0x302: {  	s1 =	simm.s32 $0x2C00;
	s0 =	rddreg [dreg:$0x19];
	[sflag:s10] =	ssyncadd.s32 $0xFFFFC000  }
0x303: {  	[tilespmem:s14], [sflag:$0x4] =	stream.indirect.gather [hbm4b:s0+s2], $0x20, s1, s2, $0xb8;
	[tilespmem:$0x13400] =	vst v63  }
0x304: {  	_ =	swait.ge [sflag:s16], $0x4000  }
0x305: {  	s1 =	sld [smem:$0x7F6]  }
0x306: {  	[sflag:s16] =	ssyncset.done $0x0  }
0x307: {  	[sflag:s16] =	ssyncadd.s32 $0xFFFFC000  }
0x308: {  	[hbm4b:s1+s7] =	stream.strided.scatter [tilespmem:s21], [sflag:$0x9], $0x4000, s8, s7, $0x38;
	[tilespmem:$0x13400] =	vst v63  }
0x309: {  	_ =	swait.ge [sflag:s9], $0x4000  }
0x30a: {  	[sflag:s9] =	ssyncset.done $0x0  }
0x30b: {  	s1 =	simm.s32 $0x2E00;
	s0 =	rddreg [dreg:$0x1a];
	[sflag:s9] =	ssyncadd.s32 $0xFFFFC000  }
0x30c: {  	[tilespmem:s21], [sflag:$0x5] =	stream.indirect.gather [hbm4b:s0+s2], $0x20, s1, s2, $0xb8;
	[tilespmem:$0x13400] =	vst v63  }
0x30d: {  	_ =	swait.ge [sflag:s12], $0x4000  }
0x30e: {  	s1 =	sld [smem:$0x7F7]  }
0x30f: {  	[sflag:s12] =	ssyncset.done $0x0  }
0x310: {  	[sflag:s12] =	ssyncadd.s32 $0xFFFFC000  }
0x311: {  	[hbm4b:s1+s7] =	stream.strided.scatter [tilespmem:s6], [sflag:$0x6], $0x4000, s8, s7, $0x38;
	[tilespmem:$0x13400] =	vst v63  }
0x312: {  	_ =	swait.ge [sflag:s4], $0x4000  }
0x313: {  	[sflag:s4] =	ssyncset.done $0x0  }
0x314: {  	s22 =	simm.s32 $0x3000;
	s1 =	rddreg [dreg:$0x1b];
	[sflag:s4] =	ssyncadd.s32 $0xFFFFC000  }
0x315: {  	[tilespmem:s6], [sflag:$0x2] =	stream.indirect.gather [hbm4b:s1+s2], $0x20, s22, s2, $0xb8;
	[tilespmem:$0x13400] =	vst v63  }
0x316: {  	_ =	swait.ge [sflag:s11], $0x4000  }
0x317: {  	s22 =	sld [smem:$0x7F8]  }
0x318: {  	[sflag:s11] =	ssyncset.done $0x0  }
0x319: {  	[sflag:s11] =	ssyncadd.s32 $0xFFFFC000  }
0x31a: {  	[hbm4b:s22+s7] =	stream.strided.scatter [tilespmem:s5], [sflag:$0x7], $0x4000, s8, s7, $0x38;
	[tilespmem:$0x13400] =	vst v63  }
0x31b: {  	_ =	swait.ge [sflag:s3], $0x4000  }
0x31c: {  	[sflag:s3] =	ssyncset.done $0x0  }
0x31d: {  	s22 =	simm.s32 $0x3200;
	s1 =	rddreg [dreg:$0x1c];
	[sflag:s3] =	ssyncadd.s32 $0xFFFFC000  }
0x31e: {  	[tilespmem:s5], [sflag:$0x3] =	stream.indirect.gather [hbm4b:s1+s2], $0x20, s22, s2, $0xb8;
	[tilespmem:$0x13400] =	vst v63  }
0x31f: {  	_ =	swait.ge [sflag:s17], $0x4000  }
0x320: {  	s1 =	sld [smem:$0x7F9]  }
0x321: {  	[sflag:s17] =	ssyncset.done $0x0  }
0x322: {  	[sflag:s17] =	ssyncadd.s32 $0xFFFFC000  }
0x323: {  	[hbm4b:s1+s7] =	stream.strided.scatter [tilespmem:s14], [sflag:$0x8], $0x4000, s8, s7, $0x38;
	[tilespmem:$0x13400] =	vst v63  }
0x324: {  	_ =	swait.ge [sflag:s16], $0x4000  }
0x325: {  	s22 =	sld [smem:$0x7FA]  }
0x326: {  	[sflag:s16] =	ssyncset.done $0x0  }
0x327: {  	[sflag:s16] =	ssyncadd.s32 $0xFFFFC000  }
0x328: {  	[hbm4b:s22+s7] =	stream.strided.scatter [tilespmem:s21], [sflag:$0x9], $0x4000, s8, s7, $0x38;
	[tilespmem:$0x13400] =	vst v63  }
0x329: {  	_ =	swait.ge [sflag:s12], $0x4000  }
0x32a: {  	s1 =	sld [smem:$0x7FB]  }
0x32b: {  	[sflag:s12] =	ssyncset.done $0x0  }
0x32c: {  	[sflag:s12] =	ssyncadd.s32 $0xFFFFC000  }
0x32d: {  	[hbm4b:s1+s7] =	stream.strided.scatter [tilespmem:s6], [sflag:$0x6], $0x4000, s8, s7, $0x38;
	[tilespmem:$0x13400] =	vst v63  }
0x32e: {  	_ =	swait.ge [sflag:s11], $0x4000  }
0x32f: {  	s22 =	sld [smem:$0x7FD]  }
0x330: {  	[sflag:s11] =	ssyncset.done $0x0  }
0x331: {  	[sflag:s11] =	ssyncadd.s32 $0xFFFFC000  }
0x332: {  	[hbm4b:s22+s7] =	stream.strided.scatter [tilespmem:s5], [sflag:$0x7], $0x4000, s8, s7, $0x38;
	[tilespmem:$0x13400] =	vst v63  }
0x333: {  	_ =	swait.ge [sflag:s10], $0x4000  }
0x334: {  	[sflag:s10] =	ssyncset.done $0x0  }
0x335: {  	[sflag:s10] =	ssyncadd.s32 $0xFFFFC000  }
0x336: {  	_ =	swait.ge [sflag:s9], $0x4000  }
0x337: {  	[sflag:s9] =	ssyncset.done $0x0  }
0x338: {  	p1 =	sne.s32 s30, $0x1;
	[sflag:s9] =	ssyncadd.s32 $0xFFFFC000  }
.Ltmp2:
0x339: {  	_ =	swait.ge [sflag:s4], $0x4000;
	(pc) =	sbr.rel @p1 .LBB2_4-.Ltmp2, $4  }
0x33a: {  	[sflag:s4] =	ssyncset.done $0x0  }
0x33b: {  	[sflag:s4] =	ssyncadd.s32 $0xFFFFC000  }
0x33c: {  	_ =	swait.ge [sflag:s3], $0x4000  }
0x33d: {  	s30 =	sadd.s32 $0xFFFFFFFF, s30;
	s31 =	rddreg [dreg:$0x1d];
	[sflag:s3] =	ssyncset.done $0x0  }
0x33e: {  	s1 =	simm.s32 $0x3000;
	s18 =	simm.s32 $0x2E00  }
0x33f: {  	s19 =	simm.s32 $0x2C00;
	s13 =	simm.s32 $0x2A00;
	s15 =	simm.s32 $0x2800  }
0x340: {  	s22 =	simm.s32 $0x2600;
	s23 =	simm.s32 $0x2400;
	s24 =	simm.s32 $0x2200  }
0x341: {  	s25 =	simm.s32 $0x2000;
	s26 =	simm.s32 $0x1E00;
	s28 =	simm.s32 $0x1C00  }
.LBB2_6:
0x342: {  	[sflag:s3] =	ssyncadd.s32 @p0 $0xFFFFC000;
	s0 =	rddreg [dreg:$0x1e]  }
0x343: {  	[tilespmem:s20], [sflag:$0x1] =	stream.linear.gather [hbm4b:s31+s20], $0x200, $0x38;
	[tilespmem:$0x13400] =	vst v63  }
0x344: {  	s30 =	rddreg [dreg:$0x1f]  }
0x345: {  	[tilespmem:s2], [sflag:$0x1] =	stream.linear.gather [hbm4b:s0+s20], $0x200, $0x38;
	[tilespmem:$0x13400] =	vst v63  }
0x346: {  	s31 =	simm.s32 $0x400;
	s0 =	sld [smem:$0x7CD]  }
0x347: {  	[tilespmem:s31], [sflag:$0x1] =	stream.linear.gather [hbm4b:s30+s20], $0x200, $0x38;
	[tilespmem:$0x13400] =	vst v63  }
0x348: {  	s30 =	sld [smem:$0x7CE];
	s31 =	simm.s32 $0x600  }
0x349: {  	[tilespmem:s31], [sflag:$0x1] =	stream.linear.gather [hbm4b:s0+s20], $0x200, $0x38;
	[tilespmem:$0x13400] =	vst v63  }
0x34a: {  	s0 =	sld [smem:$0x7CF];
	s31 =	simm.s32 $0x800  }
0x34b: {  	[tilespmem:s31], [sflag:$0x1] =	stream.linear.gather [hbm4b:s30+s20], $0x200, $0x38;
	[tilespmem:$0x13400] =	vst v63  }
0x34c: {  	s30 =	sld [smem:$0x7D0];
	s31 =	simm.s32 $0xA00  }
0x34d: {  	[tilespmem:s31], [sflag:$0x1] =	stream.linear.gather [hbm4b:s0+s20], $0x200, $0x38;
	[tilespmem:$0x13400] =	vst v63  }
0x34e: {  	s0 =	sld [smem:$0x7D1];
	s31 =	simm.s32 $0xC00  }
0x34f: {  	[tilespmem:s31], [sflag:$0x1] =	stream.linear.gather [hbm4b:s30+s20], $0x200, $0x38;
	[tilespmem:$0x13400] =	vst v63  }
0x350: {  	s30 =	sld [smem:$0x7D2];
	s31 =	simm.s32 $0xE00  }
0x351: {  	[tilespmem:s31], [sflag:$0x1] =	stream.linear.gather [hbm4b:s0+s20], $0x200, $0x38;
	[tilespmem:$0x13400] =	vst v63  }
0x352: {  	s0 =	sld [smem:$0x7D3];
	s31 =	simm.s32 $0x1000  }
0x353: {  	[tilespmem:s31], [sflag:$0x1] =	stream.linear.gather [hbm4b:s30+s20], $0x200, $0x38;
	[tilespmem:$0x13400] =	vst v63  }
0x354: {  	s30 =	sld [smem:$0x7D4];
	s31 =	simm.s32 $0x1200  }
0x355: {  	[tilespmem:s31], [sflag:$0x1] =	stream.linear.gather [hbm4b:s0+s20], $0x200, $0x38;
	[tilespmem:$0x13400] =	vst v63  }
0x356: {  	s0 =	sld [smem:$0x7D5];
	s31 =	simm.s32 $0x1400  }
0x357: {  	[tilespmem:s31], [sflag:$0x1] =	stream.linear.gather [hbm4b:s30+s20], $0x200, $0x38;
	[tilespmem:$0x13400] =	vst v63  }
0x358: {  	s30 =	sld [smem:$0x7D6];
	s31 =	simm.s32 $0x1600  }
0x359: {  	[tilespmem:s31], [sflag:$0x1] =	stream.linear.gather [hbm4b:s0+s20], $0x200, $0x38;
	[tilespmem:$0x13400] =	vst v63  }
0x35a: {  	s0 =	sld [smem:$0x7D7];
	s31 =	simm.s32 $0x1800  }
0x35b: {  	[tilespmem:s31], [sflag:$0x1] =	stream.linear.gather [hbm4b:s30+s20], $0x200, $0x38;
	[tilespmem:$0x13400] =	vst v63  }
0x35c: {  	s30 =	sld [smem:$0x7D8];
	s31 =	simm.s32 $0x1A00  }
0x35d: {  	[tilespmem:s31], [sflag:$0x1] =	stream.linear.gather [hbm4b:s0+s20], $0x200, $0x38;
	[tilespmem:$0x13400] =	vst v63  }
0x35e: {  	s0 =	sld [smem:$0x7D9]  }
0x35f: {  	[tilespmem:s28], [sflag:$0x1] =	stream.linear.gather [hbm4b:s30+s20], $0x200, $0x38;
	[tilespmem:$0x13400] =	vst v63  }
0x360: {  	s30 =	sld [smem:$0x7DA]  }
0x361: {  	[tilespmem:s26], [sflag:$0x1] =	stream.linear.gather [hbm4b:s0+s20], $0x200, $0x38;
	[tilespmem:$0x13400] =	vst v63  }
0x362: {  	s28 =	sld [smem:$0x7DB]  }
0x363: {  	[tilespmem:s25], [sflag:$0x1] =	stream.linear.gather [hbm4b:s30+s20], $0x200, $0x38;
	[tilespmem:$0x13400] =	vst v63  }
0x364: {  	s26 =	sld [smem:$0x7DC]  }
0x365: {  	[tilespmem:s24], [sflag:$0x1] =	stream.linear.gather [hbm4b:s28+s20], $0x200, $0x38;
	[tilespmem:$0x13400] =	vst v63  }
0x366: {  	s28 =	sld [smem:$0x7DD]  }
0x367: {  	[tilespmem:s23], [sflag:$0x1] =	stream.linear.gather [hbm4b:s26+s20], $0x200, $0x38;
	[tilespmem:$0x13400] =	vst v63  }
0x368: {  	s23 =	sld [smem:$0x7DE]  }
0x369: {  	[tilespmem:s22], [sflag:$0x1] =	stream.linear.gather [hbm4b:s28+s20], $0x200, $0x38;
	[tilespmem:$0x13400] =	vst v63  }
0x36a: {  	s24 =	sld [smem:$0x7DF]  }
0x36b: {  	[tilespmem:s15], [sflag:$0x1] =	stream.linear.gather [hbm4b:s23+s20], $0x200, $0x38;
	[tilespmem:$0x13400] =	vst v63  }
0x36c: {  	s25 =	sld [smem:$0x7E0]  }
0x36d: {  	[tilespmem:s13], [sflag:$0x1] =	stream.linear.gather [hbm4b:s24+s20], $0x200, $0x38;
	[tilespmem:$0x13400] =	vst v63  }
0x36e: {  	s26 =	sld [smem:$0x7E1]  }
0x36f: {  	[tilespmem:s19], [sflag:$0x1] =	stream.linear.gather [hbm4b:s25+s20], $0x200, $0x38;
	[tilespmem:$0x13400] =	vst v63  }
0x370: {  	s28 =	sld [smem:$0x7E2]  }
0x371: {  	[tilespmem:s18], [sflag:$0x1] =	stream.linear.gather [hbm4b:s26+s20], $0x200, $0x38;
	[tilespmem:$0x13400] =	vst v63  }
0x372: {  	s0 =	sld [smem:$0x7E3]  }
0x373: {  	[tilespmem:s1], [sflag:$0x1] =	stream.linear.gather [hbm4b:s28+s20], $0x200, $0x38;
	[tilespmem:$0x13400] =	vst v63  }
0x374: {  	s15 =	simm.s32 $0x3200  }
0x375: {  	[tilespmem:s15], [sflag:$0x1] =	stream.linear.gather [hbm4b:s0+s20], $0x200, $0x38;
	[tilespmem:$0x13400] =	vst v63  }
0x376: {  	_ =	swait.ge [sflag:s29], $0x200  }
0x377: {  	[sflag:s29] =	ssyncset.done $0x0  }
0x378: {  	[sflag:s29] =	ssyncadd.s32 $0xFFFFFE00  }
0x379: {  	_ =	swait.ge [sflag:s29], $0x200  }
0x37a: {  	[sflag:s29] =	ssyncset.done $0x0  }
0x37b: {  	[sflag:s29] =	ssyncadd.s32 $0xFFFFFE00  }
0x37c: {  	_ =	swait.ge [sflag:s29], $0x200  }
0x37d: {  	[sflag:s29] =	ssyncset.done $0x0  }
0x37e: {  	[sflag:s29] =	ssyncadd.s32 $0xFFFFFE00  }
0x37f: {  	_ =	swait.ge [sflag:s29], $0x200  }
0x380: {  	[sflag:s29] =	ssyncset.done $0x0  }
0x381: {  	[sflag:s29] =	ssyncadd.s32 $0xFFFFFE00  }
0x382: {  	_ =	swait.ge [sflag:s29], $0x200  }
0x383: {  	[sflag:s29] =	ssyncset.done $0x0  }
0x384: {  	[sflag:s29] =	ssyncadd.s32 $0xFFFFFE00  }
0x385: {  	_ =	swait.ge [sflag:s29], $0x200  }
0x386: {  	[sflag:s29] =	ssyncset.done $0x0  }
0x387: {  	[sflag:s29] =	ssyncadd.s32 $0xFFFFFE00  }
0x388: {  	_ =	swait.ge [sflag:s29], $0x200  }
0x389: {  	[sflag:s29] =	ssyncset.done $0x0  }
0x38a: {  	[sflag:s29] =	ssyncadd.s32 $0xFFFFFE00  }
0x38b: {  	_ =	swait.ge [sflag:s29], $0x200  }
0x38c: {  	[sflag:s29] =	ssyncset.done $0x0  }
0x38d: {  	[sflag:s29] =	ssyncadd.s32 $0xFFFFFE00  }
0x38e: {  	_ =	swait.ge [sflag:s29], $0x200  }
0x38f: {  	[sflag:s29] =	ssyncset.done $0x0  }
0x390: {  	[sflag:s29] =	ssyncadd.s32 $0xFFFFFE00  }
0x391: {  	_ =	swait.ge [sflag:s29], $0x200  }
0x392: {  	[sflag:s29] =	ssyncset.done $0x0  }
0x393: {  	[sflag:s29] =	ssyncadd.s32 $0xFFFFFE00  }
0x394: {  	_ =	swait.ge [sflag:s29], $0x200  }
0x395: {  	[sflag:s29] =	ssyncset.done $0x0  }
0x396: {  	[sflag:s29] =	ssyncadd.s32 $0xFFFFFE00  }
0x397: {  	_ =	swait.ge [sflag:s29], $0x200  }
0x398: {  	[sflag:s29] =	ssyncset.done $0x0  }
0x399: {  	[sflag:s29] =	ssyncadd.s32 $0xFFFFFE00  }
0x39a: {  	_ =	swait.ge [sflag:s29], $0x200  }
0x39b: {  	[sflag:s29] =	ssyncset.done $0x0  }
0x39c: {  	[sflag:s29] =	ssyncadd.s32 $0xFFFFFE00  }
0x39d: {  	_ =	swait.ge [sflag:s29], $0x200  }
0x39e: {  	[sflag:s29] =	ssyncset.done $0x0  }
0x39f: {  	[sflag:s29] =	ssyncadd.s32 $0xFFFFFE00  }
0x3a0: {  	_ =	swait.ge [sflag:s29], $0x200  }
0x3a1: {  	[sflag:s29] =	ssyncset.done $0x0  }
0x3a2: {  	[sflag:s29] =	ssyncadd.s32 $0xFFFFFE00  }
0x3a3: {  	_ =	swait.ge [sflag:s29], $0x200  }
0x3a4: {  	[sflag:s29] =	ssyncset.done $0x0  }
0x3a5: {  	[sflag:s29] =	ssyncadd.s32 $0xFFFFFE00  }
0x3a6: {  	_ =	swait.ge [sflag:s29], $0x200  }
0x3a7: {  	[sflag:s29] =	ssyncset.done $0x0  }
0x3a8: {  	[sflag:s29] =	ssyncadd.s32 $0xFFFFFE00  }
0x3a9: {  	_ =	swait.ge [sflag:s29], $0x200  }
0x3aa: {  	[sflag:s29] =	ssyncset.done $0x0  }
0x3ab: {  	[sflag:s29] =	ssyncadd.s32 $0xFFFFFE00  }
0x3ac: {  	_ =	swait.ge [sflag:s29], $0x200  }
0x3ad: {  	[sflag:s29] =	ssyncset.done $0x0  }
0x3ae: {  	[sflag:s29] =	ssyncadd.s32 $0xFFFFFE00  }
0x3af: {  	_ =	swait.ge [sflag:s29], $0x200  }
0x3b0: {  	[sflag:s29] =	ssyncset.done $0x0  }
0x3b1: {  	[sflag:s29] =	ssyncadd.s32 $0xFFFFFE00  }
0x3b2: {  	_ =	swait.ge [sflag:s29], $0x200  }
0x3b3: {  	[sflag:s29] =	ssyncset.done $0x0  }
0x3b4: {  	[sflag:s29] =	ssyncadd.s32 $0xFFFFFE00  }
0x3b5: {  	_ =	swait.ge [sflag:s29], $0x200  }
0x3b6: {  	[sflag:s29] =	ssyncset.done $0x0  }
0x3b7: {  	[sflag:s29] =	ssyncadd.s32 $0xFFFFFE00  }
0x3b8: {  	_ =	swait.ge [sflag:s29], $0x200  }
0x3b9: {  	[sflag:s29] =	ssyncset.done $0x0  }
0x3ba: {  	[sflag:s29] =	ssyncadd.s32 $0xFFFFFE00  }
0x3bb: {  	_ =	swait.ge [sflag:s29], $0x200  }
0x3bc: {  	[sflag:s29] =	ssyncset.done $0x0  }
0x3bd: {  	[sflag:s29] =	ssyncadd.s32 $0xFFFFFE00  }
0x3be: {  	_ =	swait.ge [sflag:s29], $0x200  }
0x3bf: {  	[sflag:s29] =	ssyncset.done $0x0  }
0x3c0: {  	[sflag:s29] =	ssyncadd.s32 $0xFFFFFE00  }
0x3c1: {  	_ =	swait.ge [sflag:s29], $0x200  }
0x3c2: {  	[sflag:s29] =	ssyncset.done $0x0  }
0x3c3: {  	s0 =	rddreg [dreg:$0x3];
	[sflag:s29] =	ssyncadd.s32 $0xFFFFFE00  }
0x3c4: {  	[tilespmem:s6], [sflag:$0x2] =	stream.indirect.gather [hbm4b:s0+s2], $0x20, s20, s2, $0xb8;
	[tilespmem:$0x13400] =	vst v63  }
0x3c5: {  	s29 =	rddreg [dreg:$0x4]  }
0x3c6: {  	[tilespmem:s5], [sflag:$0x3] =	stream.indirect.gather [hbm4b:s29+s2], $0x20, s2, s2, $0xb8;
	[tilespmem:$0x13400] =	vst v63  }
0x3c7: {  	s0 =	rddreg [dreg:$0x5];
	s29 =	simm.s32 $0x400  }
0x3c8: {  	[tilespmem:s14], [sflag:$0x4] =	stream.indirect.gather [hbm4b:s0+s2], $0x20, s29, s2, $0xb8;
	[tilespmem:$0x13400] =	vst v63  }
0x3c9: {  	s20 =	rddreg [dreg:$0x6];
	s29 =	simm.s32 $0x600  }
0x3ca: {  	[tilespmem:s21], [sflag:$0x5] =	stream.indirect.gather [hbm4b:s20+s2], $0x20, s29, s2, $0xb8;
	[tilespmem:$0x13400] =	vst v63  }
0x3cb: {  	_ =	swait.ge [sflag:s12], $0x4000  }
0x3cc: {  	s29 =	sld [smem:$0x7FC]  }
0x3cd: {  	[sflag:s12] =	ssyncset.done $0x0  }
0x3ce: {  	[sflag:s12] =	ssyncadd.s32 $0xFFFFC000  }
0x3cf: {  	[hbm4b:s29+s7] =	stream.strided.scatter [tilespmem:s6], [sflag:$0x6], $0x4000, s8, s7, $0x38;
	[tilespmem:$0x13400] =	vst v63  }
0x3d0: {  	_ =	swait.ge [sflag:s4], $0x4000  }
0x3d1: {  	[sflag:s4] =	ssyncset.done $0x0  }
0x3d2: {  	s29 =	simm.s32 $0x800;
	s20 =	rddreg [dreg:$0x7];
	[sflag:s4] =	ssyncadd.s32 $0xFFFFC000  }
0x3d3: {  	[tilespmem:s6], [sflag:$0x2] =	stream.indirect.gather [hbm4b:s20+s2], $0x20, s29, s2, $0xb8;
	[tilespmem:$0x13400] =	vst v63  }
0x3d4: {  	_ =	swait.ge [sflag:s11], $0x4000  }
0x3d5: {  	s29 =	sld [smem:$0x7E4]  }
0x3d6: {  	[sflag:s11] =	ssyncset.done $0x0  }
0x3d7: {  	[sflag:s11] =	ssyncadd.s32 $0xFFFFC000  }
0x3d8: {  	[hbm4b:s29+s7] =	stream.strided.scatter [tilespmem:s5], [sflag:$0x7], $0x4000, s8, s7, $0x38;
	[tilespmem:$0x13400] =	vst v63  }
0x3d9: {  	_ =	swait.ge [sflag:s3], $0x4000  }
0x3da: {  	[sflag:s3] =	ssyncset.done $0x0  }
0x3db: {  	s29 =	simm.s32 $0xA00;
	s20 =	rddreg [dreg:$0x8];
	[sflag:s3] =	ssyncadd.s32 $0xFFFFC000  }
0x3dc: {  	[tilespmem:s5], [sflag:$0x3] =	stream.indirect.gather [hbm4b:s20+s2], $0x20, s29, s2, $0xb8;
	[tilespmem:$0x13400] =	vst v63  }
0x3dd: {  	_ =	swait.ge [sflag:s17], $0x4000  }
0x3de: {  	s29 =	sld [smem:$0x7E5]  }
0x3df: {  	[sflag:s17] =	ssyncset.done $0x0  }
0x3e0: {  	[sflag:s17] =	ssyncadd.s32 $0xFFFFC000  }
0x3e1: {  	[hbm4b:s29+s7] =	stream.strided.scatter [tilespmem:s14], [sflag:$0x8], $0x4000, s8, s7, $0x38;
	[tilespmem:$0x13400] =	vst v63  }
0x3e2: {  	_ =	swait.ge [sflag:s10], $0x4000  }
0x3e3: {  	[sflag:s10] =	ssyncset.done $0x0  }
0x3e4: {  	s29 =	simm.s32 $0xC00;
	s20 =	rddreg [dreg:$0x9];
	[sflag:s10] =	ssyncadd.s32 $0xFFFFC000  }
0x3e5: {  	[tilespmem:s14], [sflag:$0x4] =	stream.indirect.gather [hbm4b:s20+s2], $0x20, s29, s2, $0xb8;
	[tilespmem:$0x13400] =	vst v63  }
0x3e6: {  	_ =	swait.ge [sflag:s16], $0x4000  }
0x3e7: {  	s29 =	sld [smem:$0x7E6]  }
0x3e8: {  	[sflag:s16] =	ssyncset.done $0x0  }
0x3e9: {  	[sflag:s16] =	ssyncadd.s32 $0xFFFFC000  }
0x3ea: {  	[hbm4b:s29+s7] =	stream.strided.scatter [tilespmem:s21], [sflag:$0x9], $0x4000, s8, s7, $0x38;
	[tilespmem:$0x13400] =	vst v63  }
0x3eb: {  	_ =	swait.ge [sflag:s9], $0x4000  }
0x3ec: {  	[sflag:s9] =	ssyncset.done $0x0  }
0x3ed: {  	s29 =	simm.s32 $0xE00;
	s20 =	rddreg [dreg:$0xa];
	[sflag:s9] =	ssyncadd.s32 $0xFFFFC000  }
0x3ee: {  	[tilespmem:s21], [sflag:$0x5] =	stream.indirect.gather [hbm4b:s20+s2], $0x20, s29, s2, $0xb8;
	[tilespmem:$0x13400] =	vst v63  }
0x3ef: {  	_ =	swait.ge [sflag:s12], $0x4000  }
0x3f0: {  	s29 =	sld [smem:$0x7E7]  }
0x3f1: {  	[sflag:s12] =	ssyncset.done $0x0  }
0x3f2: {  	[sflag:s12] =	ssyncadd.s32 $0xFFFFC000  }
0x3f3: {  	[hbm4b:s29+s7] =	stream.strided.scatter [tilespmem:s6], [sflag:$0x6], $0x4000, s8, s7, $0x38;
	[tilespmem:$0x13400] =	vst v63  }
0x3f4: {  	_ =	swait.ge [sflag:s4], $0x4000  }
0x3f5: {  	[sflag:s4] =	ssyncset.done $0x0  }
0x3f6: {  	s29 =	simm.s32 $0x1000;
	s20 =	rddreg [dreg:$0xb];
	[sflag:s4] =	ssyncadd.s32 $0xFFFFC000  }
0x3f7: {  	[tilespmem:s6], [sflag:$0x2] =	stream.indirect.gather [hbm4b:s20+s2], $0x20, s29, s2, $0xb8;
	[tilespmem:$0x13400] =	vst v63  }
0x3f8: {  	_ =	swait.ge [sflag:s11], $0x4000  }
0x3f9: {  	s29 =	sld [smem:$0x7E8]  }
0x3fa: {  	[sflag:s11] =	ssyncset.done $0x0  }
0x3fb: {  	[sflag:s11] =	ssyncadd.s32 $0xFFFFC000  }
0x3fc: {  	[hbm4b:s29+s7] =	stream.strided.scatter [tilespmem:s5], [sflag:$0x7], $0x4000, s8, s7, $0x38;
	[tilespmem:$0x13400] =	vst v63  }
0x3fd: {  	_ =	swait.ge [sflag:s3], $0x4000  }
0x3fe: {  	[sflag:s3] =	ssyncset.done $0x0  }
0x3ff: {  	s29 =	simm.s32 $0x1200;
	s20 =	rddreg [dreg:$0xc];
	[sflag:s3] =	ssyncadd.s32 $0xFFFFC000  }
0x400: {  	[tilespmem:s5], [sflag:$0x3] =	stream.indirect.gather [hbm4b:s20+s2], $0x20, s29, s2, $0xb8;
	[tilespmem:$0x13400] =	vst v63  }
0x401: {  	_ =	swait.ge [sflag:s17], $0x4000  }
0x402: {  	s29 =	sld [smem:$0x7E9]  }
0x403: {  	[sflag:s17] =	ssyncset.done $0x0  }
0x404: {  	[sflag:s17] =	ssyncadd.s32 $0xFFFFC000  }
0x405: {  	[hbm4b:s29+s7] =	stream.strided.scatter [tilespmem:s14], [sflag:$0x8], $0x4000, s8, s7, $0x38;
	[tilespmem:$0x13400] =	vst v63  }
0x406: {  	_ =	swait.ge [sflag:s10], $0x4000  }
0x407: {  	[sflag:s10] =	ssyncset.done $0x0  }
0x408: {  	s29 =	simm.s32 $0x1400;
	s20 =	rddreg [dreg:$0xd];
	[sflag:s10] =	ssyncadd.s32 $0xFFFFC000  }
0x409: {  	[tilespmem:s14], [sflag:$0x4] =	stream.indirect.gather [hbm4b:s20+s2], $0x20, s29, s2, $0xb8;
	[tilespmem:$0x13400] =	vst v63  }
0x40a: {  	_ =	swait.ge [sflag:s16], $0x4000  }
0x40b: {  	s29 =	sld [smem:$0x7EA]  }
0x40c: {  	[sflag:s16] =	ssyncset.done $0x0  }
0x40d: {  	[sflag:s16] =	ssyncadd.s32 $0xFFFFC000  }
0x40e: {  	[hbm4b:s29+s7] =	stream.strided.scatter [tilespmem:s21], [sflag:$0x9], $0x4000, s8, s7, $0x38;
	[tilespmem:$0x13400] =	vst v63  }
0x40f: {  	_ =	swait.ge [sflag:s9], $0x4000  }
0x410: {  	[sflag:s9] =	ssyncset.done $0x0  }
0x411: {  	s29 =	simm.s32 $0x1600;
	s20 =	rddreg [dreg:$0xe];
	[sflag:s9] =	ssyncadd.s32 $0xFFFFC000  }
0x412: {  	[tilespmem:s21], [sflag:$0x5] =	stream.indirect.gather [hbm4b:s20+s2], $0x20, s29, s2, $0xb8;
	[tilespmem:$0x13400] =	vst v63  }
0x413: {  	_ =	swait.ge [sflag:s12], $0x4000  }
0x414: {  	s29 =	sld [smem:$0x7EB]  }
0x415: {  	[sflag:s12] =	ssyncset.done $0x0  }
0x416: {  	[sflag:s12] =	ssyncadd.s32 $0xFFFFC000  }
0x417: {  	[hbm4b:s29+s7] =	stream.strided.scatter [tilespmem:s6], [sflag:$0x6], $0x4000, s8, s7, $0x38;
	[tilespmem:$0x13400] =	vst v63  }
0x418: {  	_ =	swait.ge [sflag:s4], $0x4000  }
0x419: {  	[sflag:s4] =	ssyncset.done $0x0  }
0x41a: {  	s29 =	simm.s32 $0x1800;
	s20 =	rddreg [dreg:$0xf];
	[sflag:s4] =	ssyncadd.s32 $0xFFFFC000  }
0x41b: {  	[tilespmem:s6], [sflag:$0x2] =	stream.indirect.gather [hbm4b:s20+s2], $0x20, s29, s2, $0xb8;
	[tilespmem:$0x13400] =	vst v63  }
0x41c: {  	_ =	swait.ge [sflag:s11], $0x4000  }
0x41d: {  	s20 =	sld [smem:$0x7EC]  }
0x41e: {  	[sflag:s11] =	ssyncset.done $0x0  }
0x41f: {  	[sflag:s11] =	ssyncadd.s32 $0xFFFFC000  }
0x420: {  	[hbm4b:s20+s7] =	stream.strided.scatter [tilespmem:s5], [sflag:$0x7], $0x4000, s8, s7, $0x38;
	[tilespmem:$0x13400] =	vst v63  }
0x421: {  	_ =	swait.ge [sflag:s3], $0x4000  }
0x422: {  	[sflag:s3] =	ssyncset.done $0x0  }
0x423: {  	s31 =	simm.s32 $0x1A00;
	s29 =	rddreg [dreg:$0x10];
	[sflag:s3] =	ssyncadd.s32 $0xFFFFC000  }
0x424: {  	[tilespmem:s5], [sflag:$0x3] =	stream.indirect.gather [hbm4b:s29+s2], $0x20, s31, s2, $0xb8;
	[tilespmem:$0x13400] =	vst v63  }
0x425: {  	_ =	swait.ge [sflag:s17], $0x4000  }
0x426: {  	s31 =	sld [smem:$0x7ED]  }
0x427: {  	[sflag:s17] =	ssyncset.done $0x0  }
0x428: {  	[sflag:s17] =	ssyncadd.s32 $0xFFFFC000  }
0x429: {  	[hbm4b:s31+s7] =	stream.strided.scatter [tilespmem:s14], [sflag:$0x8], $0x4000, s8, s7, $0x38;
	[tilespmem:$0x13400] =	vst v63  }
0x42a: {  	_ =	swait.ge [sflag:s10], $0x4000  }
0x42b: {  	[sflag:s10] =	ssyncset.done $0x0  }
0x42c: {  	s30 =	simm.s32 $0x1C00;
	s20 =	rddreg [dreg:$0x11];
	[sflag:s10] =	ssyncadd.s32 $0xFFFFC000  }
0x42d: {  	[tilespmem:s14], [sflag:$0x4] =	stream.indirect.gather [hbm4b:s20+s2], $0x20, s30, s2, $0xb8;
	[tilespmem:$0x13400] =	vst v63  }
0x42e: {  	_ =	swait.ge [sflag:s16], $0x4000  }
0x42f: {  	s29 =	sld [smem:$0x7EE]  }
0x430: {  	[sflag:s16] =	ssyncset.done $0x0  }
0x431: {  	[sflag:s16] =	ssyncadd.s32 $0xFFFFC000  }
0x432: {  	[hbm4b:s29+s7] =	stream.strided.scatter [tilespmem:s21], [sflag:$0x9], $0x4000, s8, s7, $0x38;
	[tilespmem:$0x13400] =	vst v63  }
0x433: {  	_ =	swait.ge [sflag:s9], $0x4000  }
0x434: {  	[sflag:s9] =	ssyncset.done $0x0  }
0x435: {  	s28 =	simm.s32 $0x1E00;
	s30 =	rddreg [dreg:$0x12];
	[sflag:s9] =	ssyncadd.s32 $0xFFFFC000  }
0x436: {  	[tilespmem:s21], [sflag:$0x5] =	stream.indirect.gather [hbm4b:s30+s2], $0x20, s28, s2, $0xb8;
	[tilespmem:$0x13400] =	vst v63  }
0x437: {  	_ =	swait.ge [sflag:s12], $0x4000  }
0x438: {  	s31 =	sld [smem:$0x7EF]  }
0x439: {  	[sflag:s12] =	ssyncset.done $0x0  }
0x43a: {  	[sflag:s12] =	ssyncadd.s32 $0xFFFFC000  }
0x43b: {  	[hbm4b:s31+s7] =	stream.strided.scatter [tilespmem:s6], [sflag:$0x6], $0x4000, s8, s7, $0x38;
	[tilespmem:$0x13400] =	vst v63  }
0x43c: {  	_ =	swait.ge [sflag:s4], $0x4000  }
0x43d: {  	[sflag:s4] =	ssyncset.done $0x0  }
0x43e: {  	s26 =	simm.s32 $0x2000;
	s20 =	rddreg [dreg:$0x13];
	[sflag:s4] =	ssyncadd.s32 $0xFFFFC000  }
0x43f: {  	[tilespmem:s6], [sflag:$0x2] =	stream.indirect.gather [hbm4b:s20+s2], $0x20, s26, s2, $0xb8;
	[tilespmem:$0x13400] =	vst v63  }
0x440: {  	_ =	swait.ge [sflag:s11], $0x4000  }
0x441: {  	s28 =	sld [smem:$0x7F0]  }
0x442: {  	[sflag:s11] =	ssyncset.done $0x0  }
0x443: {  	[sflag:s11] =	ssyncadd.s32 $0xFFFFC000  }
0x444: {  	[hbm4b:s28+s7] =	stream.strided.scatter [tilespmem:s5], [sflag:$0x7], $0x4000, s8, s7, $0x38;
	[tilespmem:$0x13400] =	vst v63  }
0x445: {  	_ =	swait.ge [sflag:s3], $0x4000  }
0x446: {  	[sflag:s3] =	ssyncset.done $0x0  }
0x447: {  	s25 =	simm.s32 $0x2200;
	s29 =	rddreg [dreg:$0x14];
	[sflag:s3] =	ssyncadd.s32 $0xFFFFC000  }
0x448: {  	[tilespmem:s5], [sflag:$0x3] =	stream.indirect.gather [hbm4b:s29+s2], $0x20, s25, s2, $0xb8;
	[tilespmem:$0x13400] =	vst v63  }
0x449: {  	_ =	swait.ge [sflag:s17], $0x4000  }
0x44a: {  	s30 =	sld [smem:$0x7F1]  }
0x44b: {  	[sflag:s17] =	ssyncset.done $0x0  }
0x44c: {  	[sflag:s17] =	ssyncadd.s32 $0xFFFFC000  }
0x44d: {  	[hbm4b:s30+s7] =	stream.strided.scatter [tilespmem:s14], [sflag:$0x8], $0x4000, s8, s7, $0x38;
	[tilespmem:$0x13400] =	vst v63  }
0x44e: {  	_ =	swait.ge [sflag:s10], $0x4000  }
0x44f: {  	[sflag:s10] =	ssyncset.done $0x0  }
0x450: {  	s24 =	simm.s32 $0x2400;
	s31 =	rddreg [dreg:$0x15];
	[sflag:s10] =	ssyncadd.s32 $0xFFFFC000  }
0x451: {  	[tilespmem:s14], [sflag:$0x4] =	stream.indirect.gather [hbm4b:s31+s2], $0x20, s24, s2, $0xb8;
	[tilespmem:$0x13400] =	vst v63  }
0x452: {  	_ =	swait.ge [sflag:s16], $0x4000  }
0x453: {  	s20 =	sld [smem:$0x7F2]  }
0x454: {  	[sflag:s16] =	ssyncset.done $0x0  }
0x455: {  	[sflag:s16] =	ssyncadd.s32 $0xFFFFC000  }
0x456: {  	[hbm4b:s20+s7] =	stream.strided.scatter [tilespmem:s21], [sflag:$0x9], $0x4000, s8, s7, $0x38;
	[tilespmem:$0x13400] =	vst v63  }
0x457: {  	_ =	swait.ge [sflag:s9], $0x4000  }
0x458: {  	[sflag:s9] =	ssyncset.done $0x0  }
0x459: {  	s23 =	simm.s32 $0x2600;
	s24 =	rddreg [dreg:$0x16];
	[sflag:s9] =	ssyncadd.s32 $0xFFFFC000  }
0x45a: {  	[tilespmem:s21], [sflag:$0x5] =	stream.indirect.gather [hbm4b:s24+s2], $0x20, s23, s2, $0xb8;
	[tilespmem:$0x13400] =	vst v63  }
0x45b: {  	_ =	swait.ge [sflag:s12], $0x4000  }
0x45c: {  	s25 =	sld [smem:$0x7F3]  }
0x45d: {  	[sflag:s12] =	ssyncset.done $0x0  }
0x45e: {  	[sflag:s12] =	ssyncadd.s32 $0xFFFFC000  }
0x45f: {  	[hbm4b:s25+s7] =	stream.strided.scatter [tilespmem:s6], [sflag:$0x6], $0x4000, s8, s7, $0x38;
	[tilespmem:$0x13400] =	vst v63  }
0x460: {  	_ =	swait.ge [sflag:s4], $0x4000  }
0x461: {  	[sflag:s4] =	ssyncset.done $0x0  }
0x462: {  	s18 =	simm.s32 $0x2800;
	s26 =	rddreg [dreg:$0x17];
	[sflag:s4] =	ssyncadd.s32 $0xFFFFC000  }
0x463: {  	[tilespmem:s6], [sflag:$0x2] =	stream.indirect.gather [hbm4b:s26+s2], $0x20, s18, s2, $0xb8;
	[tilespmem:$0x13400] =	vst v63  }
0x464: {  	_ =	swait.ge [sflag:s11], $0x4000  }
0x465: {  	s28 =	sld [smem:$0x7F4]  }
0x466: {  	[sflag:s11] =	ssyncset.done $0x0  }
0x467: {  	[sflag:s11] =	ssyncadd.s32 $0xFFFFC000  }
0x468: {  	[hbm4b:s28+s7] =	stream.strided.scatter [tilespmem:s5], [sflag:$0x7], $0x4000, s8, s7, $0x38;
	[tilespmem:$0x13400] =	vst v63  }
0x469: {  	_ =	swait.ge [sflag:s3], $0x4000  }
0x46a: {  	[sflag:s3] =	ssyncset.done $0x0  }
0x46b: {  	s22 =	simm.s32 $0x2A00;
	s29 =	rddreg [dreg:$0x18];
	[sflag:s3] =	ssyncadd.s32 $0xFFFFC000  }
0x46c: {  	[tilespmem:s5], [sflag:$0x3] =	stream.indirect.gather [hbm4b:s29+s2], $0x20, s22, s2, $0xb8;
	[tilespmem:$0x13400] =	vst v63  }
0x46d: {  	_ =	swait.ge [sflag:s17], $0x4000  }
0x46e: {  	s30 =	sld [smem:$0x7F5]  }
0x46f: {  	[sflag:s17] =	ssyncset.done $0x0  }
0x470: {  	[sflag:s17] =	ssyncadd.s32 $0xFFFFC000  }
0x471: {  	[hbm4b:s30+s7] =	stream.strided.scatter [tilespmem:s14], [sflag:$0x8], $0x4000, s8, s7, $0x38;
	[tilespmem:$0x13400] =	vst v63  }
0x472: {  	_ =	swait.ge [sflag:s10], $0x4000  }
0x473: {  	[sflag:s10] =	ssyncset.done $0x0  }
0x474: {  	s13 =	simm.s32 $0x2C00;
	s31 =	rddreg [dreg:$0x19];
	[sflag:s10] =	ssyncadd.s32 $0xFFFFC000  }
0x475: {  	[tilespmem:s14], [sflag:$0x4] =	stream.indirect.gather [hbm4b:s31+s2], $0x20, s13, s2, $0xb8;
	[tilespmem:$0x13400] =	vst v63  }
0x476: {  	_ =	swait.ge [sflag:s16], $0x4000  }
0x477: {  	s18 =	sld [smem:$0x7F6]  }
0x478: {  	[sflag:s16] =	ssyncset.done $0x0  }
0x479: {  	[sflag:s16] =	ssyncadd.s32 $0xFFFFC000  }
0x47a: {  	[hbm4b:s18+s7] =	stream.strided.scatter [tilespmem:s21], [sflag:$0x9], $0x4000, s8, s7, $0x38;
	[tilespmem:$0x13400] =	vst v63  }
0x47b: {  	_ =	swait.ge [sflag:s9], $0x4000  }
0x47c: {  	[sflag:s9] =	ssyncset.done $0x0  }
0x47d: {  	s19 =	simm.s32 $0x2E00;
	s20 =	rddreg [dreg:$0x1a];
	[sflag:s9] =	ssyncadd.s32 $0xFFFFC000  }
0x47e: {  	[tilespmem:s21], [sflag:$0x5] =	stream.indirect.gather [hbm4b:s20+s2], $0x20, s19, s2, $0xb8;
	[tilespmem:$0x13400] =	vst v63  }
0x47f: {  	_ =	swait.ge [sflag:s12], $0x4000  }
0x480: {  	s22 =	sld [smem:$0x7F7]  }
0x481: {  	[sflag:s12] =	ssyncset.done $0x0  }
0x482: {  	[sflag:s12] =	ssyncadd.s32 $0xFFFFC000  }
0x483: {  	[hbm4b:s22+s7] =	stream.strided.scatter [tilespmem:s6], [sflag:$0x6], $0x4000, s8, s7, $0x38;
	[tilespmem:$0x13400] =	vst v63  }
0x484: {  	_ =	swait.ge [sflag:s4], $0x4000  }
0x485: {  	[sflag:s4] =	ssyncset.done $0x0  }
0x486: {  	s1 =	simm.s32 $0x3000;
	s23 =	rddreg [dreg:$0x1b];
	[sflag:s4] =	ssyncadd.s32 $0xFFFFC000  }
0x487: {  	[tilespmem:s6], [sflag:$0x2] =	stream.indirect.gather [hbm4b:s23+s2], $0x20, s1, s2, $0xb8;
	[tilespmem:$0x13400] =	vst v63  }
0x488: {  	_ =	swait.ge [sflag:s11], $0x4000  }
0x489: {  	s24 =	sld [smem:$0x7F8]  }
0x48a: {  	[sflag:s11] =	ssyncset.done $0x0  }
0x48b: {  	[sflag:s11] =	ssyncadd.s32 $0xFFFFC000  }
0x48c: {  	[hbm4b:s24+s7] =	stream.strided.scatter [tilespmem:s5], [sflag:$0x7], $0x4000, s8, s7, $0x38;
	[tilespmem:$0x13400] =	vst v63  }
0x48d: {  	_ =	swait.ge [sflag:s3], $0x4000  }
0x48e: {  	[sflag:s3] =	ssyncset.done $0x0  }
0x48f: {  	s25 =	rddreg [dreg:$0x1c];
	[sflag:s3] =	ssyncadd.s32 $0xFFFFC000  }
0x490: {  	[tilespmem:s5], [sflag:$0x3] =	stream.indirect.gather [hbm4b:s25+s2], $0x20, s15, s2, $0xb8;
	[tilespmem:$0x13400] =	vst v63  }
0x491: {  	_ =	swait.ge [sflag:s17], $0x4000  }
0x492: {  	s26 =	sld [smem:$0x7F9]  }
0x493: {  	[sflag:s17] =	ssyncset.done $0x0  }
0x494: {  	[sflag:s17] =	ssyncadd.s32 $0xFFFFC000  }
0x495: {  	[hbm4b:s26+s7] =	stream.strided.scatter [tilespmem:s14], [sflag:$0x8], $0x4000, s8, s7, $0x38;
	[tilespmem:$0x13400] =	vst v63  }
0x496: {  	_ =	swait.ge [sflag:s16], $0x4000  }
0x497: {  	s28 =	sld [smem:$0x7FA]  }
0x498: {  	[sflag:s16] =	ssyncset.done $0x0  }
0x499: {  	[sflag:s16] =	ssyncadd.s32 $0xFFFFC000  }
0x49a: {  	[hbm4b:s28+s7] =	stream.strided.scatter [tilespmem:s21], [sflag:$0x9], $0x4000, s8, s7, $0x38;
	[tilespmem:$0x13400] =	vst v63  }
0x49b: {  	_ =	swait.ge [sflag:s12], $0x4000  }
0x49c: {  	s29 =	sld [smem:$0x7FB]  }
0x49d: {  	[sflag:s12] =	ssyncset.done $0x0  }
0x49e: {  	[sflag:s12] =	ssyncadd.s32 $0xFFFFC000  }
0x49f: {  	[hbm4b:s29+s7] =	stream.strided.scatter [tilespmem:s6], [sflag:$0x6], $0x4000, s8, s7, $0x38;
	[tilespmem:$0x13400] =	vst v63  }
0x4a0: {  	_ =	swait.ge [sflag:s11], $0x4000  }
0x4a1: {  	s30 =	sld [smem:$0x7FD]  }
0x4a2: {  	[sflag:s11] =	ssyncset.done $0x0  }
0x4a3: {  	[sflag:s11] =	ssyncadd.s32 $0xFFFFC000  }
0x4a4: {  	[hbm4b:s30+s7] =	stream.strided.scatter [tilespmem:s5], [sflag:$0x7], $0x4000, s8, s7, $0x38;
	[tilespmem:$0x13400] =	vst v63  }
0x4a5: {  	_ =	swait.ge [sflag:s10], $0x4000  }
0x4a6: {  	[sflag:s10] =	ssyncset.done $0x0  }
0x4a7: {  	[sflag:s10] =	ssyncadd.s32 $0xFFFFC000  }
0x4a8: {  	_ =	swait.ge [sflag:s9], $0x4000  }
0x4a9: {  	[sflag:s9] =	ssyncset.done $0x0  }
0x4aa: {  	[sflag:s9] =	ssyncadd.s32 $0xFFFFC000  }
0x4ab: {  	_ =	swait.ge [sflag:s4], $0x4000  }
0x4ac: {  	[sflag:s4] =	ssyncset.done $0x0  }
0x4ad: {  	[sflag:s4] =	ssyncadd.s32 $0xFFFFC000  }
0x4ae: {  	_ =	swait.ge [sflag:s3], $0x4000  }
0x4af: {  	[sflag:s3] =	ssyncset.done $0x0  }
0x4b0: {  	[sflag:s3] =	ssyncadd.s32 $0xFFFFC000  }
0x4b1: {  	_ =	sfence.sel $0x180000  }
0x4b2: {  	[bflag:$0x0] =	sbarrier.arrive $0xFFFF  }
0x4b3: {  	_ =	strace $0x90000047  }
0x4b4: {  	s31 =	stileid.u32;
	[bflag:$0x2] =	sbarrier.arrive $0xFFFF  }
0x4b5: {  	p0 =	sne.s32 s31, $0x0;
	s0 =	rddreg [dreg:$0x2]  }
0x4b6: {  	s0 =	sadd.s32 @!p0 $0x100000, s0  }
0x4b7: {  	[sflag:s0] =	ssyncadd.tile.s32 @!p0 $0x1;
	_ =	shalt  }
.LBB2_1:
.Ltmp3:
0x4b8: {  	(pc) =	sbr.rel .LBB2_6-.Ltmp3, $2  }
0x4b9: {  	_ =	sdelay $0x2  }
0x4ba: {  	s1 =	simm.s32 $0x3000  }
.LBB2_7:
.Ltmp4:
0x4bb: {  	(pc) =	sbr.rel .LBB2_6-.Ltmp4, $4  }
0x4bc: {  	s1 =	simm.s32 $0x3000;
	s18 =	simm.s32 $0x2E00  }
0x4bd: {  	s19 =	simm.s32 $0x2C00;
	s13 =	simm.s32 $0x2A00;
	s15 =	simm.s32 $0x2800  }
0x4be: {  	s22 =	simm.s32 $0x2600;
	s23 =	simm.s32 $0x2400;
	s24 =	simm.s32 $0x2200  }
0x4bf: {  	s25 =	simm.s32 $0x2000;
	s26 =	simm.s32 $0x1E00;
	s28 =	simm.s32 $0x1C00  }
.Lfunc_end2:
_tile_overlayer_lowered:
.L_overlay_start_2:
0x4c0: {  	(tag) =	ssettag $0x2  }
0x4c1: {  	s0 =	rddreg [dreg:$0x0];
	s2 =	stileid.u32  }
0x4c2: {  	s1 =	rddreg [dreg:$0x1];
	p0 =	sne.s32 s2, $0x0  }
0x4c3: {  	s3 =	rddreg [dreg:$0x2];
	[bflag:$0x3] =	sbarrier.arrive $0xFFFF;
	s2 =	simm.s32 @!p0 $0x1C0A  }
0x4c4: {  	[timem:s3], [sflag:s2] =	dma.local @!p0 [hbm:s0], s1  }
0x4c5: {  	s0 =	simm.s32 @!p0 $0xA  }
0x4c6: {  	_ =	swait.ge @!p0 [sflag:s0], s1  }
0x4c7: {  	s1 =	ssub.s32 @!p0 $0x0, s1;
	[sflag:s0] =	ssyncset.done @!p0 $0x0  }
0x4c8: {  	[sflag:s0] =	ssyncadd.s32 @!p0 s1  }
0x4c9: {  	[bflag:$0x3] =	sbarrier.arrive $0xFFFF  }
0x4ca: {  	_ =	shalt  }

// kernel: sparse-core-data-format-call.cloned.1.call-start
scs
called_computation_lowered:
.L_overlay_start_0:
0x0: {  	s2 =	sld [smem:$0x3FD9]  }
0x1: {  	s3 =	sld [smem:$0x3FFE];
	_ =	sdelay $0x1  }
0x2: {  	s1 =	srdreg.scid  }
0x3: {  	s0 =	sand.u32 $0x1, s1  }
0x4: {  	s18 =	sshll.u32 s0, $0xA;
	s2 =	sadd.s32 s3, s2  }
0x5: {  	s2 =	sadd.s32 s2, s18  }
0x6: {  	[smem:$0x3F94] =	sst s2  }
0x7: {  	_ = 	snop  }
0x8: {  	s2 =	sld [smem:$0x3FD0];
	(tm) =	ssettm $0x1  }
0x9: {  	s19 =	sld [smem:$0x3FFB];
	_ =	sdelay $0x3  }
0xa: {  	_ =	strace s19  }
0xb: {  	s3 =	sld [smem:$0x3FFC];
	_ =	sdelay $0x3  }
0xc: {  	_ =	strace s3  }
0xd: {  	s3 =	sld [smem:$0x3FFD];
	_ =	sdelay $0x3  }
0xe: {  	_ =	strace s3  }
0xf: {  	_ =	strace $0x8FFFFFFF  }
0x10: {  	s20 =	sld [smem:$0x3FDB];
	_ =	sdelay $0x1  }
0x11: {  	s4 =	simm.s32 $_scs_section_size  }
0x12: {  	s5 =	simm.s32 $_size__tile_overlayer_lowered;
	s6 =	simm.s32 $_tile_overlayer_lowered  }
0x13: {  	s23 =	simm.s32 $0x1BFF;
	s22 =	sshll.u32 s6, $0x1;
	s3 =	sadd.s32 s4, s20  }
0x14: {  	s7 =	simm.s32 $0x0;
	s21 =	sshll.u32 s5, $0x1;
	s5 =	sadd.s32 s22, s3  }
0x15: {  	[timem:s7], [sflag:s23] =	dma.local [hbm:s5], s21  }
0x16: {  	_ =	swait.ge [sflag:s23], s21  }
0x17: {  	s4 =	ssub.s32 $0x0, s21;
	[sflag:s23] =	ssyncset.done $0x0  }
0x18: {  	[sflag:s23] =	ssyncadd.s32 s4;
	_ =	sdelay $0x1  }
0x19: {  	s24 =	simm.s32 $0x1B8B  }
0x1a: {  	_ =	swait.ge [sflag:s24], $0x1  }
0x1b: {  	[sflag:s24] =	ssyncset.done $0x0  }
0x1c: {  	s26 =	simm.s32 $0x1B8E;
	s25 =	sld [smem:$0x3FFE];
	[sflag:s24] =	ssyncadd.s32 $0xFFFFFFFF  }
0x1d: {  	s27 =	simm.s32 $execute0_lowered;
	[smem:$0x3FD2] =	sst s26  }
0x1e: {  	s5 =	sshll.u32 s27, $0x1;
	_ =	strace $0x80000049;
	[dreg:$0x1] =	wrdreg $0xFFFFFFFF  }
0x1f: {  	s28 =	simm.s32 $_size_execute0_lowered;
	s3 =	sadd.s32 s3, s5;
	[dreg:$0x0] =	wrdreg $0x0  }
0x20: {  	s5 =	sshll.u32 s28, $0x1;
	[dreg:$0x2] =	wrdreg s3  }
0x21: {  	[dreg:$0x3] =	wrdreg s5  }
0x22: {  	[dreg:$0x4] =	wrdreg $0xC0  }
0x23: {  	_ =	task [dreg:s7], $0x5FFFF  }
0x24: {  	[dreg:$0x1] =	wrdreg $0xFFFFFFFF  }
0x25: {  	[dreg:$0x0] =	wrdreg $0x60  }
0x26: {  	[dreg:$0x2] =	wrdreg s25  }
0x27: {  	[dreg:$0x3] =	wrdreg s2  }
0x28: {  	[dreg:$0x4] =	wrdreg $0x9  }
0x29: {  	_ =	task.clear_ibuf [dreg:s7], $0x5FFFF;
	_ =	strace $0x90000049  }
0x2a: {  	s29 =	simm.s32 $0x9;
	_ =	strace $0x8000004B  }
0x2b: {  	_ =	swait.ge [sflag:s29], $0x1  }
0x2c: {  	[sflag:s29] =	ssyncadd.s32 $0xFFFFFFFF  }
0x2d: {  	_ =	strace $0x9000004B  }
0x2e: {  	_ =	sfence  }
0x2f: {  	s30 =	sld [smem:$0x0];
	_ =	sdelay $0x2  }
0x30: {  	s31 =	sshll.u32 s1, $0xD;
	s1 =	sshrl.u32 s1, $0x2  }
0x31: {  	s3 =	sand.u32 $0x4000, s31;
	s1 =	sadd.s32 s1, s30  }
0x32: {  	s0 =	sor.u32 s3, s0;
	s1 =	sshll.u32 s1, $0x11  }
0x33: {  	s0 =	sor.u32 s1, s0  }
0x34: {  	s0 =	sadd.s32 $0x8F2B, s0  }
0x35: {  	[sflag:s0] =	ssyncadd.remote.s32 $0x1  }
0x36: {  	_ =	sfence.sel $0xFFFF  }
0x37: {  	[dreg:$0x0] =	wrdreg $0xFFFFFFFF;
	(pc) =	sbr.abs _section_cstart, $3  }
0x38: {  	[dreg:$0x1] =	wrdreg $0xFFFFFFFF  }
0x39: {  	_ =	task.clear_ibuf [dreg:s7], $0x2FFFF;
	_ =	strace $0x9FFFFFFF  }
0x3a: {  	(tm) =	ssettm $0x7FFFFFFF  }
0x3b: {  	_ =	shalt  }
tec
execute0_lowered:
.L_overlay_start_1:
0x0: {  	(tag) =	ssettag $0x1  }
0x1: {  	s0 =	srdreg.scid  }
0x2: {  	s1 =	sshll.u32 s0, $0x4  }
0x3: {  	s0 =	stileid.u32;
	s1 =	sand.u32 $0x10, s1  }
0x4: {  	s1 =	sor.u32 s0, s1  }
0x5: {  	s6 =	rddreg [dreg:$0x0];
	s4 =	simm.s32 $0x1;
	s2 =	sshll.u32 s1, $0x7  }
0x6: {  	s7 =	simm.s32 $0x2;
	s12 =	simm.s32 $0x0;
	s1 =	ssub.s32 $0x4000, s2  }
0x7: {  	s8 =	simm.s32 $0x20000;
	s13 =	simm.s32 $0x0;
	s3 =	sand.u32 $0xF80, s1  }
0x8: {  	s9 =	simm.s32 $0x0;
	s5 =	sshrl.u32 s1, $0xC;
	p0 =	sne.s32 s3, $0x0  }
.Ltmp0:
0x9: {  	s1 =	rddreg [dreg:$0x2];
	s4 =	simm.s32 @!p0 $0x0;
	(pc) =	sbr.rel .LBB1_1-.Ltmp0, $4  }
0xa: {  	s11 =	simm.s32 $0x0;
	s3 =	rddreg [dreg:$0x1];
	s5 =	sadd.s32 s4, s5  }
0xb: {  	_ =	strace $0x8000004A;
	s4 =	simm.s32 $0x1;
	s5 =	smul.u32 $0x1A, s5  }
0xc: {  	s6 =	sadd.s32 $0x19800, s6;
	s10 =	smov.u32 s2;
	[sflag:s4] =	ssyncpa.u1 $0x0  }
0xd: {  	p0 =	por $0x0, $0x0;
	[sflag:s7] =	ssyncpa.u1 $0x0;
	s7 =	sor.u32 $0x1, s5  }
.LBB1_4:
0xe: {  	s16 =	sshll.u32 s13, $0x3;
	s17 =	sand.u32 $0x78, s13  }
0xf: {  	s30 =	sand.u32 $0xF800, s13;
	s12 =	sshll.u32 s12, $0x10;
	s16 =	sand.u32 $0x3C00, s16  }
0x10: {  	s31 =	sand.u32 $0x7, s13;
	s16 =	sor.u32 s17, s16;
	s17 =	sadd.s32 s3, s30  }
0x11: {  	s13 =	sshll.u32 s31, $0x12;
	s16 =	sshrl.u32 s16, $0x3;
	s12 =	sadd.s32 s12, s17  }
0x12: {  	[tilespmem:s15+$0x0 ss:$0x81] =	vst.msk $0xffff, v0;
	s13 =	sor.u32 $0x400, s13;
	s12 =	sadd.s32 s16, s12  }
0x13: {  	[hbm4b:s12+s13] =	stream.strided.scatter [tilespmem:s14], [sflag:$0x2], $0x1000, s8, s13, $0x20;
	[tilespmem:$0x4040] =	vst v63  }
.LBB1_5:
0x14: {  	s14 =	sadd.s32 $0x1, s9  }
0x15: {  	s12 =	sadd.s32 $0x1000, s10;
	s16 =	smov.u32 s10;
	p2 =	sgt.s32 s14, $0x19  }
0x16: {  	s16 =	smov.u32 @p2 s12  }
0x17: {  	s14 =	simm.s32 @p2 $0x0;
	p2 =	sgt.s32 s16, $0x3FFF  }
0x18: {  	s16 =	smov.u32 @p2 s2;
	p2 =	sne.s32 s11, s7  }
.Ltmp1:
0x19: {  	p1 =	slt.u32 s11, $0x2;
	(pc) =	sbr.rel @!p2 .LBB1_6-.Ltmp1, $4  }
0x1a: {  	s15 =	simm.s32 @!p1 $0x2  }
0x1b: {  	s13 =	smov.u32 s10;
	p0 =	por !p0, !p0;
	_ =	swait.ge @!p1 [sflag:s15], $0x1000  }
0x1c: {  	s12 =	smov.u32 s9;
	[sflag:s15] =	ssyncset.done @!p1 $0x0;
	s9 =	smov.u32 s14  }
0x1d: {  	s11 =	sadd.s32 $0x1, s11;
	[sflag:s15] =	ssyncadd.s32 @!p1 $0xFFFFF000;
	s10 =	smov.u32 s16  }
.LBB1_1:
0x1e: {  	p1 =	sge.u32 s11, s5  }
0x1f: {  	s31 =	sadd.s32 $0xFFFFFFFF, s11;
	s14 =	sxor.u32 @!p1 $0xFFFFFFFF, s11  }
0x20: {  	s15 =	sshll.u32 @!p1 s10, $0x9;
	s16 =	sshll.u32 @!p1 s9, $0x4;
	s17 =	simm.s32 @!p1 $0x1000  }
0x21: {  	s14 =	sshll.u32 @!p1 s14, $0xC;
	s16 =	sand.u32 @!p1 $0x1F0, s16;
	s15 =	sadd.s32 @!p1 s6, s15  }
0x22: {  	s14 =	sand.u32 @!p1 $0x1000, s14;
	s15 =	sadd.s32 @!p1 s16, s15;
	s16 =	simm.s32 @!p1 $0x20  }
0x23: {  	[tilespmem:s14], [sflag:$0x1] =	stream.strided.gather @!p1 [hbm4b:s15+s16], $0x1000, s17, s16, $0x38;
	[tilespmem:$0x4040] =	vst v63  }
0x24: {  	p1 =	sge.u32 s31, s5  }
.Ltmp2:
0x25: {  	_ = 	snop;
	(pc) =	sbr.rel @p1 .LBB1_5-.Ltmp2, $1  }
0x26: {  	_ =	sdelay $0x3  }
0x27: {  	s14 =	simm.s32 $0x1  }
0x28: {  	_ =	swait.ge [sflag:s4], $0x1000;
	s14 =	simm.s32 @!p0 $0x0  }
0x29: {  	[sflag:s4] =	ssyncset.done $0x0;
	s15 =	sshll.u32 s14, $0xC  }
0x2a: {  	[sflag:s4] =	ssyncadd.s32 $0xFFFFF000;
	s18 =	sor.u32 $0x10, s15  }
0x2b: {  	s14 =	smul.u32 $0x4080, s14;
	v1 =	vld [tilespmem:s18+$0x0]  }
0x2c: {  	s30 =	sand.u32 $0x1, s11;
	v0 =	vld [tilespmem:s18+$0xFFFFFFF0]  }
0x2d: {  	s15 =	smul.u32 $0x4080, s30;
	s14 =	sshrl.u32 s14, $0x2  }
0x2e: {  	s16 =	sor.u32 $0x2000, s14  }
0x2f: {  	s31 =	sshrl.u32 s15, $0x2;
	s15 =	sadd.s32 $0x0, s16  }
0x30: {  	s17 =	simm.s32 $0x4;
	s18 =	sadd.s32 $0x20, s18;
	s14 =	sor.u32 $0x2000, s31;
	[tilespmem:s15+$0x810 ss:$0x81] =	vst.msk $0xffff, v1  }
.LBB1_3:
0x31: {  	v1 =	vld [tilespmem:s18+$0x0];
	p1 =	sne.s32 s17, $0x1FC;
	[tilespmem:s15+$0x0 ss:$0x81] =	vst.msk $0xffff, v0;
	s15 =	smov.u32 s17;
	s17 =	sadd.s32 $0x4, s17  }
.Ltmp3:
0x32: {  	v0 =	vld [tilespmem:s18+$0xFFFFFFF0];
	(pc) =	sbr.rel @p1 .LBB1_3-.Ltmp3, $4  }
0x33: {  	_ = 	snop  }
0x34: {  	s15 =	sshra.s32 s15, $0x2  }
0x35: {  	s15 =	sadd.s32 s15, s16  }
0x36: {  	s18 =	sadd.s32 $0x20, s18;
	[tilespmem:s15+$0x810 ss:$0x81] =	vst.msk $0xffff, v1  }
.Ltmp4:
0x37: {  	_ = 	snop;
	(pc) =	sbr.rel .LBB1_4-.Ltmp4, $1  }
0x38: {  	_ =	sdelay $0x3  }
.LBB1_6:
0x39: {  	_ =	sfence.sel $0x180000  }
0x3a: {  	s2 =	simm.s32 $0x1;
	[bflag:$0x0] =	sbarrier.arrive $0xFFFF  }
0x3b: {  	s31 =	simm.s32 $0x2;
	[sflag:s2] =	ssyncpa.u1 $0x1  }
0x3c: {  	[sflag:s31] =	ssyncpa.u1 $0x1  }
0x3d: {  	p0 =	sne.s32 s0, $0x0;
	_ =	strace $0x9000004A  }
0x3e: {  	s0 =	sadd.s32 @!p0 $0x100000, s1;
	[bflag:$0x2] =	sbarrier.arrive $0xFFFF  }
0x3f: {  	[sflag:s0] =	ssyncadd.tile.s32 @!p0 $0x1;
	_ =	shalt  }
.Lfunc_end1:
_tile_overlayer_lowered:
.L_overlay_start_2:
0x40: {  	(tag) =	ssettag $0x2  }
0x41: {  	s0 =	rddreg [dreg:$0x0];
	s2 =	stileid.u32  }
0x42: {  	s1 =	rddreg [dreg:$0x1];
	p0 =	sne.s32 s2, $0x0  }
0x43: {  	s3 =	rddreg [dreg:$0x2];
	[bflag:$0x3] =	sbarrier.arrive $0xFFFF;
	s2 =	simm.s32 @!p0 $0x1C01  }
0x44: {  	[timem:s3], [sflag:s2] =	dma.local @!p0 [hbm:s0], s1  }
0x45: {  	s0 =	simm.s32 @!p0 $0x1  }
0x46: {  	_ =	swait.ge @!p0 [sflag:s0], s1  }
0x47: {  	s1 =	ssub.s32 @!p0 $0x0, s1;
	[sflag:s0] =	ssyncset.done @!p0 $0x0  }
0x48: {  	[sflag:s0] =	ssyncadd.s32 @!p0 s1  }
0x49: {  	[bflag:$0x3] =	sbarrier.arrive $0xFFFF  }
0x4a: {  	_ =	shalt  }

</sc_bundles>
